<compile_context>
chip_gen: v7x
topology: tpu7x:2x2x1
jax: 0.10.2.dev20260603
libtpu: 0.0.44.dev20260713+nightly
codegen_flags: <defaults>
</compile_context>

<pallas_src>
import functools

import jax
import jax.numpy as jnp
from jax import lax
from jax.experimental import pallas as pl
from jax.experimental.pallas import tpu as pltpu
from jax.experimental.pallas import tpu_sc as plsc

N = 10000
NP = 10240
E = 320000
F32 = jnp.float32

NC = 2
NS = 16
NW = NC * NS
EW = E // NW
ROWS_T = NP // NS

_MESH = dict(core_axis_name="c", subcore_axis_name="s")


def _relu(x):
    return jnp.maximum(x, 0.0)


def _dot(a, b):
    return jnp.dot(a, b, preferred_element_type=F32)



def _sc_gather_add(ps, pd, src, dst):
    CH = 400
    NCH = EW // CH

    def body(ps_h, pd_h, src_h, dst_h, out_h, si_v, di_v, ra_v, rb_v, sa, sb):
        cid = lax.axis_index("c")
        sid = lax.axis_index("s")
        base = (sid * NC + cid) * EW

        def chunk(ci, carry):
            off = base + ci * CH
            pltpu.sync_copy(src_h.at[pl.ds(off, CH)], si_v)
            pltpu.sync_copy(dst_h.at[pl.ds(off, CH)], di_v)
            ca = pltpu.async_copy(ps_h.at[si_v], ra_v, sa)
            cb = pltpu.async_copy(pd_h.at[di_v], rb_v, sb)
            ca.wait()
            cb.wait()

            def addrow(r, c2):
                for j in range(4):
                    sl = pl.ds(16 * j, 16)
                    ra_v[r, sl] = ra_v[r, sl] + rb_v[r, sl]
                return c2

            lax.fori_loop(0, CH, addrow, 0)
            pltpu.sync_copy(ra_v, out_h.at[pl.ds(off, CH)])
            return carry

        lax.fori_loop(0, NCH, chunk, 0)

    f = pl.kernel(
        body,
        out_type=jax.ShapeDtypeStruct((E, 64), F32),
        mesh=plsc.VectorSubcoreMesh(**_MESH),
        compiler_params=pltpu.CompilerParams(
            use_tc_tiling_on_sc=False, needs_layout_passes=False),
        scratch_types=[
            pltpu.VMEM((CH,), jnp.int32),
            pltpu.VMEM((CH,), jnp.int32),
            pltpu.VMEM((CH, 64), F32),
            pltpu.VMEM((CH, 64), F32),
            pltpu.SemaphoreType.DMA,
            pltpu.SemaphoreType.DMA,
        ],
    )
    return f(ps, pd, src, dst)


def _sc_scatter_sum(vals, dst, with_counts):
    CH = 1000
    NCH = EW // CH
    VD = 32

    out_type = [jax.ShapeDtypeStruct((NC, NP, VD), F32)]
    scratch = [
        pltpu.VMEM((CH,), jnp.int32),
        pltpu.VMEM((CH, VD), F32),
        pltpu.VMEM((ROWS_T, VD), F32),
        pltpu.VMEM_SHARED((NP, VD), F32),
    ]
    if with_counts:
        out_type.append(jax.ShapeDtypeStruct((NC, NP), F32))
        scratch += [
            pltpu.VMEM((CH,), F32),
            pltpu.VMEM((ROWS_T,), F32),
            pltpu.VMEM_SHARED((NP,), F32),
        ]

    def body(vals_h, dst_h, *refs):
        if with_counts:
            out_h, cnt_h, di_v, rv_v, zb_v, acc_sh, ones_v, z1_v, acc1_sh = refs
        else:
            out_h, di_v, rv_v, zb_v, acc_sh = refs
        cid = lax.axis_index("c")
        sid = lax.axis_index("s")
        base = (sid * NC + cid) * EW
        sl = pl.ds(sid * ROWS_T, ROWS_T)

        def zrow(r, c):
            zb_v[r, pl.ds(0, 16)] = jnp.zeros((16,), F32)
            zb_v[r, pl.ds(16, 16)] = jnp.zeros((16,), F32)
            return c

        lax.fori_loop(0, ROWS_T, zrow, 0)
        pltpu.sync_copy(zb_v, acc_sh.at[sl])
        if with_counts:
            def orow(g, c):
                ones_v[pl.ds(g * 16, 16)] = jnp.ones((16,), F32)
                return c

            lax.fori_loop(0, CH // 16, orow, 0)

            def z1row(g, c):
                z1_v[pl.ds(g * 16, 16)] = jnp.zeros((16,), F32)
                return c

            lax.fori_loop(0, ROWS_T // 16, z1row, 0)
            pltpu.sync_copy(z1_v, acc1_sh.at[sl])
        plsc.subcore_barrier()

        def chunk(ci, carry):
            off = base + ci * CH
            pltpu.sync_copy(dst_h.at[pl.ds(off, CH)], di_v)
            pltpu.sync_copy(vals_h.at[pl.ds(off, CH)], rv_v)
            pltpu.sync_copy(rv_v, acc_sh.at[di_v], add=True)
            if with_counts:
                pltpu.sync_copy(ones_v, acc1_sh.at[di_v], add=True)
            return carry

        lax.fori_loop(0, NCH, chunk, 0)
        plsc.subcore_barrier()
        pltpu.sync_copy(acc_sh.at[sl], out_h.at[cid, sl])
        if with_counts:
            pltpu.sync_copy(acc1_sh.at[sl], cnt_h.at[cid, sl])

    f = pl.kernel(
        body,
        out_type=tuple(out_type),
        mesh=plsc.VectorSubcoreMesh(**_MESH),
        compiler_params=pltpu.CompilerParams(
            use_tc_tiling_on_sc=False, needs_layout_passes=False),
        scratch_types=scratch,
    )
    return f(vals, dst)


def _sc_segmax(logits, dst):
    CH = 400
    NCH = EW // CH
    NEG = -1e30

    def body(lg_h, dst_h, out_h, di_v, lg_v, acc_v, ra_v, rb_v, slots_sh):
        cid = lax.axis_index("c")
        sid = lax.axis_index("s")
        base = (sid * NC + cid) * EW

        def initr(g, c):
            acc_v[pl.ds(g * 16, 16)] = jnp.full((16,), NEG, F32)
            return c

        lax.fori_loop(0, NP // 16, initr, 0)

        def chunk(ci, carry):
            off = base + ci * CH
            pltpu.sync_copy(dst_h.at[pl.ds(off, CH)], di_v)
            pltpu.sync_copy(lg_h.at[pl.ds(off, CH)], lg_v)

            def grp(g, c):
                s = pl.ds(g * 16, 16)
                idx = di_v[s]
                lg = lg_v[s]

                def rnd(r, c2):
                    cur = plsc.load_gather(acc_v, [idx])
                    plsc.store_scatter(acc_v, [idx], jnp.maximum(cur, lg))
                    return c2

                lax.fori_loop(0, 8, rnd, 0)
                return c

            lax.fori_loop(0, CH // 16, grp, 0)
            return carry

        lax.fori_loop(0, NCH, chunk, 0)
        pltpu.sync_copy(acc_v, slots_sh.at[sid])
        plsc.subcore_barrier()
        sl = pl.ds(sid * ROWS_T, ROWS_T)
        pltpu.sync_copy(slots_sh.at[0, sl], ra_v)
        for t in range(1, NS):
            pltpu.sync_copy(slots_sh.at[t, sl], rb_v)

            def mrow(g, c):
                s = pl.ds(g * 16, 16)
                ra_v[s] = jnp.maximum(ra_v[s], rb_v[s])
                return c

            lax.fori_loop(0, ROWS_T // 16, mrow, 0)
        pltpu.sync_copy(ra_v, out_h.at[cid, sl])

    f = pl.kernel(
        body,
        out_type=jax.ShapeDtypeStruct((NC, NP), F32),
        mesh=plsc.VectorSubcoreMesh(**_MESH),
        compiler_params=pltpu.CompilerParams(
            use_tc_tiling_on_sc=False, needs_layout_passes=False),
        scratch_types=[
            pltpu.VMEM((CH,), jnp.int32),
            pltpu.VMEM((CH,), F32),
            pltpu.VMEM((NP,), F32),
            pltpu.VMEM((ROWS_T,), F32),
            pltpu.VMEM((ROWS_T,), F32),
            pltpu.VMEM_SHARED((NS, NP), F32),
        ],
    )
    return f(logits, dst)


def _sc_att_ex(logits, dst, smax2):
    CH = 400
    NCH = EW // CH

    def body(lg_h, dst_h, sm2_h, ex_h, den_h,
             di_v, lg_v, ex_v, sma_v, smb_v, z1_v, den_sh):
        cid = lax.axis_index("c")
        sid = lax.axis_index("s")
        base = (sid * NC + cid) * EW
        sl = pl.ds(sid * ROWS_T, ROWS_T)

        pltpu.sync_copy(sm2_h.at[0], sma_v)
        pltpu.sync_copy(sm2_h.at[1], smb_v)

        def cmb(g, c):
            s = pl.ds(g * 16, 16)
            sma_v[s] = jnp.maximum(sma_v[s], smb_v[s])
            return c

        lax.fori_loop(0, NP // 16, cmb, 0)

        def z1row(g, c):
            z1_v[pl.ds(g * 16, 16)] = jnp.zeros((16,), F32)
            return c

        lax.fori_loop(0, ROWS_T // 16, z1row, 0)
        pltpu.sync_copy(z1_v, den_sh.at[sl])
        plsc.subcore_barrier()

        def chunk(ci, carry):
            off = base + ci * CH
            pltpu.sync_copy(dst_h.at[pl.ds(off, CH)], di_v)
            pltpu.sync_copy(lg_h.at[pl.ds(off, CH)], lg_v)

            def grp(g, c):
                s = pl.ds(g * 16, 16)
                sm = plsc.load_gather(sma_v, [di_v[s]])
                ex_v[s] = jnp.exp(lg_v[s] - sm)
                return c

            lax.fori_loop(0, CH // 16, grp, 0)
            pltpu.sync_copy(ex_v, ex_h.at[pl.ds(off, CH)])
            pltpu.sync_copy(ex_v, den_sh.at[di_v], add=True)
            return carry

        lax.fori_loop(0, NCH, chunk, 0)
        plsc.subcore_barrier()
        pltpu.sync_copy(den_sh.at[sl], den_h.at[cid, sl])

    f = pl.kernel(
        body,
        out_type=(jax.ShapeDtypeStruct((E,), F32),
                  jax.ShapeDtypeStruct((NC, NP), F32)),
        mesh=plsc.VectorSubcoreMesh(**_MESH),
        compiler_params=pltpu.CompilerParams(
            use_tc_tiling_on_sc=False, needs_layout_passes=False),
        scratch_types=[
            pltpu.VMEM((CH,), jnp.int32),
            pltpu.VMEM((CH,), F32),
            pltpu.VMEM((CH,), F32),
            pltpu.VMEM((NP,), F32),
            pltpu.VMEM((NP,), F32),
            pltpu.VMEM((ROWS_T,), F32),
            pltpu.VMEM_SHARED((NP,), F32),
        ],
    )
    return f(logits, dst, smax2)



def _tc_prep0(cnf, ws, wd, u, wu, b1):
    def body(cnf_r, ws_r, wd_r, u_r, wu_r, b1_r, ps_r, pd_r):
        x = cnf_r[...]
        ut = _dot(u_r[...], wu_r[...]) + b1_r[...]
        ps_r[...] = _dot(x, ws_r[...]) + ut
        pd_r[...] = _dot(x, wd_r[...])

    return pl.pallas_call(
        body,
        out_shape=(jax.ShapeDtypeStruct((NP, 64), F32),
                   jax.ShapeDtypeStruct((NP, 64), F32)),
    )(cnf, ws, wd, u, wu, b1)


def _tc_globprep(cu, esum, nsum, gm_parts, nnf, em_parts, resid_u):
    (wgu, wge, wgn, b1g, w2g, b2g, w3g, b3g) = gm_parts
    (ws, wd, wu, b1e) = em_parts

    def body(cu_r, es_r, ns_r, wgu_r, wge_r, wgn_r, b1g_r, w2g_r, b2g_r,
             w3g_r, b3g_r, nnf_r, ws_r, wd_r, wu_r, b1e_r,
             u_out, ps_r, pd_r):
        cu_ = cu_r[...]
        em = es_r[...] * (1.0 / E)
        nm = ns_r[...] * (1.0 / N)
        h = _relu(_dot(cu_, wgu_r[...]) + _dot(em, wge_r[...])
                  + _dot(nm, wgn_r[...]) + b1g_r[...])
        h = _relu(_dot(h, w2g_r[...]) + b2g_r[...])
        h = _relu(_dot(h, w3g_r[...]) + b3g_r[...])
        nu = h + cu_ if resid_u else h
        u_out[...] = nu
        x = nnf_r[...]
        ut = _dot(nu, wu_r[...]) + b1e_r[...]
        ps_r[...] = _dot(x, ws_r[...]) + ut
        pd_r[...] = _dot(x, wd_r[...])

    return pl.pallas_call(
        body,
        out_shape=(jax.ShapeDtypeStruct((1, 32), F32),
                   jax.ShapeDtypeStruct((NP, 64), F32),
                   jax.ShapeDtypeStruct((NP, 64), F32)),
    )(cu, esum, nsum, wgu, wge, wgn, b1g, w2g, b2g, w3g, b3g,
      nnf, ws, wd, wu, b1e)


def _tc_edge(s1, cef, we, w2, b2, w3, b3, residual, att_w=None):
    BE = 2000
    G = E // BE
    ei = cef.shape[1]
    att = att_w is not None

    def body(*refs):
        if att:
            (s1_r, cef_r, we_r, w2_r, b2_r, w3_r, b3_r, aw_r,
             out_r, lg_r) = refs
        else:
            (s1_r, cef_r, we_r, w2_r, b2_r, w3_r, b3_r,
             out_r, es_r) = refs
        pid = pl.program_id(0)
        h = _relu(s1_r[...] + _dot(cef_r[...], we_r[...]))
        h = _relu(_dot(h, w2_r[...]) + b2_r[...])
        o = _relu(_dot(h, w3_r[...]) + b3_r[...])
        if att:
            out_r[...] = o
            lg_r[...] = _dot(o, aw_r[...])
        else:
            out_r[...] = o + cef_r[...] if residual else o
            ps = jnp.sum(o, axis=0, keepdims=True)

            @pl.when(pid == 0)
            def _():
                es_r[...] = ps

            @pl.when(pid != 0)
            def _():
                es_r[...] = es_r[...] + ps

    full = lambda a: pl.BlockSpec(a.shape, lambda i: (0,) * a.ndim)
    in_specs = [
        pl.BlockSpec((BE, 64), lambda i: (i, 0)),
        pl.BlockSpec((BE, ei), lambda i: (i, 0)),
        full(we), full(w2), full(b2), full(w3), full(b3),
    ]
    args = [s1, cef, we, w2, b2, w3, b3]
    if att:
        in_specs.append(full(att_w))
        args.append(att_w)
        out_shape = (jax.ShapeDtypeStruct((E, 32), F32),
                     jax.ShapeDtypeStruct((E, 1), F32))
        out_specs = (pl.BlockSpec((BE, 32), lambda i: (i, 0)),
                     pl.BlockSpec((BE, 1), lambda i: (i, 0)))
    else:
        out_shape = (jax.ShapeDtypeStruct((E, 32), F32),
                     jax.ShapeDtypeStruct((1, 32), F32))
        out_specs = (pl.BlockSpec((BE, 32), lambda i: (i, 0)),
                     pl.BlockSpec((1, 32), lambda i: (0, 0)))

    return pl.pallas_call(
        body, grid=(G,), in_specs=in_specs, out_specs=out_specs,
        out_shape=out_shape,
    )(*args)


def _tc_scale(pre, ex):
    BE = 2000
    G = E // BE

    def body(p_r, e_r, o_r):
        o_r[...] = p_r[...] * e_r[...]

    return pl.pallas_call(
        body, grid=(G,),
        in_specs=[pl.BlockSpec((BE, 32), lambda i: (i, 0)),
                  pl.BlockSpec((BE, 1), lambda i: (i, 0))],
        out_specs=pl.BlockSpec((BE, 32), lambda i: (i, 0)),
        out_shape=jax.ShapeDtypeStruct((E, 32), F32),
    )(pre, ex)


def _tc_node_mean(cnf, aggS, cnt2, t_arr, u, nm_parts, residual, want_t):
    (wc, wa, wu, b1, w2, b2, w3, b3) = nm_parts
    with_t = t_arr is not None

    def body(*refs):
        i = 0
        cnf_r = refs[i]; i += 1
        agg_r = refs[i]; i += 1
        cnt_r = refs[i]; i += 1
        if with_t:
            t_r = refs[i]; i += 1
        u_r = refs[i]; i += 1
        wc_r, wa_r, wu_r, b1_r, w2_r, b2_r, w3_r, b3_r = refs[i:i + 8]
        i += 8
        nf_out = refs[i]; i += 1
        ns_out = refs[i]; i += 1
        if want_t:
            t_out = refs[i]

        ssum = agg_r[0] + agg_r[1]
        pre = ssum - t_r[...] if with_t else ssum
        cnt = jnp.maximum(cnt_r[0] + cnt_r[1], 1.0)[:, None]
        agg = pre / cnt
        x = cnf_r[...]
        h = _relu(_dot(x, wc_r[...]) + _dot(agg, wa_r[...])
                  + _dot(u_r[...], wu_r[...]) + b1_r[...])
        h = _relu(_dot(h, w2_r[...]) + b2_r[...])
        o = _relu(_dot(h, w3_r[...]) + b3_r[...])
        rows = lax.broadcasted_iota(jnp.int32, (NP, 1), 0)
        ns_out[...] = jnp.sum(jnp.where(rows < N, o, 0.0), axis=0,
                              keepdims=True)
        nf_out[...] = o + x if residual else o
        if want_t:
            t_out[...] = ssum

    args = [cnf, aggS, cnt2]
    if with_t:
        args.append(t_arr)
    args += [u, *nm_parts]
    out_shape = [jax.ShapeDtypeStruct((NP, 32), F32),
                 jax.ShapeDtypeStruct((1, 32), F32)]
    if want_t:
        out_shape.append(jax.ShapeDtypeStruct((NP, 32), F32))

    return pl.pallas_call(body, out_shape=tuple(out_shape))(*args)


def _tc_node_att(cnf, aggE, den2, u, nm_parts):
    (wc, wa, wu, b1, w2, b2, w3, b3) = nm_parts

    def body(cnf_r, agg_r, den_r, u_r, wc_r, wa_r, wu_r, b1_r,
             w2_r, b2_r, w3_r, b3_r, nf_out):
        den = (den_r[0] + den_r[1] + 1e-16)[:, None]
        agg = (agg_r[0] + agg_r[1]) / den
        x = cnf_r[...]
        h = _relu(_dot(x, wc_r[...]) + _dot(agg, wa_r[...])
                  + _dot(u_r[...], wu_r[...]) + b1_r[...])
        h = _relu(_dot(h, w2_r[...]) + b2_r[...])
        o = _relu(_dot(h, w3_r[...]) + b3_r[...])
        nf_out[...] = o + x

    return pl.pallas_call(
        body, out_shape=jax.ShapeDtypeStruct((NP, 32), F32),
    )(cnf, aggE, den2, u, *nm_parts)


def _tc_reg(cnf, reg_params):
    ws = []
    for (w, b) in reg_params:
        ws += [w, b.reshape(1, -1)]

    def body(cnf_r, w1_r, b1_r, w2_r, b2_r, w3_r, b3_r, w4_r, b4_r, out_r):
        x = cnf_r[...]
        x = _relu(_dot(x, w1_r[...]) + b1_r[...])
        x = _relu(_dot(x, w2_r[...]) + b2_r[...])
        x = _relu(_dot(x, w3_r[...]) + b3_r[...])
        x = _relu(_dot(x, w4_r[...]) + b4_r[...])
        out_r[...] = jnp.clip(x, 0.0, 1.0)

    return pl.pallas_call(
        body, out_shape=jax.ShapeDtypeStruct((NP, 1), F32),
    )(cnf, *ws)



def _split_em(layer, ei, ni):
    (w1, b1), (w2, b2), (w3, b3) = layer['em']
    we = w1[:ei]
    ws = w1[ei:ei + ni]
    wd = w1[ei + ni:ei + 2 * ni]
    wu = w1[ei + 2 * ni:]
    return we, ws, wd, wu, b1.reshape(1, -1), w2, b2.reshape(1, -1), w3, \
        b3.reshape(1, -1)


def _split_nm(layer, ni):
    (w1, b1), (w2, b2), (w3, b3) = layer['nm']
    wc = w1[:ni]
    wa = w1[ni:ni + 32]
    wu = w1[ni + 32:]
    return (wc, wa, wu, b1.reshape(1, -1), w2, b2.reshape(1, -1), w3,
            b3.reshape(1, -1))


def _split_gm(layer, gi):
    (w1, b1), (w2, b2), (w3, b3) = layer['gm']
    wgu = w1[:gi]
    wge = w1[gi:gi + 32]
    wgn = w1[gi + 32:]
    return (wgu, wge, wgn, b1.reshape(1, -1), w2, b2.reshape(1, -1), w3,
            b3.reshape(1, -1))


def kernel(nf, ef, u, edge_index, params):
    layers = params['layers']
    src = edge_index[0]
    dst = edge_index[1]
    nf_p = jnp.pad(nf, ((0, NP - N), (0, 0)))

    ein = [16, 32, 32, 32]
    nin = [128, 32, 32, 32]

    we0, ws0, wd0, wu0, b10, w20, b20, w30, b30 = _split_em(layers[0], 16, 128)
    ps, pd = _tc_prep0(nf_p, ws0, wd0, u, wu0, b10)
    s1 = _sc_gather_add(ps, pd, src, dst)
    nef, esum = _tc_edge(s1, ef, we0, w20, b20, w30, b30, residual=False)
    aggS, cnt2 = _sc_scatter_sum(nef, dst, with_counts=True)
    nnf, nsum, t_arr = _tc_node_mean(
        nf_p, aggS, cnt2, None, u, _split_nm(layers[0], 128),
        residual=False, want_t=True)
    cu, ps, pd = _tc_globprep(
        u, esum, nsum, _split_gm(layers[0], 16), nnf,
        _split_em(layers[1], 32, 32)[1:4] + (_split_em(layers[1], 32, 32)[4],),
        resid_u=False)

    for i in (1, 2):
        wei, _, _, _, _, w2i, b2i, w3i, b3i = _split_em(layers[i], 32, 32)
        s1 = _sc_gather_add(ps, pd, src, dst)
        nef_new, esum = _tc_edge(s1, nef, wei, w2i, b2i, w3i, b3i,
                                 residual=True)
        aggS = _sc_scatter_sum(nef_new, dst, with_counts=False)[0]
        node_out = _tc_node_mean(
            nnf, aggS, cnt2, t_arr, cu, _split_nm(layers[i], 32),
            residual=True, want_t=(i < 2))
        nnf_new, nsum = node_out[0], node_out[1]
        emn = _split_em(layers[i + 1], 32, 32)
        cu, ps, pd = _tc_globprep(
            cu, esum, nsum, _split_gm(layers[i], 32), nnf_new,
            emn[1:4] + (emn[4],), resid_u=True)
        nef = nef_new
        nnf = nnf_new
        if i < 2:
            t_arr = node_out[2]

    we3, _, _, _, _, w23, b23, w33, b33 = _split_em(layers[3], 32, 32)
    s1 = _sc_gather_add(ps, pd, src, dst)
    pre3, logits = _tc_edge(s1, nef, we3, w23, b23, w33, b33,
                            residual=False, att_w=layers[3]['att'])
    lg_flat = logits.reshape(E)
    smax2 = _sc_segmax(lg_flat, dst)
    ex, den2 = _sc_att_ex(lg_flat, dst, smax2)
    wef = _tc_scale(pre3, ex.reshape(E, 1))
    aggE = _sc_scatter_sum(wef, dst, with_counts=False)[0]
    nnf = _tc_node_att(nnf, aggE, den2, cu, _split_nm(layers[3], 32))

    pred = _tc_reg(nnf, params['reg'])
    return pred[:N]

# --- scband reference (transcript-rebuilt; emitter-appended) ---
"""Pipeline reference for scband-power-pignn-20401094656034 (READ-ONLY COPY).

The authoritative reference and input builder live on the scoring server;
editing this copy changes nothing except your own understanding.
"""

import jax, jax.numpy as jnp
import numpy as np

N_NODES = 10000
N_EDGES = 320000
NODE_D = 128
EDGE_D = 16
GLOB_D = 16
H = 32
NEU = [64, 32]
NL = 3


def _mlp_params(rng, dims):
    ps = []
    for i in range(len(dims) - 1):
        W = (rng.standard_normal((dims[i], dims[i + 1])) * np.sqrt(2.0 / dims[i])).astype(np.float32)
        b = np.zeros((dims[i + 1],), np.float32)
        ps.append((jnp.asarray(W), jnp.asarray(b)))
    return ps


def setup_inputs(seed: int = 0) -> dict:
    key = jax.random.key(seed)
    k1, k2, k3 = jax.random.split(key, 3)
    nf = jax.random.normal(k1, (N_NODES, NODE_D), jnp.float32)
    ef = jax.random.normal(k2, (N_EDGES, EDGE_D), jnp.float32)
    u = jax.random.normal(k3, (1, GLOB_D), jnp.float32)
    edge_index = jnp.asarray(
        np.random.RandomState(1).randint(0, N_NODES, size=(2, N_EDGES)), dtype=jnp.int32)
    rng = np.random.RandomState(0)
    ein = [EDGE_D] + NL * [H]
    nin = [NODE_D] + NL * [H]
    gin = [GLOB_D] + NL * [H]
    layers = []
    for i in range(NL + 1):
        ei, ni, gi = ein[i], nin[i], gin[i]
        layer = {
            'em': _mlp_params(rng, [ei + 2 * ni + gi] + NEU + [H]),
            'nm': _mlp_params(rng, [ni + H + gi] + NEU + [H]),
            'gm': _mlp_params(rng, [gi + H + H] + NEU + [H]),
        }
        if i == NL:
            layer['att'] = jnp.asarray((rng.standard_normal((H, 1)) * 0.1).astype(np.float32))
        layers.append(layer)
    params = {'layers': layers, 'reg': _mlp_params(rng, [H, 64, 32, 16, 1])}
    return {'nf': nf, 'ef': ef, 'u': u, 'edge_index': edge_index, 'params': params}


def _run_mlp(ps, x):
    for W, b in ps:
        x = jax.nn.relu(x @ W + b)
    return x


def _forward(nf, ef, u, params, edge_index):
    src = edge_index[0]
    dst = edge_index[1]
    N = nf.shape[0]
    E = ef.shape[0]
    cnf, cef, cu = nf, ef, u
    for i, layer in enumerate(params['layers']):
        u_e = jnp.broadcast_to(cu, (E, cu.shape[1]))
        e_in = jnp.concatenate([cef, cnf[src], cnf[dst], u_e], axis=1)
        new_ef = _run_mlp(layer['em'], e_in)
        if 'att' in layer:
            logits = new_ef @ layer['att']
            smax = jax.ops.segment_max(logits, dst, num_segments=N)
            smax = jnp.where(jnp.isfinite(smax), smax, 0.0)
            ex = jnp.exp(logits - smax[dst])
            den = jax.ops.segment_sum(ex, dst, num_segments=N)
            w = ex / (den[dst] + 1e-16)
            agg = jax.ops.segment_sum(new_ef * w, dst, num_segments=N)
        else:
            s = jax.ops.segment_sum(new_ef, dst, num_segments=N)
            cnt = jax.ops.segment_sum(jnp.ones((E, 1), new_ef.dtype), dst, num_segments=N)
            agg = s / jnp.maximum(cnt, 1.0)
        u_n = jnp.broadcast_to(cu, (N, cu.shape[1]))
        new_nf = _run_mlp(layer['nm'], jnp.concatenate([cnf, agg, u_n], axis=1))
        new_u = _run_mlp(layer['gm'], jnp.concatenate(
            [cu, new_ef.mean(axis=0, keepdims=True), new_nf.mean(axis=0, keepdims=True)], axis=1))
        if i >= 1:
            new_ef = new_ef + cef
            new_nf = new_nf + cnf
            new_u = new_u + cu
        cnf, cef, cu = new_nf, new_ef, new_u
    pred = _run_mlp(params['reg'], cnf)
    return jnp.clip(pred, 0.0, 1.0)


def reference(nf, ef, u, edge_index, params):
    return _forward(nf, ef, u, params, edge_index)

if __name__ == "__main__":
    import jax
    _d = setup_inputs()
    print(jax.jit(kernel)(*tuple(_d.values())))

</pallas_src>

<mosaic_0001>
#map = affine_map<(d0, d1) -> (0, 0)>
#map1 = affine_map<(d0, d1) -> (0)>
module attributes {stable_mosaic.version = 14 : i64} {
  func.func @body(%arg0: i32, %arg1: i32, %arg2: memref<10240x64xf32, #tpu.memory_space<hbm>>, %arg3: memref<10240x64xf32, #tpu.memory_space<hbm>>, %arg4: memref<320000xi32, #tpu.memory_space<hbm>>, %arg5: memref<320000xi32, #tpu.memory_space<hbm>>, %arg6: memref<320000x64xf32, #tpu.memory_space<hbm>>, %arg7: memref<400xi32, #tpu.memory_space<vmem>>, %arg8: memref<400xi32, #tpu.memory_space<vmem>>, %arg9: memref<400x64xf32, #tpu.memory_space<vmem>>, %arg10: memref<400x64xf32, #tpu.memory_space<vmem>>, %arg11: memref<!tpu.dma_semaphore, #tpu.memory_space<semaphore_mem>>, %arg12: memref<!tpu.dma_semaphore, #tpu.memory_space<semaphore_mem>>) attributes {dimension_semantics = [#tpu.dimension_semantics<core_parallel>, #tpu.dimension_semantics<subcore_parallel>], iteration_bounds = array<i64: 2, 16>, scalar_prefetch = 0 : i64, scratch_operands = 6 : i64, tpu.core_type = #tpu.core_type<sc_vector_subcore>, window_params = [{transform_indices = #map}, {transform_indices = #map}, {transform_indices = #map1}, {transform_indices = #map1}, {transform_indices = #map}]} {
    %mul3A = arith.constant 2 : i32
    %mul3A_0 = arith.muli %arg1, %mul3A : i32
    %add3A = arith.addi %mul3A_0, %arg0 : i32
    %mul3A_1 = arith.constant 10000 : i32
    %mul3A_2 = arith.muli %add3A, %mul3A_1 : i32
    %scan3A = arith.constant 0 : i32
    %scan3A_3 = arith.constant 0 : i32
    %scan3A_4 = arith.constant 25 : i32
    %scan3A_5 = arith.addi %scan3A_3, %scan3A_4 : i32
    %scan3A_6 = arith.constant 1 : i32
    scf.for %scan3A_8 = %scan3A_3 to %scan3A_5 step %scan3A_6  : i32 {
      %mul3A_9 = arith.constant 400 : i32
      %mul3A_10 = arith.muli %scan3A_8, %mul3A_9 : i32
      %add3A_11 = arith.addi %mul3A_2, %mul3A_10 : i32
      "tpu.region"() ({
        %run_scoped3A = tpu.sem_alloc : memref<!tpu.dma_semaphore, #tpu.memory_space<semaphore_mem>>
        %dma_start3A_28 = tpu.memref_slice %arg4[%add3A_11] : memref<320000xi32, #tpu.memory_space<hbm>> -> memref<400xi32, #tpu.memory_space<hbm>>
        %dma_start3A_29 = tpu.memref_slice %arg4[%add3A_11] : memref<320000xi32, #tpu.memory_space<hbm>> -> memref<400xi32, #tpu.memory_space<hbm>>
        tpu.enqueue_dma source(%dma_start3A_29 : memref<400xi32, #tpu.memory_space<hbm>>) target(%arg7 : memref<400xi32, #tpu.memory_space<vmem>>) target_semaphore(%run_scoped3A : memref<!tpu.dma_semaphore, #tpu.memory_space<semaphore_mem>>)
        %dma_wait3A_30 = tpu.memref_slice %arg4[%add3A_11] : memref<320000xi32, #tpu.memory_space<hbm>> -> memref<400xi32, #tpu.memory_space<hbm>>
        %dma_wait3A_31 = tpu.memref_slice %arg4[%add3A_11] : memref<320000xi32, #tpu.memory_space<hbm>> -> memref<400xi32, #tpu.memory_space<hbm>>
        tpu.wait_dma2 semaphore(%run_scoped3A : memref<!tpu.dma_semaphore, #tpu.memory_space<semaphore_mem>>) src(%dma_wait3A_31 : memref<400xi32, #tpu.memory_space<hbm>>) dst(%arg7 : memref<400xi32, #tpu.memory_space<vmem>>)
        tpu.yield
      }) : () -> ()
      "tpu.region"() ({
        %run_scoped3A = tpu.sem_alloc : memref<!tpu.dma_semaphore, #tpu.memory_space<semaphore_mem>>
        %dma_start3A_28 = tpu.memref_slice %arg5[%add3A_11] : memref<320000xi32, #tpu.memory_space<hbm>> -> memref<400xi32, #tpu.memory_space<hbm>>
        %dma_start3A_29 = tpu.memref_slice %arg5[%add3A_11] : memref<320000xi32, #tpu.memory_space<hbm>> -> memref<400xi32, #tpu.memory_space<hbm>>
        tpu.enqueue_dma source(%dma_start3A_29 : memref<400xi32, #tpu.memory_space<hbm>>) target(%arg8 : memref<400xi32, #tpu.memory_space<vmem>>) target_semaphore(%run_scoped3A : memref<!tpu.dma_semaphore, #tpu.memory_space<semaphore_mem>>)
        %dma_wait3A_30 = tpu.memref_slice %arg5[%add3A_11] : memref<320000xi32, #tpu.memory_space<hbm>> -> memref<400xi32, #tpu.memory_space<hbm>>
        %dma_wait3A_31 = tpu.memref_slice %arg5[%add3A_11] : memref<320000xi32, #tpu.memory_space<hbm>> -> memref<400xi32, #tpu.memory_space<hbm>>
        tpu.wait_dma2 semaphore(%run_scoped3A : memref<!tpu.dma_semaphore, #tpu.memory_space<semaphore_mem>>) src(%dma_wait3A_31 : memref<400xi32, #tpu.memory_space<hbm>>) dst(%arg8 : memref<400xi32, #tpu.memory_space<vmem>>)
        tpu.yield
      }) : () -> ()
      %dma_start3A = arith.constant 0 : i32
      %dma_start3A_12 = arith.constant 0 : i32
      %dma_start3A_13 = tpu.memref_slice %arg2[%dma_start3A, %dma_start3A_12] : memref<10240x64xf32, #tpu.memory_space<hbm>> -> memref<10240x64xf32, #tpu.memory_space<hbm>>
      tpu.enqueue_indirect_dma source(%dma_start3A_13 : memref<10240x64xf32, #tpu.memory_space<hbm>>) target(%arg9 : memref<400x64xf32, #tpu.memory_space<vmem>>) offsets(%arg7 : memref<400xi32, #tpu.memory_space<vmem>>) semaphore(%arg11 : memref<!tpu.dma_semaphore, #tpu.memory_space<semaphore_mem>>)
      %dma_start3A_14 = arith.constant 0 : i32
      %dma_start3A_15 = arith.constant 0 : i32
      %dma_start3A_16 = tpu.memref_slice %arg3[%dma_start3A_14, %dma_start3A_15] : memref<10240x64xf32, #tpu.memory_space<hbm>> -> memref<10240x64xf32, #tpu.memory_space<hbm>>
      tpu.enqueue_indirect_dma source(%dma_start3A_16 : memref<10240x64xf32, #tpu.memory_space<hbm>>) target(%arg10 : memref<400x64xf32, #tpu.memory_space<vmem>>) offsets(%arg8 : memref<400xi32, #tpu.memory_space<vmem>>) semaphore(%arg12 : memref<!tpu.dma_semaphore, #tpu.memory_space<semaphore_mem>>)
      %dma_wait3A = arith.constant 0 : i32
      %dma_wait3A_17 = arith.constant 0 : i32
      %dma_wait3A_18 = tpu.memref_slice %arg2[%dma_wait3A, %dma_wait3A_17] : memref<10240x64xf32, #tpu.memory_space<hbm>> -> memref<10240x64xf32, #tpu.memory_space<hbm>>
      tpu.wait_indirect_dma semaphore(%arg11 : memref<!tpu.dma_semaphore, #tpu.memory_space<semaphore_mem>>) src(%dma_wait3A_18 : memref<10240x64xf32, #tpu.memory_space<hbm>>) dst(%arg9 : memref<400x64xf32, #tpu.memory_space<vmem>>)
      %dma_wait3A_19 = arith.constant 0 : i32
      %dma_wait3A_20 = arith.constant 0 : i32
      %dma_wait3A_21 = tpu.memref_slice %arg3[%dma_wait3A_19, %dma_wait3A_20] : memref<10240x64xf32, #tpu.memory_space<hbm>> -> memref<10240x64xf32, #tpu.memory_space<hbm>>
      tpu.wait_indirect_dma semaphore(%arg12 : memref<!tpu.dma_semaphore, #tpu.memory_space<semaphore_mem>>) src(%dma_wait3A_21 : memref<10240x64xf32, #tpu.memory_space<hbm>>) dst(%arg10 : memref<400x64xf32, #tpu.memory_space<vmem>>)
      %scan3A_22 = arith.constant 0 : i32
      %scan3A_23 = arith.constant 0 : i32
      %scan3A_24 = arith.constant 400 : i32
      %scan3A_25 = arith.addi %scan3A_23, %scan3A_24 : i32
      %scan3A_26 = arith.constant 1 : i32
      scf.for %scan3A_28 = %scan3A_23 to %scan3A_25 step %scan3A_26  : i32 {
        %get3A = arith.index_cast %scan3A_28 : i32 to index
        %get3A_29 = arith.constant 0 : index
        %get3A_30 = tpu.vector_load %arg9[%get3A, %get3A_29] {strides = array<i32>} : memref<400x64xf32, #tpu.memory_space<vmem>>, vector<16xf32>,
        %get3A_31 = arith.index_cast %scan3A_28 : i32 to index
        %get3A_32 = arith.constant 0 : index
        %get3A_33 = tpu.vector_load %arg10[%get3A_31, %get3A_32] {strides = array<i32>} : memref<400x64xf32, #tpu.memory_space<vmem>>, vector<16xf32>,
        %add3A_34 = arith.addf %get3A_30, %get3A_33 : vector<16xf32>
        %swap3A = arith.index_cast %scan3A_28 : i32 to index
        %swap3A_35 = arith.constant 0 : index
        %swap3A_36 = tpu.vector_load %arg9[%swap3A, %swap3A_35] {strides = array<i32>} : memref<400x64xf32, #tpu.memory_space<vmem>>, vector<16xf32>,
        tpu.vector_store %arg9[%swap3A, %swap3A_35], %add3A_34 {strides = array<i32>} : memref<400x64xf32, #tpu.memory_space<vmem>>, vector<16xf32>,
        %get3A_37 = arith.index_cast %scan3A_28 : i32 to index
        %get3A_38 = arith.constant 16 : index
        %get3A_39 = tpu.vector_load %arg9[%get3A_37, %get3A_38] {strides = array<i32>} : memref<400x64xf32, #tpu.memory_space<vmem>>, vector<16xf32>,
        %get3A_40 = arith.index_cast %scan3A_28 : i32 to index
        %get3A_41 = arith.constant 16 : index
        %get3A_42 = tpu.vector_load %arg10[%get3A_40, %get3A_41] {strides = array<i32>} : memref<400x64xf32, #tpu.memory_space<vmem>>, vector<16xf32>,
        %add3A_43 = arith.addf %get3A_39, %get3A_42 : vector<16xf32>
        %swap3A_44 = arith.index_cast %scan3A_28 : i32 to index
        %swap3A_45 = arith.constant 16 : index
        %swap3A_46 = tpu.vector_load %arg9[%swap3A_44, %swap3A_45] {strides = array<i32>} : memref<400x64xf32, #tpu.memory_space<vmem>>, vector<16xf32>,
        tpu.vector_store %arg9[%swap3A_44, %swap3A_45], %add3A_43 {strides = array<i32>} : memref<400x64xf32, #tpu.memory_space<vmem>>, vector<16xf32>,
        %get3A_47 = arith.index_cast %scan3A_28 : i32 to index
        %get3A_48 = arith.constant 32 : index
        %get3A_49 = tpu.vector_load %arg9[%get3A_47, %get3A_48] {strides = array<i32>} : memref<400x64xf32, #tpu.memory_space<vmem>>, vector<16xf32>,
        %get3A_50 = arith.index_cast %scan3A_28 : i32 to index
        %get3A_51 = arith.constant 32 : index
        %get3A_52 = tpu.vector_load %arg10[%get3A_50, %get3A_51] {strides = array<i32>} : memref<400x64xf32, #tpu.memory_space<vmem>>, vector<16xf32>,
        %add3A_53 = arith.addf %get3A_49, %get3A_52 : vector<16xf32>
        %swap3A_54 = arith.index_cast %scan3A_28 : i32 to index
        %swap3A_55 = arith.constant 32 : index
        %swap3A_56 = tpu.vector_load %arg9[%swap3A_54, %swap3A_55] {strides = array<i32>} : memref<400x64xf32, #tpu.memory_space<vmem>>, vector<16xf32>,
        tpu.vector_store %arg9[%swap3A_54, %swap3A_55], %add3A_53 {strides = array<i32>} : memref<400x64xf32, #tpu.memory_space<vmem>>, vector<16xf32>,
        %get3A_57 = arith.index_cast %scan3A_28 : i32 to index
        %get3A_58 = arith.constant 48 : index
        %get3A_59 = tpu.vector_load %arg9[%get3A_57, %get3A_58] {strides = array<i32>} : memref<400x64xf32, #tpu.memory_space<vmem>>, vector<16xf32>,
        %get3A_60 = arith.index_cast %scan3A_28 : i32 to index
        %get3A_61 = arith.constant 48 : index
        %get3A_62 = tpu.vector_load %arg10[%get3A_60, %get3A_61] {strides = array<i32>} : memref<400x64xf32, #tpu.memory_space<vmem>>, vector<16xf32>,
        %add3A_63 = arith.addf %get3A_59, %get3A_62 : vector<16xf32>
        %swap3A_64 = arith.index_cast %scan3A_28 : i32 to index
        %swap3A_65 = arith.constant 48 : index
        %swap3A_66 = tpu.vector_load %arg9[%swap3A_64, %swap3A_65] {strides = array<i32>} : memref<400x64xf32, #tpu.memory_space<vmem>>, vector<16xf32>,
        tpu.vector_store %arg9[%swap3A_64, %swap3A_65], %add3A_63 {strides = array<i32>} : memref<400x64xf32, #tpu.memory_space<vmem>>, vector<16xf32>,
      }
      %scan3A_27 = arith.constant 400 : i32
      "tpu.region"() ({
        %run_scoped3A = tpu.sem_alloc : memref<!tpu.dma_semaphore, #tpu.memory_space<semaphore_mem>>
        %dma_start3A_28 = arith.constant 0 : i32
        %dma_start3A_29 = tpu.memref_slice %arg6[%add3A_11, %dma_start3A_28] : memref<320000x64xf32, #tpu.memory_space<hbm>> -> memref<400x64xf32, #tpu.memory_space<hbm>>
        %dma_start3A_30 = arith.constant 0 : i32
        %dma_start3A_31 = tpu.memref_slice %arg6[%add3A_11, %dma_start3A_30] : memref<320000x64xf32, #tpu.memory_space<hbm>> -> memref<400x64xf32, #tpu.memory_space<hbm>>
        tpu.enqueue_dma source(%arg9 : memref<400x64xf32, #tpu.memory_space<vmem>>) target(%dma_start3A_31 : memref<400x64xf32, #tpu.memory_space<hbm>>) target_semaphore(%run_scoped3A : memref<!tpu.dma_semaphore, #tpu.memory_space<semaphore_mem>>)
        %dma_wait3A_32 = arith.constant 0 : i32
        %dma_wait3A_33 = tpu.memref_slice %arg6[%add3A_11, %dma_wait3A_32] : memref<320000x64xf32, #tpu.memory_space<hbm>> -> memref<400x64xf32, #tpu.memory_space<hbm>>
        %dma_wait3A_34 = arith.constant 0 : i32
        %dma_wait3A_35 = tpu.memref_slice %arg6[%add3A_11, %dma_wait3A_34] : memref<320000x64xf32, #tpu.memory_space<hbm>> -> memref<400x64xf32, #tpu.memory_space<hbm>>
        tpu.wait_dma2 semaphore(%run_scoped3A : memref<!tpu.dma_semaphore, #tpu.memory_space<semaphore_mem>>) src(%arg9 : memref<400x64xf32, #tpu.memory_space<vmem>>) dst(%dma_wait3A_35 : memref<400x64xf32, #tpu.memory_space<hbm>>)
        tpu.yield
      }) : () -> ()
    }
    %scan3A_7 = arith.constant 25 : i32
    return
  }
}

#map = affine_map<(d0, d1) -> (0, 0)>
#map1 = affine_map<(d0, d1) -> (0)>
#map2 = affine_map<(d0, d1) -> (0, 0, 0)>
module attributes {stable_mosaic.version = 14 : i64} {
  func.func @body(%arg0: i32, %arg1: i32, %arg2: memref<320000x32xf32, #tpu.memory_space<hbm>>, %arg3: memref<320000xi32, #tpu.memory_space<hbm>>, %arg4: memref<2x10240x32xf32, #tpu.memory_space<hbm>>, %arg5: memref<2x10240xf32, #tpu.memory_space<hbm>>, %arg6: memref<1000xi32, #tpu.memory_space<vmem>>, %arg7: memref<1000x32xf32, #tpu.memory_space<vmem>>, %arg8: memref<640x32xf32, #tpu.memory_space<vmem>>, %arg9: memref<10240x32xf32, #tpu.memory_space<vmem_shared>>, %arg10: memref<1000xf32, #tpu.memory_space<vmem>>, %arg11: memref<640xf32, #tpu.memory_space<vmem>>, %arg12: memref<10240xf32, #tpu.memory_space<vmem_shared>>) attributes {dimension_semantics = [#tpu.dimension_semantics<core_parallel>, #tpu.dimension_semantics<subcore_parallel>], iteration_bounds = array<i64: 2, 16>, scalar_prefetch = 0 : i64, scratch_operands = 7 : i64, tpu.core_type = #tpu.core_type<sc_vector_subcore>, window_params = [{transform_indices = #map}, {transform_indices = #map1}, {transform_indices = #map2}, {transform_indices = #map}]} {
    %mul3A = arith.constant 2 : i32
    %mul3A_0 = arith.muli %arg1, %mul3A : i32
    %add3A = arith.addi %mul3A_0, %arg0 : i32
    %mul3A_1 = arith.constant 10000 : i32
    %mul3A_2 = arith.muli %add3A, %mul3A_1 : i32
    %mul3A_3 = arith.constant 640 : i32
    %mul3A_4 = arith.muli %arg1, %mul3A_3 : i32
    %scan3A = arith.constant 0 : i32
    %scan3A_5 = arith.constant 0 : i32
    %scan3A_6 = arith.constant 640 : i32
    %scan3A_7 = arith.addi %scan3A_5, %scan3A_6 : i32
    %scan3A_8 = arith.constant 1 : i32
    scf.for %scan3A_29 = %scan3A_5 to %scan3A_7 step %scan3A_8  : i32 {
      %broadcast_in_dim3A = arith.constant 0.000000e+00 : f32
      %broadcast_in_dim3A_30 = vector.broadcast %broadcast_in_dim3A : f32 to vector<16xf32>
      %swap3A = arith.index_cast %scan3A_29 : i32 to index
      %swap3A_31 = arith.constant 0 : index
      %swap3A_32 = tpu.vector_load %arg8[%swap3A, %swap3A_31] {strides = array<i32>} : memref<640x32xf32, #tpu.memory_space<vmem>>, vector<16xf32>,
      tpu.vector_store %arg8[%swap3A, %swap3A_31], %broadcast_in_dim3A_30 {strides = array<i32>} : memref<640x32xf32, #tpu.memory_space<vmem>>, vector<16xf32>,
      %broadcast_in_dim3A_33 = arith.constant 0.000000e+00 : f32
      %broadcast_in_dim3A_34 = vector.broadcast %broadcast_in_dim3A_33 : f32 to vector<16xf32>
      %swap3A_35 = arith.index_cast %scan3A_29 : i32 to index
      %swap3A_36 = arith.constant 16 : index
      %swap3A_37 = tpu.vector_load %arg8[%swap3A_35, %swap3A_36] {strides = array<i32>} : memref<640x32xf32, #tpu.memory_space<vmem>>, vector<16xf32>,
      tpu.vector_store %arg8[%swap3A_35, %swap3A_36], %broadcast_in_dim3A_34 {strides = array<i32>} : memref<640x32xf32, #tpu.memory_space<vmem>>, vector<16xf32>,
    }
    %scan3A_9 = arith.constant 640 : i32
    "tpu.region"() ({
      %run_scoped3A = tpu.sem_alloc : memref<!tpu.dma_semaphore, #tpu.memory_space<semaphore_mem>>
      %dma_start3A = arith.constant 0 : i32
      %dma_start3A_29 = tpu.memref_slice %arg9[%mul3A_4, %dma_start3A] : memref<10240x32xf32, #tpu.memory_space<vmem_shared>> -> memref<640x32xf32, #tpu.memory_space<vmem_shared>>
      %dma_start3A_30 = arith.constant 0 : i32
      %dma_start3A_31 = tpu.memref_slice %arg9[%mul3A_4, %dma_start3A_30] : memref<10240x32xf32, #tpu.memory_space<vmem_shared>> -> memref<640x32xf32, #tpu.memory_space<vmem_shared>>
      tpu.enqueue_dma source(%arg8 : memref<640x32xf32, #tpu.memory_space<vmem>>) target(%dma_start3A_31 : memref<640x32xf32, #tpu.memory_space<vmem_shared>>) target_semaphore(%run_scoped3A : memref<!tpu.dma_semaphore, #tpu.memory_space<semaphore_mem>>)
      %dma_wait3A = arith.constant 0 : i32
      %dma_wait3A_32 = tpu.memref_slice %arg9[%mul3A_4, %dma_wait3A] : memref<10240x32xf32, #tpu.memory_space<vmem_shared>> -> memref<640x32xf32, #tpu.memory_space<vmem_shared>>
      %dma_wait3A_33 = arith.constant 0 : i32
      %dma_wait3A_34 = tpu.memref_slice %arg9[%mul3A_4, %dma_wait3A_33] : memref<10240x32xf32, #tpu.memory_space<vmem_shared>> -> memref<640x32xf32, #tpu.memory_space<vmem_shared>>
      tpu.wait_dma2 semaphore(%run_scoped3A : memref<!tpu.dma_semaphore, #tpu.memory_space<semaphore_mem>>) src(%arg8 : memref<640x32xf32, #tpu.memory_space<vmem>>) dst(%dma_wait3A_34 : memref<640x32xf32, #tpu.memory_space<vmem_shared>>)
      tpu.yield
    }) : () -> ()
    %scan3A_10 = arith.constant 0 : i32
    %scan3A_11 = arith.constant 0 : i32
    %scan3A_12 = arith.constant 62 : i32
    %scan3A_13 = arith.addi %scan3A_11, %scan3A_12 : i32
    %scan3A_14 = arith.constant 1 : i32
    scf.for %scan3A_29 = %scan3A_11 to %scan3A_13 step %scan3A_14  : i32 {
      %broadcast_in_dim3A = arith.constant 1.000000e+00 : f32
      %broadcast_in_dim3A_30 = vector.broadcast %broadcast_in_dim3A : f32 to vector<16xf32>
      %mul3A_31 = arith.constant 16 : i32
      %mul3A_32 = arith.muli %scan3A_29, %mul3A_31 : i32
      %swap3A = arith.index_cast %mul3A_32 : i32 to index
      %swap3A_33 = tpu.vector_load %arg10[%swap3A] {strides = array<i32>} : memref<1000xf32, #tpu.memory_space<vmem>>, vector<16xf32>,
      tpu.vector_store %arg10[%swap3A], %broadcast_in_dim3A_30 {strides = array<i32>} : memref<1000xf32, #tpu.memory_space<vmem>>, vector<16xf32>,
    }
    %scan3A_15 = arith.constant 62 : i32
    %scan3A_16 = arith.constant 0 : i32
    %scan3A_17 = arith.constant 0 : i32
    %scan3A_18 = arith.constant 40 : i32
    %scan3A_19 = arith.addi %scan3A_17, %scan3A_18 : i32
    %scan3A_20 = arith.constant 1 : i32
    scf.for %scan3A_29 = %scan3A_17 to %scan3A_19 step %scan3A_20  : i32 {
      %broadcast_in_dim3A = arith.constant 0.000000e+00 : f32
      %broadcast_in_dim3A_30 = vector.broadcast %broadcast_in_dim3A : f32 to vector<16xf32>
      %mul3A_31 = arith.constant 16 : i32
      %mul3A_32 = arith.muli %scan3A_29, %mul3A_31 : i32
      %swap3A = arith.index_cast %mul3A_32 : i32 to index
      %swap3A_33 = tpu.vector_load %arg11[%swap3A] {strides = array<i32>} : memref<640xf32, #tpu.memory_space<vmem>>, vector<16xf32>,
      tpu.vector_store %arg11[%swap3A], %broadcast_in_dim3A_30 {strides = array<i32>} : memref<640xf32, #tpu.memory_space<vmem>>, vector<16xf32>,
    }
    %scan3A_21 = arith.constant 40 : i32
    "tpu.region"() ({
      %run_scoped3A = tpu.sem_alloc : memref<!tpu.dma_semaphore, #tpu.memory_space<semaphore_mem>>
      %dma_start3A = tpu.memref_slice %arg12[%mul3A_4] : memref<10240xf32, #tpu.memory_space<vmem_shared>> -> memref<640xf32, #tpu.memory_space<vmem_shared>>
      %dma_start3A_29 = tpu.memref_slice %arg12[%mul3A_4] : memref<10240xf32, #tpu.memory_space<vmem_shared>> -> memref<640xf32, #tpu.memory_space<vmem_shared>>
      tpu.enqueue_dma source(%arg11 : memref<640xf32, #tpu.memory_space<vmem>>) target(%dma_start3A_29 : memref<640xf32, #tpu.memory_space<vmem_shared>>) target_semaphore(%run_scoped3A : memref<!tpu.dma_semaphore, #tpu.memory_space<semaphore_mem>>)
      %dma_wait3A = tpu.memref_slice %arg12[%mul3A_4] : memref<10240xf32, #tpu.memory_space<vmem_shared>> -> memref<640xf32, #tpu.memory_space<vmem_shared>>
      %dma_wait3A_30 = tpu.memref_slice %arg12[%mul3A_4] : memref<10240xf32, #tpu.memory_space<vmem_shared>> -> memref<640xf32, #tpu.memory_space<vmem_shared>>
      tpu.wait_dma2 semaphore(%run_scoped3A : memref<!tpu.dma_semaphore, #tpu.memory_space<semaphore_mem>>) src(%arg11 : memref<640xf32, #tpu.memory_space<vmem>>) dst(%dma_wait3A_30 : memref<640xf32, #tpu.memory_space<vmem_shared>>)
      tpu.yield
    }) : () -> ()
    %barrier3A = arith.constant 0 : index
    tpu.barrier barrier_id(%barrier3A)
    %scan3A_22 = arith.constant 0 : i32
    %scan3A_23 = arith.constant 0 : i32
    %scan3A_24 = arith.constant 10 : i32
    %scan3A_25 = arith.addi %scan3A_23, %scan3A_24 : i32
    %scan3A_26 = arith.constant 1 : i32
    scf.for %scan3A_29 = %scan3A_23 to %scan3A_25 step %scan3A_26  : i32 {
      %mul3A_30 = arith.constant 1000 : i32
      %mul3A_31 = arith.muli %scan3A_29, %mul3A_30 : i32
      %add3A_32 = arith.addi %mul3A_2, %mul3A_31 : i32
      "tpu.region"() ({
        %run_scoped3A = tpu.sem_alloc : memref<!tpu.dma_semaphore, #tpu.memory_space<semaphore_mem>>
        %dma_start3A = tpu.memref_slice %arg3[%add3A_32] : memref<320000xi32, #tpu.memory_space<hbm>> -> memref<1000xi32, #tpu.memory_space<hbm>>
        %dma_start3A_33 = tpu.memref_slice %arg3[%add3A_32] : memref<320000xi32, #tpu.memory_space<hbm>> -> memref<1000xi32, #tpu.memory_space<hbm>>
        tpu.enqueue_dma source(%dma_start3A_33 : memref<1000xi32, #tpu.memory_space<hbm>>) target(%arg6 : memref<1000xi32, #tpu.memory_space<vmem>>) target_semaphore(%run_scoped3A : memref<!tpu.dma_semaphore, #tpu.memory_space<semaphore_mem>>)
        %dma_wait3A = tpu.memref_slice %arg3[%add3A_32] : memref<320000xi32, #tpu.memory_space<hbm>> -> memref<1000xi32, #tpu.memory_space<hbm>>
        %dma_wait3A_34 = tpu.memref_slice %arg3[%add3A_32] : memref<320000xi32, #tpu.memory_space<hbm>> -> memref<1000xi32, #tpu.memory_space<hbm>>
        tpu.wait_dma2 semaphore(%run_scoped3A : memref<!tpu.dma_semaphore, #tpu.memory_space<semaphore_mem>>) src(%dma_wait3A_34 : memref<1000xi32, #tpu.memory_space<hbm>>) dst(%arg6 : memref<1000xi32, #tpu.memory_space<vmem>>)
        tpu.yield
      }) : () -> ()
      "tpu.region"() ({
        %run_scoped3A = tpu.sem_alloc : memref<!tpu.dma_semaphore, #tpu.memory_space<semaphore_mem>>
        %dma_start3A = arith.constant 0 : i32
        %dma_start3A_33 = tpu.memref_slice %arg2[%add3A_32, %dma_start3A] : memref<320000x32xf32, #tpu.memory_space<hbm>> -> memref<1000x32xf32, #tpu.memory_space<hbm>>
        %dma_start3A_34 = arith.constant 0 : i32
        %dma_start3A_35 = tpu.memref_slice %arg2[%add3A_32, %dma_start3A_34] : memref<320000x32xf32, #tpu.memory_space<hbm>> -> memref<1000x32xf32, #tpu.memory_space<hbm>>
        tpu.enqueue_dma source(%dma_start3A_35 : memref<1000x32xf32, #tpu.memory_space<hbm>>) target(%arg7 : memref<1000x32xf32, #tpu.memory_space<vmem>>) target_semaphore(%run_scoped3A : memref<!tpu.dma_semaphore, #tpu.memory_space<semaphore_mem>>)
        %dma_wait3A = arith.constant 0 : i32
        %dma_wait3A_36 = tpu.memref_slice %arg2[%add3A_32, %dma_wait3A] : memref<320000x32xf32, #tpu.memory_space<hbm>> -> memref<1000x32xf32, #tpu.memory_space<hbm>>
        %dma_wait3A_37 = arith.constant 0 : i32
        %dma_wait3A_38 = tpu.memref_slice %arg2[%add3A_32, %dma_wait3A_37] : memref<320000x32xf32, #tpu.memory_space<hbm>> -> memref<1000x32xf32, #tpu.memory_space<hbm>>
        tpu.wait_dma2 semaphore(%run_scoped3A : memref<!tpu.dma_semaphore, #tpu.memory_space<semaphore_mem>>) src(%dma_wait3A_38 : memref<1000x32xf32, #tpu.memory_space<hbm>>) dst(%arg7 : memref<1000x32xf32, #tpu.memory_space<vmem>>)
        tpu.yield
      }) : () -> ()
      "tpu.region"() ({
        %run_scoped3A = tpu.sem_alloc : memref<!tpu.dma_semaphore, #tpu.memory_space<semaphore_mem>>
        %dma_start3A = arith.constant 0 : i32
        %dma_start3A_33 = arith.constant 0 : i32
        %dma_start3A_34 = tpu.memref_slice %arg9[%dma_start3A, %dma_start3A_33] : memref<10240x32xf32, #tpu.memory_space<vmem_shared>> -> memref<10240x32xf32, #tpu.memory_space<vmem_shared>>
        tpu.enqueue_indirect_dma source(%arg7 : memref<1000x32xf32, #tpu.memory_space<vmem>>) target(%dma_start3A_34 : memref<10240x32xf32, #tpu.memory_space<vmem_shared>>) offsets(%arg6 : memref<1000xi32, #tpu.memory_space<vmem>>) semaphore(%run_scoped3A : memref<!tpu.dma_semaphore, #tpu.memory_space<semaphore_mem>>) {add = true}
        %dma_wait3A = arith.constant 0 : i32
        %dma_wait3A_35 = arith.constant 0 : i32
        %dma_wait3A_36 = tpu.memref_slice %arg9[%dma_wait3A, %dma_wait3A_35] : memref<10240x32xf32, #tpu.memory_space<vmem_shared>> -> memref<10240x32xf32, #tpu.memory_space<vmem_shared>>
        tpu.wait_indirect_dma semaphore(%run_scoped3A : memref<!tpu.dma_semaphore, #tpu.memory_space<semaphore_mem>>) src(%arg7 : memref<1000x32xf32, #tpu.memory_space<vmem>>) dst(%dma_wait3A_36 : memref<10240x32xf32, #tpu.memory_space<vmem_shared>>)
        tpu.yield
      }) : () -> ()
      "tpu.region"() ({
        %run_scoped3A = tpu.sem_alloc : memref<!tpu.dma_semaphore, #tpu.memory_space<semaphore_mem>>
        %dma_start3A = arith.constant 0 : i32
        %dma_start3A_33 = tpu.memref_slice %arg12[%dma_start3A] : memref<10240xf32, #tpu.memory_space<vmem_shared>> -> memref<10240xf32, #tpu.memory_space<vmem_shared>>
        tpu.enqueue_indirect_dma source(%arg10 : memref<1000xf32, #tpu.memory_space<vmem>>) target(%dma_start3A_33 : memref<10240xf32, #tpu.memory_space<vmem_shared>>) offsets(%arg6 : memref<1000xi32, #tpu.memory_space<vmem>>) semaphore(%run_scoped3A : memref<!tpu.dma_semaphore, #tpu.memory_space<semaphore_mem>>) {add = true}
        %dma_wait3A = arith.constant 0 : i32
        %dma_wait3A_34 = tpu.memref_slice %arg12[%dma_wait3A] : memref<10240xf32, #tpu.memory_space<vmem_shared>> -> memref<10240xf32, #tpu.memory_space<vmem_shared>>
        tpu.wait_indirect_dma semaphore(%run_scoped3A : memref<!tpu.dma_semaphore, #tpu.memory_space<semaphore_mem>>) src(%arg10 : memref<1000xf32, #tpu.memory_space<vmem>>) dst(%dma_wait3A_34 : memref<10240xf32, #tpu.memory_space<vmem_shared>>)
        tpu.yield
      }) : () -> ()
    }
    %scan3A_27 = arith.constant 10 : i32
    %barrier3A_28 = arith.constant 0 : index
    tpu.barrier barrier_id(%barrier3A_28)
    "tpu.region"() ({
      %run_scoped3A = tpu.sem_alloc : memref<!tpu.dma_semaphore, #tpu.memory_space<semaphore_mem>>
      %dma_start3A = arith.constant 0 : i32
      %dma_start3A_29 = tpu.memref_slice %arg4[%arg0, %mul3A_4, %dma_start3A] : memref<2x10240x32xf32, #tpu.memory_space<hbm>> -> memref<1x640x32xf32, #tpu.memory_space<hbm>>
      %dma_start3A_30 = tpu.memref_squeeze %dma_start3A_29 : memref<1x640x32xf32, #tpu.memory_space<hbm>> -> memref<640x32xf32, #tpu.memory_space<hbm>>
      %dma_start3A_31 = arith.constant 0 : i32
      %dma_start3A_32 = tpu.memref_slice %arg9[%mul3A_4, %dma_start3A_31] : memref<10240x32xf32, #tpu.memory_space<vmem_shared>> -> memref<640x32xf32, #tpu.memory_space<vmem_shared>>
      tpu.enqueue_dma source(%dma_start3A_32 : memref<640x32xf32, #tpu.memory_space<vmem_shared>>) target(%dma_start3A_30 : memref<640x32xf32, #tpu.memory_space<hbm>>) target_semaphore(%run_scoped3A : memref<!tpu.dma_semaphore, #tpu.memory_space<semaphore_mem>>)
      %dma_wait3A = arith.constant 0 : i32
      %dma_wait3A_33 = tpu.memref_slice %arg4[%arg0, %mul3A_4, %dma_wait3A] : memref<2x10240x32xf32, #tpu.memory_space<hbm>> -> memref<1x640x32xf32, #tpu.memory_space<hbm>>
      %dma_wait3A_34 = tpu.memref_squeeze %dma_wait3A_33 : memref<1x640x32xf32, #tpu.memory_space<hbm>> -> memref<640x32xf32, #tpu.memory_space<hbm>>
      %dma_wait3A_35 = arith.constant 0 : i32
      %dma_wait3A_36 = tpu.memref_slice %arg9[%mul3A_4, %dma_wait3A_35] : memref<10240x32xf32, #tpu.memory_space<vmem_shared>> -> memref<640x32xf32, #tpu.memory_space<vmem_shared>>
      tpu.wait_dma2 semaphore(%run_scoped3A : memref<!tpu.dma_semaphore, #tpu.memory_space<semaphore_mem>>) src(%dma_wait3A_36 : memref<640x32xf32, #tpu.memory_space<vmem_shared>>) dst(%dma_wait3A_34 : memref<640x32xf32, #tpu.memory_space<hbm>>)
      tpu.yield
    }) : () -> ()
    "tpu.region"() ({
      %run_scoped3A = tpu.sem_alloc : memref<!tpu.dma_semaphore, #tpu.memory_space<semaphore_mem>>
      %dma_start3A = tpu.memref_slice %arg5[%arg0, %mul3A_4] : memref<2x10240xf32, #tpu.memory_space<hbm>> -> memref<1x640xf32, #tpu.memory_space<hbm>>
      %dma_start3A_29 = tpu.memref_squeeze %dma_start3A : memref<1x640xf32, #tpu.memory_space<hbm>> -> memref<640xf32, #tpu.memory_space<hbm>>
      %dma_start3A_30 = tpu.memref_slice %arg12[%mul3A_4] : memref<10240xf32, #tpu.memory_space<vmem_shared>> -> memref<640xf32, #tpu.memory_space<vmem_shared>>
      tpu.enqueue_dma source(%dma_start3A_30 : memref<640xf32, #tpu.memory_space<vmem_shared>>) target(%dma_start3A_29 : memref<640xf32, #tpu.memory_space<hbm>>) target_semaphore(%run_scoped3A : memref<!tpu.dma_semaphore, #tpu.memory_space<semaphore_mem>>)
      %dma_wait3A = tpu.memref_slice %arg5[%arg0, %mul3A_4] : memref<2x10240xf32, #tpu.memory_space<hbm>> -> memref<1x640xf32, #tpu.memory_space<hbm>>
      %dma_wait3A_31 = tpu.memref_squeeze %dma_wait3A : memref<1x640xf32, #tpu.memory_space<hbm>> -> memref<640xf32, #tpu.memory_space<hbm>>
      %dma_wait3A_32 = tpu.memref_slice %arg12[%mul3A_4] : memref<10240xf32, #tpu.memory_space<vmem_shared>> -> memref<640xf32, #tpu.memory_space<vmem_shared>>
      tpu.wait_dma2 semaphore(%run_scoped3A : memref<!tpu.dma_semaphore, #tpu.memory_space<semaphore_mem>>) src(%dma_wait3A_32 : memref<640xf32, #tpu.memory_space<vmem_shared>>) dst(%dma_wait3A_31 : memref<640xf32, #tpu.memory_space<hbm>>)
      tpu.yield
    }) : () -> ()
    return
  }
}

#map = affine_map<(d0, d1) -> (0, 0)>
#map1 = affine_map<(d0, d1) -> (0)>
module attributes {stable_mosaic.version = 14 : i64} {
  func.func @body(%arg0: i32, %arg1: i32, %arg2: memref<10240x64xf32, #tpu.memory_space<hbm>>, %arg3: memref<10240x64xf32, #tpu.memory_space<hbm>>, %arg4: memref<320000xi32, #tpu.memory_space<hbm>>, %arg5: memref<320000xi32, #tpu.memory_space<hbm>>, %arg6: memref<320000x64xf32, #tpu.memory_space<hbm>>, %arg7: memref<400xi32, #tpu.memory_space<vmem>>, %arg8: memref<400xi32, #tpu.memory_space<vmem>>, %arg9: memref<400x64xf32, #tpu.memory_space<vmem>>, %arg10: memref<400x64xf32, #tpu.memory_space<vmem>>, %arg11: memref<!tpu.dma_semaphore, #tpu.memory_space<semaphore_mem>>, %arg12: memref<!tpu.dma_semaphore, #tpu.memory_space<semaphore_mem>>) attributes {dimension_semantics = [#tpu.dimension_semantics<core_parallel>, #tpu.dimension_semantics<subcore_parallel>], iteration_bounds = array<i64: 2, 16>, scalar_prefetch = 0 : i64, scratch_operands = 6 : i64, tpu.core_type = #tpu.core_type<sc_vector_subcore>, window_params = [{transform_indices = #map}, {transform_indices = #map}, {transform_indices = #map1}, {transform_indices = #map1}, {transform_indices = #map}]} {
    %mul3A = arith.constant 2 : i32
    %mul3A_0 = arith.muli %arg1, %mul3A : i32
    %add3A = arith.addi %mul3A_0, %arg0 : i32
    %mul3A_1 = arith.constant 10000 : i32
    %mul3A_2 = arith.muli %add3A, %mul3A_1 : i32
    %scan3A = arith.constant 0 : i32
    %scan3A_3 = arith.constant 0 : i32
    %scan3A_4 = arith.constant 25 : i32
    %scan3A_5 = arith.addi %scan3A_3, %scan3A_4 : i32
    %scan3A_6 = arith.constant 1 : i32
    scf.for %scan3A_8 = %scan3A_3 to %scan3A_5 step %scan3A_6  : i32 {
      %mul3A_9 = arith.constant 400 : i32
      %mul3A_10 = arith.muli %scan3A_8, %mul3A_9 : i32
      %add3A_11 = arith.addi %mul3A_2, %mul3A_10 : i32
      "tpu.region"() ({
        %run_scoped3A = tpu.sem_alloc : memref<!tpu.dma_semaphore, #tpu.memory_space<semaphore_mem>>
        %dma_start3A_28 = tpu.memref_slice %arg4[%add3A_11] : memref<320000xi32, #tpu.memory_space<hbm>> -> memref<400xi32, #tpu.memory_space<hbm>>
        %dma_start3A_29 = tpu.memref_slice %arg4[%add3A_11] : memref<320000xi32, #tpu.memory_space<hbm>> -> memref<400xi32, #tpu.memory_space<hbm>>
        tpu.enqueue_dma source(%dma_start3A_29 : memref<400xi32, #tpu.memory_space<hbm>>) target(%arg7 : memref<400xi32, #tpu.memory_space<vmem>>) target_semaphore(%run_scoped3A : memref<!tpu.dma_semaphore, #tpu.memory_space<semaphore_mem>>)
        %dma_wait3A_30 = tpu.memref_slice %arg4[%add3A_11] : memref<320000xi32, #tpu.memory_space<hbm>> -> memref<400xi32, #tpu.memory_space<hbm>>
        %dma_wait3A_31 = tpu.memref_slice %arg4[%add3A_11] : memref<320000xi32, #tpu.memory_space<hbm>> -> memref<400xi32, #tpu.memory_space<hbm>>
        tpu.wait_dma2 semaphore(%run_scoped3A : memref<!tpu.dma_semaphore, #tpu.memory_space<semaphore_mem>>) src(%dma_wait3A_31 : memref<400xi32, #tpu.memory_space<hbm>>) dst(%arg7 : memref<400xi32, #tpu.memory_space<vmem>>)
        tpu.yield
      }) : () -> ()
      "tpu.region"() ({
        %run_scoped3A = tpu.sem_alloc : memref<!tpu.dma_semaphore, #tpu.memory_space<semaphore_mem>>
        %dma_start3A_28 = tpu.memref_slice %arg5[%add3A_11] : memref<320000xi32, #tpu.memory_space<hbm>> -> memref<400xi32, #tpu.memory_space<hbm>>
        %dma_start3A_29 = tpu.memref_slice %arg5[%add3A_11] : memref<320000xi32, #tpu.memory_space<hbm>> -> memref<400xi32, #tpu.memory_space<hbm>>
        tpu.enqueue_dma source(%dma_start3A_29 : memref<400xi32, #tpu.memory_space<hbm>>) target(%arg8 : memref<400xi32, #tpu.memory_space<vmem>>) target_semaphore(%run_scoped3A : memref<!tpu.dma_semaphore, #tpu.memory_space<semaphore_mem>>)
        %dma_wait3A_30 = tpu.memref_slice %arg5[%add3A_11] : memref<320000xi32, #tpu.memory_space<hbm>> -> memref<400xi32, #tpu.memory_space<hbm>>
        %dma_wait3A_31 = tpu.memref_slice %arg5[%add3A_11] : memref<320000xi32, #tpu.memory_space<hbm>> -> memref<400xi32, #tpu.memory_space<hbm>>
        tpu.wait_dma2 semaphore(%run_scoped3A : memref<!tpu.dma_semaphore, #tpu.memory_space<semaphore_mem>>) src(%dma_wait3A_31 : memref<400xi32, #tpu.memory_space<hbm>>) dst(%arg8 : memref<400xi32, #tpu.memory_space<vmem>>)
        tpu.yield
      }) : () -> ()
      %dma_start3A = arith.constant 0 : i32
      %dma_start3A_12 = arith.constant 0 : i32
      %dma_start3A_13 = tpu.memref_slice %arg2[%dma_start3A, %dma_start3A_12] : memref<10240x64xf32, #tpu.memory_space<hbm>> -> memref<10240x64xf32, #tpu.memory_space<hbm>>
      tpu.enqueue_indirect_dma source(%dma_start3A_13 : memref<10240x64xf32, #tpu.memory_space<hbm>>) target(%arg9 : memref<400x64xf32, #tpu.memory_space<vmem>>) offsets(%arg7 : memref<400xi32, #tpu.memory_space<vmem>>) semaphore(%arg11 : memref<!tpu.dma_semaphore, #tpu.memory_space<semaphore_mem>>)
      %dma_start3A_14 = arith.constant 0 : i32
      %dma_start3A_15 = arith.constant 0 : i32
      %dma_start3A_16 = tpu.memref_slice %arg3[%dma_start3A_14, %dma_start3A_15] : memref<10240x64xf32, #tpu.memory_space<hbm>> -> memref<10240x64xf32, #tpu.memory_space<hbm>>
      tpu.enqueue_indirect_dma source(%dma_start3A_16 : memref<10240x64xf32, #tpu.memory_space<hbm>>) target(%arg10 : memref<400x64xf32, #tpu.memory_space<vmem>>) offsets(%arg8 : memref<400xi32, #tpu.memory_space<vmem>>) semaphore(%arg12 : memref<!tpu.dma_semaphore, #tpu.memory_space<semaphore_mem>>)
      %dma_wait3A = arith.constant 0 : i32
      %dma_wait3A_17 = arith.constant 0 : i32
      %dma_wait3A_18 = tpu.memref_slice %arg2[%dma_wait3A, %dma_wait3A_17] : memref<10240x64xf32, #tpu.memory_space<hbm>> -> memref<10240x64xf32, #tpu.memory_space<hbm>>
      tpu.wait_indirect_dma semaphore(%arg11 : memref<!tpu.dma_semaphore, #tpu.memory_space<semaphore_mem>>) src(%dma_wait3A_18 : memref<10240x64xf32, #tpu.memory_space<hbm>>) dst(%arg9 : memref<400x64xf32, #tpu.memory_space<vmem>>)
      %dma_wait3A_19 = arith.constant 0 : i32
      %dma_wait3A_20 = arith.constant 0 : i32
      %dma_wait3A_21 = tpu.memref_slice %arg3[%dma_wait3A_19, %dma_wait3A_20] : memref<10240x64xf32, #tpu.memory_space<hbm>> -> memref<10240x64xf32, #tpu.memory_space<hbm>>
      tpu.wait_indirect_dma semaphore(%arg12 : memref<!tpu.dma_semaphore, #tpu.memory_space<semaphore_mem>>) src(%dma_wait3A_21 : memref<10240x64xf32, #tpu.memory_space<hbm>>) dst(%arg10 : memref<400x64xf32, #tpu.memory_space<vmem>>)
      %scan3A_22 = arith.constant 0 : i32
      %scan3A_23 = arith.constant 0 : i32
      %scan3A_24 = arith.constant 400 : i32
      %scan3A_25 = arith.addi %scan3A_23, %scan3A_24 : i32
      %scan3A_26 = arith.constant 1 : i32
      scf.for %scan3A_28 = %scan3A_23 to %scan3A_25 step %scan3A_26  : i32 {
        %get3A = arith.index_cast %scan3A_28 : i32 to index
        %get3A_29 = arith.constant 0 : index
        %get3A_30 = tpu.vector_load %arg9[%get3A, %get3A_29] {strides = array<i32>} : memref<400x64xf32, #tpu.memory_space<vmem>>, vector<16xf32>,
        %get3A_31 = arith.index_cast %scan3A_28 : i32 to index
        %get3A_32 = arith.constant 0 : index
        %get3A_33 = tpu.vector_load %arg10[%get3A_31, %get3A_32] {strides = array<i32>} : memref<400x64xf32, #tpu.memory_space<vmem>>, vector<16xf32>,
        %add3A_34 = arith.addf %get3A_30, %get3A_33 : vector<16xf32>
        %swap3A = arith.index_cast %scan3A_28 : i32 to index
        %swap3A_35 = arith.constant 0 : index
        %swap3A_36 = tpu.vector_load %arg9[%swap3A, %swap3A_35] {strides = array<i32>} : memref<400x64xf32, #tpu.memory_space<vmem>>, vector<16xf32>,
        tpu.vector_store %arg9[%swap3A, %swap3A_35], %add3A_34 {strides = array<i32>} : memref<400x64xf32, #tpu.memory_space<vmem>>, vector<16xf32>,
        %get3A_37 = arith.index_cast %scan3A_28 : i32 to index
        %get3A_38 = arith.constant 16 : index
        %get3A_39 = tpu.vector_load %arg9[%get3A_37, %get3A_38] {strides = array<i32>} : memref<400x64xf32, #tpu.memory_space<vmem>>, vector<16xf32>,
        %get3A_40 = arith.index_cast %scan3A_28 : i32 to index
        %get3A_41 = arith.constant 16 : index
        %get3A_42 = tpu.vector_load %arg10[%get3A_40, %get3A_41] {strides = array<i32>} : memref<400x64xf32, #tpu.memory_space<vmem>>, vector<16xf32>,
        %add3A_43 = arith.addf %get3A_39, %get3A_42 : vector<16xf32>
        %swap3A_44 = arith.index_cast %scan3A_28 : i32 to index
        %swap3A_45 = arith.constant 16 : index
        %swap3A_46 = tpu.vector_load %arg9[%swap3A_44, %swap3A_45] {strides = array<i32>} : memref<400x64xf32, #tpu.memory_space<vmem>>, vector<16xf32>,
        tpu.vector_store %arg9[%swap3A_44, %swap3A_45], %add3A_43 {strides = array<i32>} : memref<400x64xf32, #tpu.memory_space<vmem>>, vector<16xf32>,
        %get3A_47 = arith.index_cast %scan3A_28 : i32 to index
        %get3A_48 = arith.constant 32 : index
        %get3A_49 = tpu.vector_load %arg9[%get3A_47, %get3A_48] {strides = array<i32>} : memref<400x64xf32, #tpu.memory_space<vmem>>, vector<16xf32>,
        %get3A_50 = arith.index_cast %scan3A_28 : i32 to index
        %get3A_51 = arith.constant 32 : index
        %get3A_52 = tpu.vector_load %arg10[%get3A_50, %get3A_51] {strides = array<i32>} : memref<400x64xf32, #tpu.memory_space<vmem>>, vector<16xf32>,
        %add3A_53 = arith.addf %get3A_49, %get3A_52 : vector<16xf32>
        %swap3A_54 = arith.index_cast %scan3A_28 : i32 to index
        %swap3A_55 = arith.constant 32 : index
        %swap3A_56 = tpu.vector_load %arg9[%swap3A_54, %swap3A_55] {strides = array<i32>} : memref<400x64xf32, #tpu.memory_space<vmem>>, vector<16xf32>,
        tpu.vector_store %arg9[%swap3A_54, %swap3A_55], %add3A_53 {strides = array<i32>} : memref<400x64xf32, #tpu.memory_space<vmem>>, vector<16xf32>,
        %get3A_57 = arith.index_cast %scan3A_28 : i32 to index
        %get3A_58 = arith.constant 48 : index
        %get3A_59 = tpu.vector_load %arg9[%get3A_57, %get3A_58] {strides = array<i32>} : memref<400x64xf32, #tpu.memory_space<vmem>>, vector<16xf32>,
        %get3A_60 = arith.index_cast %scan3A_28 : i32 to index
        %get3A_61 = arith.constant 48 : index
        %get3A_62 = tpu.vector_load %arg10[%get3A_60, %get3A_61] {strides = array<i32>} : memref<400x64xf32, #tpu.memory_space<vmem>>, vector<16xf32>,
        %add3A_63 = arith.addf %get3A_59, %get3A_62 : vector<16xf32>
        %swap3A_64 = arith.index_cast %scan3A_28 : i32 to index
        %swap3A_65 = arith.constant 48 : index
        %swap3A_66 = tpu.vector_load %arg9[%swap3A_64, %swap3A_65] {strides = array<i32>} : memref<400x64xf32, #tpu.memory_space<vmem>>, vector<16xf32>,
        tpu.vector_store %arg9[%swap3A_64, %swap3A_65], %add3A_63 {strides = array<i32>} : memref<400x64xf32, #tpu.memory_space<vmem>>, vector<16xf32>,
      }
      %scan3A_27 = arith.constant 400 : i32
      "tpu.region"() ({
        %run_scoped3A = tpu.sem_alloc : memref<!tpu.dma_semaphore, #tpu.memory_space<semaphore_mem>>
        %dma_start3A_28 = arith.constant 0 : i32
        %dma_start3A_29 = tpu.memref_slice %arg6[%add3A_11, %dma_start3A_28] : memref<320000x64xf32, #tpu.memory_space<hbm>> -> memref<400x64xf32, #tpu.memory_space<hbm>>
        %dma_start3A_30 = arith.constant 0 : i32
        %dma_start3A_31 = tpu.memref_slice %arg6[%add3A_11, %dma_start3A_30] : memref<320000x64xf32, #tpu.memory_space<hbm>> -> memref<400x64xf32, #tpu.memory_space<hbm>>
        tpu.enqueue_dma source(%arg9 : memref<400x64xf32, #tpu.memory_space<vmem>>) target(%dma_start3A_31 : memref<400x64xf32, #tpu.memory_space<hbm>>) target_semaphore(%run_scoped3A : memref<!tpu.dma_semaphore, #tpu.memory_space<semaphore_mem>>)
        %dma_wait3A_32 = arith.constant 0 : i32
        %dma_wait3A_33 = tpu.memref_slice %arg6[%add3A_11, %dma_wait3A_32] : memref<320000x64xf32, #tpu.memory_space<hbm>> -> memref<400x64xf32, #tpu.memory_space<hbm>>
        %dma_wait3A_34 = arith.constant 0 : i32
        %dma_wait3A_35 = tpu.memref_slice %arg6[%add3A_11, %dma_wait3A_34] : memref<320000x64xf32, #tpu.memory_space<hbm>> -> memref<400x64xf32, #tpu.memory_space<hbm>>
        tpu.wait_dma2 semaphore(%run_scoped3A : memref<!tpu.dma_semaphore, #tpu.memory_space<semaphore_mem>>) src(%arg9 : memref<400x64xf32, #tpu.memory_space<vmem>>) dst(%dma_wait3A_35 : memref<400x64xf32, #tpu.memory_space<hbm>>)
        tpu.yield
      }) : () -> ()
    }
    %scan3A_7 = arith.constant 25 : i32
    return
  }
}

#map = affine_map<(d0, d1) -> (0, 0)>
#map1 = affine_map<(d0, d1) -> (0)>
#map2 = affine_map<(d0, d1) -> (0, 0, 0)>
module attributes {stable_mosaic.version = 14 : i64} {
  func.func @body(%arg0: i32, %arg1: i32, %arg2: memref<320000x32xf32, #tpu.memory_space<hbm>>, %arg3: memref<320000xi32, #tpu.memory_space<hbm>>, %arg4: memref<2x10240x32xf32, #tpu.memory_space<hbm>>, %arg5: memref<1000xi32, #tpu.memory_space<vmem>>, %arg6: memref<1000x32xf32, #tpu.memory_space<vmem>>, %arg7: memref<640x32xf32, #tpu.memory_space<vmem>>, %arg8: memref<10240x32xf32, #tpu.memory_space<vmem_shared>>) attributes {dimension_semantics = [#tpu.dimension_semantics<core_parallel>, #tpu.dimension_semantics<subcore_parallel>], iteration_bounds = array<i64: 2, 16>, scalar_prefetch = 0 : i64, scratch_operands = 4 : i64, tpu.core_type = #tpu.core_type<sc_vector_subcore>, window_params = [{transform_indices = #map}, {transform_indices = #map1}, {transform_indices = #map2}]} {
    %mul3A = arith.constant 2 : i32
    %mul3A_0 = arith.muli %arg1, %mul3A : i32
    %add3A = arith.addi %mul3A_0, %arg0 : i32
    %mul3A_1 = arith.constant 10000 : i32
    %mul3A_2 = arith.muli %add3A, %mul3A_1 : i32
    %mul3A_3 = arith.constant 640 : i32
    %mul3A_4 = arith.muli %arg1, %mul3A_3 : i32
    %scan3A = arith.constant 0 : i32
    %scan3A_5 = arith.constant 0 : i32
    %scan3A_6 = arith.constant 640 : i32
    %scan3A_7 = arith.addi %scan3A_5, %scan3A_6 : i32
    %scan3A_8 = arith.constant 1 : i32
    scf.for %scan3A_17 = %scan3A_5 to %scan3A_7 step %scan3A_8  : i32 {
      %broadcast_in_dim3A = arith.constant 0.000000e+00 : f32
      %broadcast_in_dim3A_18 = vector.broadcast %broadcast_in_dim3A : f32 to vector<16xf32>
      %swap3A = arith.index_cast %scan3A_17 : i32 to index
      %swap3A_19 = arith.constant 0 : index
      %swap3A_20 = tpu.vector_load %arg7[%swap3A, %swap3A_19] {strides = array<i32>} : memref<640x32xf32, #tpu.memory_space<vmem>>, vector<16xf32>,
      tpu.vector_store %arg7[%swap3A, %swap3A_19], %broadcast_in_dim3A_18 {strides = array<i32>} : memref<640x32xf32, #tpu.memory_space<vmem>>, vector<16xf32>,
      %broadcast_in_dim3A_21 = arith.constant 0.000000e+00 : f32
      %broadcast_in_dim3A_22 = vector.broadcast %broadcast_in_dim3A_21 : f32 to vector<16xf32>
      %swap3A_23 = arith.index_cast %scan3A_17 : i32 to index
      %swap3A_24 = arith.constant 16 : index
      %swap3A_25 = tpu.vector_load %arg7[%swap3A_23, %swap3A_24] {strides = array<i32>} : memref<640x32xf32, #tpu.memory_space<vmem>>, vector<16xf32>,
      tpu.vector_store %arg7[%swap3A_23, %swap3A_24], %broadcast_in_dim3A_22 {strides = array<i32>} : memref<640x32xf32, #tpu.memory_space<vmem>>, vector<16xf32>,
    }
    %scan3A_9 = arith.constant 640 : i32
    "tpu.region"() ({
      %run_scoped3A = tpu.sem_alloc : memref<!tpu.dma_semaphore, #tpu.memory_space<semaphore_mem>>
      %dma_start3A = arith.constant 0 : i32
      %dma_start3A_17 = tpu.memref_slice %arg8[%mul3A_4, %dma_start3A] : memref<10240x32xf32, #tpu.memory_space<vmem_shared>> -> memref<640x32xf32, #tpu.memory_space<vmem_shared>>
      %dma_start3A_18 = arith.constant 0 : i32
      %dma_start3A_19 = tpu.memref_slice %arg8[%mul3A_4, %dma_start3A_18] : memref<10240x32xf32, #tpu.memory_space<vmem_shared>> -> memref<640x32xf32, #tpu.memory_space<vmem_shared>>
      tpu.enqueue_dma source(%arg7 : memref<640x32xf32, #tpu.memory_space<vmem>>) target(%dma_start3A_19 : memref<640x32xf32, #tpu.memory_space<vmem_shared>>) target_semaphore(%run_scoped3A : memref<!tpu.dma_semaphore, #tpu.memory_space<semaphore_mem>>)
      %dma_wait3A = arith.constant 0 : i32
      %dma_wait3A_20 = tpu.memref_slice %arg8[%mul3A_4, %dma_wait3A] : memref<10240x32xf32, #tpu.memory_space<vmem_shared>> -> memref<640x32xf32, #tpu.memory_space<vmem_shared>>
      %dma_wait3A_21 = arith.constant 0 : i32
      %dma_wait3A_22 = tpu.memref_slice %arg8[%mul3A_4, %dma_wait3A_21] : memref<10240x32xf32, #tpu.memory_space<vmem_shared>> -> memref<640x32xf32, #tpu.memory_space<vmem_shared>>
      tpu.wait_dma2 semaphore(%run_scoped3A : memref<!tpu.dma_semaphore, #tpu.memory_space<semaphore_mem>>) src(%arg7 : memref<640x32xf32, #tpu.memory_space<vmem>>) dst(%dma_wait3A_22 : memref<640x32xf32, #tpu.memory_space<vmem_shared>>)
      tpu.yield
    }) : () -> ()
    %barrier3A = arith.constant 0 : index
    tpu.barrier barrier_id(%barrier3A)
    %scan3A_10 = arith.constant 0 : i32
    %scan3A_11 = arith.constant 0 : i32
    %scan3A_12 = arith.constant 10 : i32
    %scan3A_13 = arith.addi %scan3A_11, %scan3A_12 : i32
    %scan3A_14 = arith.constant 1 : i32
    scf.for %scan3A_17 = %scan3A_11 to %scan3A_13 step %scan3A_14  : i32 {
      %mul3A_18 = arith.constant 1000 : i32
      %mul3A_19 = arith.muli %scan3A_17, %mul3A_18 : i32
      %add3A_20 = arith.addi %mul3A_2, %mul3A_19 : i32
      "tpu.region"() ({
        %run_scoped3A = tpu.sem_alloc : memref<!tpu.dma_semaphore, #tpu.memory_space<semaphore_mem>>
        %dma_start3A = tpu.memref_slice %arg3[%add3A_20] : memref<320000xi32, #tpu.memory_space<hbm>> -> memref<1000xi32, #tpu.memory_space<hbm>>
        %dma_start3A_21 = tpu.memref_slice %arg3[%add3A_20] : memref<320000xi32, #tpu.memory_space<hbm>> -> memref<1000xi32, #tpu.memory_space<hbm>>
        tpu.enqueue_dma source(%dma_start3A_21 : memref<1000xi32, #tpu.memory_space<hbm>>) target(%arg5 : memref<1000xi32, #tpu.memory_space<vmem>>) target_semaphore(%run_scoped3A : memref<!tpu.dma_semaphore, #tpu.memory_space<semaphore_mem>>)
        %dma_wait3A = tpu.memref_slice %arg3[%add3A_20] : memref<320000xi32, #tpu.memory_space<hbm>> -> memref<1000xi32, #tpu.memory_space<hbm>>
        %dma_wait3A_22 = tpu.memref_slice %arg3[%add3A_20] : memref<320000xi32, #tpu.memory_space<hbm>> -> memref<1000xi32, #tpu.memory_space<hbm>>
        tpu.wait_dma2 semaphore(%run_scoped3A : memref<!tpu.dma_semaphore, #tpu.memory_space<semaphore_mem>>) src(%dma_wait3A_22 : memref<1000xi32, #tpu.memory_space<hbm>>) dst(%arg5 : memref<1000xi32, #tpu.memory_space<vmem>>)
        tpu.yield
      }) : () -> ()
      "tpu.region"() ({
        %run_scoped3A = tpu.sem_alloc : memref<!tpu.dma_semaphore, #tpu.memory_space<semaphore_mem>>
        %dma_start3A = arith.constant 0 : i32
        %dma_start3A_21 = tpu.memref_slice %arg2[%add3A_20, %dma_start3A] : memref<320000x32xf32, #tpu.memory_space<hbm>> -> memref<1000x32xf32, #tpu.memory_space<hbm>>
        %dma_start3A_22 = arith.constant 0 : i32
        %dma_start3A_23 = tpu.memref_slice %arg2[%add3A_20, %dma_start3A_22] : memref<320000x32xf32, #tpu.memory_space<hbm>> -> memref<1000x32xf32, #tpu.memory_space<hbm>>
        tpu.enqueue_dma source(%dma_start3A_23 : memref<1000x32xf32, #tpu.memory_space<hbm>>) target(%arg6 : memref<1000x32xf32, #tpu.memory_space<vmem>>) target_semaphore(%run_scoped3A : memref<!tpu.dma_semaphore, #tpu.memory_space<semaphore_mem>>)
        %dma_wait3A = arith.constant 0 : i32
        %dma_wait3A_24 = tpu.memref_slice %arg2[%add3A_20, %dma_wait3A] : memref<320000x32xf32, #tpu.memory_space<hbm>> -> memref<1000x32xf32, #tpu.memory_space<hbm>>
        %dma_wait3A_25 = arith.constant 0 : i32
        %dma_wait3A_26 = tpu.memref_slice %arg2[%add3A_20, %dma_wait3A_25] : memref<320000x32xf32, #tpu.memory_space<hbm>> -> memref<1000x32xf32, #tpu.memory_space<hbm>>
        tpu.wait_dma2 semaphore(%run_scoped3A : memref<!tpu.dma_semaphore, #tpu.memory_space<semaphore_mem>>) src(%dma_wait3A_26 : memref<1000x32xf32, #tpu.memory_space<hbm>>) dst(%arg6 : memref<1000x32xf32, #tpu.memory_space<vmem>>)
        tpu.yield
      }) : () -> ()
      "tpu.region"() ({
        %run_scoped3A = tpu.sem_alloc : memref<!tpu.dma_semaphore, #tpu.memory_space<semaphore_mem>>
        %dma_start3A = arith.constant 0 : i32
        %dma_start3A_21 = arith.constant 0 : i32
        %dma_start3A_22 = tpu.memref_slice %arg8[%dma_start3A, %dma_start3A_21] : memref<10240x32xf32, #tpu.memory_space<vmem_shared>> -> memref<10240x32xf32, #tpu.memory_space<vmem_shared>>
        tpu.enqueue_indirect_dma source(%arg6 : memref<1000x32xf32, #tpu.memory_space<vmem>>) target(%dma_start3A_22 : memref<10240x32xf32, #tpu.memory_space<vmem_shared>>) offsets(%arg5 : memref<1000xi32, #tpu.memory_space<vmem>>) semaphore(%run_scoped3A : memref<!tpu.dma_semaphore, #tpu.memory_space<semaphore_mem>>) {add = true}
        %dma_wait3A = arith.constant 0 : i32
        %dma_wait3A_23 = arith.constant 0 : i32
        %dma_wait3A_24 = tpu.memref_slice %arg8[%dma_wait3A, %dma_wait3A_23] : memref<10240x32xf32, #tpu.memory_space<vmem_shared>> -> memref<10240x32xf32, #tpu.memory_space<vmem_shared>>
        tpu.wait_indirect_dma semaphore(%run_scoped3A : memref<!tpu.dma_semaphore, #tpu.memory_space<semaphore_mem>>) src(%arg6 : memref<1000x32xf32, #tpu.memory_space<vmem>>) dst(%dma_wait3A_24 : memref<10240x32xf32, #tpu.memory_space<vmem_shared>>)
        tpu.yield
      }) : () -> ()
    }
    %scan3A_15 = arith.constant 10 : i32
    %barrier3A_16 = arith.constant 0 : index
    tpu.barrier barrier_id(%barrier3A_16)
    "tpu.region"() ({
      %run_scoped3A = tpu.sem_alloc : memref<!tpu.dma_semaphore, #tpu.memory_space<semaphore_mem>>
      %dma_start3A = arith.constant 0 : i32
      %dma_start3A_17 = tpu.memref_slice %arg4[%arg0, %mul3A_4, %dma_start3A] : memref<2x10240x32xf32, #tpu.memory_space<hbm>> -> memref<1x640x32xf32, #tpu.memory_space<hbm>>
      %dma_start3A_18 = tpu.memref_squeeze %dma_start3A_17 : memref<1x640x32xf32, #tpu.memory_space<hbm>> -> memref<640x32xf32, #tpu.memory_space<hbm>>
      %dma_start3A_19 = arith.constant 0 : i32
      %dma_start3A_20 = tpu.memref_slice %arg8[%mul3A_4, %dma_start3A_19] : memref<10240x32xf32, #tpu.memory_space<vmem_shared>> -> memref<640x32xf32, #tpu.memory_space<vmem_shared>>
      tpu.enqueue_dma source(%dma_start3A_20 : memref<640x32xf32, #tpu.memory_space<vmem_shared>>) target(%dma_start3A_18 : memref<640x32xf32, #tpu.memory_space<hbm>>) target_semaphore(%run_scoped3A : memref<!tpu.dma_semaphore, #tpu.memory_space<semaphore_mem>>)
      %dma_wait3A = arith.constant 0 : i32
      %dma_wait3A_21 = tpu.memref_slice %arg4[%arg0, %mul3A_4, %dma_wait3A] : memref<2x10240x32xf32, #tpu.memory_space<hbm>> -> memref<1x640x32xf32, #tpu.memory_space<hbm>>
      %dma_wait3A_22 = tpu.memref_squeeze %dma_wait3A_21 : memref<1x640x32xf32, #tpu.memory_space<hbm>> -> memref<640x32xf32, #tpu.memory_space<hbm>>
      %dma_wait3A_23 = arith.constant 0 : i32
      %dma_wait3A_24 = tpu.memref_slice %arg8[%mul3A_4, %dma_wait3A_23] : memref<10240x32xf32, #tpu.memory_space<vmem_shared>> -> memref<640x32xf32, #tpu.memory_space<vmem_shared>>
      tpu.wait_dma2 semaphore(%run_scoped3A : memref<!tpu.dma_semaphore, #tpu.memory_space<semaphore_mem>>) src(%dma_wait3A_24 : memref<640x32xf32, #tpu.memory_space<vmem_shared>>) dst(%dma_wait3A_22 : memref<640x32xf32, #tpu.memory_space<hbm>>)
      tpu.yield
    }) : () -> ()
    return
  }
}

#map = affine_map<(d0, d1) -> (0, 0)>
#map1 = affine_map<(d0, d1) -> (0)>
module attributes {stable_mosaic.version = 14 : i64} {
  func.func @body(%arg0: i32, %arg1: i32, %arg2: memref<10240x64xf32, #tpu.memory_space<hbm>>, %arg3: memref<10240x64xf32, #tpu.memory_space<hbm>>, %arg4: memref<320000xi32, #tpu.memory_space<hbm>>, %arg5: memref<320000xi32, #tpu.memory_space<hbm>>, %arg6: memref<320000x64xf32, #tpu.memory_space<hbm>>, %arg7: memref<400xi32, #tpu.memory_space<vmem>>, %arg8: memref<400xi32, #tpu.memory_space<vmem>>, %arg9: memref<400x64xf32, #tpu.memory_space<vmem>>, %arg10: memref<400x64xf32, #tpu.memory_space<vmem>>, %arg11: memref<!tpu.dma_semaphore, #tpu.memory_space<semaphore_mem>>, %arg12: memref<!tpu.dma_semaphore, #tpu.memory_space<semaphore_mem>>) attributes {dimension_semantics = [#tpu.dimension_semantics<core_parallel>, #tpu.dimension_semantics<subcore_parallel>], iteration_bounds = array<i64: 2, 16>, scalar_prefetch = 0 : i64, scratch_operands = 6 : i64, tpu.core_type = #tpu.core_type<sc_vector_subcore>, window_params = [{transform_indices = #map}, {transform_indices = #map}, {transform_indices = #map1}, {transform_indices = #map1}, {transform_indices = #map}]} {
    %mul3A = arith.constant 2 : i32
    %mul3A_0 = arith.muli %arg1, %mul3A : i32
    %add3A = arith.addi %mul3A_0, %arg0 : i32
    %mul3A_1 = arith.constant 10000 : i32
    %mul3A_2 = arith.muli %add3A, %mul3A_1 : i32
    %scan3A = arith.constant 0 : i32
    %scan3A_3 = arith.constant 0 : i32
    %scan3A_4 = arith.constant 25 : i32
    %scan3A_5 = arith.addi %scan3A_3, %scan3A_4 : i32
    %scan3A_6 = arith.constant 1 : i32
    scf.for %scan3A_8 = %scan3A_3 to %scan3A_5 step %scan3A_6  : i32 {
      %mul3A_9 = arith.constant 400 : i32
      %mul3A_10 = arith.muli %scan3A_8, %mul3A_9 : i32
      %add3A_11 = arith.addi %mul3A_2, %mul3A_10 : i32
      "tpu.region"() ({
        %run_scoped3A = tpu.sem_alloc : memref<!tpu.dma_semaphore, #tpu.memory_space<semaphore_mem>>
        %dma_start3A_28 = tpu.memref_slice %arg4[%add3A_11] : memref<320000xi32, #tpu.memory_space<hbm>> -> memref<400xi32, #tpu.memory_space<hbm>>
        %dma_start3A_29 = tpu.memref_slice %arg4[%add3A_11] : memref<320000xi32, #tpu.memory_space<hbm>> -> memref<400xi32, #tpu.memory_space<hbm>>
        tpu.enqueue_dma source(%dma_start3A_29 : memref<400xi32, #tpu.memory_space<hbm>>) target(%arg7 : memref<400xi32, #tpu.memory_space<vmem>>) target_semaphore(%run_scoped3A : memref<!tpu.dma_semaphore, #tpu.memory_space<semaphore_mem>>)
        %dma_wait3A_30 = tpu.memref_slice %arg4[%add3A_11] : memref<320000xi32, #tpu.memory_space<hbm>> -> memref<400xi32, #tpu.memory_space<hbm>>
        %dma_wait3A_31 = tpu.memref_slice %arg4[%add3A_11] : memref<320000xi32, #tpu.memory_space<hbm>> -> memref<400xi32, #tpu.memory_space<hbm>>
        tpu.wait_dma2 semaphore(%run_scoped3A : memref<!tpu.dma_semaphore, #tpu.memory_space<semaphore_mem>>) src(%dma_wait3A_31 : memref<400xi32, #tpu.memory_space<hbm>>) dst(%arg7 : memref<400xi32, #tpu.memory_space<vmem>>)
        tpu.yield
      }) : () -> ()
      "tpu.region"() ({
        %run_scoped3A = tpu.sem_alloc : memref<!tpu.dma_semaphore, #tpu.memory_space<semaphore_mem>>
        %dma_start3A_28 = tpu.memref_slice %arg5[%add3A_11] : memref<320000xi32, #tpu.memory_space<hbm>> -> memref<400xi32, #tpu.memory_space<hbm>>
        %dma_start3A_29 = tpu.memref_slice %arg5[%add3A_11] : memref<320000xi32, #tpu.memory_space<hbm>> -> memref<400xi32, #tpu.memory_space<hbm>>
        tpu.enqueue_dma source(%dma_start3A_29 : memref<400xi32, #tpu.memory_space<hbm>>) target(%arg8 : memref<400xi32, #tpu.memory_space<vmem>>) target_semaphore(%run_scoped3A : memref<!tpu.dma_semaphore, #tpu.memory_space<semaphore_mem>>)
        %dma_wait3A_30 = tpu.memref_slice %arg5[%add3A_11] : memref<320000xi32, #tpu.memory_space<hbm>> -> memref<400xi32, #tpu.memory_space<hbm>>
        %dma_wait3A_31 = tpu.memref_slice %arg5[%add3A_11] : memref<320000xi32, #tpu.memory_space<hbm>> -> memref<400xi32, #tpu.memory_space<hbm>>
        tpu.wait_dma2 semaphore(%run_scoped3A : memref<!tpu.dma_semaphore, #tpu.memory_space<semaphore_mem>>) src(%dma_wait3A_31 : memref<400xi32, #tpu.memory_space<hbm>>) dst(%arg8 : memref<400xi32, #tpu.memory_space<vmem>>)
        tpu.yield
      }) : () -> ()
      %dma_start3A = arith.constant 0 : i32
      %dma_start3A_12 = arith.constant 0 : i32
      %dma_start3A_13 = tpu.memref_slice %arg2[%dma_start3A, %dma_start3A_12] : memref<10240x64xf32, #tpu.memory_space<hbm>> -> memref<10240x64xf32, #tpu.memory_space<hbm>>
      tpu.enqueue_indirect_dma source(%dma_start3A_13 : memref<10240x64xf32, #tpu.memory_space<hbm>>) target(%arg9 : memref<400x64xf32, #tpu.memory_space<vmem>>) offsets(%arg7 : memref<400xi32, #tpu.memory_space<vmem>>) semaphore(%arg11 : memref<!tpu.dma_semaphore, #tpu.memory_space<semaphore_mem>>)
      %dma_start3A_14 = arith.constant 0 : i32
      %dma_start3A_15 = arith.constant 0 : i32
      %dma_start3A_16 = tpu.memref_slice %arg3[%dma_start3A_14, %dma_start3A_15] : memref<10240x64xf32, #tpu.memory_space<hbm>> -> memref<10240x64xf32, #tpu.memory_space<hbm>>
      tpu.enqueue_indirect_dma source(%dma_start3A_16 : memref<10240x64xf32, #tpu.memory_space<hbm>>) target(%arg10 : memref<400x64xf32, #tpu.memory_space<vmem>>) offsets(%arg8 : memref<400xi32, #tpu.memory_space<vmem>>) semaphore(%arg12 : memref<!tpu.dma_semaphore, #tpu.memory_space<semaphore_mem>>)
      %dma_wait3A = arith.constant 0 : i32
      %dma_wait3A_17 = arith.constant 0 : i32
      %dma_wait3A_18 = tpu.memref_slice %arg2[%dma_wait3A, %dma_wait3A_17] : memref<10240x64xf32, #tpu.memory_space<hbm>> -> memref<10240x64xf32, #tpu.memory_space<hbm>>
      tpu.wait_indirect_dma semaphore(%arg11 : memref<!tpu.dma_semaphore, #tpu.memory_space<semaphore_mem>>) src(%dma_wait3A_18 : memref<10240x64xf32, #tpu.memory_space<hbm>>) dst(%arg9 : memref<400x64xf32, #tpu.memory_space<vmem>>)
      %dma_wait3A_19 = arith.constant 0 : i32
      %dma_wait3A_20 = arith.constant 0 : i32
      %dma_wait3A_21 = tpu.memref_slice %arg3[%dma_wait3A_19, %dma_wait3A_20] : memref<10240x64xf32, #tpu.memory_space<hbm>> -> memref<10240x64xf32, #tpu.memory_space<hbm>>
      tpu.wait_indirect_dma semaphore(%arg12 : memref<!tpu.dma_semaphore, #tpu.memory_space<semaphore_mem>>) src(%dma_wait3A_21 : memref<10240x64xf32, #tpu.memory_space<hbm>>) dst(%arg10 : memref<400x64xf32, #tpu.memory_space<vmem>>)
      %scan3A_22 = arith.constant 0 : i32
      %scan3A_23 = arith.constant 0 : i32
      %scan3A_24 = arith.constant 400 : i32
      %scan3A_25 = arith.addi %scan3A_23, %scan3A_24 : i32
      %scan3A_26 = arith.constant 1 : i32
      scf.for %scan3A_28 = %scan3A_23 to %scan3A_25 step %scan3A_26  : i32 {
        %get3A = arith.index_cast %scan3A_28 : i32 to index
        %get3A_29 = arith.constant 0 : index
        %get3A_30 = tpu.vector_load %arg9[%get3A, %get3A_29] {strides = array<i32>} : memref<400x64xf32, #tpu.memory_space<vmem>>, vector<16xf32>,
        %get3A_31 = arith.index_cast %scan3A_28 : i32 to index
        %get3A_32 = arith.constant 0 : index
        %get3A_33 = tpu.vector_load %arg10[%get3A_31, %get3A_32] {strides = array<i32>} : memref<400x64xf32, #tpu.memory_space<vmem>>, vector<16xf32>,
        %add3A_34 = arith.addf %get3A_30, %get3A_33 : vector<16xf32>
        %swap3A = arith.index_cast %scan3A_28 : i32 to index
        %swap3A_35 = arith.constant 0 : index
        %swap3A_36 = tpu.vector_load %arg9[%swap3A, %swap3A_35] {strides = array<i32>} : memref<400x64xf32, #tpu.memory_space<vmem>>, vector<16xf32>,
        tpu.vector_store %arg9[%swap3A, %swap3A_35], %add3A_34 {strides = array<i32>} : memref<400x64xf32, #tpu.memory_space<vmem>>, vector<16xf32>,
        %get3A_37 = arith.index_cast %scan3A_28 : i32 to index
        %get3A_38 = arith.constant 16 : index
        %get3A_39 = tpu.vector_load %arg9[%get3A_37, %get3A_38] {strides = array<i32>} : memref<400x64xf32, #tpu.memory_space<vmem>>, vector<16xf32>,
        %get3A_40 = arith.index_cast %scan3A_28 : i32 to index
        %get3A_41 = arith.constant 16 : index
        %get3A_42 = tpu.vector_load %arg10[%get3A_40, %get3A_41] {strides = array<i32>} : memref<400x64xf32, #tpu.memory_space<vmem>>, vector<16xf32>,
        %add3A_43 = arith.addf %get3A_39, %get3A_42 : vector<16xf32>
        %swap3A_44 = arith.index_cast %scan3A_28 : i32 to index
        %swap3A_45 = arith.constant 16 : index
        %swap3A_46 = tpu.vector_load %arg9[%swap3A_44, %swap3A_45] {strides = array<i32>} : memref<400x64xf32, #tpu.memory_space<vmem>>, vector<16xf32>,
        tpu.vector_store %arg9[%swap3A_44, %swap3A_45], %add3A_43 {strides = array<i32>} : memref<400x64xf32, #tpu.memory_space<vmem>>, vector<16xf32>,
        %get3A_47 = arith.index_cast %scan3A_28 : i32 to index
        %get3A_48 = arith.constant 32 : index
        %get3A_49 = tpu.vector_load %arg9[%get3A_47, %get3A_48] {strides = array<i32>} : memref<400x64xf32, #tpu.memory_space<vmem>>, vector<16xf32>,
        %get3A_50 = arith.index_cast %scan3A_28 : i32 to index
        %get3A_51 = arith.constant 32 : index
        %get3A_52 = tpu.vector_load %arg10[%get3A_50, %get3A_51] {strides = array<i32>} : memref<400x64xf32, #tpu.memory_space<vmem>>, vector<16xf32>,
        %add3A_53 = arith.addf %get3A_49, %get3A_52 : vector<16xf32>
        %swap3A_54 = arith.index_cast %scan3A_28 : i32 to index
        %swap3A_55 = arith.constant 32 : index
        %swap3A_56 = tpu.vector_load %arg9[%swap3A_54, %swap3A_55] {strides = array<i32>} : memref<400x64xf32, #tpu.memory_space<vmem>>, vector<16xf32>,
        tpu.vector_store %arg9[%swap3A_54, %swap3A_55], %add3A_53 {strides = array<i32>} : memref<400x64xf32, #tpu.memory_space<vmem>>, vector<16xf32>,
        %get3A_57 = arith.index_cast %scan3A_28 : i32 to index
        %get3A_58 = arith.constant 48 : index
        %get3A_59 = tpu.vector_load %arg9[%get3A_57, %get3A_58] {strides = array<i32>} : memref<400x64xf32, #tpu.memory_space<vmem>>, vector<16xf32>,
        %get3A_60 = arith.index_cast %scan3A_28 : i32 to index
        %get3A_61 = arith.constant 48 : index
        %get3A_62 = tpu.vector_load %arg10[%get3A_60, %get3A_61] {strides = array<i32>} : memref<400x64xf32, #tpu.memory_space<vmem>>, vector<16xf32>,
        %add3A_63 = arith.addf %get3A_59, %get3A_62 : vector<16xf32>
        %swap3A_64 = arith.index_cast %scan3A_28 : i32 to index
        %swap3A_65 = arith.constant 48 : index
        %swap3A_66 = tpu.vector_load %arg9[%swap3A_64, %swap3A_65] {strides = array<i32>} : memref<400x64xf32, #tpu.memory_space<vmem>>, vector<16xf32>,
        tpu.vector_store %arg9[%swap3A_64, %swap3A_65], %add3A_63 {strides = array<i32>} : memref<400x64xf32, #tpu.memory_space<vmem>>, vector<16xf32>,
      }
      %scan3A_27 = arith.constant 400 : i32
      "tpu.region"() ({
        %run_scoped3A = tpu.sem_alloc : memref<!tpu.dma_semaphore, #tpu.memory_space<semaphore_mem>>
        %dma_start3A_28 = arith.constant 0 : i32
        %dma_start3A_29 = tpu.memref_slice %arg6[%add3A_11, %dma_start3A_28] : memref<320000x64xf32, #tpu.memory_space<hbm>> -> memref<400x64xf32, #tpu.memory_space<hbm>>
        %dma_start3A_30 = arith.constant 0 : i32
        %dma_start3A_31 = tpu.memref_slice %arg6[%add3A_11, %dma_start3A_30] : memref<320000x64xf32, #tpu.memory_space<hbm>> -> memref<400x64xf32, #tpu.memory_space<hbm>>
        tpu.enqueue_dma source(%arg9 : memref<400x64xf32, #tpu.memory_space<vmem>>) target(%dma_start3A_31 : memref<400x64xf32, #tpu.memory_space<hbm>>) target_semaphore(%run_scoped3A : memref<!tpu.dma_semaphore, #tpu.memory_space<semaphore_mem>>)
        %dma_wait3A_32 = arith.constant 0 : i32
        %dma_wait3A_33 = tpu.memref_slice %arg6[%add3A_11, %dma_wait3A_32] : memref<320000x64xf32, #tpu.memory_space<hbm>> -> memref<400x64xf32, #tpu.memory_space<hbm>>
        %dma_wait3A_34 = arith.constant 0 : i32
        %dma_wait3A_35 = tpu.memref_slice %arg6[%add3A_11, %dma_wait3A_34] : memref<320000x64xf32, #tpu.memory_space<hbm>> -> memref<400x64xf32, #tpu.memory_space<hbm>>
        tpu.wait_dma2 semaphore(%run_scoped3A : memref<!tpu.dma_semaphore, #tpu.memory_space<semaphore_mem>>) src(%arg9 : memref<400x64xf32, #tpu.memory_space<vmem>>) dst(%dma_wait3A_35 : memref<400x64xf32, #tpu.memory_space<hbm>>)
        tpu.yield
      }) : () -> ()
    }
    %scan3A_7 = arith.constant 25 : i32
    return
  }
}

#map = affine_map<(d0, d1) -> (0, 0)>
#map1 = affine_map<(d0, d1) -> (0)>
#map2 = affine_map<(d0, d1) -> (0, 0, 0)>
module attributes {stable_mosaic.version = 14 : i64} {
  func.func @body(%arg0: i32, %arg1: i32, %arg2: memref<320000x32xf32, #tpu.memory_space<hbm>>, %arg3: memref<320000xi32, #tpu.memory_space<hbm>>, %arg4: memref<2x10240x32xf32, #tpu.memory_space<hbm>>, %arg5: memref<1000xi32, #tpu.memory_space<vmem>>, %arg6: memref<1000x32xf32, #tpu.memory_space<vmem>>, %arg7: memref<640x32xf32, #tpu.memory_space<vmem>>, %arg8: memref<10240x32xf32, #tpu.memory_space<vmem_shared>>) attributes {dimension_semantics = [#tpu.dimension_semantics<core_parallel>, #tpu.dimension_semantics<subcore_parallel>], iteration_bounds = array<i64: 2, 16>, scalar_prefetch = 0 : i64, scratch_operands = 4 : i64, tpu.core_type = #tpu.core_type<sc_vector_subcore>, window_params = [{transform_indices = #map}, {transform_indices = #map1}, {transform_indices = #map2}]} {
    %mul3A = arith.constant 2 : i32
    %mul3A_0 = arith.muli %arg1, %mul3A : i32
    %add3A = arith.addi %mul3A_0, %arg0 : i32
    %mul3A_1 = arith.constant 10000 : i32
    %mul3A_2 = arith.muli %add3A, %mul3A_1 : i32
    %mul3A_3 = arith.constant 640 : i32
    %mul3A_4 = arith.muli %arg1, %mul3A_3 : i32
    %scan3A = arith.constant 0 : i32
    %scan3A_5 = arith.constant 0 : i32
    %scan3A_6 = arith.constant 640 : i32
    %scan3A_7 = arith.addi %scan3A_5, %scan3A_6 : i32
    %scan3A_8 = arith.constant 1 : i32
    scf.for %scan3A_17 = %scan3A_5 to %scan3A_7 step %scan3A_8  : i32 {
      %broadcast_in_dim3A = arith.constant 0.000000e+00 : f32
      %broadcast_in_dim3A_18 = vector.broadcast %broadcast_in_dim3A : f32 to vector<16xf32>
      %swap3A = arith.index_cast %scan3A_17 : i32 to index
      %swap3A_19 = arith.constant 0 : index
      %swap3A_20 = tpu.vector_load %arg7[%swap3A, %swap3A_19] {strides = array<i32>} : memref<640x32xf32, #tpu.memory_space<vmem>>, vector<16xf32>,
      tpu.vector_store %arg7[%swap3A, %swap3A_19], %broadcast_in_dim3A_18 {strides = array<i32>} : memref<640x32xf32, #tpu.memory_space<vmem>>, vector<16xf32>,
      %broadcast_in_dim3A_21 = arith.constant 0.000000e+00 : f32
      %broadcast_in_dim3A_22 = vector.broadcast %broadcast_in_dim3A_21 : f32 to vector<16xf32>
      %swap3A_23 = arith.index_cast %scan3A_17 : i32 to index
      %swap3A_24 = arith.constant 16 : index
      %swap3A_25 = tpu.vector_load %arg7[%swap3A_23, %swap3A_24] {strides = array<i32>} : memref<640x32xf32, #tpu.memory_space<vmem>>, vector<16xf32>,
      tpu.vector_store %arg7[%swap3A_23, %swap3A_24], %broadcast_in_dim3A_22 {strides = array<i32>} : memref<640x32xf32, #tpu.memory_space<vmem>>, vector<16xf32>,
    }
    %scan3A_9 = arith.constant 640 : i32
    "tpu.region"() ({
      %run_scoped3A = tpu.sem_alloc : memref<!tpu.dma_semaphore, #tpu.memory_space<semaphore_mem>>
      %dma_start3A = arith.constant 0 : i32
      %dma_start3A_17 = tpu.memref_slice %arg8[%mul3A_4, %dma_start3A] : memref<10240x32xf32, #tpu.memory_space<vmem_shared>> -> memref<640x32xf32, #tpu.memory_space<vmem_shared>>
      %dma_start3A_18 = arith.constant 0 : i32
      %dma_start3A_19 = tpu.memref_slice %arg8[%mul3A_4, %dma_start3A_18] : memref<10240x32xf32, #tpu.memory_space<vmem_shared>> -> memref<640x32xf32, #tpu.memory_space<vmem_shared>>
      tpu.enqueue_dma source(%arg7 : memref<640x32xf32, #tpu.memory_space<vmem>>) target(%dma_start3A_19 : memref<640x32xf32, #tpu.memory_space<vmem_shared>>) target_semaphore(%run_scoped3A : memref<!tpu.dma_semaphore, #tpu.memory_space<semaphore_mem>>)
      %dma_wait3A = arith.constant 0 : i32
      %dma_wait3A_20 = tpu.memref_slice %arg8[%mul3A_4, %dma_wait3A] : memref<10240x32xf32, #tpu.memory_space<vmem_shared>> -> memref<640x32xf32, #tpu.memory_space<vmem_shared>>
      %dma_wait3A_21 = arith.constant 0 : i32
      %dma_wait3A_22 = tpu.memref_slice %arg8[%mul3A_4, %dma_wait3A_21] : memref<10240x32xf32, #tpu.memory_space<vmem_shared>> -> memref<640x32xf32, #tpu.memory_space<vmem_shared>>
      tpu.wait_dma2 semaphore(%run_scoped3A : memref<!tpu.dma_semaphore, #tpu.memory_space<semaphore_mem>>) src(%arg7 : memref<640x32xf32, #tpu.memory_space<vmem>>) dst(%dma_wait3A_22 : memref<640x32xf32, #tpu.memory_space<vmem_shared>>)
      tpu.yield
    }) : () -> ()
    %barrier3A = arith.constant 0 : index
    tpu.barrier barrier_id(%barrier3A)
    %scan3A_10 = arith.constant 0 : i32
    %scan3A_11 = arith.constant 0 : i32
    %scan3A_12 = arith.constant 10 : i32
    %scan3A_13 = arith.addi %scan3A_11, %scan3A_12 : i32
    %scan3A_14 = arith.constant 1 : i32
    scf.for %scan3A_17 = %scan3A_11 to %scan3A_13 step %scan3A_14  : i32 {
      %mul3A_18 = arith.constant 1000 : i32
      %mul3A_19 = arith.muli %scan3A_17, %mul3A_18 : i32
      %add3A_20 = arith.addi %mul3A_2, %mul3A_19 : i32
      "tpu.region"() ({
        %run_scoped3A = tpu.sem_alloc : memref<!tpu.dma_semaphore, #tpu.memory_space<semaphore_mem>>
        %dma_start3A = tpu.memref_slice %arg3[%add3A_20] : memref<320000xi32, #tpu.memory_space<hbm>> -> memref<1000xi32, #tpu.memory_space<hbm>>
        %dma_start3A_21 = tpu.memref_slice %arg3[%add3A_20] : memref<320000xi32, #tpu.memory_space<hbm>> -> memref<1000xi32, #tpu.memory_space<hbm>>
        tpu.enqueue_dma source(%dma_start3A_21 : memref<1000xi32, #tpu.memory_space<hbm>>) target(%arg5 : memref<1000xi32, #tpu.memory_space<vmem>>) target_semaphore(%run_scoped3A : memref<!tpu.dma_semaphore, #tpu.memory_space<semaphore_mem>>)
        %dma_wait3A = tpu.memref_slice %arg3[%add3A_20] : memref<320000xi32, #tpu.memory_space<hbm>> -> memref<1000xi32, #tpu.memory_space<hbm>>
        %dma_wait3A_22 = tpu.memref_slice %arg3[%add3A_20] : memref<320000xi32, #tpu.memory_space<hbm>> -> memref<1000xi32, #tpu.memory_space<hbm>>
        tpu.wait_dma2 semaphore(%run_scoped3A : memref<!tpu.dma_semaphore, #tpu.memory_space<semaphore_mem>>) src(%dma_wait3A_22 : memref<1000xi32, #tpu.memory_space<hbm>>) dst(%arg5 : memref<1000xi32, #tpu.memory_space<vmem>>)
        tpu.yield
      }) : () -> ()
      "tpu.region"() ({
        %run_scoped3A = tpu.sem_alloc : memref<!tpu.dma_semaphore, #tpu.memory_space<semaphore_mem>>
        %dma_start3A = arith.constant 0 : i32
        %dma_start3A_21 = tpu.memref_slice %arg2[%add3A_20, %dma_start3A] : memref<320000x32xf32, #tpu.memory_space<hbm>> -> memref<1000x32xf32, #tpu.memory_space<hbm>>
        %dma_start3A_22 = arith.constant 0 : i32
        %dma_start3A_23 = tpu.memref_slice %arg2[%add3A_20, %dma_start3A_22] : memref<320000x32xf32, #tpu.memory_space<hbm>> -> memref<1000x32xf32, #tpu.memory_space<hbm>>
        tpu.enqueue_dma source(%dma_start3A_23 : memref<1000x32xf32, #tpu.memory_space<hbm>>) target(%arg6 : memref<1000x32xf32, #tpu.memory_space<vmem>>) target_semaphore(%run_scoped3A : memref<!tpu.dma_semaphore, #tpu.memory_space<semaphore_mem>>)
        %dma_wait3A = arith.constant 0 : i32
        %dma_wait3A_24 = tpu.memref_slice %arg2[%add3A_20, %dma_wait3A] : memref<320000x32xf32, #tpu.memory_space<hbm>> -> memref<1000x32xf32, #tpu.memory_space<hbm>>
        %dma_wait3A_25 = arith.constant 0 : i32
        %dma_wait3A_26 = tpu.memref_slice %arg2[%add3A_20, %dma_wait3A_25] : memref<320000x32xf32, #tpu.memory_space<hbm>> -> memref<1000x32xf32, #tpu.memory_space<hbm>>
        tpu.wait_dma2 semaphore(%run_scoped3A : memref<!tpu.dma_semaphore, #tpu.memory_space<semaphore_mem>>) src(%dma_wait3A_26 : memref<1000x32xf32, #tpu.memory_space<hbm>>) dst(%arg6 : memref<1000x32xf32, #tpu.memory_space<vmem>>)
        tpu.yield
      }) : () -> ()
      "tpu.region"() ({
        %run_scoped3A = tpu.sem_alloc : memref<!tpu.dma_semaphore, #tpu.memory_space<semaphore_mem>>
        %dma_start3A = arith.constant 0 : i32
        %dma_start3A_21 = arith.constant 0 : i32
        %dma_start3A_22 = tpu.memref_slice %arg8[%dma_start3A, %dma_start3A_21] : memref<10240x32xf32, #tpu.memory_space<vmem_shared>> -> memref<10240x32xf32, #tpu.memory_space<vmem_shared>>
        tpu.enqueue_indirect_dma source(%arg6 : memref<1000x32xf32, #tpu.memory_space<vmem>>) target(%dma_start3A_22 : memref<10240x32xf32, #tpu.memory_space<vmem_shared>>) offsets(%arg5 : memref<1000xi32, #tpu.memory_space<vmem>>) semaphore(%run_scoped3A : memref<!tpu.dma_semaphore, #tpu.memory_space<semaphore_mem>>) {add = true}
        %dma_wait3A = arith.constant 0 : i32
        %dma_wait3A_23 = arith.constant 0 : i32
        %dma_wait3A_24 = tpu.memref_slice %arg8[%dma_wait3A, %dma_wait3A_23] : memref<10240x32xf32, #tpu.memory_space<vmem_shared>> -> memref<10240x32xf32, #tpu.memory_space<vmem_shared>>
        tpu.wait_indirect_dma semaphore(%run_scoped3A : memref<!tpu.dma_semaphore, #tpu.memory_space<semaphore_mem>>) src(%arg6 : memref<1000x32xf32, #tpu.memory_space<vmem>>) dst(%dma_wait3A_24 : memref<10240x32xf32, #tpu.memory_space<vmem_shared>>)
        tpu.yield
      }) : () -> ()
    }
    %scan3A_15 = arith.constant 10 : i32
    %barrier3A_16 = arith.constant 0 : index
    tpu.barrier barrier_id(%barrier3A_16)
    "tpu.region"() ({
      %run_scoped3A = tpu.sem_alloc : memref<!tpu.dma_semaphore, #tpu.memory_space<semaphore_mem>>
      %dma_start3A = arith.constant 0 : i32
      %dma_start3A_17 = tpu.memref_slice %arg4[%arg0, %mul3A_4, %dma_start3A] : memref<2x10240x32xf32, #tpu.memory_space<hbm>> -> memref<1x640x32xf32, #tpu.memory_space<hbm>>
      %dma_start3A_18 = tpu.memref_squeeze %dma_start3A_17 : memref<1x640x32xf32, #tpu.memory_space<hbm>> -> memref<640x32xf32, #tpu.memory_space<hbm>>
      %dma_start3A_19 = arith.constant 0 : i32
      %dma_start3A_20 = tpu.memref_slice %arg8[%mul3A_4, %dma_start3A_19] : memref<10240x32xf32, #tpu.memory_space<vmem_shared>> -> memref<640x32xf32, #tpu.memory_space<vmem_shared>>
      tpu.enqueue_dma source(%dma_start3A_20 : memref<640x32xf32, #tpu.memory_space<vmem_shared>>) target(%dma_start3A_18 : memref<640x32xf32, #tpu.memory_space<hbm>>) target_semaphore(%run_scoped3A : memref<!tpu.dma_semaphore, #tpu.memory_space<semaphore_mem>>)
      %dma_wait3A = arith.constant 0 : i32
      %dma_wait3A_21 = tpu.memref_slice %arg4[%arg0, %mul3A_4, %dma_wait3A] : memref<2x10240x32xf32, #tpu.memory_space<hbm>> -> memref<1x640x32xf32, #tpu.memory_space<hbm>>
      %dma_wait3A_22 = tpu.memref_squeeze %dma_wait3A_21 : memref<1x640x32xf32, #tpu.memory_space<hbm>> -> memref<640x32xf32, #tpu.memory_space<hbm>>
      %dma_wait3A_23 = arith.constant 0 : i32
      %dma_wait3A_24 = tpu.memref_slice %arg8[%mul3A_4, %dma_wait3A_23] : memref<10240x32xf32, #tpu.memory_space<vmem_shared>> -> memref<640x32xf32, #tpu.memory_space<vmem_shared>>
      tpu.wait_dma2 semaphore(%run_scoped3A : memref<!tpu.dma_semaphore, #tpu.memory_space<semaphore_mem>>) src(%dma_wait3A_24 : memref<640x32xf32, #tpu.memory_space<vmem_shared>>) dst(%dma_wait3A_22 : memref<640x32xf32, #tpu.memory_space<hbm>>)
      tpu.yield
    }) : () -> ()
    return
  }
}

#map = affine_map<(d0, d1) -> (0, 0)>
#map1 = affine_map<(d0, d1) -> (0)>
module attributes {stable_mosaic.version = 14 : i64} {
  func.func @body(%arg0: i32, %arg1: i32, %arg2: memref<10240x64xf32, #tpu.memory_space<hbm>>, %arg3: memref<10240x64xf32, #tpu.memory_space<hbm>>, %arg4: memref<320000xi32, #tpu.memory_space<hbm>>, %arg5: memref<320000xi32, #tpu.memory_space<hbm>>, %arg6: memref<320000x64xf32, #tpu.memory_space<hbm>>, %arg7: memref<400xi32, #tpu.memory_space<vmem>>, %arg8: memref<400xi32, #tpu.memory_space<vmem>>, %arg9: memref<400x64xf32, #tpu.memory_space<vmem>>, %arg10: memref<400x64xf32, #tpu.memory_space<vmem>>, %arg11: memref<!tpu.dma_semaphore, #tpu.memory_space<semaphore_mem>>, %arg12: memref<!tpu.dma_semaphore, #tpu.memory_space<semaphore_mem>>) attributes {dimension_semantics = [#tpu.dimension_semantics<core_parallel>, #tpu.dimension_semantics<subcore_parallel>], iteration_bounds = array<i64: 2, 16>, scalar_prefetch = 0 : i64, scratch_operands = 6 : i64, tpu.core_type = #tpu.core_type<sc_vector_subcore>, window_params = [{transform_indices = #map}, {transform_indices = #map}, {transform_indices = #map1}, {transform_indices = #map1}, {transform_indices = #map}]} {
    %mul3A = arith.constant 2 : i32
    %mul3A_0 = arith.muli %arg1, %mul3A : i32
    %add3A = arith.addi %mul3A_0, %arg0 : i32
    %mul3A_1 = arith.constant 10000 : i32
    %mul3A_2 = arith.muli %add3A, %mul3A_1 : i32
    %scan3A = arith.constant 0 : i32
    %scan3A_3 = arith.constant 0 : i32
    %scan3A_4 = arith.constant 25 : i32
    %scan3A_5 = arith.addi %scan3A_3, %scan3A_4 : i32
    %scan3A_6 = arith.constant 1 : i32
    scf.for %scan3A_8 = %scan3A_3 to %scan3A_5 step %scan3A_6  : i32 {
      %mul3A_9 = arith.constant 400 : i32
      %mul3A_10 = arith.muli %scan3A_8, %mul3A_9 : i32
      %add3A_11 = arith.addi %mul3A_2, %mul3A_10 : i32
      "tpu.region"() ({
        %run_scoped3A = tpu.sem_alloc : memref<!tpu.dma_semaphore, #tpu.memory_space<semaphore_mem>>
        %dma_start3A_28 = tpu.memref_slice %arg4[%add3A_11] : memref<320000xi32, #tpu.memory_space<hbm>> -> memref<400xi32, #tpu.memory_space<hbm>>
        %dma_start3A_29 = tpu.memref_slice %arg4[%add3A_11] : memref<320000xi32, #tpu.memory_space<hbm>> -> memref<400xi32, #tpu.memory_space<hbm>>
        tpu.enqueue_dma source(%dma_start3A_29 : memref<400xi32, #tpu.memory_space<hbm>>) target(%arg7 : memref<400xi32, #tpu.memory_space<vmem>>) target_semaphore(%run_scoped3A : memref<!tpu.dma_semaphore, #tpu.memory_space<semaphore_mem>>)
        %dma_wait3A_30 = tpu.memref_slice %arg4[%add3A_11] : memref<320000xi32, #tpu.memory_space<hbm>> -> memref<400xi32, #tpu.memory_space<hbm>>
        %dma_wait3A_31 = tpu.memref_slice %arg4[%add3A_11] : memref<320000xi32, #tpu.memory_space<hbm>> -> memref<400xi32, #tpu.memory_space<hbm>>
        tpu.wait_dma2 semaphore(%run_scoped3A : memref<!tpu.dma_semaphore, #tpu.memory_space<semaphore_mem>>) src(%dma_wait3A_31 : memref<400xi32, #tpu.memory_space<hbm>>) dst(%arg7 : memref<400xi32, #tpu.memory_space<vmem>>)
        tpu.yield
      }) : () -> ()
      "tpu.region"() ({
        %run_scoped3A = tpu.sem_alloc : memref<!tpu.dma_semaphore, #tpu.memory_space<semaphore_mem>>
        %dma_start3A_28 = tpu.memref_slice %arg5[%add3A_11] : memref<320000xi32, #tpu.memory_space<hbm>> -> memref<400xi32, #tpu.memory_space<hbm>>
        %dma_start3A_29 = tpu.memref_slice %arg5[%add3A_11] : memref<320000xi32, #tpu.memory_space<hbm>> -> memref<400xi32, #tpu.memory_space<hbm>>
        tpu.enqueue_dma source(%dma_start3A_29 : memref<400xi32, #tpu.memory_space<hbm>>) target(%arg8 : memref<400xi32, #tpu.memory_space<vmem>>) target_semaphore(%run_scoped3A : memref<!tpu.dma_semaphore, #tpu.memory_space<semaphore_mem>>)
        %dma_wait3A_30 = tpu.memref_slice %arg5[%add3A_11] : memref<320000xi32, #tpu.memory_space<hbm>> -> memref<400xi32, #tpu.memory_space<hbm>>
        %dma_wait3A_31 = tpu.memref_slice %arg5[%add3A_11] : memref<320000xi32, #tpu.memory_space<hbm>> -> memref<400xi32, #tpu.memory_space<hbm>>
        tpu.wait_dma2 semaphore(%run_scoped3A : memref<!tpu.dma_semaphore, #tpu.memory_space<semaphore_mem>>) src(%dma_wait3A_31 : memref<400xi32, #tpu.memory_space<hbm>>) dst(%arg8 : memref<400xi32, #tpu.memory_space<vmem>>)
        tpu.yield
      }) : () -> ()
      %dma_start3A = arith.constant 0 : i32
      %dma_start3A_12 = arith.constant 0 : i32
      %dma_start3A_13 = tpu.memref_slice %arg2[%dma_start3A, %dma_start3A_12] : memref<10240x64xf32, #tpu.memory_space<hbm>> -> memref<10240x64xf32, #tpu.memory_space<hbm>>
      tpu.enqueue_indirect_dma source(%dma_start3A_13 : memref<10240x64xf32, #tpu.memory_space<hbm>>) target(%arg9 : memref<400x64xf32, #tpu.memory_space<vmem>>) offsets(%arg7 : memref<400xi32, #tpu.memory_space<vmem>>) semaphore(%arg11 : memref<!tpu.dma_semaphore, #tpu.memory_space<semaphore_mem>>)
      %dma_start3A_14 = arith.constant 0 : i32
      %dma_start3A_15 = arith.constant 0 : i32
      %dma_start3A_16 = tpu.memref_slice %arg3[%dma_start3A_14, %dma_start3A_15] : memref<10240x64xf32, #tpu.memory_space<hbm>> -> memref<10240x64xf32, #tpu.memory_space<hbm>>
      tpu.enqueue_indirect_dma source(%dma_start3A_16 : memref<10240x64xf32, #tpu.memory_space<hbm>>) target(%arg10 : memref<400x64xf32, #tpu.memory_space<vmem>>) offsets(%arg8 : memref<400xi32, #tpu.memory_space<vmem>>) semaphore(%arg12 : memref<!tpu.dma_semaphore, #tpu.memory_space<semaphore_mem>>)
      %dma_wait3A = arith.constant 0 : i32
      %dma_wait3A_17 = arith.constant 0 : i32
      %dma_wait3A_18 = tpu.memref_slice %arg2[%dma_wait3A, %dma_wait3A_17] : memref<10240x64xf32, #tpu.memory_space<hbm>> -> memref<10240x64xf32, #tpu.memory_space<hbm>>
      tpu.wait_indirect_dma semaphore(%arg11 : memref<!tpu.dma_semaphore, #tpu.memory_space<semaphore_mem>>) src(%dma_wait3A_18 : memref<10240x64xf32, #tpu.memory_space<hbm>>) dst(%arg9 : memref<400x64xf32, #tpu.memory_space<vmem>>)
      %dma_wait3A_19 = arith.constant 0 : i32
      %dma_wait3A_20 = arith.constant 0 : i32
      %dma_wait3A_21 = tpu.memref_slice %arg3[%dma_wait3A_19, %dma_wait3A_20] : memref<10240x64xf32, #tpu.memory_space<hbm>> -> memref<10240x64xf32, #tpu.memory_space<hbm>>
      tpu.wait_indirect_dma semaphore(%arg12 : memref<!tpu.dma_semaphore, #tpu.memory_space<semaphore_mem>>) src(%dma_wait3A_21 : memref<10240x64xf32, #tpu.memory_space<hbm>>) dst(%arg10 : memref<400x64xf32, #tpu.memory_space<vmem>>)
      %scan3A_22 = arith.constant 0 : i32
      %scan3A_23 = arith.constant 0 : i32
      %scan3A_24 = arith.constant 400 : i32
      %scan3A_25 = arith.addi %scan3A_23, %scan3A_24 : i32
      %scan3A_26 = arith.constant 1 : i32
      scf.for %scan3A_28 = %scan3A_23 to %scan3A_25 step %scan3A_26  : i32 {
        %get3A = arith.index_cast %scan3A_28 : i32 to index
        %get3A_29 = arith.constant 0 : index
        %get3A_30 = tpu.vector_load %arg9[%get3A, %get3A_29] {strides = array<i32>} : memref<400x64xf32, #tpu.memory_space<vmem>>, vector<16xf32>,
        %get3A_31 = arith.index_cast %scan3A_28 : i32 to index
        %get3A_32 = arith.constant 0 : index
        %get3A_33 = tpu.vector_load %arg10[%get3A_31, %get3A_32] {strides = array<i32>} : memref<400x64xf32, #tpu.memory_space<vmem>>, vector<16xf32>,
        %add3A_34 = arith.addf %get3A_30, %get3A_33 : vector<16xf32>
        %swap3A = arith.index_cast %scan3A_28 : i32 to index
        %swap3A_35 = arith.constant 0 : index
        %swap3A_36 = tpu.vector_load %arg9[%swap3A, %swap3A_35] {strides = array<i32>} : memref<400x64xf32, #tpu.memory_space<vmem>>, vector<16xf32>,
        tpu.vector_store %arg9[%swap3A, %swap3A_35], %add3A_34 {strides = array<i32>} : memref<400x64xf32, #tpu.memory_space<vmem>>, vector<16xf32>,
        %get3A_37 = arith.index_cast %scan3A_28 : i32 to index
        %get3A_38 = arith.constant 16 : index
        %get3A_39 = tpu.vector_load %arg9[%get3A_37, %get3A_38] {strides = array<i32>} : memref<400x64xf32, #tpu.memory_space<vmem>>, vector<16xf32>,
        %get3A_40 = arith.index_cast %scan3A_28 : i32 to index
        %get3A_41 = arith.constant 16 : index
        %get3A_42 = tpu.vector_load %arg10[%get3A_40, %get3A_41] {strides = array<i32>} : memref<400x64xf32, #tpu.memory_space<vmem>>, vector<16xf32>,
        %add3A_43 = arith.addf %get3A_39, %get3A_42 : vector<16xf32>
        %swap3A_44 = arith.index_cast %scan3A_28 : i32 to index
        %swap3A_45 = arith.constant 16 : index
        %swap3A_46 = tpu.vector_load %arg9[%swap3A_44, %swap3A_45] {strides = array<i32>} : memref<400x64xf32, #tpu.memory_space<vmem>>, vector<16xf32>,
        tpu.vector_store %arg9[%swap3A_44, %swap3A_45], %add3A_43 {strides = array<i32>} : memref<400x64xf32, #tpu.memory_space<vmem>>, vector<16xf32>,
        %get3A_47 = arith.index_cast %scan3A_28 : i32 to index
        %get3A_48 = arith.constant 32 : index
        %get3A_49 = tpu.vector_load %arg9[%get3A_47, %get3A_48] {strides = array<i32>} : memref<400x64xf32, #tpu.memory_space<vmem>>, vector<16xf32>,
        %get3A_50 = arith.index_cast %scan3A_28 : i32 to index
        %get3A_51 = arith.constant 32 : index
        %get3A_52 = tpu.vector_load %arg10[%get3A_50, %get3A_51] {strides = array<i32>} : memref<400x64xf32, #tpu.memory_space<vmem>>, vector<16xf32>,
        %add3A_53 = arith.addf %get3A_49, %get3A_52 : vector<16xf32>
        %swap3A_54 = arith.index_cast %scan3A_28 : i32 to index
        %swap3A_55 = arith.constant 32 : index
        %swap3A_56 = tpu.vector_load %arg9[%swap3A_54, %swap3A_55] {strides = array<i32>} : memref<400x64xf32, #tpu.memory_space<vmem>>, vector<16xf32>,
        tpu.vector_store %arg9[%swap3A_54, %swap3A_55], %add3A_53 {strides = array<i32>} : memref<400x64xf32, #tpu.memory_space<vmem>>, vector<16xf32>,
        %get3A_57 = arith.index_cast %scan3A_28 : i32 to index
        %get3A_58 = arith.constant 48 : index
        %get3A_59 = tpu.vector_load %arg9[%get3A_57, %get3A_58] {strides = array<i32>} : memref<400x64xf32, #tpu.memory_space<vmem>>, vector<16xf32>,
        %get3A_60 = arith.index_cast %scan3A_28 : i32 to index
        %get3A_61 = arith.constant 48 : index
        %get3A_62 = tpu.vector_load %arg10[%get3A_60, %get3A_61] {strides = array<i32>} : memref<400x64xf32, #tpu.memory_space<vmem>>, vector<16xf32>,
        %add3A_63 = arith.addf %get3A_59, %get3A_62 : vector<16xf32>
        %swap3A_64 = arith.index_cast %scan3A_28 : i32 to index
        %swap3A_65 = arith.constant 48 : index
        %swap3A_66 = tpu.vector_load %arg9[%swap3A_64, %swap3A_65] {strides = array<i32>} : memref<400x64xf32, #tpu.memory_space<vmem>>, vector<16xf32>,
        tpu.vector_store %arg9[%swap3A_64, %swap3A_65], %add3A_63 {strides = array<i32>} : memref<400x64xf32, #tpu.memory_space<vmem>>, vector<16xf32>,
      }
      %scan3A_27 = arith.constant 400 : i32
      "tpu.region"() ({
        %run_scoped3A = tpu.sem_alloc : memref<!tpu.dma_semaphore, #tpu.memory_space<semaphore_mem>>
        %dma_start3A_28 = arith.constant 0 : i32
        %dma_start3A_29 = tpu.memref_slice %arg6[%add3A_11, %dma_start3A_28] : memref<320000x64xf32, #tpu.memory_space<hbm>> -> memref<400x64xf32, #tpu.memory_space<hbm>>
        %dma_start3A_30 = arith.constant 0 : i32
        %dma_start3A_31 = tpu.memref_slice %arg6[%add3A_11, %dma_start3A_30] : memref<320000x64xf32, #tpu.memory_space<hbm>> -> memref<400x64xf32, #tpu.memory_space<hbm>>
        tpu.enqueue_dma source(%arg9 : memref<400x64xf32, #tpu.memory_space<vmem>>) target(%dma_start3A_31 : memref<400x64xf32, #tpu.memory_space<hbm>>) target_semaphore(%run_scoped3A : memref<!tpu.dma_semaphore, #tpu.memory_space<semaphore_mem>>)
        %dma_wait3A_32 = arith.constant 0 : i32
        %dma_wait3A_33 = tpu.memref_slice %arg6[%add3A_11, %dma_wait3A_32] : memref<320000x64xf32, #tpu.memory_space<hbm>> -> memref<400x64xf32, #tpu.memory_space<hbm>>
        %dma_wait3A_34 = arith.constant 0 : i32
        %dma_wait3A_35 = tpu.memref_slice %arg6[%add3A_11, %dma_wait3A_34] : memref<320000x64xf32, #tpu.memory_space<hbm>> -> memref<400x64xf32, #tpu.memory_space<hbm>>
        tpu.wait_dma2 semaphore(%run_scoped3A : memref<!tpu.dma_semaphore, #tpu.memory_space<semaphore_mem>>) src(%arg9 : memref<400x64xf32, #tpu.memory_space<vmem>>) dst(%dma_wait3A_35 : memref<400x64xf32, #tpu.memory_space<hbm>>)
        tpu.yield
      }) : () -> ()
    }
    %scan3A_7 = arith.constant 25 : i32
    return
  }
}

#map = affine_map<(d0, d1) -> (0)>
#map1 = affine_map<(d0, d1) -> (0, 0)>
module attributes {stable_mosaic.version = 14 : i64} {
  func.func @body(%arg0: i32, %arg1: i32, %arg2: memref<320000xf32, #tpu.memory_space<hbm>>, %arg3: memref<320000xi32, #tpu.memory_space<hbm>>, %arg4: memref<2x10240xf32, #tpu.memory_space<hbm>>, %arg5: memref<400xi32, #tpu.memory_space<vmem>>, %arg6: memref<400xf32, #tpu.memory_space<vmem>>, %arg7: memref<10240xf32, #tpu.memory_space<vmem>>, %arg8: memref<640xf32, #tpu.memory_space<vmem>>, %arg9: memref<640xf32, #tpu.memory_space<vmem>>, %arg10: memref<16x10240xf32, #tpu.memory_space<vmem_shared>>) attributes {dimension_semantics = [#tpu.dimension_semantics<core_parallel>, #tpu.dimension_semantics<subcore_parallel>], iteration_bounds = array<i64: 2, 16>, scalar_prefetch = 0 : i64, scratch_operands = 6 : i64, tpu.core_type = #tpu.core_type<sc_vector_subcore>, window_params = [{transform_indices = #map}, {transform_indices = #map}, {transform_indices = #map1}]} {
    %mul3A = arith.constant 2 : i32
    %mul3A_0 = arith.muli %arg1, %mul3A : i32
    %add3A = arith.addi %mul3A_0, %arg0 : i32
    %mul3A_1 = arith.constant 10000 : i32
    %mul3A_2 = arith.muli %add3A, %mul3A_1 : i32
    %scan3A = arith.constant 0 : i32
    %scan3A_3 = arith.constant 0 : i32
    %scan3A_4 = arith.constant 640 : i32
    %scan3A_5 = arith.addi %scan3A_3, %scan3A_4 : i32
    %scan3A_6 = arith.constant 1 : i32
    scf.for %scan3A_121 = %scan3A_3 to %scan3A_5 step %scan3A_6  : i32 {
      %broadcast_in_dim3A = arith.constant -1.000000e+30 : f32
      %broadcast_in_dim3A_122 = vector.broadcast %broadcast_in_dim3A : f32 to vector<16xf32>
      %mul3A_123 = arith.constant 16 : i32
      %mul3A_124 = arith.muli %scan3A_121, %mul3A_123 : i32
      %swap3A = arith.index_cast %mul3A_124 : i32 to index
      %swap3A_125 = tpu.vector_load %arg7[%swap3A] {strides = array<i32>} : memref<10240xf32, #tpu.memory_space<vmem>>, vector<16xf32>,
      tpu.vector_store %arg7[%swap3A], %broadcast_in_dim3A_122 {strides = array<i32>} : memref<10240xf32, #tpu.memory_space<vmem>>, vector<16xf32>,
    }
    %scan3A_7 = arith.constant 640 : i32
    %scan3A_8 = arith.constant 0 : i32
    %scan3A_9 = arith.constant 0 : i32
    %scan3A_10 = arith.constant 25 : i32
    %scan3A_11 = arith.addi %scan3A_9, %scan3A_10 : i32
    %scan3A_12 = arith.constant 1 : i32
    scf.for %scan3A_121 = %scan3A_9 to %scan3A_11 step %scan3A_12  : i32 {
      %mul3A_122 = arith.constant 400 : i32
      %mul3A_123 = arith.muli %scan3A_121, %mul3A_122 : i32
      %add3A_124 = arith.addi %mul3A_2, %mul3A_123 : i32
      "tpu.region"() ({
        %run_scoped3A_131 = tpu.sem_alloc : memref<!tpu.dma_semaphore, #tpu.memory_space<semaphore_mem>>
        %dma_start3A = tpu.memref_slice %arg3[%add3A_124] : memref<320000xi32, #tpu.memory_space<hbm>> -> memref<400xi32, #tpu.memory_space<hbm>>
        %dma_start3A_132 = tpu.memref_slice %arg3[%add3A_124] : memref<320000xi32, #tpu.memory_space<hbm>> -> memref<400xi32, #tpu.memory_space<hbm>>
        tpu.enqueue_dma source(%dma_start3A_132 : memref<400xi32, #tpu.memory_space<hbm>>) target(%arg5 : memref<400xi32, #tpu.memory_space<vmem>>) target_semaphore(%run_scoped3A_131 : memref<!tpu.dma_semaphore, #tpu.memory_space<semaphore_mem>>)
        %dma_wait3A = tpu.memref_slice %arg3[%add3A_124] : memref<320000xi32, #tpu.memory_space<hbm>> -> memref<400xi32, #tpu.memory_space<hbm>>
        %dma_wait3A_133 = tpu.memref_slice %arg3[%add3A_124] : memref<320000xi32, #tpu.memory_space<hbm>> -> memref<400xi32, #tpu.memory_space<hbm>>
        tpu.wait_dma2 semaphore(%run_scoped3A_131 : memref<!tpu.dma_semaphore, #tpu.memory_space<semaphore_mem>>) src(%dma_wait3A_133 : memref<400xi32, #tpu.memory_space<hbm>>) dst(%arg5 : memref<400xi32, #tpu.memory_space<vmem>>)
        tpu.yield
      }) : () -> ()
      "tpu.region"() ({
        %run_scoped3A_131 = tpu.sem_alloc : memref<!tpu.dma_semaphore, #tpu.memory_space<semaphore_mem>>
        %dma_start3A = tpu.memref_slice %arg2[%add3A_124] : memref<320000xf32, #tpu.memory_space<hbm>> -> memref<400xf32, #tpu.memory_space<hbm>>
        %dma_start3A_132 = tpu.memref_slice %arg2[%add3A_124] : memref<320000xf32, #tpu.memory_space<hbm>> -> memref<400xf32, #tpu.memory_space<hbm>>
        tpu.enqueue_dma source(%dma_start3A_132 : memref<400xf32, #tpu.memory_space<hbm>>) target(%arg6 : memref<400xf32, #tpu.memory_space<vmem>>) target_semaphore(%run_scoped3A_131 : memref<!tpu.dma_semaphore, #tpu.memory_space<semaphore_mem>>)
        %dma_wait3A = tpu.memref_slice %arg2[%add3A_124] : memref<320000xf32, #tpu.memory_space<hbm>> -> memref<400xf32, #tpu.memory_space<hbm>>
        %dma_wait3A_133 = tpu.memref_slice %arg2[%add3A_124] : memref<320000xf32, #tpu.memory_space<hbm>> -> memref<400xf32, #tpu.memory_space<hbm>>
        tpu.wait_dma2 semaphore(%run_scoped3A_131 : memref<!tpu.dma_semaphore, #tpu.memory_space<semaphore_mem>>) src(%dma_wait3A_133 : memref<400xf32, #tpu.memory_space<hbm>>) dst(%arg6 : memref<400xf32, #tpu.memory_space<vmem>>)
        tpu.yield
      }) : () -> ()
      %scan3A_125 = arith.constant 0 : i32
      %scan3A_126 = arith.constant 0 : i32
      %scan3A_127 = arith.constant 25 : i32
      %scan3A_128 = arith.addi %scan3A_126, %scan3A_127 : i32
      %scan3A_129 = arith.constant 1 : i32
      scf.for %scan3A_131 = %scan3A_126 to %scan3A_128 step %scan3A_129  : i32 {
        %mul3A_132 = arith.constant 16 : i32
        %mul3A_133 = arith.muli %scan3A_131, %mul3A_132 : i32
        %get3A = arith.index_cast %mul3A_133 : i32 to index
        %get3A_134 = tpu.vector_load %arg5[%get3A] {strides = array<i32>} : memref<400xi32, #tpu.memory_space<vmem>>, vector<16xi32>,
        %get3A_135 = arith.index_cast %mul3A_133 : i32 to index
        %get3A_136 = tpu.vector_load %arg6[%get3A_135] {strides = array<i32>} : memref<400xf32, #tpu.memory_space<vmem>>, vector<16xf32>,
        %scan3A_137 = arith.constant 0 : i32
        %scan3A_138 = arith.constant 0 : i32
        %scan3A_139 = arith.constant 8 : i32
        %scan3A_140 = arith.addi %scan3A_138, %scan3A_139 : i32
        %scan3A_141 = arith.constant 1 : i32
        scf.for %scan3A_143 = %scan3A_138 to %scan3A_140 step %scan3A_141  : i32 {
          %gather3A = tpu.vector_load_idx %arg7[%get3A_134] : memref<10240xf32, #tpu.memory_space<vmem>>[vector<16xi32>], vector<16xf32>,
          %max3A = arith.maximumf %gather3A, %get3A_136 : vector<16xf32>
          tpu.vector_store_idx %arg7[%get3A_134], %max3A : memref<10240xf32, #tpu.memory_space<vmem>>[vector<16xi32>], vector<16xf32>,
        }
        %scan3A_142 = arith.constant 8 : i32
      }
      %scan3A_130 = arith.constant 25 : i32
    }
    %scan3A_13 = arith.constant 25 : i32
    "tpu.region"() ({
      %run_scoped3A_121 = tpu.sem_alloc : memref<!tpu.dma_semaphore, #tpu.memory_space<semaphore_mem>>
      %dma_start3A = arith.constant 0 : i32
      %dma_start3A_122 = tpu.memref_slice %arg10[%arg1, %dma_start3A] : memref<16x10240xf32, #tpu.memory_space<vmem_shared>> -> memref<1x10240xf32, #tpu.memory_space<vmem_shared>>
      %dma_start3A_123 = tpu.memref_squeeze %dma_start3A_122 : memref<1x10240xf32, #tpu.memory_space<vmem_shared>> -> memref<10240xf32, #tpu.memory_space<vmem_shared>>
      %dma_start3A_124 = arith.constant 0 : i32
      %dma_start3A_125 = tpu.memref_slice %arg10[%arg1, %dma_start3A_124] : memref<16x10240xf32, #tpu.memory_space<vmem_shared>> -> memref<1x10240xf32, #tpu.memory_space<vmem_shared>>
      %dma_start3A_126 = tpu.memref_squeeze %dma_start3A_125 : memref<1x10240xf32, #tpu.memory_space<vmem_shared>> -> memref<10240xf32, #tpu.memory_space<vmem_shared>>
      tpu.enqueue_dma source(%arg7 : memref<10240xf32, #tpu.memory_space<vmem>>) target(%dma_start3A_126 : memref<10240xf32, #tpu.memory_space<vmem_shared>>) target_semaphore(%run_scoped3A_121 : memref<!tpu.dma_semaphore, #tpu.memory_space<semaphore_mem>>)
      %dma_wait3A = arith.constant 0 : i32
      %dma_wait3A_127 = tpu.memref_slice %arg10[%arg1, %dma_wait3A] : memref<16x10240xf32, #tpu.memory_space<vmem_shared>> -> memref<1x10240xf32, #tpu.memory_space<vmem_shared>>
      %dma_wait3A_128 = tpu.memref_squeeze %dma_wait3A_127 : memref<1x10240xf32, #tpu.memory_space<vmem_shared>> -> memref<10240xf32, #tpu.memory_space<vmem_shared>>
      %dma_wait3A_129 = arith.constant 0 : i32
      %dma_wait3A_130 = tpu.memref_slice %arg10[%arg1, %dma_wait3A_129] : memref<16x10240xf32, #tpu.memory_space<vmem_shared>> -> memref<1x10240xf32, #tpu.memory_space<vmem_shared>>
      %dma_wait3A_131 = tpu.memref_squeeze %dma_wait3A_130 : memref<1x10240xf32, #tpu.memory_space<vmem_shared>> -> memref<10240xf32, #tpu.memory_space<vmem_shared>>
      tpu.wait_dma2 semaphore(%run_scoped3A_121 : memref<!tpu.dma_semaphore, #tpu.memory_space<semaphore_mem>>) src(%arg7 : memref<10240xf32, #tpu.memory_space<vmem>>) dst(%dma_wait3A_131 : memref<10240xf32, #tpu.memory_space<vmem_shared>>)
      tpu.yield
    }) : () -> ()
    %barrier3A = arith.constant 0 : index
    tpu.barrier barrier_id(%barrier3A)
    %mul3A_14 = arith.constant 640 : i32
    %mul3A_15 = arith.muli %arg1, %mul3A_14 : i32
    %run_scoped3A = arith.constant 0 : i32
    "tpu.region"() ({
      %run_scoped3A_121 = tpu.sem_alloc : memref<!tpu.dma_semaphore, #tpu.memory_space<semaphore_mem>>
      %dma_start3A = tpu.memref_slice %arg10[%run_scoped3A, %mul3A_15] : memref<16x10240xf32, #tpu.memory_space<vmem_shared>> -> memref<1x640xf32, #tpu.memory_space<vmem_shared>>
      %dma_start3A_122 = tpu.memref_squeeze %dma_start3A : memref<1x640xf32, #tpu.memory_space<vmem_shared>> -> memref<640xf32, #tpu.memory_space<vmem_shared>>
      %dma_start3A_123 = tpu.memref_slice %arg10[%run_scoped3A, %mul3A_15] : memref<16x10240xf32, #tpu.memory_space<vmem_shared>> -> memref<1x640xf32, #tpu.memory_space<vmem_shared>>
      %dma_start3A_124 = tpu.memref_squeeze %dma_start3A_123 : memref<1x640xf32, #tpu.memory_space<vmem_shared>> -> memref<640xf32, #tpu.memory_space<vmem_shared>>
      tpu.enqueue_dma source(%dma_start3A_124 : memref<640xf32, #tpu.memory_space<vmem_shared>>) target(%arg8 : memref<640xf32, #tpu.memory_space<vmem>>) target_semaphore(%run_scoped3A_121 : memref<!tpu.dma_semaphore, #tpu.memory_space<semaphore_mem>>)
      %dma_wait3A = tpu.memref_slice %arg10[%run_scoped3A, %mul3A_15] : memref<16x10240xf32, #tpu.memory_space<vmem_shared>> -> memref<1x640xf32, #tpu.memory_space<vmem_shared>>
      %dma_wait3A_125 = tpu.memref_squeeze %dma_wait3A : memref<1x640xf32, #tpu.memory_space<vmem_shared>> -> memref<640xf32, #tpu.memory_space<vmem_shared>>
      %dma_wait3A_126 = tpu.memref_slice %arg10[%run_scoped3A, %mul3A_15] : memref<16x10240xf32, #tpu.memory_space<vmem_shared>> -> memref<1x640xf32, #tpu.memory_space<vmem_shared>>
      %dma_wait3A_127 = tpu.memref_squeeze %dma_wait3A_126 : memref<1x640xf32, #tpu.memory_space<vmem_shared>> -> memref<640xf32, #tpu.memory_space<vmem_shared>>
      tpu.wait_dma2 semaphore(%run_scoped3A_121 : memref<!tpu.dma_semaphore, #tpu.memory_space<semaphore_mem>>) src(%dma_wait3A_127 : memref<640xf32, #tpu.memory_space<vmem_shared>>) dst(%arg8 : memref<640xf32, #tpu.memory_space<vmem>>)
      tpu.yield
    }) : () -> ()
    %run_scoped3A_16 = arith.constant 1 : i32
    "tpu.region"() ({
      %run_scoped3A_121 = tpu.sem_alloc : memref<!tpu.dma_semaphore, #tpu.memory_space<semaphore_mem>>
      %dma_start3A = tpu.memref_slice %arg10[%run_scoped3A_16, %mul3A_15] : memref<16x10240xf32, #tpu.memory_space<vmem_shared>> -> memref<1x640xf32, #tpu.memory_space<vmem_shared>>
      %dma_start3A_122 = tpu.memref_squeeze %dma_start3A : memref<1x640xf32, #tpu.memory_space<vmem_shared>> -> memref<640xf32, #tpu.memory_space<vmem_shared>>
      %dma_start3A_123 = tpu.memref_slice %arg10[%run_scoped3A_16, %mul3A_15] : memref<16x10240xf32, #tpu.memory_space<vmem_shared>> -> memref<1x640xf32, #tpu.memory_space<vmem_shared>>
      %dma_start3A_124 = tpu.memref_squeeze %dma_start3A_123 : memref<1x640xf32, #tpu.memory_space<vmem_shared>> -> memref<640xf32, #tpu.memory_space<vmem_shared>>
      tpu.enqueue_dma source(%dma_start3A_124 : memref<640xf32, #tpu.memory_space<vmem_shared>>) target(%arg9 : memref<640xf32, #tpu.memory_space<vmem>>) target_semaphore(%run_scoped3A_121 : memref<!tpu.dma_semaphore, #tpu.memory_space<semaphore_mem>>)
      %dma_wait3A = tpu.memref_slice %arg10[%run_scoped3A_16, %mul3A_15] : memref<16x10240xf32, #tpu.memory_space<vmem_shared>> -> memref<1x640xf32, #tpu.memory_space<vmem_shared>>
      %dma_wait3A_125 = tpu.memref_squeeze %dma_wait3A : memref<1x640xf32, #tpu.memory_space<vmem_shared>> -> memref<640xf32, #tpu.memory_space<vmem_shared>>
      %dma_wait3A_126 = tpu.memref_slice %arg10[%run_scoped3A_16, %mul3A_15] : memref<16x10240xf32, #tpu.memory_space<vmem_shared>> -> memref<1x640xf32, #tpu.memory_space<vmem_shared>>
      %dma_wait3A_127 = tpu.memref_squeeze %dma_wait3A_126 : memref<1x640xf32, #tpu.memory_space<vmem_shared>> -> memref<640xf32, #tpu.memory_space<vmem_shared>>
      tpu.wait_dma2 semaphore(%run_scoped3A_121 : memref<!tpu.dma_semaphore, #tpu.memory_space<semaphore_mem>>) src(%dma_wait3A_127 : memref<640xf32, #tpu.memory_space<vmem_shared>>) dst(%arg9 : memref<640xf32, #tpu.memory_space<vmem>>)
      tpu.yield
    }) : () -> ()
    %scan3A_17 = arith.constant 0 : i32
    %scan3A_18 = arith.constant 0 : i32
    %scan3A_19 = arith.constant 40 : i32
    %scan3A_20 = arith.addi %scan3A_18, %scan3A_19 : i32
    %scan3A_21 = arith.constant 1 : i32
    scf.for %scan3A_121 = %scan3A_18 to %scan3A_20 step %scan3A_21  : i32 {
      %mul3A_122 = arith.constant 16 : i32
      %mul3A_123 = arith.muli %scan3A_121, %mul3A_122 : i32
      %get3A = arith.index_cast %mul3A_123 : i32 to index
      %get3A_124 = tpu.vector_load %arg8[%get3A] {strides = array<i32>} : memref<640xf32, #tpu.memory_space<vmem>>, vector<16xf32>,
      %get3A_125 = arith.index_cast %mul3A_123 : i32 to index
      %get3A_126 = tpu.vector_load %arg9[%get3A_125] {strides = array<i32>} : memref<640xf32, #tpu.memory_space<vmem>>, vector<16xf32>,
      %max3A = arith.maximumf %get3A_124, %get3A_126 : vector<16xf32>
      %swap3A = arith.index_cast %mul3A_123 : i32 to index
      %swap3A_127 = tpu.vector_load %arg8[%swap3A] {strides = array<i32>} : memref<640xf32, #tpu.memory_space<vmem>>, vector<16xf32>,
      tpu.vector_store %arg8[%swap3A], %max3A {strides = array<i32>} : memref<640xf32, #tpu.memory_space<vmem>>, vector<16xf32>,
    }
    %scan3A_22 = arith.constant 40 : i32
    %run_scoped3A_23 = arith.constant 2 : i32
    "tpu.region"() ({
      %run_scoped3A_121 = tpu.sem_alloc : memref<!tpu.dma_semaphore, #tpu.memory_space<semaphore_mem>>
      %dma_start3A = tpu.memref_slice %arg10[%run_scoped3A_23, %mul3A_15] : memref<16x10240xf32, #tpu.memory_space<vmem_shared>> -> memref<1x640xf32, #tpu.memory_space<vmem_shared>>
      %dma_start3A_122 = tpu.memref_squeeze %dma_start3A : memref<1x640xf32, #tpu.memory_space<vmem_shared>> -> memref<640xf32, #tpu.memory_space<vmem_shared>>
      %dma_start3A_123 = tpu.memref_slice %arg10[%run_scoped3A_23, %mul3A_15] : memref<16x10240xf32, #tpu.memory_space<vmem_shared>> -> memref<1x640xf32, #tpu.memory_space<vmem_shared>>
      %dma_start3A_124 = tpu.memref_squeeze %dma_start3A_123 : memref<1x640xf32, #tpu.memory_space<vmem_shared>> -> memref<640xf32, #tpu.memory_space<vmem_shared>>
      tpu.enqueue_dma source(%dma_start3A_124 : memref<640xf32, #tpu.memory_space<vmem_shared>>) target(%arg9 : memref<640xf32, #tpu.memory_space<vmem>>) target_semaphore(%run_scoped3A_121 : memref<!tpu.dma_semaphore, #tpu.memory_space<semaphore_mem>>)
      %dma_wait3A = tpu.memref_slice %arg10[%run_scoped3A_23, %mul3A_15] : memref<16x10240xf32, #tpu.memory_space<vmem_shared>> -> memref<1x640xf32, #tpu.memory_space<vmem_shared>>
      %dma_wait3A_125 = tpu.memref_squeeze %dma_wait3A : memref<1x640xf32, #tpu.memory_space<vmem_shared>> -> memref<640xf32, #tpu.memory_space<vmem_shared>>
      %dma_wait3A_126 = tpu.memref_slice %arg10[%run_scoped3A_23, %mul3A_15] : memref<16x10240xf32, #tpu.memory_space<vmem_shared>> -> memref<1x640xf32, #tpu.memory_space<vmem_shared>>
      %dma_wait3A_127 = tpu.memref_squeeze %dma_wait3A_126 : memref<1x640xf32, #tpu.memory_space<vmem_shared>> -> memref<640xf32, #tpu.memory_space<vmem_shared>>
      tpu.wait_dma2 semaphore(%run_scoped3A_121 : memref<!tpu.dma_semaphore, #tpu.memory_space<semaphore_mem>>) src(%dma_wait3A_127 : memref<640xf32, #tpu.memory_space<vmem_shared>>) dst(%arg9 : memref<640xf32, #tpu.memory_space<vmem>>)
      tpu.yield
    }) : () -> ()
    %scan3A_24 = arith.constant 0 : i32
    %scan3A_25 = arith.constant 0 : i32
    %scan3A_26 = arith.constant 40 : i32
    %scan3A_27 = arith.addi %scan3A_25, %scan3A_26 : i32
    %scan3A_28 = arith.constant 1 : i32
    scf.for %scan3A_121 = %scan3A_25 to %scan3A_27 step %scan3A_28  : i32 {
      %mul3A_122 = arith.constant 16 : i32
      %mul3A_123 = arith.muli %scan3A_121, %mul3A_122 : i32
      %get3A = arith.index_cast %mul3A_123 : i32 to index
      %get3A_124 = tpu.vector_load %arg8[%get3A] {strides = array<i32>} : memref<640xf32, #tpu.memory_space<vmem>>, vector<16xf32>,
      %get3A_125 = arith.index_cast %mul3A_123 : i32 to index
      %get3A_126 = tpu.vector_load %arg9[%get3A_125] {strides = array<i32>} : memref<640xf32, #tpu.memory_space<vmem>>, vector<16xf32>,
      %max3A = arith.maximumf %get3A_124, %get3A_126 : vector<16xf32>
      %swap3A = arith.index_cast %mul3A_123 : i32 to index
      %swap3A_127 = tpu.vector_load %arg8[%swap3A] {strides = array<i32>} : memref<640xf32, #tpu.memory_space<vmem>>, vector<16xf32>,
      tpu.vector_store %arg8[%swap3A], %max3A {strides = array<i32>} : memref<640xf32, #tpu.memory_space<vmem>>, vector<16xf32>,
    }
    %scan3A_29 = arith.constant 40 : i32
    %run_scoped3A_30 = arith.constant 3 : i32
    "tpu.region"() ({
      %run_scoped3A_121 = tpu.sem_alloc : memref<!tpu.dma_semaphore, #tpu.memory_space<semaphore_mem>>
      %dma_start3A = tpu.memref_slice %arg10[%run_scoped3A_30, %mul3A_15] : memref<16x10240xf32, #tpu.memory_space<vmem_shared>> -> memref<1x640xf32, #tpu.memory_space<vmem_shared>>
      %dma_start3A_122 = tpu.memref_squeeze %dma_start3A : memref<1x640xf32, #tpu.memory_space<vmem_shared>> -> memref<640xf32, #tpu.memory_space<vmem_shared>>
      %dma_start3A_123 = tpu.memref_slice %arg10[%run_scoped3A_30, %mul3A_15] : memref<16x10240xf32, #tpu.memory_space<vmem_shared>> -> memref<1x640xf32, #tpu.memory_space<vmem_shared>>
      %dma_start3A_124 = tpu.memref_squeeze %dma_start3A_123 : memref<1x640xf32, #tpu.memory_space<vmem_shared>> -> memref<640xf32, #tpu.memory_space<vmem_shared>>
      tpu.enqueue_dma source(%dma_start3A_124 : memref<640xf32, #tpu.memory_space<vmem_shared>>) target(%arg9 : memref<640xf32, #tpu.memory_space<vmem>>) target_semaphore(%run_scoped3A_121 : memref<!tpu.dma_semaphore, #tpu.memory_space<semaphore_mem>>)
      %dma_wait3A = tpu.memref_slice %arg10[%run_scoped3A_30, %mul3A_15] : memref<16x10240xf32, #tpu.memory_space<vmem_shared>> -> memref<1x640xf32, #tpu.memory_space<vmem_shared>>
      %dma_wait3A_125 = tpu.memref_squeeze %dma_wait3A : memref<1x640xf32, #tpu.memory_space<vmem_shared>> -> memref<640xf32, #tpu.memory_space<vmem_shared>>
      %dma_wait3A_126 = tpu.memref_slice %arg10[%run_scoped3A_30, %mul3A_15] : memref<16x10240xf32, #tpu.memory_space<vmem_shared>> -> memref<1x640xf32, #tpu.memory_space<vmem_shared>>
      %dma_wait3A_127 = tpu.memref_squeeze %dma_wait3A_126 : memref<1x640xf32, #tpu.memory_space<vmem_shared>> -> memref<640xf32, #tpu.memory_space<vmem_shared>>
      tpu.wait_dma2 semaphore(%run_scoped3A_121 : memref<!tpu.dma_semaphore, #tpu.memory_space<semaphore_mem>>) src(%dma_wait3A_127 : memref<640xf32, #tpu.memory_space<vmem_shared>>) dst(%arg9 : memref<640xf32, #tpu.memory_space<vmem>>)
      tpu.yield
    }) : () -> ()
    %scan3A_31 = arith.constant 0 : i32
    %scan3A_32 = arith.constant 0 : i32
    %scan3A_33 = arith.constant 40 : i32
    %scan3A_34 = arith.addi %scan3A_32, %scan3A_33 : i32
    %scan3A_35 = arith.constant 1 : i32
    scf.for %scan3A_121 = %scan3A_32 to %scan3A_34 step %scan3A_35  : i32 {
      %mul3A_122 = arith.constant 16 : i32
      %mul3A_123 = arith.muli %scan3A_121, %mul3A_122 : i32
      %get3A = arith.index_cast %mul3A_123 : i32 to index
      %get3A_124 = tpu.vector_load %arg8[%get3A] {strides = array<i32>} : memref<640xf32, #tpu.memory_space<vmem>>, vector<16xf32>,
      %get3A_125 = arith.index_cast %mul3A_123 : i32 to index
      %get3A_126 = tpu.vector_load %arg9[%get3A_125] {strides = array<i32>} : memref<640xf32, #tpu.memory_space<vmem>>, vector<16xf32>,
      %max3A = arith.maximumf %get3A_124, %get3A_126 : vector<16xf32>
      %swap3A = arith.index_cast %mul3A_123 : i32 to index
      %swap3A_127 = tpu.vector_load %arg8[%swap3A] {strides = array<i32>} : memref<640xf32, #tpu.memory_space<vmem>>, vector<16xf32>,
      tpu.vector_store %arg8[%swap3A], %max3A {strides = array<i32>} : memref<640xf32, #tpu.memory_space<vmem>>, vector<16xf32>,
    }
    %scan3A_36 = arith.constant 40 : i32
    %run_scoped3A_37 = arith.constant 4 : i32
    "tpu.region"() ({
      %run_scoped3A_121 = tpu.sem_alloc : memref<!tpu.dma_semaphore, #tpu.memory_space<semaphore_mem>>
      %dma_start3A = tpu.memref_slice %arg10[%run_scoped3A_37, %mul3A_15] : memref<16x10240xf32, #tpu.memory_space<vmem_shared>> -> memref<1x640xf32, #tpu.memory_space<vmem_shared>>
      %dma_start3A_122 = tpu.memref_squeeze %dma_start3A : memref<1x640xf32, #tpu.memory_space<vmem_shared>> -> memref<640xf32, #tpu.memory_space<vmem_shared>>
      %dma_start3A_123 = tpu.memref_slice %arg10[%run_scoped3A_37, %mul3A_15] : memref<16x10240xf32, #tpu.memory_space<vmem_shared>> -> memref<1x640xf32, #tpu.memory_space<vmem_shared>>
      %dma_start3A_124 = tpu.memref_squeeze %dma_start3A_123 : memref<1x640xf32, #tpu.memory_space<vmem_shared>> -> memref<640xf32, #tpu.memory_space<vmem_shared>>
      tpu.enqueue_dma source(%dma_start3A_124 : memref<640xf32, #tpu.memory_space<vmem_shared>>) target(%arg9 : memref<640xf32, #tpu.memory_space<vmem>>) target_semaphore(%run_scoped3A_121 : memref<!tpu.dma_semaphore, #tpu.memory_space<semaphore_mem>>)
      %dma_wait3A = tpu.memref_slice %arg10[%run_scoped3A_37, %mul3A_15] : memref<16x10240xf32, #tpu.memory_space<vmem_shared>> -> memref<1x640xf32, #tpu.memory_space<vmem_shared>>
      %dma_wait3A_125 = tpu.memref_squeeze %dma_wait3A : memref<1x640xf32, #tpu.memory_space<vmem_shared>> -> memref<640xf32, #tpu.memory_space<vmem_shared>>
      %dma_wait3A_126 = tpu.memref_slice %arg10[%run_scoped3A_37, %mul3A_15] : memref<16x10240xf32, #tpu.memory_space<vmem_shared>> -> memref<1x640xf32, #tpu.memory_space<vmem_shared>>
      %dma_wait3A_127 = tpu.memref_squeeze %dma_wait3A_126 : memref<1x640xf32, #tpu.memory_space<vmem_shared>> -> memref<640xf32, #tpu.memory_space<vmem_shared>>
      tpu.wait_dma2 semaphore(%run_scoped3A_121 : memref<!tpu.dma_semaphore, #tpu.memory_space<semaphore_mem>>) src(%dma_wait3A_127 : memref<640xf32, #tpu.memory_space<vmem_shared>>) dst(%arg9 : memref<640xf32, #tpu.memory_space<vmem>>)
      tpu.yield
    }) : () -> ()
    %scan3A_38 = arith.constant 0 : i32
    %scan3A_39 = arith.constant 0 : i32
    %scan3A_40 = arith.constant 40 : i32
    %scan3A_41 = arith.addi %scan3A_39, %scan3A_40 : i32
    %scan3A_42 = arith.constant 1 : i32
    scf.for %scan3A_121 = %scan3A_39 to %scan3A_41 step %scan3A_42  : i32 {
      %mul3A_122 = arith.constant 16 : i32
      %mul3A_123 = arith.muli %scan3A_121, %mul3A_122 : i32
      %get3A = arith.index_cast %mul3A_123 : i32 to index
      %get3A_124 = tpu.vector_load %arg8[%get3A] {strides = array<i32>} : memref<640xf32, #tpu.memory_space<vmem>>, vector<16xf32>,
      %get3A_125 = arith.index_cast %mul3A_123 : i32 to index
      %get3A_126 = tpu.vector_load %arg9[%get3A_125] {strides = array<i32>} : memref<640xf32, #tpu.memory_space<vmem>>, vector<16xf32>,
      %max3A = arith.maximumf %get3A_124, %get3A_126 : vector<16xf32>
      %swap3A = arith.index_cast %mul3A_123 : i32 to index
      %swap3A_127 = tpu.vector_load %arg8[%swap3A] {strides = array<i32>} : memref<640xf32, #tpu.memory_space<vmem>>, vector<16xf32>,
      tpu.vector_store %arg8[%swap3A], %max3A {strides = array<i32>} : memref<640xf32, #tpu.memory_space<vmem>>, vector<16xf32>,
    }
    %scan3A_43 = arith.constant 40 : i32
    %run_scoped3A_44 = arith.constant 5 : i32
    "tpu.region"() ({
      %run_scoped3A_121 = tpu.sem_alloc : memref<!tpu.dma_semaphore, #tpu.memory_space<semaphore_mem>>
      %dma_start3A = tpu.memref_slice %arg10[%run_scoped3A_44, %mul3A_15] : memref<16x10240xf32, #tpu.memory_space<vmem_shared>> -> memref<1x640xf32, #tpu.memory_space<vmem_shared>>
      %dma_start3A_122 = tpu.memref_squeeze %dma_start3A : memref<1x640xf32, #tpu.memory_space<vmem_shared>> -> memref<640xf32, #tpu.memory_space<vmem_shared>>
      %dma_start3A_123 = tpu.memref_slice %arg10[%run_scoped3A_44, %mul3A_15] : memref<16x10240xf32, #tpu.memory_space<vmem_shared>> -> memref<1x640xf32, #tpu.memory_space<vmem_shared>>
      %dma_start3A_124 = tpu.memref_squeeze %dma_start3A_123 : memref<1x640xf32, #tpu.memory_space<vmem_shared>> -> memref<640xf32, #tpu.memory_space<vmem_shared>>
      tpu.enqueue_dma source(%dma_start3A_124 : memref<640xf32, #tpu.memory_space<vmem_shared>>) target(%arg9 : memref<640xf32, #tpu.memory_space<vmem>>) target_semaphore(%run_scoped3A_121 : memref<!tpu.dma_semaphore, #tpu.memory_space<semaphore_mem>>)
      %dma_wait3A = tpu.memref_slice %arg10[%run_scoped3A_44, %mul3A_15] : memref<16x10240xf32, #tpu.memory_space<vmem_shared>> -> memref<1x640xf32, #tpu.memory_space<vmem_shared>>
      %dma_wait3A_125 = tpu.memref_squeeze %dma_wait3A : memref<1x640xf32, #tpu.memory_space<vmem_shared>> -> memref<640xf32, #tpu.memory_space<vmem_shared>>
      %dma_wait3A_126 = tpu.memref_slice %arg10[%run_scoped3A_44, %mul3A_15] : memref<16x10240xf32, #tpu.memory_space<vmem_shared>> -> memref<1x640xf32, #tpu.memory_space<vmem_shared>>
      %dma_wait3A_127 = tpu.memref_squeeze %dma_wait3A_126 : memref<1x640xf32, #tpu.memory_space<vmem_shared>> -> memref<640xf32, #tpu.memory_space<vmem_shared>>
      tpu.wait_dma2 semaphore(%run_scoped3A_121 : memref<!tpu.dma_semaphore, #tpu.memory_space<semaphore_mem>>) src(%dma_wait3A_127 : memref<640xf32, #tpu.memory_space<vmem_shared>>) dst(%arg9 : memref<640xf32, #tpu.memory_space<vmem>>)
      tpu.yield
    }) : () -> ()
    %scan3A_45 = arith.constant 0 : i32
    %scan3A_46 = arith.constant 0 : i32
    %scan3A_47 = arith.constant 40 : i32
    %scan3A_48 = arith.addi %scan3A_46, %scan3A_47 : i32
    %scan3A_49 = arith.constant 1 : i32
    scf.for %scan3A_121 = %scan3A_46 to %scan3A_48 step %scan3A_49  : i32 {
      %mul3A_122 = arith.constant 16 : i32
      %mul3A_123 = arith.muli %scan3A_121, %mul3A_122 : i32
      %get3A = arith.index_cast %mul3A_123 : i32 to index
      %get3A_124 = tpu.vector_load %arg8[%get3A] {strides = array<i32>} : memref<640xf32, #tpu.memory_space<vmem>>, vector<16xf32>,
      %get3A_125 = arith.index_cast %mul3A_123 : i32 to index
      %get3A_126 = tpu.vector_load %arg9[%get3A_125] {strides = array<i32>} : memref<640xf32, #tpu.memory_space<vmem>>, vector<16xf32>,
      %max3A = arith.maximumf %get3A_124, %get3A_126 : vector<16xf32>
      %swap3A = arith.index_cast %mul3A_123 : i32 to index
      %swap3A_127 = tpu.vector_load %arg8[%swap3A] {strides = array<i32>} : memref<640xf32, #tpu.memory_space<vmem>>, vector<16xf32>,
      tpu.vector_store %arg8[%swap3A], %max3A {strides = array<i32>} : memref<640xf32, #tpu.memory_space<vmem>>, vector<16xf32>,
    }
    %scan3A_50 = arith.constant 40 : i32
    %run_scoped3A_51 = arith.constant 6 : i32
    "tpu.region"() ({
      %run_scoped3A_121 = tpu.sem_alloc : memref<!tpu.dma_semaphore, #tpu.memory_space<semaphore_mem>>
      %dma_start3A = tpu.memref_slice %arg10[%run_scoped3A_51, %mul3A_15] : memref<16x10240xf32, #tpu.memory_space<vmem_shared>> -> memref<1x640xf32, #tpu.memory_space<vmem_shared>>
      %dma_start3A_122 = tpu.memref_squeeze %dma_start3A : memref<1x640xf32, #tpu.memory_space<vmem_shared>> -> memref<640xf32, #tpu.memory_space<vmem_shared>>
      %dma_start3A_123 = tpu.memref_slice %arg10[%run_scoped3A_51, %mul3A_15] : memref<16x10240xf32, #tpu.memory_space<vmem_shared>> -> memref<1x640xf32, #tpu.memory_space<vmem_shared>>
      %dma_start3A_124 = tpu.memref_squeeze %dma_start3A_123 : memref<1x640xf32, #tpu.memory_space<vmem_shared>> -> memref<640xf32, #tpu.memory_space<vmem_shared>>
      tpu.enqueue_dma source(%dma_start3A_124 : memref<640xf32, #tpu.memory_space<vmem_shared>>) target(%arg9 : memref<640xf32, #tpu.memory_space<vmem>>) target_semaphore(%run_scoped3A_121 : memref<!tpu.dma_semaphore, #tpu.memory_space<semaphore_mem>>)
      %dma_wait3A = tpu.memref_slice %arg10[%run_scoped3A_51, %mul3A_15] : memref<16x10240xf32, #tpu.memory_space<vmem_shared>> -> memref<1x640xf32, #tpu.memory_space<vmem_shared>>
      %dma_wait3A_125 = tpu.memref_squeeze %dma_wait3A : memref<1x640xf32, #tpu.memory_space<vmem_shared>> -> memref<640xf32, #tpu.memory_space<vmem_shared>>
      %dma_wait3A_126 = tpu.memref_slice %arg10[%run_scoped3A_51, %mul3A_15] : memref<16x10240xf32, #tpu.memory_space<vmem_shared>> -> memref<1x640xf32, #tpu.memory_space<vmem_shared>>
      %dma_wait3A_127 = tpu.memref_squeeze %dma_wait3A_126 : memref<1x640xf32, #tpu.memory_space<vmem_shared>> -> memref<640xf32, #tpu.memory_space<vmem_shared>>
      tpu.wait_dma2 semaphore(%run_scoped3A_121 : memref<!tpu.dma_semaphore, #tpu.memory_space<semaphore_mem>>) src(%dma_wait3A_127 : memref<640xf32, #tpu.memory_space<vmem_shared>>) dst(%arg9 : memref<640xf32, #tpu.memory_space<vmem>>)
      tpu.yield
    }) : () -> ()
    %scan3A_52 = arith.constant 0 : i32
    %scan3A_53 = arith.constant 0 : i32
    %scan3A_54 = arith.constant 40 : i32
    %scan3A_55 = arith.addi %scan3A_53, %scan3A_54 : i32
    %scan3A_56 = arith.constant 1 : i32
    scf.for %scan3A_121 = %scan3A_53 to %scan3A_55 step %scan3A_56  : i32 {
      %mul3A_122 = arith.constant 16 : i32
      %mul3A_123 = arith.muli %scan3A_121, %mul3A_122 : i32
      %get3A = arith.index_cast %mul3A_123 : i32 to index
      %get3A_124 = tpu.vector_load %arg8[%get3A] {strides = array<i32>} : memref<640xf32, #tpu.memory_space<vmem>>, vector<16xf32>,
      %get3A_125 = arith.index_cast %mul3A_123 : i32 to index
      %get3A_126 = tpu.vector_load %arg9[%get3A_125] {strides = array<i32>} : memref<640xf32, #tpu.memory_space<vmem>>, vector<16xf32>,
      %max3A = arith.maximumf %get3A_124, %get3A_126 : vector<16xf32>
      %swap3A = arith.index_cast %mul3A_123 : i32 to index
      %swap3A_127 = tpu.vector_load %arg8[%swap3A] {strides = array<i32>} : memref<640xf32, #tpu.memory_space<vmem>>, vector<16xf32>,
      tpu.vector_store %arg8[%swap3A], %max3A {strides = array<i32>} : memref<640xf32, #tpu.memory_space<vmem>>, vector<16xf32>,
    }
    %scan3A_57 = arith.constant 40 : i32
    %run_scoped3A_58 = arith.constant 7 : i32
    "tpu.region"() ({
      %run_scoped3A_121 = tpu.sem_alloc : memref<!tpu.dma_semaphore, #tpu.memory_space<semaphore_mem>>
      %dma_start3A = tpu.memref_slice %arg10[%run_scoped3A_58, %mul3A_15] : memref<16x10240xf32, #tpu.memory_space<vmem_shared>> -> memref<1x640xf32, #tpu.memory_space<vmem_shared>>
      %dma_start3A_122 = tpu.memref_squeeze %dma_start3A : memref<1x640xf32, #tpu.memory_space<vmem_shared>> -> memref<640xf32, #tpu.memory_space<vmem_shared>>
      %dma_start3A_123 = tpu.memref_slice %arg10[%run_scoped3A_58, %mul3A_15] : memref<16x10240xf32, #tpu.memory_space<vmem_shared>> -> memref<1x640xf32, #tpu.memory_space<vmem_shared>>
      %dma_start3A_124 = tpu.memref_squeeze %dma_start3A_123 : memref<1x640xf32, #tpu.memory_space<vmem_shared>> -> memref<640xf32, #tpu.memory_space<vmem_shared>>
      tpu.enqueue_dma source(%dma_start3A_124 : memref<640xf32, #tpu.memory_space<vmem_shared>>) target(%arg9 : memref<640xf32, #tpu.memory_space<vmem>>) target_semaphore(%run_scoped3A_121 : memref<!tpu.dma_semaphore, #tpu.memory_space<semaphore_mem>>)
      %dma_wait3A = tpu.memref_slice %arg10[%run_scoped3A_58, %mul3A_15] : memref<16x10240xf32, #tpu.memory_space<vmem_shared>> -> memref<1x640xf32, #tpu.memory_space<vmem_shared>>
      %dma_wait3A_125 = tpu.memref_squeeze %dma_wait3A : memref<1x640xf32, #tpu.memory_space<vmem_shared>> -> memref<640xf32, #tpu.memory_space<vmem_shared>>
      %dma_wait3A_126 = tpu.memref_slice %arg10[%run_scoped3A_58, %mul3A_15] : memref<16x10240xf32, #tpu.memory_space<vmem_shared>> -> memref<1x640xf32, #tpu.memory_space<vmem_shared>>
      %dma_wait3A_127 = tpu.memref_squeeze %dma_wait3A_126 : memref<1x640xf32, #tpu.memory_space<vmem_shared>> -> memref<640xf32, #tpu.memory_space<vmem_shared>>
      tpu.wait_dma2 semaphore(%run_scoped3A_121 : memref<!tpu.dma_semaphore, #tpu.memory_space<semaphore_mem>>) src(%dma_wait3A_127 : memref<640xf32, #tpu.memory_space<vmem_shared>>) dst(%arg9 : memref<640xf32, #tpu.memory_space<vmem>>)
      tpu.yield
    }) : () -> ()
    %scan3A_59 = arith.constant 0 : i32
    %scan3A_60 = arith.constant 0 : i32
    %scan3A_61 = arith.constant 40 : i32
    %scan3A_62 = arith.addi %scan3A_60, %scan3A_61 : i32
    %scan3A_63 = arith.constant 1 : i32
    scf.for %scan3A_121 = %scan3A_60 to %scan3A_62 step %scan3A_63  : i32 {
      %mul3A_122 = arith.constant 16 : i32
      %mul3A_123 = arith.muli %scan3A_121, %mul3A_122 : i32
      %get3A = arith.index_cast %mul3A_123 : i32 to index
      %get3A_124 = tpu.vector_load %arg8[%get3A] {strides = array<i32>} : memref<640xf32, #tpu.memory_space<vmem>>, vector<16xf32>,
      %get3A_125 = arith.index_cast %mul3A_123 : i32 to index
      %get3A_126 = tpu.vector_load %arg9[%get3A_125] {strides = array<i32>} : memref<640xf32, #tpu.memory_space<vmem>>, vector<16xf32>,
      %max3A = arith.maximumf %get3A_124, %get3A_126 : vector<16xf32>
      %swap3A = arith.index_cast %mul3A_123 : i32 to index
      %swap3A_127 = tpu.vector_load %arg8[%swap3A] {strides = array<i32>} : memref<640xf32, #tpu.memory_space<vmem>>, vector<16xf32>,
      tpu.vector_store %arg8[%swap3A], %max3A {strides = array<i32>} : memref<640xf32, #tpu.memory_space<vmem>>, vector<16xf32>,
    }
    %scan3A_64 = arith.constant 40 : i32
    %run_scoped3A_65 = arith.constant 8 : i32
    "tpu.region"() ({
      %run_scoped3A_121 = tpu.sem_alloc : memref<!tpu.dma_semaphore, #tpu.memory_space<semaphore_mem>>
      %dma_start3A = tpu.memref_slice %arg10[%run_scoped3A_65, %mul3A_15] : memref<16x10240xf32, #tpu.memory_space<vmem_shared>> -> memref<1x640xf32, #tpu.memory_space<vmem_shared>>
      %dma_start3A_122 = tpu.memref_squeeze %dma_start3A : memref<1x640xf32, #tpu.memory_space<vmem_shared>> -> memref<640xf32, #tpu.memory_space<vmem_shared>>
      %dma_start3A_123 = tpu.memref_slice %arg10[%run_scoped3A_65, %mul3A_15] : memref<16x10240xf32, #tpu.memory_space<vmem_shared>> -> memref<1x640xf32, #tpu.memory_space<vmem_shared>>
      %dma_start3A_124 = tpu.memref_squeeze %dma_start3A_123 : memref<1x640xf32, #tpu.memory_space<vmem_shared>> -> memref<640xf32, #tpu.memory_space<vmem_shared>>
      tpu.enqueue_dma source(%dma_start3A_124 : memref<640xf32, #tpu.memory_space<vmem_shared>>) target(%arg9 : memref<640xf32, #tpu.memory_space<vmem>>) target_semaphore(%run_scoped3A_121 : memref<!tpu.dma_semaphore, #tpu.memory_space<semaphore_mem>>)
      %dma_wait3A = tpu.memref_slice %arg10[%run_scoped3A_65, %mul3A_15] : memref<16x10240xf32, #tpu.memory_space<vmem_shared>> -> memref<1x640xf32, #tpu.memory_space<vmem_shared>>
      %dma_wait3A_125 = tpu.memref_squeeze %dma_wait3A : memref<1x640xf32, #tpu.memory_space<vmem_shared>> -> memref<640xf32, #tpu.memory_space<vmem_shared>>
      %dma_wait3A_126 = tpu.memref_slice %arg10[%run_scoped3A_65, %mul3A_15] : memref<16x10240xf32, #tpu.memory_space<vmem_shared>> -> memref<1x640xf32, #tpu.memory_space<vmem_shared>>
      %dma_wait3A_127 = tpu.memref_squeeze %dma_wait3A_126 : memref<1x640xf32, #tpu.memory_space<vmem_shared>> -> memref<640xf32, #tpu.memory_space<vmem_shared>>
      tpu.wait_dma2 semaphore(%run_scoped3A_121 : memref<!tpu.dma_semaphore, #tpu.memory_space<semaphore_mem>>) src(%dma_wait3A_127 : memref<640xf32, #tpu.memory_space<vmem_shared>>) dst(%arg9 : memref<640xf32, #tpu.memory_space<vmem>>)
      tpu.yield
    }) : () -> ()
    %scan3A_66 = arith.constant 0 : i32
    %scan3A_67 = arith.constant 0 : i32
    %scan3A_68 = arith.constant 40 : i32
    %scan3A_69 = arith.addi %scan3A_67, %scan3A_68 : i32
    %scan3A_70 = arith.constant 1 : i32
    scf.for %scan3A_121 = %scan3A_67 to %scan3A_69 step %scan3A_70  : i32 {
      %mul3A_122 = arith.constant 16 : i32
      %mul3A_123 = arith.muli %scan3A_121, %mul3A_122 : i32
      %get3A = arith.index_cast %mul3A_123 : i32 to index
      %get3A_124 = tpu.vector_load %arg8[%get3A] {strides = array<i32>} : memref<640xf32, #tpu.memory_space<vmem>>, vector<16xf32>,
      %get3A_125 = arith.index_cast %mul3A_123 : i32 to index
      %get3A_126 = tpu.vector_load %arg9[%get3A_125] {strides = array<i32>} : memref<640xf32, #tpu.memory_space<vmem>>, vector<16xf32>,
      %max3A = arith.maximumf %get3A_124, %get3A_126 : vector<16xf32>
      %swap3A = arith.index_cast %mul3A_123 : i32 to index
      %swap3A_127 = tpu.vector_load %arg8[%swap3A] {strides = array<i32>} : memref<640xf32, #tpu.memory_space<vmem>>, vector<16xf32>,
      tpu.vector_store %arg8[%swap3A], %max3A {strides = array<i32>} : memref<640xf32, #tpu.memory_space<vmem>>, vector<16xf32>,
    }
    %scan3A_71 = arith.constant 40 : i32
    %run_scoped3A_72 = arith.constant 9 : i32
    "tpu.region"() ({
      %run_scoped3A_121 = tpu.sem_alloc : memref<!tpu.dma_semaphore, #tpu.memory_space<semaphore_mem>>
      %dma_start3A = tpu.memref_slice %arg10[%run_scoped3A_72, %mul3A_15] : memref<16x10240xf32, #tpu.memory_space<vmem_shared>> -> memref<1x640xf32, #tpu.memory_space<vmem_shared>>
      %dma_start3A_122 = tpu.memref_squeeze %dma_start3A : memref<1x640xf32, #tpu.memory_space<vmem_shared>> -> memref<640xf32, #tpu.memory_space<vmem_shared>>
      %dma_start3A_123 = tpu.memref_slice %arg10[%run_scoped3A_72, %mul3A_15] : memref<16x10240xf32, #tpu.memory_space<vmem_shared>> -> memref<1x640xf32, #tpu.memory_space<vmem_shared>>
      %dma_start3A_124 = tpu.memref_squeeze %dma_start3A_123 : memref<1x640xf32, #tpu.memory_space<vmem_shared>> -> memref<640xf32, #tpu.memory_space<vmem_shared>>
      tpu.enqueue_dma source(%dma_start3A_124 : memref<640xf32, #tpu.memory_space<vmem_shared>>) target(%arg9 : memref<640xf32, #tpu.memory_space<vmem>>) target_semaphore(%run_scoped3A_121 : memref<!tpu.dma_semaphore, #tpu.memory_space<semaphore_mem>>)
      %dma_wait3A = tpu.memref_slice %arg10[%run_scoped3A_72, %mul3A_15] : memref<16x10240xf32, #tpu.memory_space<vmem_shared>> -> memref<1x640xf32, #tpu.memory_space<vmem_shared>>
      %dma_wait3A_125 = tpu.memref_squeeze %dma_wait3A : memref<1x640xf32, #tpu.memory_space<vmem_shared>> -> memref<640xf32, #tpu.memory_space<vmem_shared>>
      %dma_wait3A_126 = tpu.memref_slice %arg10[%run_scoped3A_72, %mul3A_15] : memref<16x10240xf32, #tpu.memory_space<vmem_shared>> -> memref<1x640xf32, #tpu.memory_space<vmem_shared>>
      %dma_wait3A_127 = tpu.memref_squeeze %dma_wait3A_126 : memref<1x640xf32, #tpu.memory_space<vmem_shared>> -> memref<640xf32, #tpu.memory_space<vmem_shared>>
      tpu.wait_dma2 semaphore(%run_scoped3A_121 : memref<!tpu.dma_semaphore, #tpu.memory_space<semaphore_mem>>) src(%dma_wait3A_127 : memref<640xf32, #tpu.memory_space<vmem_shared>>) dst(%arg9 : memref<640xf32, #tpu.memory_space<vmem>>)
      tpu.yield
    }) : () -> ()
    %scan3A_73 = arith.constant 0 : i32
    %scan3A_74 = arith.constant 0 : i32
    %scan3A_75 = arith.constant 40 : i32
    %scan3A_76 = arith.addi %scan3A_74, %scan3A_75 : i32
    %scan3A_77 = arith.constant 1 : i32
    scf.for %scan3A_121 = %scan3A_74 to %scan3A_76 step %scan3A_77  : i32 {
      %mul3A_122 = arith.constant 16 : i32
      %mul3A_123 = arith.muli %scan3A_121, %mul3A_122 : i32
      %get3A = arith.index_cast %mul3A_123 : i32 to index
      %get3A_124 = tpu.vector_load %arg8[%get3A] {strides = array<i32>} : memref<640xf32, #tpu.memory_space<vmem>>, vector<16xf32>,
      %get3A_125 = arith.index_cast %mul3A_123 : i32 to index
      %get3A_126 = tpu.vector_load %arg9[%get3A_125] {strides = array<i32>} : memref<640xf32, #tpu.memory_space<vmem>>, vector<16xf32>,
      %max3A = arith.maximumf %get3A_124, %get3A_126 : vector<16xf32>
      %swap3A = arith.index_cast %mul3A_123 : i32 to index
      %swap3A_127 = tpu.vector_load %arg8[%swap3A] {strides = array<i32>} : memref<640xf32, #tpu.memory_space<vmem>>, vector<16xf32>,
      tpu.vector_store %arg8[%swap3A], %max3A {strides = array<i32>} : memref<640xf32, #tpu.memory_space<vmem>>, vector<16xf32>,
    }
    %scan3A_78 = arith.constant 40 : i32
    %run_scoped3A_79 = arith.constant 10 : i32
    "tpu.region"() ({
      %run_scoped3A_121 = tpu.sem_alloc : memref<!tpu.dma_semaphore, #tpu.memory_space<semaphore_mem>>
      %dma_start3A = tpu.memref_slice %arg10[%run_scoped3A_79, %mul3A_15] : memref<16x10240xf32, #tpu.memory_space<vmem_shared>> -> memref<1x640xf32, #tpu.memory_space<vmem_shared>>
      %dma_start3A_122 = tpu.memref_squeeze %dma_start3A : memref<1x640xf32, #tpu.memory_space<vmem_shared>> -> memref<640xf32, #tpu.memory_space<vmem_shared>>
      %dma_start3A_123 = tpu.memref_slice %arg10[%run_scoped3A_79, %mul3A_15] : memref<16x10240xf32, #tpu.memory_space<vmem_shared>> -> memref<1x640xf32, #tpu.memory_space<vmem_shared>>
      %dma_start3A_124 = tpu.memref_squeeze %dma_start3A_123 : memref<1x640xf32, #tpu.memory_space<vmem_shared>> -> memref<640xf32, #tpu.memory_space<vmem_shared>>
      tpu.enqueue_dma source(%dma_start3A_124 : memref<640xf32, #tpu.memory_space<vmem_shared>>) target(%arg9 : memref<640xf32, #tpu.memory_space<vmem>>) target_semaphore(%run_scoped3A_121 : memref<!tpu.dma_semaphore, #tpu.memory_space<semaphore_mem>>)
      %dma_wait3A = tpu.memref_slice %arg10[%run_scoped3A_79, %mul3A_15] : memref<16x10240xf32, #tpu.memory_space<vmem_shared>> -> memref<1x640xf32, #tpu.memory_space<vmem_shared>>
      %dma_wait3A_125 = tpu.memref_squeeze %dma_wait3A : memref<1x640xf32, #tpu.memory_space<vmem_shared>> -> memref<640xf32, #tpu.memory_space<vmem_shared>>
      %dma_wait3A_126 = tpu.memref_slice %arg10[%run_scoped3A_79, %mul3A_15] : memref<16x10240xf32, #tpu.memory_space<vmem_shared>> -> memref<1x640xf32, #tpu.memory_space<vmem_shared>>
      %dma_wait3A_127 = tpu.memref_squeeze %dma_wait3A_126 : memref<1x640xf32, #tpu.memory_space<vmem_shared>> -> memref<640xf32, #tpu.memory_space<vmem_shared>>
      tpu.wait_dma2 semaphore(%run_scoped3A_121 : memref<!tpu.dma_semaphore, #tpu.memory_space<semaphore_mem>>) src(%dma_wait3A_127 : memref<640xf32, #tpu.memory_space<vmem_shared>>) dst(%arg9 : memref<640xf32, #tpu.memory_space<vmem>>)
      tpu.yield
    }) : () -> ()
    %scan3A_80 = arith.constant 0 : i32
    %scan3A_81 = arith.constant 0 : i32
    %scan3A_82 = arith.constant 40 : i32
    %scan3A_83 = arith.addi %scan3A_81, %scan3A_82 : i32
    %scan3A_84 = arith.constant 1 : i32
    scf.for %scan3A_121 = %scan3A_81 to %scan3A_83 step %scan3A_84  : i32 {
      %mul3A_122 = arith.constant 16 : i32
      %mul3A_123 = arith.muli %scan3A_121, %mul3A_122 : i32
      %get3A = arith.index_cast %mul3A_123 : i32 to index
      %get3A_124 = tpu.vector_load %arg8[%get3A] {strides = array<i32>} : memref<640xf32, #tpu.memory_space<vmem>>, vector<16xf32>,
      %get3A_125 = arith.index_cast %mul3A_123 : i32 to index
      %get3A_126 = tpu.vector_load %arg9[%get3A_125] {strides = array<i32>} : memref<640xf32, #tpu.memory_space<vmem>>, vector<16xf32>,
      %max3A = arith.maximumf %get3A_124, %get3A_126 : vector<16xf32>
      %swap3A = arith.index_cast %mul3A_123 : i32 to index
      %swap3A_127 = tpu.vector_load %arg8[%swap3A] {strides = array<i32>} : memref<640xf32, #tpu.memory_space<vmem>>, vector<16xf32>,
      tpu.vector_store %arg8[%swap3A], %max3A {strides = array<i32>} : memref<640xf32, #tpu.memory_space<vmem>>, vector<16xf32>,
    }
    %scan3A_85 = arith.constant 40 : i32
    %run_scoped3A_86 = arith.constant 11 : i32
    "tpu.region"() ({
      %run_scoped3A_121 = tpu.sem_alloc : memref<!tpu.dma_semaphore, #tpu.memory_space<semaphore_mem>>
      %dma_start3A = tpu.memref_slice %arg10[%run_scoped3A_86, %mul3A_15] : memref<16x10240xf32, #tpu.memory_space<vmem_shared>> -> memref<1x640xf32, #tpu.memory_space<vmem_shared>>
      %dma_start3A_122 = tpu.memref_squeeze %dma_start3A : memref<1x640xf32, #tpu.memory_space<vmem_shared>> -> memref<640xf32, #tpu.memory_space<vmem_shared>>
      %dma_start3A_123 = tpu.memref_slice %arg10[%run_scoped3A_86, %mul3A_15] : memref<16x10240xf32, #tpu.memory_space<vmem_shared>> -> memref<1x640xf32, #tpu.memory_space<vmem_shared>>
      %dma_start3A_124 = tpu.memref_squeeze %dma_start3A_123 : memref<1x640xf32, #tpu.memory_space<vmem_shared>> -> memref<640xf32, #tpu.memory_space<vmem_shared>>
      tpu.enqueue_dma source(%dma_start3A_124 : memref<640xf32, #tpu.memory_space<vmem_shared>>) target(%arg9 : memref<640xf32, #tpu.memory_space<vmem>>) target_semaphore(%run_scoped3A_121 : memref<!tpu.dma_semaphore, #tpu.memory_space<semaphore_mem>>)
      %dma_wait3A = tpu.memref_slice %arg10[%run_scoped3A_86, %mul3A_15] : memref<16x10240xf32, #tpu.memory_space<vmem_shared>> -> memref<1x640xf32, #tpu.memory_space<vmem_shared>>
      %dma_wait3A_125 = tpu.memref_squeeze %dma_wait3A : memref<1x640xf32, #tpu.memory_space<vmem_shared>> -> memref<640xf32, #tpu.memory_space<vmem_shared>>
      %dma_wait3A_126 = tpu.memref_slice %arg10[%run_scoped3A_86, %mul3A_15] : memref<16x10240xf32, #tpu.memory_space<vmem_shared>> -> memref<1x640xf32, #tpu.memory_space<vmem_shared>>
      %dma_wait3A_127 = tpu.memref_squeeze %dma_wait3A_126 : memref<1x640xf32, #tpu.memory_space<vmem_shared>> -> memref<640xf32, #tpu.memory_space<vmem_shared>>
      tpu.wait_dma2 semaphore(%run_scoped3A_121 : memref<!tpu.dma_semaphore, #tpu.memory_space<semaphore_mem>>) src(%dma_wait3A_127 : memref<640xf32, #tpu.memory_space<vmem_shared>>) dst(%arg9 : memref<640xf32, #tpu.memory_space<vmem>>)
      tpu.yield
    }) : () -> ()
    %scan3A_87 = arith.constant 0 : i32
    %scan3A_88 = arith.constant 0 : i32
    %scan3A_89 = arith.constant 40 : i32
    %scan3A_90 = arith.addi %scan3A_88, %scan3A_89 : i32
    %scan3A_91 = arith.constant 1 : i32
    scf.for %scan3A_121 = %scan3A_88 to %scan3A_90 step %scan3A_91  : i32 {
      %mul3A_122 = arith.constant 16 : i32
      %mul3A_123 = arith.muli %scan3A_121, %mul3A_122 : i32
      %get3A = arith.index_cast %mul3A_123 : i32 to index
      %get3A_124 = tpu.vector_load %arg8[%get3A] {strides = array<i32>} : memref<640xf32, #tpu.memory_space<vmem>>, vector<16xf32>,
      %get3A_125 = arith.index_cast %mul3A_123 : i32 to index
      %get3A_126 = tpu.vector_load %arg9[%get3A_125] {strides = array<i32>} : memref<640xf32, #tpu.memory_space<vmem>>, vector<16xf32>,
      %max3A = arith.maximumf %get3A_124, %get3A_126 : vector<16xf32>
      %swap3A = arith.index_cast %mul3A_123 : i32 to index
      %swap3A_127 = tpu.vector_load %arg8[%swap3A] {strides = array<i32>} : memref<640xf32, #tpu.memory_space<vmem>>, vector<16xf32>,
      tpu.vector_store %arg8[%swap3A], %max3A {strides = array<i32>} : memref<640xf32, #tpu.memory_space<vmem>>, vector<16xf32>,
    }
    %scan3A_92 = arith.constant 40 : i32
    %run_scoped3A_93 = arith.constant 12 : i32
    "tpu.region"() ({
      %run_scoped3A_121 = tpu.sem_alloc : memref<!tpu.dma_semaphore, #tpu.memory_space<semaphore_mem>>
      %dma_start3A = tpu.memref_slice %arg10[%run_scoped3A_93, %mul3A_15] : memref<16x10240xf32, #tpu.memory_space<vmem_shared>> -> memref<1x640xf32, #tpu.memory_space<vmem_shared>>
      %dma_start3A_122 = tpu.memref_squeeze %dma_start3A : memref<1x640xf32, #tpu.memory_space<vmem_shared>> -> memref<640xf32, #tpu.memory_space<vmem_shared>>
      %dma_start3A_123 = tpu.memref_slice %arg10[%run_scoped3A_93, %mul3A_15] : memref<16x10240xf32, #tpu.memory_space<vmem_shared>> -> memref<1x640xf32, #tpu.memory_space<vmem_shared>>
      %dma_start3A_124 = tpu.memref_squeeze %dma_start3A_123 : memref<1x640xf32, #tpu.memory_space<vmem_shared>> -> memref<640xf32, #tpu.memory_space<vmem_shared>>
      tpu.enqueue_dma source(%dma_start3A_124 : memref<640xf32, #tpu.memory_space<vmem_shared>>) target(%arg9 : memref<640xf32, #tpu.memory_space<vmem>>) target_semaphore(%run_scoped3A_121 : memref<!tpu.dma_semaphore, #tpu.memory_space<semaphore_mem>>)
      %dma_wait3A = tpu.memref_slice %arg10[%run_scoped3A_93, %mul3A_15] : memref<16x10240xf32, #tpu.memory_space<vmem_shared>> -> memref<1x640xf32, #tpu.memory_space<vmem_shared>>
      %dma_wait3A_125 = tpu.memref_squeeze %dma_wait3A : memref<1x640xf32, #tpu.memory_space<vmem_shared>> -> memref<640xf32, #tpu.memory_space<vmem_shared>>
      %dma_wait3A_126 = tpu.memref_slice %arg10[%run_scoped3A_93, %mul3A_15] : memref<16x10240xf32, #tpu.memory_space<vmem_shared>> -> memref<1x640xf32, #tpu.memory_space<vmem_shared>>
      %dma_wait3A_127 = tpu.memref_squeeze %dma_wait3A_126 : memref<1x640xf32, #tpu.memory_space<vmem_shared>> -> memref<640xf32, #tpu.memory_space<vmem_shared>>
      tpu.wait_dma2 semaphore(%run_scoped3A_121 : memref<!tpu.dma_semaphore, #tpu.memory_space<semaphore_mem>>) src(%dma_wait3A_127 : memref<640xf32, #tpu.memory_space<vmem_shared>>) dst(%arg9 : memref<640xf32, #tpu.memory_space<vmem>>)
      tpu.yield
    }) : () -> ()
    %scan3A_94 = arith.constant 0 : i32
    %scan3A_95 = arith.constant 0 : i32
    %scan3A_96 = arith.constant 40 : i32
    %scan3A_97 = arith.addi %scan3A_95, %scan3A_96 : i32
    %scan3A_98 = arith.constant 1 : i32
    scf.for %scan3A_121 = %scan3A_95 to %scan3A_97 step %scan3A_98  : i32 {
      %mul3A_122 = arith.constant 16 : i32
      %mul3A_123 = arith.muli %scan3A_121, %mul3A_122 : i32
      %get3A = arith.index_cast %mul3A_123 : i32 to index
      %get3A_124 = tpu.vector_load %arg8[%get3A] {strides = array<i32>} : memref<640xf32, #tpu.memory_space<vmem>>, vector<16xf32>,
      %get3A_125 = arith.index_cast %mul3A_123 : i32 to index
      %get3A_126 = tpu.vector_load %arg9[%get3A_125] {strides = array<i32>} : memref<640xf32, #tpu.memory_space<vmem>>, vector<16xf32>,
      %max3A = arith.maximumf %get3A_124, %get3A_126 : vector<16xf32>
      %swap3A = arith.index_cast %mul3A_123 : i32 to index
      %swap3A_127 = tpu.vector_load %arg8[%swap3A] {strides = array<i32>} : memref<640xf32, #tpu.memory_space<vmem>>, vector<16xf32>,
      tpu.vector_store %arg8[%swap3A], %max3A {strides = array<i32>} : memref<640xf32, #tpu.memory_space<vmem>>, vector<16xf32>,
    }
    %scan3A_99 = arith.constant 40 : i32
    %run_scoped3A_100 = arith.constant 13 : i32
    "tpu.region"() ({
      %run_scoped3A_121 = tpu.sem_alloc : memref<!tpu.dma_semaphore, #tpu.memory_space<semaphore_mem>>
      %dma_start3A = tpu.memref_slice %arg10[%run_scoped3A_100, %mul3A_15] : memref<16x10240xf32, #tpu.memory_space<vmem_shared>> -> memref<1x640xf32, #tpu.memory_space<vmem_shared>>
      %dma_start3A_122 = tpu.memref_squeeze %dma_start3A : memref<1x640xf32, #tpu.memory_space<vmem_shared>> -> memref<640xf32, #tpu.memory_space<vmem_shared>>
      %dma_start3A_123 = tpu.memref_slice %arg10[%run_scoped3A_100, %mul3A_15] : memref<16x10240xf32, #tpu.memory_space<vmem_shared>> -> memref<1x640xf32, #tpu.memory_space<vmem_shared>>
      %dma_start3A_124 = tpu.memref_squeeze %dma_start3A_123 : memref<1x640xf32, #tpu.memory_space<vmem_shared>> -> memref<640xf32, #tpu.memory_space<vmem_shared>>
      tpu.enqueue_dma source(%dma_start3A_124 : memref<640xf32, #tpu.memory_space<vmem_shared>>) target(%arg9 : memref<640xf32, #tpu.memory_space<vmem>>) target_semaphore(%run_scoped3A_121 : memref<!tpu.dma_semaphore, #tpu.memory_space<semaphore_mem>>)
      %dma_wait3A = tpu.memref_slice %arg10[%run_scoped3A_100, %mul3A_15] : memref<16x10240xf32, #tpu.memory_space<vmem_shared>> -> memref<1x640xf32, #tpu.memory_space<vmem_shared>>
      %dma_wait3A_125 = tpu.memref_squeeze %dma_wait3A : memref<1x640xf32, #tpu.memory_space<vmem_shared>> -> memref<640xf32, #tpu.memory_space<vmem_shared>>
      %dma_wait3A_126 = tpu.memref_slice %arg10[%run_scoped3A_100, %mul3A_15] : memref<16x10240xf32, #tpu.memory_space<vmem_shared>> -> memref<1x640xf32, #tpu.memory_space<vmem_shared>>
      %dma_wait3A_127 = tpu.memref_squeeze %dma_wait3A_126 : memref<1x640xf32, #tpu.memory_space<vmem_shared>> -> memref<640xf32, #tpu.memory_space<vmem_shared>>
      tpu.wait_dma2 semaphore(%run_scoped3A_121 : memref<!tpu.dma_semaphore, #tpu.memory_space<semaphore_mem>>) src(%dma_wait3A_127 : memref<640xf32, #tpu.memory_space<vmem_shared>>) dst(%arg9 : memref<640xf32, #tpu.memory_space<vmem>>)
      tpu.yield
    }) : () -> ()
    %scan3A_101 = arith.constant 0 : i32
    %scan3A_102 = arith.constant 0 : i32
    %scan3A_103 = arith.constant 40 : i32
    %scan3A_104 = arith.addi %scan3A_102, %scan3A_103 : i32
    %scan3A_105 = arith.constant 1 : i32
    scf.for %scan3A_121 = %scan3A_102 to %scan3A_104 step %scan3A_105  : i32 {
      %mul3A_122 = arith.constant 16 : i32
      %mul3A_123 = arith.muli %scan3A_121, %mul3A_122 : i32
      %get3A = arith.index_cast %mul3A_123 : i32 to index
      %get3A_124 = tpu.vector_load %arg8[%get3A] {strides = array<i32>} : memref<640xf32, #tpu.memory_space<vmem>>, vector<16xf32>,
      %get3A_125 = arith.index_cast %mul3A_123 : i32 to index
      %get3A_126 = tpu.vector_load %arg9[%get3A_125] {strides = array<i32>} : memref<640xf32, #tpu.memory_space<vmem>>, vector<16xf32>,
      %max3A = arith.maximumf %get3A_124, %get3A_126 : vector<16xf32>
      %swap3A = arith.index_cast %mul3A_123 : i32 to index
      %swap3A_127 = tpu.vector_load %arg8[%swap3A] {strides = array<i32>} : memref<640xf32, #tpu.memory_space<vmem>>, vector<16xf32>,
      tpu.vector_store %arg8[%swap3A], %max3A {strides = array<i32>} : memref<640xf32, #tpu.memory_space<vmem>>, vector<16xf32>,
    }
    %scan3A_106 = arith.constant 40 : i32
    %run_scoped3A_107 = arith.constant 14 : i32
    "tpu.region"() ({
      %run_scoped3A_121 = tpu.sem_alloc : memref<!tpu.dma_semaphore, #tpu.memory_space<semaphore_mem>>
      %dma_start3A = tpu.memref_slice %arg10[%run_scoped3A_107, %mul3A_15] : memref<16x10240xf32, #tpu.memory_space<vmem_shared>> -> memref<1x640xf32, #tpu.memory_space<vmem_shared>>
      %dma_start3A_122 = tpu.memref_squeeze %dma_start3A : memref<1x640xf32, #tpu.memory_space<vmem_shared>> -> memref<640xf32, #tpu.memory_space<vmem_shared>>
      %dma_start3A_123 = tpu.memref_slice %arg10[%run_scoped3A_107, %mul3A_15] : memref<16x10240xf32, #tpu.memory_space<vmem_shared>> -> memref<1x640xf32, #tpu.memory_space<vmem_shared>>
      %dma_start3A_124 = tpu.memref_squeeze %dma_start3A_123 : memref<1x640xf32, #tpu.memory_space<vmem_shared>> -> memref<640xf32, #tpu.memory_space<vmem_shared>>
      tpu.enqueue_dma source(%dma_start3A_124 : memref<640xf32, #tpu.memory_space<vmem_shared>>) target(%arg9 : memref<640xf32, #tpu.memory_space<vmem>>) target_semaphore(%run_scoped3A_121 : memref<!tpu.dma_semaphore, #tpu.memory_space<semaphore_mem>>)
      %dma_wait3A = tpu.memref_slice %arg10[%run_scoped3A_107, %mul3A_15] : memref<16x10240xf32, #tpu.memory_space<vmem_shared>> -> memref<1x640xf32, #tpu.memory_space<vmem_shared>>
      %dma_wait3A_125 = tpu.memref_squeeze %dma_wait3A : memref<1x640xf32, #tpu.memory_space<vmem_shared>> -> memref<640xf32, #tpu.memory_space<vmem_shared>>
      %dma_wait3A_126 = tpu.memref_slice %arg10[%run_scoped3A_107, %mul3A_15] : memref<16x10240xf32, #tpu.memory_space<vmem_shared>> -> memref<1x640xf32, #tpu.memory_space<vmem_shared>>
      %dma_wait3A_127 = tpu.memref_squeeze %dma_wait3A_126 : memref<1x640xf32, #tpu.memory_space<vmem_shared>> -> memref<640xf32, #tpu.memory_space<vmem_shared>>
      tpu.wait_dma2 semaphore(%run_scoped3A_121 : memref<!tpu.dma_semaphore, #tpu.memory_space<semaphore_mem>>) src(%dma_wait3A_127 : memref<640xf32, #tpu.memory_space<vmem_shared>>) dst(%arg9 : memref<640xf32, #tpu.memory_space<vmem>>)
      tpu.yield
    }) : () -> ()
    %scan3A_108 = arith.constant 0 : i32
    %scan3A_109 = arith.constant 0 : i32
    %scan3A_110 = arith.constant 40 : i32
    %scan3A_111 = arith.addi %scan3A_109, %scan3A_110 : i32
    %scan3A_112 = arith.constant 1 : i32
    scf.for %scan3A_121 = %scan3A_109 to %scan3A_111 step %scan3A_112  : i32 {
      %mul3A_122 = arith.constant 16 : i32
      %mul3A_123 = arith.muli %scan3A_121, %mul3A_122 : i32
      %get3A = arith.index_cast %mul3A_123 : i32 to index
      %get3A_124 = tpu.vector_load %arg8[%get3A] {strides = array<i32>} : memref<640xf32, #tpu.memory_space<vmem>>, vector<16xf32>,
      %get3A_125 = arith.index_cast %mul3A_123 : i32 to index
      %get3A_126 = tpu.vector_load %arg9[%get3A_125] {strides = array<i32>} : memref<640xf32, #tpu.memory_space<vmem>>, vector<16xf32>,
      %max3A = arith.maximumf %get3A_124, %get3A_126 : vector<16xf32>
      %swap3A = arith.index_cast %mul3A_123 : i32 to index
      %swap3A_127 = tpu.vector_load %arg8[%swap3A] {strides = array<i32>} : memref<640xf32, #tpu.memory_space<vmem>>, vector<16xf32>,
      tpu.vector_store %arg8[%swap3A], %max3A {strides = array<i32>} : memref<640xf32, #tpu.memory_space<vmem>>, vector<16xf32>,
    }
    %scan3A_113 = arith.constant 40 : i32
    %run_scoped3A_114 = arith.constant 15 : i32
    "tpu.region"() ({
      %run_scoped3A_121 = tpu.sem_alloc : memref<!tpu.dma_semaphore, #tpu.memory_space<semaphore_mem>>
      %dma_start3A = tpu.memref_slice %arg10[%run_scoped3A_114, %mul3A_15] : memref<16x10240xf32, #tpu.memory_space<vmem_shared>> -> memref<1x640xf32, #tpu.memory_space<vmem_shared>>
      %dma_start3A_122 = tpu.memref_squeeze %dma_start3A : memref<1x640xf32, #tpu.memory_space<vmem_shared>> -> memref<640xf32, #tpu.memory_space<vmem_shared>>
      %dma_start3A_123 = tpu.memref_slice %arg10[%run_scoped3A_114, %mul3A_15] : memref<16x10240xf32, #tpu.memory_space<vmem_shared>> -> memref<1x640xf32, #tpu.memory_space<vmem_shared>>
      %dma_start3A_124 = tpu.memref_squeeze %dma_start3A_123 : memref<1x640xf32, #tpu.memory_space<vmem_shared>> -> memref<640xf32, #tpu.memory_space<vmem_shared>>
      tpu.enqueue_dma source(%dma_start3A_124 : memref<640xf32, #tpu.memory_space<vmem_shared>>) target(%arg9 : memref<640xf32, #tpu.memory_space<vmem>>) target_semaphore(%run_scoped3A_121 : memref<!tpu.dma_semaphore, #tpu.memory_space<semaphore_mem>>)
      %dma_wait3A = tpu.memref_slice %arg10[%run_scoped3A_114, %mul3A_15] : memref<16x10240xf32, #tpu.memory_space<vmem_shared>> -> memref<1x640xf32, #tpu.memory_space<vmem_shared>>
      %dma_wait3A_125 = tpu.memref_squeeze %dma_wait3A : memref<1x640xf32, #tpu.memory_space<vmem_shared>> -> memref<640xf32, #tpu.memory_space<vmem_shared>>
      %dma_wait3A_126 = tpu.memref_slice %arg10[%run_scoped3A_114, %mul3A_15] : memref<16x10240xf32, #tpu.memory_space<vmem_shared>> -> memref<1x640xf32, #tpu.memory_space<vmem_shared>>
      %dma_wait3A_127 = tpu.memref_squeeze %dma_wait3A_126 : memref<1x640xf32, #tpu.memory_space<vmem_shared>> -> memref<640xf32, #tpu.memory_space<vmem_shared>>
      tpu.wait_dma2 semaphore(%run_scoped3A_121 : memref<!tpu.dma_semaphore, #tpu.memory_space<semaphore_mem>>) src(%dma_wait3A_127 : memref<640xf32, #tpu.memory_space<vmem_shared>>) dst(%arg9 : memref<640xf32, #tpu.memory_space<vmem>>)
      tpu.yield
    }) : () -> ()
    %scan3A_115 = arith.constant 0 : i32
    %scan3A_116 = arith.constant 0 : i32
    %scan3A_117 = arith.constant 40 : i32
    %scan3A_118 = arith.addi %scan3A_116, %scan3A_117 : i32
    %scan3A_119 = arith.constant 1 : i32
    scf.for %scan3A_121 = %scan3A_116 to %scan3A_118 step %scan3A_119  : i32 {
      %mul3A_122 = arith.constant 16 : i32
      %mul3A_123 = arith.muli %scan3A_121, %mul3A_122 : i32
      %get3A = arith.index_cast %mul3A_123 : i32 to index
      %get3A_124 = tpu.vector_load %arg8[%get3A] {strides = array<i32>} : memref<640xf32, #tpu.memory_space<vmem>>, vector<16xf32>,
      %get3A_125 = arith.index_cast %mul3A_123 : i32 to index
      %get3A_126 = tpu.vector_load %arg9[%get3A_125] {strides = array<i32>} : memref<640xf32, #tpu.memory_space<vmem>>, vector<16xf32>,
      %max3A = arith.maximumf %get3A_124, %get3A_126 : vector<16xf32>
      %swap3A = arith.index_cast %mul3A_123 : i32 to index
      %swap3A_127 = tpu.vector_load %arg8[%swap3A] {strides = array<i32>} : memref<640xf32, #tpu.memory_space<vmem>>, vector<16xf32>,
      tpu.vector_store %arg8[%swap3A], %max3A {strides = array<i32>} : memref<640xf32, #tpu.memory_space<vmem>>, vector<16xf32>,
    }
    %scan3A_120 = arith.constant 40 : i32
    "tpu.region"() ({
      %run_scoped3A_121 = tpu.sem_alloc : memref<!tpu.dma_semaphore, #tpu.memory_space<semaphore_mem>>
      %dma_start3A = tpu.memref_slice %arg4[%arg0, %mul3A_15] : memref<2x10240xf32, #tpu.memory_space<hbm>> -> memref<1x640xf32, #tpu.memory_space<hbm>>
      %dma_start3A_122 = tpu.memref_squeeze %dma_start3A : memref<1x640xf32, #tpu.memory_space<hbm>> -> memref<640xf32, #tpu.memory_space<hbm>>
      %dma_start3A_123 = tpu.memref_slice %arg4[%arg0, %mul3A_15] : memref<2x10240xf32, #tpu.memory_space<hbm>> -> memref<1x640xf32, #tpu.memory_space<hbm>>
      %dma_start3A_124 = tpu.memref_squeeze %dma_start3A_123 : memref<1x640xf32, #tpu.memory_space<hbm>> -> memref<640xf32, #tpu.memory_space<hbm>>
      tpu.enqueue_dma source(%arg8 : memref<640xf32, #tpu.memory_space<vmem>>) target(%dma_start3A_124 : memref<640xf32, #tpu.memory_space<hbm>>) target_semaphore(%run_scoped3A_121 : memref<!tpu.dma_semaphore, #tpu.memory_space<semaphore_mem>>)
      %dma_wait3A = tpu.memref_slice %arg4[%arg0, %mul3A_15] : memref<2x10240xf32, #tpu.memory_space<hbm>> -> memref<1x640xf32, #tpu.memory_space<hbm>>
      %dma_wait3A_125 = tpu.memref_squeeze %dma_wait3A : memref<1x640xf32, #tpu.memory_space<hbm>> -> memref<640xf32, #tpu.memory_space<hbm>>
      %dma_wait3A_126 = tpu.memref_slice %arg4[%arg0, %mul3A_15] : memref<2x10240xf32, #tpu.memory_space<hbm>> -> memref<1x640xf32, #tpu.memory_space<hbm>>
      %dma_wait3A_127 = tpu.memref_squeeze %dma_wait3A_126 : memref<1x640xf32, #tpu.memory_space<hbm>> -> memref<640xf32, #tpu.memory_space<hbm>>
      tpu.wait_dma2 semaphore(%run_scoped3A_121 : memref<!tpu.dma_semaphore, #tpu.memory_space<semaphore_mem>>) src(%arg8 : memref<640xf32, #tpu.memory_space<vmem>>) dst(%dma_wait3A_127 : memref<640xf32, #tpu.memory_space<hbm>>)
      tpu.yield
    }) : () -> ()
    return
  }
}

#map = affine_map<(d0, d1) -> (0, 0)>
#map1 = affine_map<(d0, d1) -> (0)>
#map2 = affine_map<(d0, d1) -> (0, 0, 0)>
module attributes {stable_mosaic.version = 14 : i64} {
  func.func @body(%arg0: i32, %arg1: i32, %arg2: memref<320000x32xf32, #tpu.memory_space<hbm>>, %arg3: memref<320000xi32, #tpu.memory_space<hbm>>, %arg4: memref<2x10240x32xf32, #tpu.memory_space<hbm>>, %arg5: memref<1000xi32, #tpu.memory_space<vmem>>, %arg6: memref<1000x32xf32, #tpu.memory_space<vmem>>, %arg7: memref<640x32xf32, #tpu.memory_space<vmem>>, %arg8: memref<10240x32xf32, #tpu.memory_space<vmem_shared>>) attributes {dimension_semantics = [#tpu.dimension_semantics<core_parallel>, #tpu.dimension_semantics<subcore_parallel>], iteration_bounds = array<i64: 2, 16>, scalar_prefetch = 0 : i64, scratch_operands = 4 : i64, tpu.core_type = #tpu.core_type<sc_vector_subcore>, window_params = [{transform_indices = #map}, {transform_indices = #map1}, {transform_indices = #map2}]} {
    %mul3A = arith.constant 2 : i32
    %mul3A_0 = arith.muli %arg1, %mul3A : i32
    %add3A = arith.addi %mul3A_0, %arg0 : i32
    %mul3A_1 = arith.constant 10000 : i32
    %mul3A_2 = arith.muli %add3A, %mul3A_1 : i32
    %mul3A_3 = arith.constant 640 : i32
    %mul3A_4 = arith.muli %arg1, %mul3A_3 : i32
    %scan3A = arith.constant 0 : i32
    %scan3A_5 = arith.constant 0 : i32
    %scan3A_6 = arith.constant 640 : i32
    %scan3A_7 = arith.addi %scan3A_5, %scan3A_6 : i32
    %scan3A_8 = arith.constant 1 : i32
    scf.for %scan3A_17 = %scan3A_5 to %scan3A_7 step %scan3A_8  : i32 {
      %broadcast_in_dim3A = arith.constant 0.000000e+00 : f32
      %broadcast_in_dim3A_18 = vector.broadcast %broadcast_in_dim3A : f32 to vector<16xf32>
      %swap3A = arith.index_cast %scan3A_17 : i32 to index
      %swap3A_19 = arith.constant 0 : index
      %swap3A_20 = tpu.vector_load %arg7[%swap3A, %swap3A_19] {strides = array<i32>} : memref<640x32xf32, #tpu.memory_space<vmem>>, vector<16xf32>,
      tpu.vector_store %arg7[%swap3A, %swap3A_19], %broadcast_in_dim3A_18 {strides = array<i32>} : memref<640x32xf32, #tpu.memory_space<vmem>>, vector<16xf32>,
      %broadcast_in_dim3A_21 = arith.constant 0.000000e+00 : f32
      %broadcast_in_dim3A_22 = vector.broadcast %broadcast_in_dim3A_21 : f32 to vector<16xf32>
      %swap3A_23 = arith.index_cast %scan3A_17 : i32 to index
      %swap3A_24 = arith.constant 16 : index
      %swap3A_25 = tpu.vector_load %arg7[%swap3A_23, %swap3A_24] {strides = array<i32>} : memref<640x32xf32, #tpu.memory_space<vmem>>, vector<16xf32>,
      tpu.vector_store %arg7[%swap3A_23, %swap3A_24], %broadcast_in_dim3A_22 {strides = array<i32>} : memref<640x32xf32, #tpu.memory_space<vmem>>, vector<16xf32>,
    }
    %scan3A_9 = arith.constant 640 : i32
    "tpu.region"() ({
      %run_scoped3A = tpu.sem_alloc : memref<!tpu.dma_semaphore, #tpu.memory_space<semaphore_mem>>
      %dma_start3A = arith.constant 0 : i32
      %dma_start3A_17 = tpu.memref_slice %arg8[%mul3A_4, %dma_start3A] : memref<10240x32xf32, #tpu.memory_space<vmem_shared>> -> memref<640x32xf32, #tpu.memory_space<vmem_shared>>
      %dma_start3A_18 = arith.constant 0 : i32
      %dma_start3A_19 = tpu.memref_slice %arg8[%mul3A_4, %dma_start3A_18] : memref<10240x32xf32, #tpu.memory_space<vmem_shared>> -> memref<640x32xf32, #tpu.memory_space<vmem_shared>>
      tpu.enqueue_dma source(%arg7 : memref<640x32xf32, #tpu.memory_space<vmem>>) target(%dma_start3A_19 : memref<640x32xf32, #tpu.memory_space<vmem_shared>>) target_semaphore(%run_scoped3A : memref<!tpu.dma_semaphore, #tpu.memory_space<semaphore_mem>>)
      %dma_wait3A = arith.constant 0 : i32
      %dma_wait3A_20 = tpu.memref_slice %arg8[%mul3A_4, %dma_wait3A] : memref<10240x32xf32, #tpu.memory_space<vmem_shared>> -> memref<640x32xf32, #tpu.memory_space<vmem_shared>>
      %dma_wait3A_21 = arith.constant 0 : i32
      %dma_wait3A_22 = tpu.memref_slice %arg8[%mul3A_4, %dma_wait3A_21] : memref<10240x32xf32, #tpu.memory_space<vmem_shared>> -> memref<640x32xf32, #tpu.memory_space<vmem_shared>>
      tpu.wait_dma2 semaphore(%run_scoped3A : memref<!tpu.dma_semaphore, #tpu.memory_space<semaphore_mem>>) src(%arg7 : memref<640x32xf32, #tpu.memory_space<vmem>>) dst(%dma_wait3A_22 : memref<640x32xf32, #tpu.memory_space<vmem_shared>>)
      tpu.yield
    }) : () -> ()
    %barrier3A = arith.constant 0 : index
    tpu.barrier barrier_id(%barrier3A)
    %scan3A_10 = arith.constant 0 : i32
    %scan3A_11 = arith.constant 0 : i32
    %scan3A_12 = arith.constant 10 : i32
    %scan3A_13 = arith.addi %scan3A_11, %scan3A_12 : i32
    %scan3A_14 = arith.constant 1 : i32
    scf.for %scan3A_17 = %scan3A_11 to %scan3A_13 step %scan3A_14  : i32 {
      %mul3A_18 = arith.constant 1000 : i32
      %mul3A_19 = arith.muli %scan3A_17, %mul3A_18 : i32
      %add3A_20 = arith.addi %mul3A_2, %mul3A_19 : i32
      "tpu.region"() ({
        %run_scoped3A = tpu.sem_alloc : memref<!tpu.dma_semaphore, #tpu.memory_space<semaphore_mem>>
        %dma_start3A = tpu.memref_slice %arg3[%add3A_20] : memref<320000xi32, #tpu.memory_space<hbm>> -> memref<1000xi32, #tpu.memory_space<hbm>>
        %dma_start3A_21 = tpu.memref_slice %arg3[%add3A_20] : memref<320000xi32, #tpu.memory_space<hbm>> -> memref<1000xi32, #tpu.memory_space<hbm>>
        tpu.enqueue_dma source(%dma_start3A_21 : memref<1000xi32, #tpu.memory_space<hbm>>) target(%arg5 : memref<1000xi32, #tpu.memory_space<vmem>>) target_semaphore(%run_scoped3A : memref<!tpu.dma_semaphore, #tpu.memory_space<semaphore_mem>>)
        %dma_wait3A = tpu.memref_slice %arg3[%add3A_20] : memref<320000xi32, #tpu.memory_space<hbm>> -> memref<1000xi32, #tpu.memory_space<hbm>>
        %dma_wait3A_22 = tpu.memref_slice %arg3[%add3A_20] : memref<320000xi32, #tpu.memory_space<hbm>> -> memref<1000xi32, #tpu.memory_space<hbm>>
        tpu.wait_dma2 semaphore(%run_scoped3A : memref<!tpu.dma_semaphore, #tpu.memory_space<semaphore_mem>>) src(%dma_wait3A_22 : memref<1000xi32, #tpu.memory_space<hbm>>) dst(%arg5 : memref<1000xi32, #tpu.memory_space<vmem>>)
        tpu.yield
      }) : () -> ()
      "tpu.region"() ({
        %run_scoped3A = tpu.sem_alloc : memref<!tpu.dma_semaphore, #tpu.memory_space<semaphore_mem>>
        %dma_start3A = arith.constant 0 : i32
        %dma_start3A_21 = tpu.memref_slice %arg2[%add3A_20, %dma_start3A] : memref<320000x32xf32, #tpu.memory_space<hbm>> -> memref<1000x32xf32, #tpu.memory_space<hbm>>
        %dma_start3A_22 = arith.constant 0 : i32
        %dma_start3A_23 = tpu.memref_slice %arg2[%add3A_20, %dma_start3A_22] : memref<320000x32xf32, #tpu.memory_space<hbm>> -> memref<1000x32xf32, #tpu.memory_space<hbm>>
        tpu.enqueue_dma source(%dma_start3A_23 : memref<1000x32xf32, #tpu.memory_space<hbm>>) target(%arg6 : memref<1000x32xf32, #tpu.memory_space<vmem>>) target_semaphore(%run_scoped3A : memref<!tpu.dma_semaphore, #tpu.memory_space<semaphore_mem>>)
        %dma_wait3A = arith.constant 0 : i32
        %dma_wait3A_24 = tpu.memref_slice %arg2[%add3A_20, %dma_wait3A] : memref<320000x32xf32, #tpu.memory_space<hbm>> -> memref<1000x32xf32, #tpu.memory_space<hbm>>
        %dma_wait3A_25 = arith.constant 0 : i32
        %dma_wait3A_26 = tpu.memref_slice %arg2[%add3A_20, %dma_wait3A_25] : memref<320000x32xf32, #tpu.memory_space<hbm>> -> memref<1000x32xf32, #tpu.memory_space<hbm>>
        tpu.wait_dma2 semaphore(%run_scoped3A : memref<!tpu.dma_semaphore, #tpu.memory_space<semaphore_mem>>) src(%dma_wait3A_26 : memref<1000x32xf32, #tpu.memory_space<hbm>>) dst(%arg6 : memref<1000x32xf32, #tpu.memory_space<vmem>>)
        tpu.yield
      }) : () -> ()
      "tpu.region"() ({
        %run_scoped3A = tpu.sem_alloc : memref<!tpu.dma_semaphore, #tpu.memory_space<semaphore_mem>>
        %dma_start3A = arith.constant 0 : i32
        %dma_start3A_21 = arith.constant 0 : i32
        %dma_start3A_22 = tpu.memref_slice %arg8[%dma_start3A, %dma_start3A_21] : memref<10240x32xf32, #tpu.memory_space<vmem_shared>> -> memref<10240x32xf32, #tpu.memory_space<vmem_shared>>
        tpu.enqueue_indirect_dma source(%arg6 : memref<1000x32xf32, #tpu.memory_space<vmem>>) target(%dma_start3A_22 : memref<10240x32xf32, #tpu.memory_space<vmem_shared>>) offsets(%arg5 : memref<1000xi32, #tpu.memory_space<vmem>>) semaphore(%run_scoped3A : memref<!tpu.dma_semaphore, #tpu.memory_space<semaphore_mem>>) {add = true}
        %dma_wait3A = arith.constant 0 : i32
        %dma_wait3A_23 = arith.constant 0 : i32
        %dma_wait3A_24 = tpu.memref_slice %arg8[%dma_wait3A, %dma_wait3A_23] : memref<10240x32xf32, #tpu.memory_space<vmem_shared>> -> memref<10240x32xf32, #tpu.memory_space<vmem_shared>>
        tpu.wait_indirect_dma semaphore(%run_scoped3A : memref<!tpu.dma_semaphore, #tpu.memory_space<semaphore_mem>>) src(%arg6 : memref<1000x32xf32, #tpu.memory_space<vmem>>) dst(%dma_wait3A_24 : memref<10240x32xf32, #tpu.memory_space<vmem_shared>>)
        tpu.yield
      }) : () -> ()
    }
    %scan3A_15 = arith.constant 10 : i32
    %barrier3A_16 = arith.constant 0 : index
    tpu.barrier barrier_id(%barrier3A_16)
    "tpu.region"() ({
      %run_scoped3A = tpu.sem_alloc : memref<!tpu.dma_semaphore, #tpu.memory_space<semaphore_mem>>
      %dma_start3A = arith.constant 0 : i32
      %dma_start3A_17 = tpu.memref_slice %arg4[%arg0, %mul3A_4, %dma_start3A] : memref<2x10240x32xf32, #tpu.memory_space<hbm>> -> memref<1x640x32xf32, #tpu.memory_space<hbm>>
      %dma_start3A_18 = tpu.memref_squeeze %dma_start3A_17 : memref<1x640x32xf32, #tpu.memory_space<hbm>> -> memref<640x32xf32, #tpu.memory_space<hbm>>
      %dma_start3A_19 = arith.constant 0 : i32
      %dma_start3A_20 = tpu.memref_slice %arg8[%mul3A_4, %dma_start3A_19] : memref<10240x32xf32, #tpu.memory_space<vmem_shared>> -> memref<640x32xf32, #tpu.memory_space<vmem_shared>>
      tpu.enqueue_dma source(%dma_start3A_20 : memref<640x32xf32, #tpu.memory_space<vmem_shared>>) target(%dma_start3A_18 : memref<640x32xf32, #tpu.memory_space<hbm>>) target_semaphore(%run_scoped3A : memref<!tpu.dma_semaphore, #tpu.memory_space<semaphore_mem>>)
      %dma_wait3A = arith.constant 0 : i32
      %dma_wait3A_21 = tpu.memref_slice %arg4[%arg0, %mul3A_4, %dma_wait3A] : memref<2x10240x32xf32, #tpu.memory_space<hbm>> -> memref<1x640x32xf32, #tpu.memory_space<hbm>>
      %dma_wait3A_22 = tpu.memref_squeeze %dma_wait3A_21 : memref<1x640x32xf32, #tpu.memory_space<hbm>> -> memref<640x32xf32, #tpu.memory_space<hbm>>
      %dma_wait3A_23 = arith.constant 0 : i32
      %dma_wait3A_24 = tpu.memref_slice %arg8[%mul3A_4, %dma_wait3A_23] : memref<10240x32xf32, #tpu.memory_space<vmem_shared>> -> memref<640x32xf32, #tpu.memory_space<vmem_shared>>
      tpu.wait_dma2 semaphore(%run_scoped3A : memref<!tpu.dma_semaphore, #tpu.memory_space<semaphore_mem>>) src(%dma_wait3A_24 : memref<640x32xf32, #tpu.memory_space<vmem_shared>>) dst(%dma_wait3A_22 : memref<640x32xf32, #tpu.memory_space<hbm>>)
      tpu.yield
    }) : () -> ()
    return
  }
}

#map = affine_map<(d0, d1) -> (0)>
#map1 = affine_map<(d0, d1) -> (0, 0)>
module attributes {stable_mosaic.version = 14 : i64} {
  func.func @body(%arg0: i32, %arg1: i32, %arg2: memref<320000xf32, #tpu.memory_space<hbm>>, %arg3: memref<320000xi32, #tpu.memory_space<hbm>>, %arg4: memref<2x10240xf32, #tpu.memory_space<hbm>>, %arg5: memref<320000xf32, #tpu.memory_space<hbm>>, %arg6: memref<2x10240xf32, #tpu.memory_space<hbm>>, %arg7: memref<400xi32, #tpu.memory_space<vmem>>, %arg8: memref<400xf32, #tpu.memory_space<vmem>>, %arg9: memref<400xf32, #tpu.memory_space<vmem>>, %arg10: memref<10240xf32, #tpu.memory_space<vmem>>, %arg11: memref<10240xf32, #tpu.memory_space<vmem>>, %arg12: memref<640xf32, #tpu.memory_space<vmem>>, %arg13: memref<10240xf32, #tpu.memory_space<vmem_shared>>) attributes {dimension_semantics = [#tpu.dimension_semantics<core_parallel>, #tpu.dimension_semantics<subcore_parallel>], iteration_bounds = array<i64: 2, 16>, scalar_prefetch = 0 : i64, scratch_operands = 7 : i64, tpu.core_type = #tpu.core_type<sc_vector_subcore>, window_params = [{transform_indices = #map}, {transform_indices = #map}, {transform_indices = #map1}, {transform_indices = #map}, {transform_indices = #map1}]} {
    %mul3A = arith.constant 2 : i32
    %mul3A_0 = arith.muli %arg1, %mul3A : i32
    %add3A = arith.addi %mul3A_0, %arg0 : i32
    %mul3A_1 = arith.constant 10000 : i32
    %mul3A_2 = arith.muli %add3A, %mul3A_1 : i32
    %mul3A_3 = arith.constant 640 : i32
    %mul3A_4 = arith.muli %arg1, %mul3A_3 : i32
    %run_scoped3A = arith.constant 0 : i32
    "tpu.region"() ({
      %run_scoped3A_24 = tpu.sem_alloc : memref<!tpu.dma_semaphore, #tpu.memory_space<semaphore_mem>>
      %dma_start3A = arith.constant 0 : i32
      %dma_start3A_25 = tpu.memref_slice %arg4[%run_scoped3A, %dma_start3A] : memref<2x10240xf32, #tpu.memory_space<hbm>> -> memref<1x10240xf32, #tpu.memory_space<hbm>>
      %dma_start3A_26 = tpu.memref_squeeze %dma_start3A_25 : memref<1x10240xf32, #tpu.memory_space<hbm>> -> memref<10240xf32, #tpu.memory_space<hbm>>
      %dma_start3A_27 = arith.constant 0 : i32
      %dma_start3A_28 = tpu.memref_slice %arg4[%run_scoped3A, %dma_start3A_27] : memref<2x10240xf32, #tpu.memory_space<hbm>> -> memref<1x10240xf32, #tpu.memory_space<hbm>>
      %dma_start3A_29 = tpu.memref_squeeze %dma_start3A_28 : memref<1x10240xf32, #tpu.memory_space<hbm>> -> memref<10240xf32, #tpu.memory_space<hbm>>
      tpu.enqueue_dma source(%dma_start3A_29 : memref<10240xf32, #tpu.memory_space<hbm>>) target(%arg10 : memref<10240xf32, #tpu.memory_space<vmem>>) target_semaphore(%run_scoped3A_24 : memref<!tpu.dma_semaphore, #tpu.memory_space<semaphore_mem>>)
      %dma_wait3A = arith.constant 0 : i32
      %dma_wait3A_30 = tpu.memref_slice %arg4[%run_scoped3A, %dma_wait3A] : memref<2x10240xf32, #tpu.memory_space<hbm>> -> memref<1x10240xf32, #tpu.memory_space<hbm>>
      %dma_wait3A_31 = tpu.memref_squeeze %dma_wait3A_30 : memref<1x10240xf32, #tpu.memory_space<hbm>> -> memref<10240xf32, #tpu.memory_space<hbm>>
      %dma_wait3A_32 = arith.constant 0 : i32
      %dma_wait3A_33 = tpu.memref_slice %arg4[%run_scoped3A, %dma_wait3A_32] : memref<2x10240xf32, #tpu.memory_space<hbm>> -> memref<1x10240xf32, #tpu.memory_space<hbm>>
      %dma_wait3A_34 = tpu.memref_squeeze %dma_wait3A_33 : memref<1x10240xf32, #tpu.memory_space<hbm>> -> memref<10240xf32, #tpu.memory_space<hbm>>
      tpu.wait_dma2 semaphore(%run_scoped3A_24 : memref<!tpu.dma_semaphore, #tpu.memory_space<semaphore_mem>>) src(%dma_wait3A_34 : memref<10240xf32, #tpu.memory_space<hbm>>) dst(%arg10 : memref<10240xf32, #tpu.memory_space<vmem>>)
      tpu.yield
    }) : () -> ()
    %run_scoped3A_5 = arith.constant 1 : i32
    "tpu.region"() ({
      %run_scoped3A_24 = tpu.sem_alloc : memref<!tpu.dma_semaphore, #tpu.memory_space<semaphore_mem>>
      %dma_start3A = arith.constant 0 : i32
      %dma_start3A_25 = tpu.memref_slice %arg4[%run_scoped3A_5, %dma_start3A] : memref<2x10240xf32, #tpu.memory_space<hbm>> -> memref<1x10240xf32, #tpu.memory_space<hbm>>
      %dma_start3A_26 = tpu.memref_squeeze %dma_start3A_25 : memref<1x10240xf32, #tpu.memory_space<hbm>> -> memref<10240xf32, #tpu.memory_space<hbm>>
      %dma_start3A_27 = arith.constant 0 : i32
      %dma_start3A_28 = tpu.memref_slice %arg4[%run_scoped3A_5, %dma_start3A_27] : memref<2x10240xf32, #tpu.memory_space<hbm>> -> memref<1x10240xf32, #tpu.memory_space<hbm>>
      %dma_start3A_29 = tpu.memref_squeeze %dma_start3A_28 : memref<1x10240xf32, #tpu.memory_space<hbm>> -> memref<10240xf32, #tpu.memory_space<hbm>>
      tpu.enqueue_dma source(%dma_start3A_29 : memref<10240xf32, #tpu.memory_space<hbm>>) target(%arg11 : memref<10240xf32, #tpu.memory_space<vmem>>) target_semaphore(%run_scoped3A_24 : memref<!tpu.dma_semaphore, #tpu.memory_space<semaphore_mem>>)
      %dma_wait3A = arith.constant 0 : i32
      %dma_wait3A_30 = tpu.memref_slice %arg4[%run_scoped3A_5, %dma_wait3A] : memref<2x10240xf32, #tpu.memory_space<hbm>> -> memref<1x10240xf32, #tpu.memory_space<hbm>>
      %dma_wait3A_31 = tpu.memref_squeeze %dma_wait3A_30 : memref<1x10240xf32, #tpu.memory_space<hbm>> -> memref<10240xf32, #tpu.memory_space<hbm>>
      %dma_wait3A_32 = arith.constant 0 : i32
      %dma_wait3A_33 = tpu.memref_slice %arg4[%run_scoped3A_5, %dma_wait3A_32] : memref<2x10240xf32, #tpu.memory_space<hbm>> -> memref<1x10240xf32, #tpu.memory_space<hbm>>
      %dma_wait3A_34 = tpu.memref_squeeze %dma_wait3A_33 : memref<1x10240xf32, #tpu.memory_space<hbm>> -> memref<10240xf32, #tpu.memory_space<hbm>>
      tpu.wait_dma2 semaphore(%run_scoped3A_24 : memref<!tpu.dma_semaphore, #tpu.memory_space<semaphore_mem>>) src(%dma_wait3A_34 : memref<10240xf32, #tpu.memory_space<hbm>>) dst(%arg11 : memref<10240xf32, #tpu.memory_space<vmem>>)
      tpu.yield
    }) : () -> ()
    %scan3A = arith.constant 0 : i32
    %scan3A_6 = arith.constant 0 : i32
    %scan3A_7 = arith.constant 640 : i32
    %scan3A_8 = arith.addi %scan3A_6, %scan3A_7 : i32
    %scan3A_9 = arith.constant 1 : i32
    scf.for %scan3A_24 = %scan3A_6 to %scan3A_8 step %scan3A_9  : i32 {
      %mul3A_25 = arith.constant 16 : i32
      %mul3A_26 = arith.muli %scan3A_24, %mul3A_25 : i32
      %get3A = arith.index_cast %mul3A_26 : i32 to index
      %get3A_27 = tpu.vector_load %arg10[%get3A] {strides = array<i32>} : memref<10240xf32, #tpu.memory_space<vmem>>, vector<16xf32>,
      %get3A_28 = arith.index_cast %mul3A_26 : i32 to index
      %get3A_29 = tpu.vector_load %arg11[%get3A_28] {strides = array<i32>} : memref<10240xf32, #tpu.memory_space<vmem>>, vector<16xf32>,
      %max3A = arith.maximumf %get3A_27, %get3A_29 : vector<16xf32>
      %swap3A = arith.index_cast %mul3A_26 : i32 to index
      %swap3A_30 = tpu.vector_load %arg10[%swap3A] {strides = array<i32>} : memref<10240xf32, #tpu.memory_space<vmem>>, vector<16xf32>,
      tpu.vector_store %arg10[%swap3A], %max3A {strides = array<i32>} : memref<10240xf32, #tpu.memory_space<vmem>>, vector<16xf32>,
    }
    %scan3A_10 = arith.constant 640 : i32
    %scan3A_11 = arith.constant 0 : i32
    %scan3A_12 = arith.constant 0 : i32
    %scan3A_13 = arith.constant 40 : i32
    %scan3A_14 = arith.addi %scan3A_12, %scan3A_13 : i32
    %scan3A_15 = arith.constant 1 : i32
    scf.for %scan3A_24 = %scan3A_12 to %scan3A_14 step %scan3A_15  : i32 {
      %broadcast_in_dim3A = arith.constant 0.000000e+00 : f32
      %broadcast_in_dim3A_25 = vector.broadcast %broadcast_in_dim3A : f32 to vector<16xf32>
      %mul3A_26 = arith.constant 16 : i32
      %mul3A_27 = arith.muli %scan3A_24, %mul3A_26 : i32
      %swap3A = arith.index_cast %mul3A_27 : i32 to index
      %swap3A_28 = tpu.vector_load %arg12[%swap3A] {strides = array<i32>} : memref<640xf32, #tpu.memory_space<vmem>>, vector<16xf32>,
      tpu.vector_store %arg12[%swap3A], %broadcast_in_dim3A_25 {strides = array<i32>} : memref<640xf32, #tpu.memory_space<vmem>>, vector<16xf32>,
    }
    %scan3A_16 = arith.constant 40 : i32
    "tpu.region"() ({
      %run_scoped3A_24 = tpu.sem_alloc : memref<!tpu.dma_semaphore, #tpu.memory_space<semaphore_mem>>
      %dma_start3A = tpu.memref_slice %arg13[%mul3A_4] : memref<10240xf32, #tpu.memory_space<vmem_shared>> -> memref<640xf32, #tpu.memory_space<vmem_shared>>
      %dma_start3A_25 = tpu.memref_slice %arg13[%mul3A_4] : memref<10240xf32, #tpu.memory_space<vmem_shared>> -> memref<640xf32, #tpu.memory_space<vmem_shared>>
      tpu.enqueue_dma source(%arg12 : memref<640xf32, #tpu.memory_space<vmem>>) target(%dma_start3A_25 : memref<640xf32, #tpu.memory_space<vmem_shared>>) target_semaphore(%run_scoped3A_24 : memref<!tpu.dma_semaphore, #tpu.memory_space<semaphore_mem>>)
      %dma_wait3A = tpu.memref_slice %arg13[%mul3A_4] : memref<10240xf32, #tpu.memory_space<vmem_shared>> -> memref<640xf32, #tpu.memory_space<vmem_shared>>
      %dma_wait3A_26 = tpu.memref_slice %arg13[%mul3A_4] : memref<10240xf32, #tpu.memory_space<vmem_shared>> -> memref<640xf32, #tpu.memory_space<vmem_shared>>
      tpu.wait_dma2 semaphore(%run_scoped3A_24 : memref<!tpu.dma_semaphore, #tpu.memory_space<semaphore_mem>>) src(%arg12 : memref<640xf32, #tpu.memory_space<vmem>>) dst(%dma_wait3A_26 : memref<640xf32, #tpu.memory_space<vmem_shared>>)
      tpu.yield
    }) : () -> ()
    %barrier3A = arith.constant 0 : index
    tpu.barrier barrier_id(%barrier3A)
    %scan3A_17 = arith.constant 0 : i32
    %scan3A_18 = arith.constant 0 : i32
    %scan3A_19 = arith.constant 25 : i32
    %scan3A_20 = arith.addi %scan3A_18, %scan3A_19 : i32
    %scan3A_21 = arith.constant 1 : i32
    scf.for %scan3A_24 = %scan3A_18 to %scan3A_20 step %scan3A_21  : i32 {
      %mul3A_25 = arith.constant 400 : i32
      %mul3A_26 = arith.muli %scan3A_24, %mul3A_25 : i32
      %add3A_27 = arith.addi %mul3A_2, %mul3A_26 : i32
      "tpu.region"() ({
        %run_scoped3A_34 = tpu.sem_alloc : memref<!tpu.dma_semaphore, #tpu.memory_space<semaphore_mem>>
        %dma_start3A = tpu.memref_slice %arg3[%add3A_27] : memref<320000xi32, #tpu.memory_space<hbm>> -> memref<400xi32, #tpu.memory_space<hbm>>
        %dma_start3A_35 = tpu.memref_slice %arg3[%add3A_27] : memref<320000xi32, #tpu.memory_space<hbm>> -> memref<400xi32, #tpu.memory_space<hbm>>
        tpu.enqueue_dma source(%dma_start3A_35 : memref<400xi32, #tpu.memory_space<hbm>>) target(%arg7 : memref<400xi32, #tpu.memory_space<vmem>>) target_semaphore(%run_scoped3A_34 : memref<!tpu.dma_semaphore, #tpu.memory_space<semaphore_mem>>)
        %dma_wait3A = tpu.memref_slice %arg3[%add3A_27] : memref<320000xi32, #tpu.memory_space<hbm>> -> memref<400xi32, #tpu.memory_space<hbm>>
        %dma_wait3A_36 = tpu.memref_slice %arg3[%add3A_27] : memref<320000xi32, #tpu.memory_space<hbm>> -> memref<400xi32, #tpu.memory_space<hbm>>
        tpu.wait_dma2 semaphore(%run_scoped3A_34 : memref<!tpu.dma_semaphore, #tpu.memory_space<semaphore_mem>>) src(%dma_wait3A_36 : memref<400xi32, #tpu.memory_space<hbm>>) dst(%arg7 : memref<400xi32, #tpu.memory_space<vmem>>)
        tpu.yield
      }) : () -> ()
      "tpu.region"() ({
        %run_scoped3A_34 = tpu.sem_alloc : memref<!tpu.dma_semaphore, #tpu.memory_space<semaphore_mem>>
        %dma_start3A = tpu.memref_slice %arg2[%add3A_27] : memref<320000xf32, #tpu.memory_space<hbm>> -> memref<400xf32, #tpu.memory_space<hbm>>
        %dma_start3A_35 = tpu.memref_slice %arg2[%add3A_27] : memref<320000xf32, #tpu.memory_space<hbm>> -> memref<400xf32, #tpu.memory_space<hbm>>
        tpu.enqueue_dma source(%dma_start3A_35 : memref<400xf32, #tpu.memory_space<hbm>>) target(%arg8 : memref<400xf32, #tpu.memory_space<vmem>>) target_semaphore(%run_scoped3A_34 : memref<!tpu.dma_semaphore, #tpu.memory_space<semaphore_mem>>)
        %dma_wait3A = tpu.memref_slice %arg2[%add3A_27] : memref<320000xf32, #tpu.memory_space<hbm>> -> memref<400xf32, #tpu.memory_space<hbm>>
        %dma_wait3A_36 = tpu.memref_slice %arg2[%add3A_27] : memref<320000xf32, #tpu.memory_space<hbm>> -> memref<400xf32, #tpu.memory_space<hbm>>
        tpu.wait_dma2 semaphore(%run_scoped3A_34 : memref<!tpu.dma_semaphore, #tpu.memory_space<semaphore_mem>>) src(%dma_wait3A_36 : memref<400xf32, #tpu.memory_space<hbm>>) dst(%arg8 : memref<400xf32, #tpu.memory_space<vmem>>)
        tpu.yield
      }) : () -> ()
      %scan3A_28 = arith.constant 0 : i32
      %scan3A_29 = arith.constant 0 : i32
      %scan3A_30 = arith.constant 25 : i32
      %scan3A_31 = arith.addi %scan3A_29, %scan3A_30 : i32
      %scan3A_32 = arith.constant 1 : i32
      scf.for %scan3A_34 = %scan3A_29 to %scan3A_31 step %scan3A_32  : i32 {
        %mul3A_35 = arith.constant 16 : i32
        %mul3A_36 = arith.muli %scan3A_34, %mul3A_35 : i32
        %get3A = arith.index_cast %mul3A_36 : i32 to index
        %get3A_37 = tpu.vector_load %arg7[%get3A] {strides = array<i32>} : memref<400xi32, #tpu.memory_space<vmem>>, vector<16xi32>,
        %gather3A = tpu.vector_load_idx %arg10[%get3A_37] : memref<10240xf32, #tpu.memory_space<vmem>>[vector<16xi32>], vector<16xf32>,
        %get3A_38 = arith.index_cast %mul3A_36 : i32 to index
        %get3A_39 = tpu.vector_load %arg8[%get3A_38] {strides = array<i32>} : memref<400xf32, #tpu.memory_space<vmem>>, vector<16xf32>,
        %sub3A = arith.subf %get3A_39, %gather3A : vector<16xf32>
        %exp3A = math.exp %sub3A : vector<16xf32>
        %swap3A = arith.index_cast %mul3A_36 : i32 to index
        %swap3A_40 = tpu.vector_load %arg9[%swap3A] {strides = array<i32>} : memref<400xf32, #tpu.memory_space<vmem>>, vector<16xf32>,
        tpu.vector_store %arg9[%swap3A], %exp3A {strides = array<i32>} : memref<400xf32, #tpu.memory_space<vmem>>, vector<16xf32>,
      }
      %scan3A_33 = arith.constant 25 : i32
      "tpu.region"() ({
        %run_scoped3A_34 = tpu.sem_alloc : memref<!tpu.dma_semaphore, #tpu.memory_space<semaphore_mem>>
        %dma_start3A = tpu.memref_slice %arg5[%add3A_27] : memref<320000xf32, #tpu.memory_space<hbm>> -> memref<400xf32, #tpu.memory_space<hbm>>
        %dma_start3A_35 = tpu.memref_slice %arg5[%add3A_27] : memref<320000xf32, #tpu.memory_space<hbm>> -> memref<400xf32, #tpu.memory_space<hbm>>
        tpu.enqueue_dma source(%arg9 : memref<400xf32, #tpu.memory_space<vmem>>) target(%dma_start3A_35 : memref<400xf32, #tpu.memory_space<hbm>>) target_semaphore(%run_scoped3A_34 : memref<!tpu.dma_semaphore, #tpu.memory_space<semaphore_mem>>)
        %dma_wait3A = tpu.memref_slice %arg5[%add3A_27] : memref<320000xf32, #tpu.memory_space<hbm>> -> memref<400xf32, #tpu.memory_space<hbm>>
        %dma_wait3A_36 = tpu.memref_slice %arg5[%add3A_27] : memref<320000xf32, #tpu.memory_space<hbm>> -> memref<400xf32, #tpu.memory_space<hbm>>
        tpu.wait_dma2 semaphore(%run_scoped3A_34 : memref<!tpu.dma_semaphore, #tpu.memory_space<semaphore_mem>>) src(%arg9 : memref<400xf32, #tpu.memory_space<vmem>>) dst(%dma_wait3A_36 : memref<400xf32, #tpu.memory_space<hbm>>)
        tpu.yield
      }) : () -> ()
      "tpu.region"() ({
        %run_scoped3A_34 = tpu.sem_alloc : memref<!tpu.dma_semaphore, #tpu.memory_space<semaphore_mem>>
        %dma_start3A = arith.constant 0 : i32
        %dma_start3A_35 = tpu.memref_slice %arg13[%dma_start3A] : memref<10240xf32, #tpu.memory_space<vmem_shared>> -> memref<10240xf32, #tpu.memory_space<vmem_shared>>
        tpu.enqueue_indirect_dma source(%arg9 : memref<400xf32, #tpu.memory_space<vmem>>) target(%dma_start3A_35 : memref<10240xf32, #tpu.memory_space<vmem_shared>>) offsets(%arg7 : memref<400xi32, #tpu.memory_space<vmem>>) semaphore(%run_scoped3A_34 : memref<!tpu.dma_semaphore, #tpu.memory_space<semaphore_mem>>) {add = true}
        %dma_wait3A = arith.constant 0 : i32
        %dma_wait3A_36 = tpu.memref_slice %arg13[%dma_wait3A] : memref<10240xf32, #tpu.memory_space<vmem_shared>> -> memref<10240xf32, #tpu.memory_space<vmem_shared>>
        tpu.wait_indirect_dma semaphore(%run_scoped3A_34 : memref<!tpu.dma_semaphore, #tpu.memory_space<semaphore_mem>>) src(%arg9 : memref<400xf32, #tpu.memory_space<vmem>>) dst(%dma_wait3A_36 : memref<10240xf32, #tpu.memory_space<vmem_shared>>)
        tpu.yield
      }) : () -> ()
    }
    %scan3A_22 = arith.constant 25 : i32
    %barrier3A_23 = arith.constant 0 : index
    tpu.barrier barrier_id(%barrier3A_23)
    "tpu.region"() ({
      %run_scoped3A_24 = tpu.sem_alloc : memref<!tpu.dma_semaphore, #tpu.memory_space<semaphore_mem>>
      %dma_start3A = tpu.memref_slice %arg6[%arg0, %mul3A_4] : memref<2x10240xf32, #tpu.memory_space<hbm>> -> memref<1x640xf32, #tpu.memory_space<hbm>>
      %dma_start3A_25 = tpu.memref_squeeze %dma_start3A : memref<1x640xf32, #tpu.memory_space<hbm>> -> memref<640xf32, #tpu.memory_space<hbm>>
      %dma_start3A_26 = tpu.memref_slice %arg13[%mul3A_4] : memref<10240xf32, #tpu.memory_space<vmem_shared>> -> memref<640xf32, #tpu.memory_space<vmem_shared>>
      tpu.enqueue_dma source(%dma_start3A_26 : memref<640xf32, #tpu.memory_space<vmem_shared>>) target(%dma_start3A_25 : memref<640xf32, #tpu.memory_space<hbm>>) target_semaphore(%run_scoped3A_24 : memref<!tpu.dma_semaphore, #tpu.memory_space<semaphore_mem>>)
      %dma_wait3A = tpu.memref_slice %arg6[%arg0, %mul3A_4] : memref<2x10240xf32, #tpu.memory_space<hbm>> -> memref<1x640xf32, #tpu.memory_space<hbm>>
      %dma_wait3A_27 = tpu.memref_squeeze %dma_wait3A : memref<1x640xf32, #tpu.memory_space<hbm>> -> memref<640xf32, #tpu.memory_space<hbm>>
      %dma_wait3A_28 = tpu.memref_slice %arg13[%mul3A_4] : memref<10240xf32, #tpu.memory_space<vmem_shared>> -> memref<640xf32, #tpu.memory_space<vmem_shared>>
      tpu.wait_dma2 semaphore(%run_scoped3A_24 : memref<!tpu.dma_semaphore, #tpu.memory_space<semaphore_mem>>) src(%dma_wait3A_28 : memref<640xf32, #tpu.memory_space<vmem_shared>>) dst(%dma_wait3A_27 : memref<640xf32, #tpu.memory_space<hbm>>)
      tpu.yield
    }) : () -> ()
    return
  }
}

module attributes {stable_mosaic.version = 14 : i64} {
  func.func @body(%arg0: memref<10240x128xf32, #tpu.memory_space<vmem>>, %arg1: memref<128x64xf32, #tpu.memory_space<vmem>>, %arg2: memref<128x64xf32, #tpu.memory_space<vmem>>, %arg3: memref<1x16xf32, #tpu.memory_space<vmem>>, %arg4: memref<16x64xf32, #tpu.memory_space<vmem>>, %arg5: memref<1x64xf32, #tpu.memory_space<vmem>>, %arg6: memref<10240x64xf32, #tpu.memory_space<vmem>>, %arg7: memref<10240x64xf32, #tpu.memory_space<vmem>>) attributes {dimension_semantics = [], scalar_prefetch = 0 : i64, scratch_operands = 0 : i64, tpu.core_type = #tpu.core_type<tc>} {
    %get3A = arith.constant 0 : index
    %get3A_0 = arith.constant 0 : index
    %get3A_1 = vector.load %arg0[%get3A, %get3A_0] : memref<10240x128xf32, #tpu.memory_space<vmem>>, vector<10240x128xf32>
    %get3A_2 = arith.constant 0 : index
    %get3A_3 = arith.constant 0 : index
    %get3A_4 = vector.load %arg3[%get3A_2, %get3A_3] : memref<1x16xf32, #tpu.memory_space<vmem>>, vector<1x16xf32>
    %get3A_5 = arith.constant 0 : index
    %get3A_6 = arith.constant 0 : index
    %get3A_7 = vector.load %arg4[%get3A_5, %get3A_6] : memref<16x64xf32, #tpu.memory_space<vmem>>, vector<16x64xf32>
    %dot_general3A = arith.constant dense<0.000000e+00> : vector<1x64xf32>
    %dot_general3A_8 = tpu.matmul %get3A_4, %get3A_7, %dot_general3A {dimension_numbers = #tpu.dot_dimension_numbers<[1], [0], [0], [1], [0, 0, 1, 1], [], []>, transpose_lhs_hint = false} : vector<1x16xf32>, vector<16x64xf32>, vector<1x64xf32> -> vector<1x64xf32>
    %get3A_9 = arith.constant 0 : index
    %get3A_10 = arith.constant 0 : index
    %get3A_11 = vector.load %arg5[%get3A_9, %get3A_10] : memref<1x64xf32, #tpu.memory_space<vmem>>, vector<1x64xf32>
    %add3A = arith.addf %dot_general3A_8, %get3A_11 : vector<1x64xf32>
    %get3A_12 = arith.constant 0 : index
    %get3A_13 = arith.constant 0 : index
    %get3A_14 = vector.load %arg1[%get3A_12, %get3A_13] : memref<128x64xf32, #tpu.memory_space<vmem>>, vector<128x64xf32>
    %dot_general3A_15 = arith.constant dense<0.000000e+00> : vector<10240x64xf32>
    %dot_general3A_16 = tpu.matmul %get3A_1, %get3A_14, %dot_general3A_15 {dimension_numbers = #tpu.dot_dimension_numbers<[1], [0], [0], [1], [0, 0, 1, 1], [], []>, transpose_lhs_hint = false} : vector<10240x128xf32>, vector<128x64xf32>, vector<10240x64xf32> -> vector<10240x64xf32>
    %add3A_17 = vector.broadcast %add3A : vector<1x64xf32> to vector<10240x64xf32>
    %add3A_18 = arith.addf %dot_general3A_16, %add3A_17 : vector<10240x64xf32>
    %swap3A = arith.constant 0 : index
    %swap3A_19 = arith.constant 0 : index
    %swap3A_20 = vector.load %arg6[%swap3A, %swap3A_19] : memref<10240x64xf32, #tpu.memory_space<vmem>>, vector<10240x64xf32>
    tpu.vector_store %arg6[%swap3A, %swap3A_19], %add3A_18 {strides = array<i32>} : memref<10240x64xf32, #tpu.memory_space<vmem>>, vector<10240x64xf32>,
    %get3A_21 = arith.constant 0 : index
    %get3A_22 = arith.constant 0 : index
    %get3A_23 = vector.load %arg2[%get3A_21, %get3A_22] : memref<128x64xf32, #tpu.memory_space<vmem>>, vector<128x64xf32>
    %dot_general3A_24 = arith.constant dense<0.000000e+00> : vector<10240x64xf32>
    %dot_general3A_25 = tpu.matmul %get3A_1, %get3A_23, %dot_general3A_24 {dimension_numbers = #tpu.dot_dimension_numbers<[1], [0], [0], [1], [0, 0, 1, 1], [], []>, transpose_lhs_hint = false} : vector<10240x128xf32>, vector<128x64xf32>, vector<10240x64xf32> -> vector<10240x64xf32>
    %swap3A_26 = arith.constant 0 : index
    %swap3A_27 = arith.constant 0 : index
    %swap3A_28 = vector.load %arg7[%swap3A_26, %swap3A_27] : memref<10240x64xf32, #tpu.memory_space<vmem>>, vector<10240x64xf32>
    tpu.vector_store %arg7[%swap3A_26, %swap3A_27], %dot_general3A_25 {strides = array<i32>} : memref<10240x64xf32, #tpu.memory_space<vmem>>, vector<10240x64xf32>,
    return
  }
}

module attributes {stable_mosaic.version = 14 : i64} {
  func.func @body(%arg0: i32, %arg1: memref<2000x64xf32, #tpu.memory_space<vmem>>, %arg2: memref<2000x16xf32, #tpu.memory_space<vmem>>, %arg3: memref<16x64xf32, #tpu.memory_space<vmem>>, %arg4: memref<64x32xf32, #tpu.memory_space<vmem>>, %arg5: memref<1x32xf32, #tpu.memory_space<vmem>>, %arg6: memref<32x32xf32, #tpu.memory_space<vmem>>, %arg7: memref<1x32xf32, #tpu.memory_space<vmem>>, %arg8: memref<2000x32xf32, #tpu.memory_space<vmem>>, %arg9: memref<1x32xf32, #tpu.memory_space<vmem>>) attributes {dimension_semantics = [#tpu.dimension_semantics<arbitrary>], iteration_bounds = array<i64: 160>, scalar_prefetch = 0 : i64, scratch_operands = 0 : i64, tpu.core_type = #tpu.core_type<tc>, window_params = [{transform_indices = @transform_0, window_bounds = array<i64: 2000, 64>}, {transform_indices = @transform_1, window_bounds = array<i64: 2000, 16>}, {pipeline_mode = #tpu.pipeline_mode<synchronous>, transform_indices = @transform_2, window_bounds = array<i64: 16, 64>}, {pipeline_mode = #tpu.pipeline_mode<synchronous>, transform_indices = @transform_3, window_bounds = array<i64: 64, 32>}, {pipeline_mode = #tpu.pipeline_mode<synchronous>, transform_indices = @transform_4, window_bounds = array<i64: 1, 32>}, {pipeline_mode = #tpu.pipeline_mode<synchronous>, transform_indices = @transform_5, window_bounds = array<i64: 32, 32>}, {pipeline_mode = #tpu.pipeline_mode<synchronous>, transform_indices = @transform_6, window_bounds = array<i64: 1, 32>}, {transform_indices = @transform_7, window_bounds = array<i64: 2000, 32>}, {pipeline_mode = #tpu.pipeline_mode<synchronous>, transform_indices = @transform_8, window_bounds = array<i64: 1, 32>}]} {
    %get3A = arith.constant 0 : index
    %get3A_0 = arith.constant 0 : index
    %get3A_1 = vector.load %arg1[%get3A, %get3A_0] : memref<2000x64xf32, #tpu.memory_space<vmem>>, vector<2000x64xf32>
    %get3A_2 = arith.constant 0 : index
    %get3A_3 = arith.constant 0 : index
    %get3A_4 = vector.load %arg2[%get3A_2, %get3A_3] : memref<2000x16xf32, #tpu.memory_space<vmem>>, vector<2000x16xf32>
    %get3A_5 = arith.constant 0 : index
    %get3A_6 = arith.constant 0 : index
    %get3A_7 = vector.load %arg3[%get3A_5, %get3A_6] : memref<16x64xf32, #tpu.memory_space<vmem>>, vector<16x64xf32>
    %dot_general3A = arith.constant dense<0.000000e+00> : vector<2000x64xf32>
    %dot_general3A_8 = tpu.matmul %get3A_4, %get3A_7, %dot_general3A {dimension_numbers = #tpu.dot_dimension_numbers<[1], [0], [0], [1], [0, 0, 1, 1], [], []>, transpose_lhs_hint = false} : vector<2000x16xf32>, vector<16x64xf32>, vector<2000x64xf32> -> vector<2000x64xf32>
    %add3A = arith.addf %get3A_1, %dot_general3A_8 : vector<2000x64xf32>
    %max3A = arith.constant 0.000000e+00 : f32
    %max3A_9 = vector.broadcast %max3A : f32 to vector<2000x64xf32>
    %max3A_10 = arith.maximumf %add3A, %max3A_9 : vector<2000x64xf32>
    %get3A_11 = arith.constant 0 : index
    %get3A_12 = arith.constant 0 : index
    %get3A_13 = vector.load %arg4[%get3A_11, %get3A_12] : memref<64x32xf32, #tpu.memory_space<vmem>>, vector<64x32xf32>
    %dot_general3A_14 = arith.constant dense<0.000000e+00> : vector<2000x32xf32>
    %dot_general3A_15 = tpu.matmul %max3A_10, %get3A_13, %dot_general3A_14 {dimension_numbers = #tpu.dot_dimension_numbers<[1], [0], [0], [1], [0, 0, 1, 1], [], []>, transpose_lhs_hint = false} : vector<2000x64xf32>, vector<64x32xf32>, vector<2000x32xf32> -> vector<2000x32xf32>
    %get3A_16 = arith.constant 0 : index
    %get3A_17 = arith.constant 0 : index
    %get3A_18 = vector.load %arg5[%get3A_16, %get3A_17] : memref<1x32xf32, #tpu.memory_space<vmem>>, vector<1x32xf32>
    %add3A_19 = vector.broadcast %get3A_18 : vector<1x32xf32> to vector<2000x32xf32>
    %add3A_20 = arith.addf %dot_general3A_15, %add3A_19 : vector<2000x32xf32>
    %max3A_21 = arith.constant 0.000000e+00 : f32
    %max3A_22 = vector.broadcast %max3A_21 : f32 to vector<2000x32xf32>
    %max3A_23 = arith.maximumf %add3A_20, %max3A_22 : vector<2000x32xf32>
    %get3A_24 = arith.constant 0 : index
    %get3A_25 = arith.constant 0 : index
    %get3A_26 = vector.load %arg6[%get3A_24, %get3A_25] : memref<32x32xf32, #tpu.memory_space<vmem>>, vector<32x32xf32>
    %dot_general3A_27 = arith.constant dense<0.000000e+00> : vector<2000x32xf32>
    %dot_general3A_28 = tpu.matmul %max3A_23, %get3A_26, %dot_general3A_27 {dimension_numbers = #tpu.dot_dimension_numbers<[1], [0], [0], [1], [0, 0, 1, 1], [], []>, transpose_lhs_hint = false} : vector<2000x32xf32>, vector<32x32xf32>, vector<2000x32xf32> -> vector<2000x32xf32>
    %get3A_29 = arith.constant 0 : index
    %get3A_30 = arith.constant 0 : index
    %get3A_31 = vector.load %arg7[%get3A_29, %get3A_30] : memref<1x32xf32, #tpu.memory_space<vmem>>, vector<1x32xf32>
    %add3A_32 = vector.broadcast %get3A_31 : vector<1x32xf32> to vector<2000x32xf32>
    %add3A_33 = arith.addf %dot_general3A_28, %add3A_32 : vector<2000x32xf32>
    %max3A_34 = arith.constant 0.000000e+00 : f32
    %max3A_35 = vector.broadcast %max3A_34 : f32 to vector<2000x32xf32>
    %max3A_36 = arith.maximumf %add3A_33, %max3A_35 : vector<2000x32xf32>
    %swap3A = arith.constant 0 : index
    %swap3A_37 = arith.constant 0 : index
    %swap3A_38 = vector.load %arg8[%swap3A, %swap3A_37] : memref<2000x32xf32, #tpu.memory_space<vmem>>, vector<2000x32xf32>
    tpu.vector_store %arg8[%swap3A, %swap3A_37], %max3A_36 {strides = array<i32>} : memref<2000x32xf32, #tpu.memory_space<vmem>>, vector<2000x32xf32>,
    %reduce_sum3A = arith.constant dense<0.000000e+00> : vector<32xf32>
    %reduce_sum3A_39 = vector.multi_reduction <add>, %max3A_36, %reduce_sum3A [0] : vector<2000x32xf32> to vector<32xf32>
    %broadcast_in_dim3A = vector.shape_cast %reduce_sum3A_39 : vector<32xf32> to vector<1x32xf32>
    %eq3A = arith.constant 0 : i32
    %eq3A_40 = arith.cmpi eq, %arg0, %eq3A : i32
    %convert_element_type3A = arith.extui %eq3A_40 : i1 to i32
    %cond3A = arith.constant 0 : i32
    %cond3A_41 = arith.cmpi ne, %convert_element_type3A, %cond3A : i32
    scf.if %cond3A_41 {
      %swap3A_46 = arith.constant 0 : index
      %swap3A_47 = arith.constant 0 : index
      %swap3A_48 = vector.load %arg9[%swap3A_46, %swap3A_47] : memref<1x32xf32, #tpu.memory_space<vmem>>, vector<1x32xf32>
      tpu.vector_store %arg9[%swap3A_46, %swap3A_47], %broadcast_in_dim3A {strides = array<i32>} : memref<1x32xf32, #tpu.memory_space<vmem>>, vector<1x32xf32>,
    } else {
    }
    %ne3A = arith.constant 0 : i32
    %ne3A_42 = arith.cmpi ne, %arg0, %ne3A : i32
    %convert_element_type3A_43 = arith.extui %ne3A_42 : i1 to i32
    %cond3A_44 = arith.constant 0 : i32
    %cond3A_45 = arith.cmpi ne, %convert_element_type3A_43, %cond3A_44 : i32
    scf.if %cond3A_45 {
      %get3A_46 = arith.constant 0 : index
      %get3A_47 = arith.constant 0 : index
      %get3A_48 = vector.load %arg9[%get3A_46, %get3A_47] : memref<1x32xf32, #tpu.memory_space<vmem>>, vector<1x32xf32>
      %add3A_49 = arith.addf %get3A_48, %broadcast_in_dim3A : vector<1x32xf32>
      %swap3A_50 = arith.constant 0 : index
      %swap3A_51 = arith.constant 0 : index
      %swap3A_52 = vector.load %arg9[%swap3A_50, %swap3A_51] : memref<1x32xf32, #tpu.memory_space<vmem>>, vector<1x32xf32>
      tpu.vector_store %arg9[%swap3A_50, %swap3A_51], %add3A_49 {strides = array<i32>} : memref<1x32xf32, #tpu.memory_space<vmem>>, vector<1x32xf32>,
    } else {
    }
    return
  }
  func.func @transform_0(%arg0: i32) -> (i32, i32) {
    %c0_i32 = arith.constant 0 : i32
    %c0_i32_0 = arith.constant 0 : i32
    return %arg0, %c0_i32 : i32, i32
  }
  func.func @transform_1(%arg0: i32) -> (i32, i32) {
    %c0_i32 = arith.constant 0 : i32
    %c0_i32_0 = arith.constant 0 : i32
    return %arg0, %c0_i32 : i32, i32
  }
  func.func @transform_2(%arg0: i32) -> (i32, i32) {
    %c0_i32 = arith.constant 0 : i32
    %c0_i32_0 = arith.constant 0 : i32
    %c0_i32_1 = arith.constant 0 : i32
    return %c0_i32, %c0_i32_0 : i32, i32
  }
  func.func @transform_3(%arg0: i32) -> (i32, i32) {
    %c0_i32 = arith.constant 0 : i32
    %c0_i32_0 = arith.constant 0 : i32
    %c0_i32_1 = arith.constant 0 : i32
    return %c0_i32, %c0_i32_0 : i32, i32
  }
  func.func @transform_4(%arg0: i32) -> (i32, i32) {
    %c0_i32 = arith.constant 0 : i32
    %c0_i32_0 = arith.constant 0 : i32
    %c0_i32_1 = arith.constant 0 : i32
    return %c0_i32, %c0_i32_0 : i32, i32
  }
  func.func @transform_5(%arg0: i32) -> (i32, i32) {
    %c0_i32 = arith.constant 0 : i32
    %c0_i32_0 = arith.constant 0 : i32
    %c0_i32_1 = arith.constant 0 : i32
    return %c0_i32, %c0_i32_0 : i32, i32
  }
  func.func @transform_6(%arg0: i32) -> (i32, i32) {
    %c0_i32 = arith.constant 0 : i32
    %c0_i32_0 = arith.constant 0 : i32
    %c0_i32_1 = arith.constant 0 : i32
    return %c0_i32, %c0_i32_0 : i32, i32
  }
  func.func @transform_7(%arg0: i32) -> (i32, i32) {
    %c0_i32 = arith.constant 0 : i32
    %c0_i32_0 = arith.constant 0 : i32
    return %arg0, %c0_i32 : i32, i32
  }
  func.func @transform_8(%arg0: i32) -> (i32, i32) {
    %c0_i32 = arith.constant 0 : i32
    %c0_i32_0 = arith.constant 0 : i32
    %c0_i32_1 = arith.constant 0 : i32
    return %c0_i32, %c0_i32_0 : i32, i32
  }
}

module attributes {stable_mosaic.version = 14 : i64} {
  func.func @body(%arg0: memref<10240x128xf32, #tpu.memory_space<vmem>>, %arg1: memref<2x10240x32xf32, #tpu.memory_space<vmem>>, %arg2: memref<2x10240xf32, #tpu.memory_space<vmem>>, %arg3: memref<1x16xf32, #tpu.memory_space<vmem>>, %arg4: memref<128x64xf32, #tpu.memory_space<vmem>>, %arg5: memref<32x64xf32, #tpu.memory_space<vmem>>, %arg6: memref<16x64xf32, #tpu.memory_space<vmem>>, %arg7: memref<1x64xf32, #tpu.memory_space<vmem>>, %arg8: memref<64x32xf32, #tpu.memory_space<vmem>>, %arg9: memref<1x32xf32, #tpu.memory_space<vmem>>, %arg10: memref<32x32xf32, #tpu.memory_space<vmem>>, %arg11: memref<1x32xf32, #tpu.memory_space<vmem>>, %arg12: memref<10240x32xf32, #tpu.memory_space<vmem>>, %arg13: memref<1x32xf32, #tpu.memory_space<vmem>>, %arg14: memref<10240x32xf32, #tpu.memory_space<vmem>>) attributes {dimension_semantics = [], scalar_prefetch = 0 : i64, scratch_operands = 0 : i64, tpu.core_type = #tpu.core_type<tc>} {
    %get3A = arith.constant 0 : index
    %get3A_0 = arith.constant 0 : index
    %get3A_1 = arith.constant 0 : index
    %get3A_2 = vector.load %arg1[%get3A, %get3A_0, %get3A_1] : memref<2x10240x32xf32, #tpu.memory_space<vmem>>, vector<1x10240x32xf32>
    %get3A_3 = vector.shape_cast %get3A_2 : vector<1x10240x32xf32> to vector<10240x32xf32>
    %get3A_4 = arith.constant 1 : index
    %get3A_5 = arith.constant 0 : index
    %get3A_6 = arith.constant 0 : index
    %get3A_7 = vector.load %arg1[%get3A_4, %get3A_5, %get3A_6] : memref<2x10240x32xf32, #tpu.memory_space<vmem>>, vector<1x10240x32xf32>
    %get3A_8 = vector.shape_cast %get3A_7 : vector<1x10240x32xf32> to vector<10240x32xf32>
    %add3A = arith.addf %get3A_3, %get3A_8 : vector<10240x32xf32>
    %get3A_9 = arith.constant 0 : index
    %get3A_10 = arith.constant 0 : index
    %get3A_11 = vector.load %arg2[%get3A_9, %get3A_10] : memref<2x10240xf32, #tpu.memory_space<vmem>>, vector<1x10240xf32>
    %get3A_12 = vector.shape_cast %get3A_11 : vector<1x10240xf32> to vector<10240xf32>
    %get3A_13 = arith.constant 1 : index
    %get3A_14 = arith.constant 0 : index
    %get3A_15 = vector.load %arg2[%get3A_13, %get3A_14] : memref<2x10240xf32, #tpu.memory_space<vmem>>, vector<1x10240xf32>
    %get3A_16 = vector.shape_cast %get3A_15 : vector<1x10240xf32> to vector<10240xf32>
    %add3A_17 = arith.addf %get3A_12, %get3A_16 : vector<10240xf32>
    %max3A = arith.constant 1.000000e+00 : f32
    %max3A_18 = vector.broadcast %max3A : f32 to vector<10240xf32>
    %max3A_19 = arith.maximumf %add3A_17, %max3A_18 : vector<10240xf32>
    %broadcast_in_dim3A = vector.shape_cast %max3A_19 : vector<10240xf32> to vector<10240x1xf32>
    %div3A = vector.broadcast %broadcast_in_dim3A : vector<10240x1xf32> to vector<10240x32xf32>
    %div3A_20 = arith.divf %add3A, %div3A : vector<10240x32xf32>
    %get3A_21 = arith.constant 0 : index
    %get3A_22 = arith.constant 0 : index
    %get3A_23 = vector.load %arg0[%get3A_21, %get3A_22] : memref<10240x128xf32, #tpu.memory_space<vmem>>, vector<10240x128xf32>
    %get3A_24 = arith.constant 0 : index
    %get3A_25 = arith.constant 0 : index
    %get3A_26 = vector.load %arg4[%get3A_24, %get3A_25] : memref<128x64xf32, #tpu.memory_space<vmem>>, vector<128x64xf32>
    %dot_general3A = arith.constant dense<0.000000e+00> : vector<10240x64xf32>
    %dot_general3A_27 = tpu.matmul %get3A_23, %get3A_26, %dot_general3A {dimension_numbers = #tpu.dot_dimension_numbers<[1], [0], [0], [1], [0, 0, 1, 1], [], []>, transpose_lhs_hint = false} : vector<10240x128xf32>, vector<128x64xf32>, vector<10240x64xf32> -> vector<10240x64xf32>
    %get3A_28 = arith.constant 0 : index
    %get3A_29 = arith.constant 0 : index
    %get3A_30 = vector.load %arg5[%get3A_28, %get3A_29] : memref<32x64xf32, #tpu.memory_space<vmem>>, vector<32x64xf32>
    %dot_general3A_31 = arith.constant dense<0.000000e+00> : vector<10240x64xf32>
    %dot_general3A_32 = tpu.matmul %div3A_20, %get3A_30, %dot_general3A_31 {dimension_numbers = #tpu.dot_dimension_numbers<[1], [0], [0], [1], [0, 0, 1, 1], [], []>, transpose_lhs_hint = false} : vector<10240x32xf32>, vector<32x64xf32>, vector<10240x64xf32> -> vector<10240x64xf32>
    %add3A_33 = arith.addf %dot_general3A_27, %dot_general3A_32 : vector<10240x64xf32>
    %get3A_34 = arith.constant 0 : index
    %get3A_35 = arith.constant 0 : index
    %get3A_36 = vector.load %arg3[%get3A_34, %get3A_35] : memref<1x16xf32, #tpu.memory_space<vmem>>, vector<1x16xf32>
    %get3A_37 = arith.constant 0 : index
    %get3A_38 = arith.constant 0 : index
    %get3A_39 = vector.load %arg6[%get3A_37, %get3A_38] : memref<16x64xf32, #tpu.memory_space<vmem>>, vector<16x64xf32>
    %dot_general3A_40 = arith.constant dense<0.000000e+00> : vector<1x64xf32>
    %dot_general3A_41 = tpu.matmul %get3A_36, %get3A_39, %dot_general3A_40 {dimension_numbers = #tpu.dot_dimension_numbers<[1], [0], [0], [1], [0, 0, 1, 1], [], []>, transpose_lhs_hint = false} : vector<1x16xf32>, vector<16x64xf32>, vector<1x64xf32> -> vector<1x64xf32>
    %add3A_42 = vector.broadcast %dot_general3A_41 : vector<1x64xf32> to vector<10240x64xf32>
    %add3A_43 = arith.addf %add3A_33, %add3A_42 : vector<10240x64xf32>
    %get3A_44 = arith.constant 0 : index
    %get3A_45 = arith.constant 0 : index
    %get3A_46 = vector.load %arg7[%get3A_44, %get3A_45] : memref<1x64xf32, #tpu.memory_space<vmem>>, vector<1x64xf32>
    %add3A_47 = vector.broadcast %get3A_46 : vector<1x64xf32> to vector<10240x64xf32>
    %add3A_48 = arith.addf %add3A_43, %add3A_47 : vector<10240x64xf32>
    %max3A_49 = arith.constant 0.000000e+00 : f32
    %max3A_50 = vector.broadcast %max3A_49 : f32 to vector<10240x64xf32>
    %max3A_51 = arith.maximumf %add3A_48, %max3A_50 : vector<10240x64xf32>
    %get3A_52 = arith.constant 0 : index
    %get3A_53 = arith.constant 0 : index
    %get3A_54 = vector.load %arg8[%get3A_52, %get3A_53] : memref<64x32xf32, #tpu.memory_space<vmem>>, vector<64x32xf32>
    %dot_general3A_55 = arith.constant dense<0.000000e+00> : vector<10240x32xf32>
    %dot_general3A_56 = tpu.matmul %max3A_51, %get3A_54, %dot_general3A_55 {dimension_numbers = #tpu.dot_dimension_numbers<[1], [0], [0], [1], [0, 0, 1, 1], [], []>, transpose_lhs_hint = false} : vector<10240x64xf32>, vector<64x32xf32>, vector<10240x32xf32> -> vector<10240x32xf32>
    %get3A_57 = arith.constant 0 : index
    %get3A_58 = arith.constant 0 : index
    %get3A_59 = vector.load %arg9[%get3A_57, %get3A_58] : memref<1x32xf32, #tpu.memory_space<vmem>>, vector<1x32xf32>
    %add3A_60 = vector.broadcast %get3A_59 : vector<1x32xf32> to vector<10240x32xf32>
    %add3A_61 = arith.addf %dot_general3A_56, %add3A_60 : vector<10240x32xf32>
    %max3A_62 = arith.constant 0.000000e+00 : f32
    %max3A_63 = vector.broadcast %max3A_62 : f32 to vector<10240x32xf32>
    %max3A_64 = arith.maximumf %add3A_61, %max3A_63 : vector<10240x32xf32>
    %get3A_65 = arith.constant 0 : index
    %get3A_66 = arith.constant 0 : index
    %get3A_67 = vector.load %arg10[%get3A_65, %get3A_66] : memref<32x32xf32, #tpu.memory_space<vmem>>, vector<32x32xf32>
    %dot_general3A_68 = arith.constant dense<0.000000e+00> : vector<10240x32xf32>
    %dot_general3A_69 = tpu.matmul %max3A_64, %get3A_67, %dot_general3A_68 {dimension_numbers = #tpu.dot_dimension_numbers<[1], [0], [0], [1], [0, 0, 1, 1], [], []>, transpose_lhs_hint = false} : vector<10240x32xf32>, vector<32x32xf32>, vector<10240x32xf32> -> vector<10240x32xf32>
    %get3A_70 = arith.constant 0 : index
    %get3A_71 = arith.constant 0 : index
    %get3A_72 = vector.load %arg11[%get3A_70, %get3A_71] : memref<1x32xf32, #tpu.memory_space<vmem>>, vector<1x32xf32>
    %add3A_73 = vector.broadcast %get3A_72 : vector<1x32xf32> to vector<10240x32xf32>
    %add3A_74 = arith.addf %dot_general3A_69, %add3A_73 : vector<10240x32xf32>
    %max3A_75 = arith.constant 0.000000e+00 : f32
    %max3A_76 = vector.broadcast %max3A_75 : f32 to vector<10240x32xf32>
    %max3A_77 = arith.maximumf %add3A_74, %max3A_76 : vector<10240x32xf32>
    %iota3A = tpu.iota {dimensions = array<i32: 0>} : vector<10240x1xi32>
    %lt3A = arith.constant 10000 : i32
    %lt3A_78 = vector.broadcast %lt3A : i32 to vector<10240x1xi32>
    %lt3A_79 = arith.cmpi slt, %iota3A, %lt3A_78 : vector<10240x1xi32>
    %jit3A = arith.constant 0.000000e+00 : f32
    %broadcast_in_dim3A_80 = vector.shape_cast %lt3A_79 : vector<10240x1xi1> to vector<10240x1xi1>
    %broadcast_in_dim3A_81 = vector.broadcast %broadcast_in_dim3A_80 : vector<10240x1xi1> to vector<10240x32xi1>
    %broadcast_in_dim3A_82 = vector.broadcast %jit3A : f32 to vector<10240x32xf32>
    %select_n3A = arith.select %broadcast_in_dim3A_81, %max3A_77, %broadcast_in_dim3A_82 : vector<10240x32xi1>, vector<10240x32xf32>
    %reduce_sum3A = arith.constant dense<0.000000e+00> : vector<32xf32>
    %reduce_sum3A_83 = vector.multi_reduction <add>, %select_n3A, %reduce_sum3A [0] : vector<10240x32xf32> to vector<32xf32>
    %broadcast_in_dim3A_84 = vector.shape_cast %reduce_sum3A_83 : vector<32xf32> to vector<1x32xf32>
    %swap3A = arith.constant 0 : index
    %swap3A_85 = arith.constant 0 : index
    %swap3A_86 = vector.load %arg13[%swap3A, %swap3A_85] : memref<1x32xf32, #tpu.memory_space<vmem>>, vector<1x32xf32>
    tpu.vector_store %arg13[%swap3A, %swap3A_85], %broadcast_in_dim3A_84 {strides = array<i32>} : memref<1x32xf32, #tpu.memory_space<vmem>>, vector<1x32xf32>,
    %swap3A_87 = arith.constant 0 : index
    %swap3A_88 = arith.constant 0 : index
    %swap3A_89 = vector.load %arg12[%swap3A_87, %swap3A_88] : memref<10240x32xf32, #tpu.memory_space<vmem>>, vector<10240x32xf32>
    tpu.vector_store %arg12[%swap3A_87, %swap3A_88], %max3A_77 {strides = array<i32>} : memref<10240x32xf32, #tpu.memory_space<vmem>>, vector<10240x32xf32>,
    %swap3A_90 = arith.constant 0 : index
    %swap3A_91 = arith.constant 0 : index
    %swap3A_92 = vector.load %arg14[%swap3A_90, %swap3A_91] : memref<10240x32xf32, #tpu.memory_space<vmem>>, vector<10240x32xf32>
    tpu.vector_store %arg14[%swap3A_90, %swap3A_91], %add3A {strides = array<i32>} : memref<10240x32xf32, #tpu.memory_space<vmem>>, vector<10240x32xf32>,
    return
  }
}

module attributes {stable_mosaic.version = 14 : i64} {
  func.func @body(%arg0: memref<1x16xf32, #tpu.memory_space<vmem>>, %arg1: memref<1x32xf32, #tpu.memory_space<vmem>>, %arg2: memref<1x32xf32, #tpu.memory_space<vmem>>, %arg3: memref<16x64xf32, #tpu.memory_space<vmem>>, %arg4: memref<32x64xf32, #tpu.memory_space<vmem>>, %arg5: memref<32x64xf32, #tpu.memory_space<vmem>>, %arg6: memref<1x64xf32, #tpu.memory_space<vmem>>, %arg7: memref<64x32xf32, #tpu.memory_space<vmem>>, %arg8: memref<1x32xf32, #tpu.memory_space<vmem>>, %arg9: memref<32x32xf32, #tpu.memory_space<vmem>>, %arg10: memref<1x32xf32, #tpu.memory_space<vmem>>, %arg11: memref<10240x32xf32, #tpu.memory_space<vmem>>, %arg12: memref<32x64xf32, #tpu.memory_space<vmem>>, %arg13: memref<32x64xf32, #tpu.memory_space<vmem>>, %arg14: memref<32x64xf32, #tpu.memory_space<vmem>>, %arg15: memref<1x64xf32, #tpu.memory_space<vmem>>, %arg16: memref<1x32xf32, #tpu.memory_space<vmem>>, %arg17: memref<10240x64xf32, #tpu.memory_space<vmem>>, %arg18: memref<10240x64xf32, #tpu.memory_space<vmem>>) attributes {dimension_semantics = [], scalar_prefetch = 0 : i64, scratch_operands = 0 : i64, tpu.core_type = #tpu.core_type<tc>} {
    %get3A = arith.constant 0 : index
    %get3A_0 = arith.constant 0 : index
    %get3A_1 = vector.load %arg0[%get3A, %get3A_0] : memref<1x16xf32, #tpu.memory_space<vmem>>, vector<1x16xf32>
    %get3A_2 = arith.constant 0 : index
    %get3A_3 = arith.constant 0 : index
    %get3A_4 = vector.load %arg1[%get3A_2, %get3A_3] : memref<1x32xf32, #tpu.memory_space<vmem>>, vector<1x32xf32>
    %mul3A = arith.constant 3.125000e-06 : f32
    %mul3A_5 = vector.broadcast %mul3A : f32 to vector<1x32xf32>
    %mul3A_6 = arith.mulf %get3A_4, %mul3A_5 : vector<1x32xf32>
    %get3A_7 = arith.constant 0 : index
    %get3A_8 = arith.constant 0 : index
    %get3A_9 = vector.load %arg2[%get3A_7, %get3A_8] : memref<1x32xf32, #tpu.memory_space<vmem>>, vector<1x32xf32>
    %mul3A_10 = arith.constant 9.99999974E-5 : f32
    %mul3A_11 = vector.broadcast %mul3A_10 : f32 to vector<1x32xf32>
    %mul3A_12 = arith.mulf %get3A_9, %mul3A_11 : vector<1x32xf32>
    %get3A_13 = arith.constant 0 : index
    %get3A_14 = arith.constant 0 : index
    %get3A_15 = vector.load %arg3[%get3A_13, %get3A_14] : memref<16x64xf32, #tpu.memory_space<vmem>>, vector<16x64xf32>
    %dot_general3A = arith.constant dense<0.000000e+00> : vector<1x64xf32>
    %dot_general3A_16 = tpu.matmul %get3A_1, %get3A_15, %dot_general3A {dimension_numbers = #tpu.dot_dimension_numbers<[1], [0], [0], [1], [0, 0, 1, 1], [], []>, transpose_lhs_hint = false} : vector<1x16xf32>, vector<16x64xf32>, vector<1x64xf32> -> vector<1x64xf32>
    %get3A_17 = arith.constant 0 : index
    %get3A_18 = arith.constant 0 : index
    %get3A_19 = vector.load %arg4[%get3A_17, %get3A_18] : memref<32x64xf32, #tpu.memory_space<vmem>>, vector<32x64xf32>
    %dot_general3A_20 = arith.constant dense<0.000000e+00> : vector<1x64xf32>
    %dot_general3A_21 = tpu.matmul %mul3A_6, %get3A_19, %dot_general3A_20 {dimension_numbers = #tpu.dot_dimension_numbers<[1], [0], [0], [1], [0, 0, 1, 1], [], []>, transpose_lhs_hint = false} : vector<1x32xf32>, vector<32x64xf32>, vector<1x64xf32> -> vector<1x64xf32>
    %add3A = arith.addf %dot_general3A_16, %dot_general3A_21 : vector<1x64xf32>
    %get3A_22 = arith.constant 0 : index
    %get3A_23 = arith.constant 0 : index
    %get3A_24 = vector.load %arg5[%get3A_22, %get3A_23] : memref<32x64xf32, #tpu.memory_space<vmem>>, vector<32x64xf32>
    %dot_general3A_25 = arith.constant dense<0.000000e+00> : vector<1x64xf32>
    %dot_general3A_26 = tpu.matmul %mul3A_12, %get3A_24, %dot_general3A_25 {dimension_numbers = #tpu.dot_dimension_numbers<[1], [0], [0], [1], [0, 0, 1, 1], [], []>, transpose_lhs_hint = false} : vector<1x32xf32>, vector<32x64xf32>, vector<1x64xf32> -> vector<1x64xf32>
    %add3A_27 = arith.addf %add3A, %dot_general3A_26 : vector<1x64xf32>
    %get3A_28 = arith.constant 0 : index
    %get3A_29 = arith.constant 0 : index
    %get3A_30 = vector.load %arg6[%get3A_28, %get3A_29] : memref<1x64xf32, #tpu.memory_space<vmem>>, vector<1x64xf32>
    %add3A_31 = arith.addf %add3A_27, %get3A_30 : vector<1x64xf32>
    %max3A = arith.constant 0.000000e+00 : f32
    %max3A_32 = vector.broadcast %max3A : f32 to vector<1x64xf32>
    %max3A_33 = arith.maximumf %add3A_31, %max3A_32 : vector<1x64xf32>
    %get3A_34 = arith.constant 0 : index
    %get3A_35 = arith.constant 0 : index
    %get3A_36 = vector.load %arg7[%get3A_34, %get3A_35] : memref<64x32xf32, #tpu.memory_space<vmem>>, vector<64x32xf32>
    %dot_general3A_37 = arith.constant dense<0.000000e+00> : vector<1x32xf32>
    %dot_general3A_38 = tpu.matmul %max3A_33, %get3A_36, %dot_general3A_37 {dimension_numbers = #tpu.dot_dimension_numbers<[1], [0], [0], [1], [0, 0, 1, 1], [], []>, transpose_lhs_hint = false} : vector<1x64xf32>, vector<64x32xf32>, vector<1x32xf32> -> vector<1x32xf32>
    %get3A_39 = arith.constant 0 : index
    %get3A_40 = arith.constant 0 : index
    %get3A_41 = vector.load %arg8[%get3A_39, %get3A_40] : memref<1x32xf32, #tpu.memory_space<vmem>>, vector<1x32xf32>
    %add3A_42 = arith.addf %dot_general3A_38, %get3A_41 : vector<1x32xf32>
    %max3A_43 = arith.constant 0.000000e+00 : f32
    %max3A_44 = vector.broadcast %max3A_43 : f32 to vector<1x32xf32>
    %max3A_45 = arith.maximumf %add3A_42, %max3A_44 : vector<1x32xf32>
    %get3A_46 = arith.constant 0 : index
    %get3A_47 = arith.constant 0 : index
    %get3A_48 = vector.load %arg9[%get3A_46, %get3A_47] : memref<32x32xf32, #tpu.memory_space<vmem>>, vector<32x32xf32>
    %dot_general3A_49 = arith.constant dense<0.000000e+00> : vector<1x32xf32>
    %dot_general3A_50 = tpu.matmul %max3A_45, %get3A_48, %dot_general3A_49 {dimension_numbers = #tpu.dot_dimension_numbers<[1], [0], [0], [1], [0, 0, 1, 1], [], []>, transpose_lhs_hint = false} : vector<1x32xf32>, vector<32x32xf32>, vector<1x32xf32> -> vector<1x32xf32>
    %get3A_51 = arith.constant 0 : index
    %get3A_52 = arith.constant 0 : index
    %get3A_53 = vector.load %arg10[%get3A_51, %get3A_52] : memref<1x32xf32, #tpu.memory_space<vmem>>, vector<1x32xf32>
    %add3A_54 = arith.addf %dot_general3A_50, %get3A_53 : vector<1x32xf32>
    %max3A_55 = arith.constant 0.000000e+00 : f32
    %max3A_56 = vector.broadcast %max3A_55 : f32 to vector<1x32xf32>
    %max3A_57 = arith.maximumf %add3A_54, %max3A_56 : vector<1x32xf32>
    %swap3A = arith.constant 0 : index
    %swap3A_58 = arith.constant 0 : index
    %swap3A_59 = vector.load %arg16[%swap3A, %swap3A_58] : memref<1x32xf32, #tpu.memory_space<vmem>>, vector<1x32xf32>
    tpu.vector_store %arg16[%swap3A, %swap3A_58], %max3A_57 {strides = array<i32>} : memref<1x32xf32, #tpu.memory_space<vmem>>, vector<1x32xf32>,
    %get3A_60 = arith.constant 0 : index
    %get3A_61 = arith.constant 0 : index
    %get3A_62 = vector.load %arg11[%get3A_60, %get3A_61] : memref<10240x32xf32, #tpu.memory_space<vmem>>, vector<10240x32xf32>
    %get3A_63 = arith.constant 0 : index
    %get3A_64 = arith.constant 0 : index
    %get3A_65 = vector.load %arg14[%get3A_63, %get3A_64] : memref<32x64xf32, #tpu.memory_space<vmem>>, vector<32x64xf32>
    %dot_general3A_66 = arith.constant dense<0.000000e+00> : vector<1x64xf32>
    %dot_general3A_67 = tpu.matmul %max3A_57, %get3A_65, %dot_general3A_66 {dimension_numbers = #tpu.dot_dimension_numbers<[1], [0], [0], [1], [0, 0, 1, 1], [], []>, transpose_lhs_hint = false} : vector<1x32xf32>, vector<32x64xf32>, vector<1x64xf32> -> vector<1x64xf32>
    %get3A_68 = arith.constant 0 : index
    %get3A_69 = arith.constant 0 : index
    %get3A_70 = vector.load %arg15[%get3A_68, %get3A_69] : memref<1x64xf32, #tpu.memory_space<vmem>>, vector<1x64xf32>
    %add3A_71 = arith.addf %dot_general3A_67, %get3A_70 : vector<1x64xf32>
    %get3A_72 = arith.constant 0 : index
    %get3A_73 = arith.constant 0 : index
    %get3A_74 = vector.load %arg12[%get3A_72, %get3A_73] : memref<32x64xf32, #tpu.memory_space<vmem>>, vector<32x64xf32>
    %dot_general3A_75 = arith.constant dense<0.000000e+00> : vector<10240x64xf32>
    %dot_general3A_76 = tpu.matmul %get3A_62, %get3A_74, %dot_general3A_75 {dimension_numbers = #tpu.dot_dimension_numbers<[1], [0], [0], [1], [0, 0, 1, 1], [], []>, transpose_lhs_hint = false} : vector<10240x32xf32>, vector<32x64xf32>, vector<10240x64xf32> -> vector<10240x64xf32>
    %add3A_77 = vector.broadcast %add3A_71 : vector<1x64xf32> to vector<10240x64xf32>
    %add3A_78 = arith.addf %dot_general3A_76, %add3A_77 : vector<10240x64xf32>
    %swap3A_79 = arith.constant 0 : index
    %swap3A_80 = arith.constant 0 : index
    %swap3A_81 = vector.load %arg17[%swap3A_79, %swap3A_80] : memref<10240x64xf32, #tpu.memory_space<vmem>>, vector<10240x64xf32>
    tpu.vector_store %arg17[%swap3A_79, %swap3A_80], %add3A_78 {strides = array<i32>} : memref<10240x64xf32, #tpu.memory_space<vmem>>, vector<10240x64xf32>,
    %get3A_82 = arith.constant 0 : index
    %get3A_83 = arith.constant 0 : index
    %get3A_84 = vector.load %arg13[%get3A_82, %get3A_83] : memref<32x64xf32, #tpu.memory_space<vmem>>, vector<32x64xf32>
    %dot_general3A_85 = arith.constant dense<0.000000e+00> : vector<10240x64xf32>
    %dot_general3A_86 = tpu.matmul %get3A_62, %get3A_84, %dot_general3A_85 {dimension_numbers = #tpu.dot_dimension_numbers<[1], [0], [0], [1], [0, 0, 1, 1], [], []>, transpose_lhs_hint = false} : vector<10240x32xf32>, vector<32x64xf32>, vector<10240x64xf32> -> vector<10240x64xf32>
    %swap3A_87 = arith.constant 0 : index
    %swap3A_88 = arith.constant 0 : index
    %swap3A_89 = vector.load %arg18[%swap3A_87, %swap3A_88] : memref<10240x64xf32, #tpu.memory_space<vmem>>, vector<10240x64xf32>
    tpu.vector_store %arg18[%swap3A_87, %swap3A_88], %dot_general3A_86 {strides = array<i32>} : memref<10240x64xf32, #tpu.memory_space<vmem>>, vector<10240x64xf32>,
    return
  }
}

module attributes {stable_mosaic.version = 14 : i64} {
  func.func @body(%arg0: i32, %arg1: memref<2000x64xf32, #tpu.memory_space<vmem>>, %arg2: memref<2000x32xf32, #tpu.memory_space<vmem>>, %arg3: memref<32x64xf32, #tpu.memory_space<vmem>>, %arg4: memref<64x32xf32, #tpu.memory_space<vmem>>, %arg5: memref<1x32xf32, #tpu.memory_space<vmem>>, %arg6: memref<32x32xf32, #tpu.memory_space<vmem>>, %arg7: memref<1x32xf32, #tpu.memory_space<vmem>>, %arg8: memref<2000x32xf32, #tpu.memory_space<vmem>>, %arg9: memref<1x32xf32, #tpu.memory_space<vmem>>) attributes {dimension_semantics = [#tpu.dimension_semantics<arbitrary>], iteration_bounds = array<i64: 160>, scalar_prefetch = 0 : i64, scratch_operands = 0 : i64, tpu.core_type = #tpu.core_type<tc>, window_params = [{transform_indices = @transform_0, window_bounds = array<i64: 2000, 64>}, {transform_indices = @transform_1, window_bounds = array<i64: 2000, 32>}, {pipeline_mode = #tpu.pipeline_mode<synchronous>, transform_indices = @transform_2, window_bounds = array<i64: 32, 64>}, {pipeline_mode = #tpu.pipeline_mode<synchronous>, transform_indices = @transform_3, window_bounds = array<i64: 64, 32>}, {pipeline_mode = #tpu.pipeline_mode<synchronous>, transform_indices = @transform_4, window_bounds = array<i64: 1, 32>}, {pipeline_mode = #tpu.pipeline_mode<synchronous>, transform_indices = @transform_5, window_bounds = array<i64: 32, 32>}, {pipeline_mode = #tpu.pipeline_mode<synchronous>, transform_indices = @transform_6, window_bounds = array<i64: 1, 32>}, {transform_indices = @transform_7, window_bounds = array<i64: 2000, 32>}, {pipeline_mode = #tpu.pipeline_mode<synchronous>, transform_indices = @transform_8, window_bounds = array<i64: 1, 32>}]} {
    %get3A = arith.constant 0 : index
    %get3A_0 = arith.constant 0 : index
    %get3A_1 = vector.load %arg1[%get3A, %get3A_0] : memref<2000x64xf32, #tpu.memory_space<vmem>>, vector<2000x64xf32>
    %get3A_2 = arith.constant 0 : index
    %get3A_3 = arith.constant 0 : index
    %get3A_4 = vector.load %arg2[%get3A_2, %get3A_3] : memref<2000x32xf32, #tpu.memory_space<vmem>>, vector<2000x32xf32>
    %get3A_5 = arith.constant 0 : index
    %get3A_6 = arith.constant 0 : index
    %get3A_7 = vector.load %arg3[%get3A_5, %get3A_6] : memref<32x64xf32, #tpu.memory_space<vmem>>, vector<32x64xf32>
    %dot_general3A = arith.constant dense<0.000000e+00> : vector<2000x64xf32>
    %dot_general3A_8 = tpu.matmul %get3A_4, %get3A_7, %dot_general3A {dimension_numbers = #tpu.dot_dimension_numbers<[1], [0], [0], [1], [0, 0, 1, 1], [], []>, transpose_lhs_hint = false} : vector<2000x32xf32>, vector<32x64xf32>, vector<2000x64xf32> -> vector<2000x64xf32>
    %add3A = arith.addf %get3A_1, %dot_general3A_8 : vector<2000x64xf32>
    %max3A = arith.constant 0.000000e+00 : f32
    %max3A_9 = vector.broadcast %max3A : f32 to vector<2000x64xf32>
    %max3A_10 = arith.maximumf %add3A, %max3A_9 : vector<2000x64xf32>
    %get3A_11 = arith.constant 0 : index
    %get3A_12 = arith.constant 0 : index
    %get3A_13 = vector.load %arg4[%get3A_11, %get3A_12] : memref<64x32xf32, #tpu.memory_space<vmem>>, vector<64x32xf32>
    %dot_general3A_14 = arith.constant dense<0.000000e+00> : vector<2000x32xf32>
    %dot_general3A_15 = tpu.matmul %max3A_10, %get3A_13, %dot_general3A_14 {dimension_numbers = #tpu.dot_dimension_numbers<[1], [0], [0], [1], [0, 0, 1, 1], [], []>, transpose_lhs_hint = false} : vector<2000x64xf32>, vector<64x32xf32>, vector<2000x32xf32> -> vector<2000x32xf32>
    %get3A_16 = arith.constant 0 : index
    %get3A_17 = arith.constant 0 : index
    %get3A_18 = vector.load %arg5[%get3A_16, %get3A_17] : memref<1x32xf32, #tpu.memory_space<vmem>>, vector<1x32xf32>
    %add3A_19 = vector.broadcast %get3A_18 : vector<1x32xf32> to vector<2000x32xf32>
    %add3A_20 = arith.addf %dot_general3A_15, %add3A_19 : vector<2000x32xf32>
    %max3A_21 = arith.constant 0.000000e+00 : f32
    %max3A_22 = vector.broadcast %max3A_21 : f32 to vector<2000x32xf32>
    %max3A_23 = arith.maximumf %add3A_20, %max3A_22 : vector<2000x32xf32>
    %get3A_24 = arith.constant 0 : index
    %get3A_25 = arith.constant 0 : index
    %get3A_26 = vector.load %arg6[%get3A_24, %get3A_25] : memref<32x32xf32, #tpu.memory_space<vmem>>, vector<32x32xf32>
    %dot_general3A_27 = arith.constant dense<0.000000e+00> : vector<2000x32xf32>
    %dot_general3A_28 = tpu.matmul %max3A_23, %get3A_26, %dot_general3A_27 {dimension_numbers = #tpu.dot_dimension_numbers<[1], [0], [0], [1], [0, 0, 1, 1], [], []>, transpose_lhs_hint = false} : vector<2000x32xf32>, vector<32x32xf32>, vector<2000x32xf32> -> vector<2000x32xf32>
    %get3A_29 = arith.constant 0 : index
    %get3A_30 = arith.constant 0 : index
    %get3A_31 = vector.load %arg7[%get3A_29, %get3A_30] : memref<1x32xf32, #tpu.memory_space<vmem>>, vector<1x32xf32>
    %add3A_32 = vector.broadcast %get3A_31 : vector<1x32xf32> to vector<2000x32xf32>
    %add3A_33 = arith.addf %dot_general3A_28, %add3A_32 : vector<2000x32xf32>
    %max3A_34 = arith.constant 0.000000e+00 : f32
    %max3A_35 = vector.broadcast %max3A_34 : f32 to vector<2000x32xf32>
    %max3A_36 = arith.maximumf %add3A_33, %max3A_35 : vector<2000x32xf32>
    %get3A_37 = arith.constant 0 : index
    %get3A_38 = arith.constant 0 : index
    %get3A_39 = vector.load %arg2[%get3A_37, %get3A_38] : memref<2000x32xf32, #tpu.memory_space<vmem>>, vector<2000x32xf32>
    %add3A_40 = arith.addf %max3A_36, %get3A_39 : vector<2000x32xf32>
    %swap3A = arith.constant 0 : index
    %swap3A_41 = arith.constant 0 : index
    %swap3A_42 = vector.load %arg8[%swap3A, %swap3A_41] : memref<2000x32xf32, #tpu.memory_space<vmem>>, vector<2000x32xf32>
    tpu.vector_store %arg8[%swap3A, %swap3A_41], %add3A_40 {strides = array<i32>} : memref<2000x32xf32, #tpu.memory_space<vmem>>, vector<2000x32xf32>,
    %reduce_sum3A = arith.constant dense<0.000000e+00> : vector<32xf32>
    %reduce_sum3A_43 = vector.multi_reduction <add>, %max3A_36, %reduce_sum3A [0] : vector<2000x32xf32> to vector<32xf32>
    %broadcast_in_dim3A = vector.shape_cast %reduce_sum3A_43 : vector<32xf32> to vector<1x32xf32>
    %eq3A = arith.constant 0 : i32
    %eq3A_44 = arith.cmpi eq, %arg0, %eq3A : i32
    %convert_element_type3A = arith.extui %eq3A_44 : i1 to i32
    %cond3A = arith.constant 0 : i32
    %cond3A_45 = arith.cmpi ne, %convert_element_type3A, %cond3A : i32
    scf.if %cond3A_45 {
      %swap3A_50 = arith.constant 0 : index
      %swap3A_51 = arith.constant 0 : index
      %swap3A_52 = vector.load %arg9[%swap3A_50, %swap3A_51] : memref<1x32xf32, #tpu.memory_space<vmem>>, vector<1x32xf32>
      tpu.vector_store %arg9[%swap3A_50, %swap3A_51], %broadcast_in_dim3A {strides = array<i32>} : memref<1x32xf32, #tpu.memory_space<vmem>>, vector<1x32xf32>,
    } else {
    }
    %ne3A = arith.constant 0 : i32
    %ne3A_46 = arith.cmpi ne, %arg0, %ne3A : i32
    %convert_element_type3A_47 = arith.extui %ne3A_46 : i1 to i32
    %cond3A_48 = arith.constant 0 : i32
    %cond3A_49 = arith.cmpi ne, %convert_element_type3A_47, %cond3A_48 : i32
    scf.if %cond3A_49 {
      %get3A_50 = arith.constant 0 : index
      %get3A_51 = arith.constant 0 : index
      %get3A_52 = vector.load %arg9[%get3A_50, %get3A_51] : memref<1x32xf32, #tpu.memory_space<vmem>>, vector<1x32xf32>
      %add3A_53 = arith.addf %get3A_52, %broadcast_in_dim3A : vector<1x32xf32>
      %swap3A_54 = arith.constant 0 : index
      %swap3A_55 = arith.constant 0 : index
      %swap3A_56 = vector.load %arg9[%swap3A_54, %swap3A_55] : memref<1x32xf32, #tpu.memory_space<vmem>>, vector<1x32xf32>
      tpu.vector_store %arg9[%swap3A_54, %swap3A_55], %add3A_53 {strides = array<i32>} : memref<1x32xf32, #tpu.memory_space<vmem>>, vector<1x32xf32>,
    } else {
    }
    return
  }
  func.func @transform_0(%arg0: i32) -> (i32, i32) {
    %c0_i32 = arith.constant 0 : i32
    %c0_i32_0 = arith.constant 0 : i32
    return %arg0, %c0_i32 : i32, i32
  }
  func.func @transform_1(%arg0: i32) -> (i32, i32) {
    %c0_i32 = arith.constant 0 : i32
    %c0_i32_0 = arith.constant 0 : i32
    return %arg0, %c0_i32 : i32, i32
  }
  func.func @transform_2(%arg0: i32) -> (i32, i32) {
    %c0_i32 = arith.constant 0 : i32
    %c0_i32_0 = arith.constant 0 : i32
    %c0_i32_1 = arith.constant 0 : i32
    return %c0_i32, %c0_i32_0 : i32, i32
  }
  func.func @transform_3(%arg0: i32) -> (i32, i32) {
    %c0_i32 = arith.constant 0 : i32
    %c0_i32_0 = arith.constant 0 : i32
    %c0_i32_1 = arith.constant 0 : i32
    return %c0_i32, %c0_i32_0 : i32, i32
  }
  func.func @transform_4(%arg0: i32) -> (i32, i32) {
    %c0_i32 = arith.constant 0 : i32
    %c0_i32_0 = arith.constant 0 : i32
    %c0_i32_1 = arith.constant 0 : i32
    return %c0_i32, %c0_i32_0 : i32, i32
  }
  func.func @transform_5(%arg0: i32) -> (i32, i32) {
    %c0_i32 = arith.constant 0 : i32
    %c0_i32_0 = arith.constant 0 : i32
    %c0_i32_1 = arith.constant 0 : i32
    return %c0_i32, %c0_i32_0 : i32, i32
  }
  func.func @transform_6(%arg0: i32) -> (i32, i32) {
    %c0_i32 = arith.constant 0 : i32
    %c0_i32_0 = arith.constant 0 : i32
    %c0_i32_1 = arith.constant 0 : i32
    return %c0_i32, %c0_i32_0 : i32, i32
  }
  func.func @transform_7(%arg0: i32) -> (i32, i32) {
    %c0_i32 = arith.constant 0 : i32
    %c0_i32_0 = arith.constant 0 : i32
    return %arg0, %c0_i32 : i32, i32
  }
  func.func @transform_8(%arg0: i32) -> (i32, i32) {
    %c0_i32 = arith.constant 0 : i32
    %c0_i32_0 = arith.constant 0 : i32
    %c0_i32_1 = arith.constant 0 : i32
    return %c0_i32, %c0_i32_0 : i32, i32
  }
}

module attributes {stable_mosaic.version = 14 : i64} {
  func.func @body(%arg0: memref<10240x32xf32, #tpu.memory_space<vmem>>, %arg1: memref<2x10240x32xf32, #tpu.memory_space<vmem>>, %arg2: memref<2x10240xf32, #tpu.memory_space<vmem>>, %arg3: memref<10240x32xf32, #tpu.memory_space<vmem>>, %arg4: memref<1x32xf32, #tpu.memory_space<vmem>>, %arg5: memref<32x64xf32, #tpu.memory_space<vmem>>, %arg6: memref<32x64xf32, #tpu.memory_space<vmem>>, %arg7: memref<32x64xf32, #tpu.memory_space<vmem>>, %arg8: memref<1x64xf32, #tpu.memory_space<vmem>>, %arg9: memref<64x32xf32, #tpu.memory_space<vmem>>, %arg10: memref<1x32xf32, #tpu.memory_space<vmem>>, %arg11: memref<32x32xf32, #tpu.memory_space<vmem>>, %arg12: memref<1x32xf32, #tpu.memory_space<vmem>>, %arg13: memref<10240x32xf32, #tpu.memory_space<vmem>>, %arg14: memref<1x32xf32, #tpu.memory_space<vmem>>, %arg15: memref<10240x32xf32, #tpu.memory_space<vmem>>) attributes {dimension_semantics = [], scalar_prefetch = 0 : i64, scratch_operands = 0 : i64, tpu.core_type = #tpu.core_type<tc>} {
    %get3A = arith.constant 0 : index
    %get3A_0 = arith.constant 0 : index
    %get3A_1 = arith.constant 0 : index
    %get3A_2 = vector.load %arg1[%get3A, %get3A_0, %get3A_1] : memref<2x10240x32xf32, #tpu.memory_space<vmem>>, vector<1x10240x32xf32>
    %get3A_3 = vector.shape_cast %get3A_2 : vector<1x10240x32xf32> to vector<10240x32xf32>
    %get3A_4 = arith.constant 1 : index
    %get3A_5 = arith.constant 0 : index
    %get3A_6 = arith.constant 0 : index
    %get3A_7 = vector.load %arg1[%get3A_4, %get3A_5, %get3A_6] : memref<2x10240x32xf32, #tpu.memory_space<vmem>>, vector<1x10240x32xf32>
    %get3A_8 = vector.shape_cast %get3A_7 : vector<1x10240x32xf32> to vector<10240x32xf32>
    %add3A = arith.addf %get3A_3, %get3A_8 : vector<10240x32xf32>
    %get3A_9 = arith.constant 0 : index
    %get3A_10 = arith.constant 0 : index
    %get3A_11 = vector.load %arg3[%get3A_9, %get3A_10] : memref<10240x32xf32, #tpu.memory_space<vmem>>, vector<10240x32xf32>
    %sub3A = arith.subf %add3A, %get3A_11 : vector<10240x32xf32>
    %get3A_12 = arith.constant 0 : index
    %get3A_13 = arith.constant 0 : index
    %get3A_14 = vector.load %arg2[%get3A_12, %get3A_13] : memref<2x10240xf32, #tpu.memory_space<vmem>>, vector<1x10240xf32>
    %get3A_15 = vector.shape_cast %get3A_14 : vector<1x10240xf32> to vector<10240xf32>
    %get3A_16 = arith.constant 1 : index
    %get3A_17 = arith.constant 0 : index
    %get3A_18 = vector.load %arg2[%get3A_16, %get3A_17] : memref<2x10240xf32, #tpu.memory_space<vmem>>, vector<1x10240xf32>
    %get3A_19 = vector.shape_cast %get3A_18 : vector<1x10240xf32> to vector<10240xf32>
    %add3A_20 = arith.addf %get3A_15, %get3A_19 : vector<10240xf32>
    %max3A = arith.constant 1.000000e+00 : f32
    %max3A_21 = vector.broadcast %max3A : f32 to vector<10240xf32>
    %max3A_22 = arith.maximumf %add3A_20, %max3A_21 : vector<10240xf32>
    %broadcast_in_dim3A = vector.shape_cast %max3A_22 : vector<10240xf32> to vector<10240x1xf32>
    %div3A = vector.broadcast %broadcast_in_dim3A : vector<10240x1xf32> to vector<10240x32xf32>
    %div3A_23 = arith.divf %sub3A, %div3A : vector<10240x32xf32>
    %get3A_24 = arith.constant 0 : index
    %get3A_25 = arith.constant 0 : index
    %get3A_26 = vector.load %arg0[%get3A_24, %get3A_25] : memref<10240x32xf32, #tpu.memory_space<vmem>>, vector<10240x32xf32>
    %get3A_27 = arith.constant 0 : index
    %get3A_28 = arith.constant 0 : index
    %get3A_29 = vector.load %arg5[%get3A_27, %get3A_28] : memref<32x64xf32, #tpu.memory_space<vmem>>, vector<32x64xf32>
    %dot_general3A = arith.constant dense<0.000000e+00> : vector<10240x64xf32>
    %dot_general3A_30 = tpu.matmul %get3A_26, %get3A_29, %dot_general3A {dimension_numbers = #tpu.dot_dimension_numbers<[1], [0], [0], [1], [0, 0, 1, 1], [], []>, transpose_lhs_hint = false} : vector<10240x32xf32>, vector<32x64xf32>, vector<10240x64xf32> -> vector<10240x64xf32>
    %get3A_31 = arith.constant 0 : index
    %get3A_32 = arith.constant 0 : index
    %get3A_33 = vector.load %arg6[%get3A_31, %get3A_32] : memref<32x64xf32, #tpu.memory_space<vmem>>, vector<32x64xf32>
    %dot_general3A_34 = arith.constant dense<0.000000e+00> : vector<10240x64xf32>
    %dot_general3A_35 = tpu.matmul %div3A_23, %get3A_33, %dot_general3A_34 {dimension_numbers = #tpu.dot_dimension_numbers<[1], [0], [0], [1], [0, 0, 1, 1], [], []>, transpose_lhs_hint = false} : vector<10240x32xf32>, vector<32x64xf32>, vector<10240x64xf32> -> vector<10240x64xf32>
    %add3A_36 = arith.addf %dot_general3A_30, %dot_general3A_35 : vector<10240x64xf32>
    %get3A_37 = arith.constant 0 : index
    %get3A_38 = arith.constant 0 : index
    %get3A_39 = vector.load %arg4[%get3A_37, %get3A_38] : memref<1x32xf32, #tpu.memory_space<vmem>>, vector<1x32xf32>
    %get3A_40 = arith.constant 0 : index
    %get3A_41 = arith.constant 0 : index
    %get3A_42 = vector.load %arg7[%get3A_40, %get3A_41] : memref<32x64xf32, #tpu.memory_space<vmem>>, vector<32x64xf32>
    %dot_general3A_43 = arith.constant dense<0.000000e+00> : vector<1x64xf32>
    %dot_general3A_44 = tpu.matmul %get3A_39, %get3A_42, %dot_general3A_43 {dimension_numbers = #tpu.dot_dimension_numbers<[1], [0], [0], [1], [0, 0, 1, 1], [], []>, transpose_lhs_hint = false} : vector<1x32xf32>, vector<32x64xf32>, vector<1x64xf32> -> vector<1x64xf32>
    %add3A_45 = vector.broadcast %dot_general3A_44 : vector<1x64xf32> to vector<10240x64xf32>
    %add3A_46 = arith.addf %add3A_36, %add3A_45 : vector<10240x64xf32>
    %get3A_47 = arith.constant 0 : index
    %get3A_48 = arith.constant 0 : index
    %get3A_49 = vector.load %arg8[%get3A_47, %get3A_48] : memref<1x64xf32, #tpu.memory_space<vmem>>, vector<1x64xf32>
    %add3A_50 = vector.broadcast %get3A_49 : vector<1x64xf32> to vector<10240x64xf32>
    %add3A_51 = arith.addf %add3A_46, %add3A_50 : vector<10240x64xf32>
    %max3A_52 = arith.constant 0.000000e+00 : f32
    %max3A_53 = vector.broadcast %max3A_52 : f32 to vector<10240x64xf32>
    %max3A_54 = arith.maximumf %add3A_51, %max3A_53 : vector<10240x64xf32>
    %get3A_55 = arith.constant 0 : index
    %get3A_56 = arith.constant 0 : index
    %get3A_57 = vector.load %arg9[%get3A_55, %get3A_56] : memref<64x32xf32, #tpu.memory_space<vmem>>, vector<64x32xf32>
    %dot_general3A_58 = arith.constant dense<0.000000e+00> : vector<10240x32xf32>
    %dot_general3A_59 = tpu.matmul %max3A_54, %get3A_57, %dot_general3A_58 {dimension_numbers = #tpu.dot_dimension_numbers<[1], [0], [0], [1], [0, 0, 1, 1], [], []>, transpose_lhs_hint = false} : vector<10240x64xf32>, vector<64x32xf32>, vector<10240x32xf32> -> vector<10240x32xf32>
    %get3A_60 = arith.constant 0 : index
    %get3A_61 = arith.constant 0 : index
    %get3A_62 = vector.load %arg10[%get3A_60, %get3A_61] : memref<1x32xf32, #tpu.memory_space<vmem>>, vector<1x32xf32>
    %add3A_63 = vector.broadcast %get3A_62 : vector<1x32xf32> to vector<10240x32xf32>
    %add3A_64 = arith.addf %dot_general3A_59, %add3A_63 : vector<10240x32xf32>
    %max3A_65 = arith.constant 0.000000e+00 : f32
    %max3A_66 = vector.broadcast %max3A_65 : f32 to vector<10240x32xf32>
    %max3A_67 = arith.maximumf %add3A_64, %max3A_66 : vector<10240x32xf32>
    %get3A_68 = arith.constant 0 : index
    %get3A_69 = arith.constant 0 : index
    %get3A_70 = vector.load %arg11[%get3A_68, %get3A_69] : memref<32x32xf32, #tpu.memory_space<vmem>>, vector<32x32xf32>
    %dot_general3A_71 = arith.constant dense<0.000000e+00> : vector<10240x32xf32>
    %dot_general3A_72 = tpu.matmul %max3A_67, %get3A_70, %dot_general3A_71 {dimension_numbers = #tpu.dot_dimension_numbers<[1], [0], [0], [1], [0, 0, 1, 1], [], []>, transpose_lhs_hint = false} : vector<10240x32xf32>, vector<32x32xf32>, vector<10240x32xf32> -> vector<10240x32xf32>
    %get3A_73 = arith.constant 0 : index
    %get3A_74 = arith.constant 0 : index
    %get3A_75 = vector.load %arg12[%get3A_73, %get3A_74] : memref<1x32xf32, #tpu.memory_space<vmem>>, vector<1x32xf32>
    %add3A_76 = vector.broadcast %get3A_75 : vector<1x32xf32> to vector<10240x32xf32>
    %add3A_77 = arith.addf %dot_general3A_72, %add3A_76 : vector<10240x32xf32>
    %max3A_78 = arith.constant 0.000000e+00 : f32
    %max3A_79 = vector.broadcast %max3A_78 : f32 to vector<10240x32xf32>
    %max3A_80 = arith.maximumf %add3A_77, %max3A_79 : vector<10240x32xf32>
    %iota3A = tpu.iota {dimensions = array<i32: 0>} : vector<10240x1xi32>
    %lt3A = arith.constant 10000 : i32
    %lt3A_81 = vector.broadcast %lt3A : i32 to vector<10240x1xi32>
    %lt3A_82 = arith.cmpi slt, %iota3A, %lt3A_81 : vector<10240x1xi32>
    %jit3A = arith.constant 0.000000e+00 : f32
    %broadcast_in_dim3A_83 = vector.shape_cast %lt3A_82 : vector<10240x1xi1> to vector<10240x1xi1>
    %broadcast_in_dim3A_84 = vector.broadcast %broadcast_in_dim3A_83 : vector<10240x1xi1> to vector<10240x32xi1>
    %broadcast_in_dim3A_85 = vector.broadcast %jit3A : f32 to vector<10240x32xf32>
    %select_n3A = arith.select %broadcast_in_dim3A_84, %max3A_80, %broadcast_in_dim3A_85 : vector<10240x32xi1>, vector<10240x32xf32>
    %reduce_sum3A = arith.constant dense<0.000000e+00> : vector<32xf32>
    %reduce_sum3A_86 = vector.multi_reduction <add>, %select_n3A, %reduce_sum3A [0] : vector<10240x32xf32> to vector<32xf32>
    %broadcast_in_dim3A_87 = vector.shape_cast %reduce_sum3A_86 : vector<32xf32> to vector<1x32xf32>
    %swap3A = arith.constant 0 : index
    %swap3A_88 = arith.constant 0 : index
    %swap3A_89 = vector.load %arg14[%swap3A, %swap3A_88] : memref<1x32xf32, #tpu.memory_space<vmem>>, vector<1x32xf32>
    tpu.vector_store %arg14[%swap3A, %swap3A_88], %broadcast_in_dim3A_87 {strides = array<i32>} : memref<1x32xf32, #tpu.memory_space<vmem>>, vector<1x32xf32>,
    %add3A_90 = arith.addf %max3A_80, %get3A_26 : vector<10240x32xf32>
    %swap3A_91 = arith.constant 0 : index
    %swap3A_92 = arith.constant 0 : index
    %swap3A_93 = vector.load %arg13[%swap3A_91, %swap3A_92] : memref<10240x32xf32, #tpu.memory_space<vmem>>, vector<10240x32xf32>
    tpu.vector_store %arg13[%swap3A_91, %swap3A_92], %add3A_90 {strides = array<i32>} : memref<10240x32xf32, #tpu.memory_space<vmem>>, vector<10240x32xf32>,
    %swap3A_94 = arith.constant 0 : index
    %swap3A_95 = arith.constant 0 : index
    %swap3A_96 = vector.load %arg15[%swap3A_94, %swap3A_95] : memref<10240x32xf32, #tpu.memory_space<vmem>>, vector<10240x32xf32>
    tpu.vector_store %arg15[%swap3A_94, %swap3A_95], %add3A {strides = array<i32>} : memref<10240x32xf32, #tpu.memory_space<vmem>>, vector<10240x32xf32>,
    return
  }
}

module attributes {stable_mosaic.version = 14 : i64} {
  func.func @body(%arg0: memref<1x32xf32, #tpu.memory_space<vmem>>, %arg1: memref<1x32xf32, #tpu.memory_space<vmem>>, %arg2: memref<1x32xf32, #tpu.memory_space<vmem>>, %arg3: memref<32x64xf32, #tpu.memory_space<vmem>>, %arg4: memref<32x64xf32, #tpu.memory_space<vmem>>, %arg5: memref<32x64xf32, #tpu.memory_space<vmem>>, %arg6: memref<1x64xf32, #tpu.memory_space<vmem>>, %arg7: memref<64x32xf32, #tpu.memory_space<vmem>>, %arg8: memref<1x32xf32, #tpu.memory_space<vmem>>, %arg9: memref<32x32xf32, #tpu.memory_space<vmem>>, %arg10: memref<1x32xf32, #tpu.memory_space<vmem>>, %arg11: memref<10240x32xf32, #tpu.memory_space<vmem>>, %arg12: memref<32x64xf32, #tpu.memory_space<vmem>>, %arg13: memref<32x64xf32, #tpu.memory_space<vmem>>, %arg14: memref<32x64xf32, #tpu.memory_space<vmem>>, %arg15: memref<1x64xf32, #tpu.memory_space<vmem>>, %arg16: memref<1x32xf32, #tpu.memory_space<vmem>>, %arg17: memref<10240x64xf32, #tpu.memory_space<vmem>>, %arg18: memref<10240x64xf32, #tpu.memory_space<vmem>>) attributes {dimension_semantics = [], scalar_prefetch = 0 : i64, scratch_operands = 0 : i64, tpu.core_type = #tpu.core_type<tc>} {
    %get3A = arith.constant 0 : index
    %get3A_0 = arith.constant 0 : index
    %get3A_1 = vector.load %arg0[%get3A, %get3A_0] : memref<1x32xf32, #tpu.memory_space<vmem>>, vector<1x32xf32>
    %get3A_2 = arith.constant 0 : index
    %get3A_3 = arith.constant 0 : index
    %get3A_4 = vector.load %arg1[%get3A_2, %get3A_3] : memref<1x32xf32, #tpu.memory_space<vmem>>, vector<1x32xf32>
    %mul3A = arith.constant 3.125000e-06 : f32
    %mul3A_5 = vector.broadcast %mul3A : f32 to vector<1x32xf32>
    %mul3A_6 = arith.mulf %get3A_4, %mul3A_5 : vector<1x32xf32>
    %get3A_7 = arith.constant 0 : index
    %get3A_8 = arith.constant 0 : index
    %get3A_9 = vector.load %arg2[%get3A_7, %get3A_8] : memref<1x32xf32, #tpu.memory_space<vmem>>, vector<1x32xf32>
    %mul3A_10 = arith.constant 9.99999974E-5 : f32
    %mul3A_11 = vector.broadcast %mul3A_10 : f32 to vector<1x32xf32>
    %mul3A_12 = arith.mulf %get3A_9, %mul3A_11 : vector<1x32xf32>
    %get3A_13 = arith.constant 0 : index
    %get3A_14 = arith.constant 0 : index
    %get3A_15 = vector.load %arg3[%get3A_13, %get3A_14] : memref<32x64xf32, #tpu.memory_space<vmem>>, vector<32x64xf32>
    %dot_general3A = arith.constant dense<0.000000e+00> : vector<1x64xf32>
    %dot_general3A_16 = tpu.matmul %get3A_1, %get3A_15, %dot_general3A {dimension_numbers = #tpu.dot_dimension_numbers<[1], [0], [0], [1], [0, 0, 1, 1], [], []>, transpose_lhs_hint = false} : vector<1x32xf32>, vector<32x64xf32>, vector<1x64xf32> -> vector<1x64xf32>
    %get3A_17 = arith.constant 0 : index
    %get3A_18 = arith.constant 0 : index
    %get3A_19 = vector.load %arg4[%get3A_17, %get3A_18] : memref<32x64xf32, #tpu.memory_space<vmem>>, vector<32x64xf32>
    %dot_general3A_20 = arith.constant dense<0.000000e+00> : vector<1x64xf32>
    %dot_general3A_21 = tpu.matmul %mul3A_6, %get3A_19, %dot_general3A_20 {dimension_numbers = #tpu.dot_dimension_numbers<[1], [0], [0], [1], [0, 0, 1, 1], [], []>, transpose_lhs_hint = false} : vector<1x32xf32>, vector<32x64xf32>, vector<1x64xf32> -> vector<1x64xf32>
    %add3A = arith.addf %dot_general3A_16, %dot_general3A_21 : vector<1x64xf32>
    %get3A_22 = arith.constant 0 : index
    %get3A_23 = arith.constant 0 : index
    %get3A_24 = vector.load %arg5[%get3A_22, %get3A_23] : memref<32x64xf32, #tpu.memory_space<vmem>>, vector<32x64xf32>
    %dot_general3A_25 = arith.constant dense<0.000000e+00> : vector<1x64xf32>
    %dot_general3A_26 = tpu.matmul %mul3A_12, %get3A_24, %dot_general3A_25 {dimension_numbers = #tpu.dot_dimension_numbers<[1], [0], [0], [1], [0, 0, 1, 1], [], []>, transpose_lhs_hint = false} : vector<1x32xf32>, vector<32x64xf32>, vector<1x64xf32> -> vector<1x64xf32>
    %add3A_27 = arith.addf %add3A, %dot_general3A_26 : vector<1x64xf32>
    %get3A_28 = arith.constant 0 : index
    %get3A_29 = arith.constant 0 : index
    %get3A_30 = vector.load %arg6[%get3A_28, %get3A_29] : memref<1x64xf32, #tpu.memory_space<vmem>>, vector<1x64xf32>
    %add3A_31 = arith.addf %add3A_27, %get3A_30 : vector<1x64xf32>
    %max3A = arith.constant 0.000000e+00 : f32
    %max3A_32 = vector.broadcast %max3A : f32 to vector<1x64xf32>
    %max3A_33 = arith.maximumf %add3A_31, %max3A_32 : vector<1x64xf32>
    %get3A_34 = arith.constant 0 : index
    %get3A_35 = arith.constant 0 : index
    %get3A_36 = vector.load %arg7[%get3A_34, %get3A_35] : memref<64x32xf32, #tpu.memory_space<vmem>>, vector<64x32xf32>
    %dot_general3A_37 = arith.constant dense<0.000000e+00> : vector<1x32xf32>
    %dot_general3A_38 = tpu.matmul %max3A_33, %get3A_36, %dot_general3A_37 {dimension_numbers = #tpu.dot_dimension_numbers<[1], [0], [0], [1], [0, 0, 1, 1], [], []>, transpose_lhs_hint = false} : vector<1x64xf32>, vector<64x32xf32>, vector<1x32xf32> -> vector<1x32xf32>
    %get3A_39 = arith.constant 0 : index
    %get3A_40 = arith.constant 0 : index
    %get3A_41 = vector.load %arg8[%get3A_39, %get3A_40] : memref<1x32xf32, #tpu.memory_space<vmem>>, vector<1x32xf32>
    %add3A_42 = arith.addf %dot_general3A_38, %get3A_41 : vector<1x32xf32>
    %max3A_43 = arith.constant 0.000000e+00 : f32
    %max3A_44 = vector.broadcast %max3A_43 : f32 to vector<1x32xf32>
    %max3A_45 = arith.maximumf %add3A_42, %max3A_44 : vector<1x32xf32>
    %get3A_46 = arith.constant 0 : index
    %get3A_47 = arith.constant 0 : index
    %get3A_48 = vector.load %arg9[%get3A_46, %get3A_47] : memref<32x32xf32, #tpu.memory_space<vmem>>, vector<32x32xf32>
    %dot_general3A_49 = arith.constant dense<0.000000e+00> : vector<1x32xf32>
    %dot_general3A_50 = tpu.matmul %max3A_45, %get3A_48, %dot_general3A_49 {dimension_numbers = #tpu.dot_dimension_numbers<[1], [0], [0], [1], [0, 0, 1, 1], [], []>, transpose_lhs_hint = false} : vector<1x32xf32>, vector<32x32xf32>, vector<1x32xf32> -> vector<1x32xf32>
    %get3A_51 = arith.constant 0 : index
    %get3A_52 = arith.constant 0 : index
    %get3A_53 = vector.load %arg10[%get3A_51, %get3A_52] : memref<1x32xf32, #tpu.memory_space<vmem>>, vector<1x32xf32>
    %add3A_54 = arith.addf %dot_general3A_50, %get3A_53 : vector<1x32xf32>
    %max3A_55 = arith.constant 0.000000e+00 : f32
    %max3A_56 = vector.broadcast %max3A_55 : f32 to vector<1x32xf32>
    %max3A_57 = arith.maximumf %add3A_54, %max3A_56 : vector<1x32xf32>
    %add3A_58 = arith.addf %max3A_57, %get3A_1 : vector<1x32xf32>
    %swap3A = arith.constant 0 : index
    %swap3A_59 = arith.constant 0 : index
    %swap3A_60 = vector.load %arg16[%swap3A, %swap3A_59] : memref<1x32xf32, #tpu.memory_space<vmem>>, vector<1x32xf32>
    tpu.vector_store %arg16[%swap3A, %swap3A_59], %add3A_58 {strides = array<i32>} : memref<1x32xf32, #tpu.memory_space<vmem>>, vector<1x32xf32>,
    %get3A_61 = arith.constant 0 : index
    %get3A_62 = arith.constant 0 : index
    %get3A_63 = vector.load %arg11[%get3A_61, %get3A_62] : memref<10240x32xf32, #tpu.memory_space<vmem>>, vector<10240x32xf32>
    %get3A_64 = arith.constant 0 : index
    %get3A_65 = arith.constant 0 : index
    %get3A_66 = vector.load %arg14[%get3A_64, %get3A_65] : memref<32x64xf32, #tpu.memory_space<vmem>>, vector<32x64xf32>
    %dot_general3A_67 = arith.constant dense<0.000000e+00> : vector<1x64xf32>
    %dot_general3A_68 = tpu.matmul %add3A_58, %get3A_66, %dot_general3A_67 {dimension_numbers = #tpu.dot_dimension_numbers<[1], [0], [0], [1], [0, 0, 1, 1], [], []>, transpose_lhs_hint = false} : vector<1x32xf32>, vector<32x64xf32>, vector<1x64xf32> -> vector<1x64xf32>
    %get3A_69 = arith.constant 0 : index
    %get3A_70 = arith.constant 0 : index
    %get3A_71 = vector.load %arg15[%get3A_69, %get3A_70] : memref<1x64xf32, #tpu.memory_space<vmem>>, vector<1x64xf32>
    %add3A_72 = arith.addf %dot_general3A_68, %get3A_71 : vector<1x64xf32>
    %get3A_73 = arith.constant 0 : index
    %get3A_74 = arith.constant 0 : index
    %get3A_75 = vector.load %arg12[%get3A_73, %get3A_74] : memref<32x64xf32, #tpu.memory_space<vmem>>, vector<32x64xf32>
    %dot_general3A_76 = arith.constant dense<0.000000e+00> : vector<10240x64xf32>
    %dot_general3A_77 = tpu.matmul %get3A_63, %get3A_75, %dot_general3A_76 {dimension_numbers = #tpu.dot_dimension_numbers<[1], [0], [0], [1], [0, 0, 1, 1], [], []>, transpose_lhs_hint = false} : vector<10240x32xf32>, vector<32x64xf32>, vector<10240x64xf32> -> vector<10240x64xf32>
    %add3A_78 = vector.broadcast %add3A_72 : vector<1x64xf32> to vector<10240x64xf32>
    %add3A_79 = arith.addf %dot_general3A_77, %add3A_78 : vector<10240x64xf32>
    %swap3A_80 = arith.constant 0 : index
    %swap3A_81 = arith.constant 0 : index
    %swap3A_82 = vector.load %arg17[%swap3A_80, %swap3A_81] : memref<10240x64xf32, #tpu.memory_space<vmem>>, vector<10240x64xf32>
    tpu.vector_store %arg17[%swap3A_80, %swap3A_81], %add3A_79 {strides = array<i32>} : memref<10240x64xf32, #tpu.memory_space<vmem>>, vector<10240x64xf32>,
    %get3A_83 = arith.constant 0 : index
    %get3A_84 = arith.constant 0 : index
    %get3A_85 = vector.load %arg13[%get3A_83, %get3A_84] : memref<32x64xf32, #tpu.memory_space<vmem>>, vector<32x64xf32>
    %dot_general3A_86 = arith.constant dense<0.000000e+00> : vector<10240x64xf32>
    %dot_general3A_87 = tpu.matmul %get3A_63, %get3A_85, %dot_general3A_86 {dimension_numbers = #tpu.dot_dimension_numbers<[1], [0], [0], [1], [0, 0, 1, 1], [], []>, transpose_lhs_hint = false} : vector<10240x32xf32>, vector<32x64xf32>, vector<10240x64xf32> -> vector<10240x64xf32>
    %swap3A_88 = arith.constant 0 : index
    %swap3A_89 = arith.constant 0 : index
    %swap3A_90 = vector.load %arg18[%swap3A_88, %swap3A_89] : memref<10240x64xf32, #tpu.memory_space<vmem>>, vector<10240x64xf32>
    tpu.vector_store %arg18[%swap3A_88, %swap3A_89], %dot_general3A_87 {strides = array<i32>} : memref<10240x64xf32, #tpu.memory_space<vmem>>, vector<10240x64xf32>,
    return
  }
}

module attributes {stable_mosaic.version = 14 : i64} {
  func.func @body(%arg0: memref<10240x32xf32, #tpu.memory_space<vmem>>, %arg1: memref<2x10240x32xf32, #tpu.memory_space<vmem>>, %arg2: memref<2x10240xf32, #tpu.memory_space<vmem>>, %arg3: memref<10240x32xf32, #tpu.memory_space<vmem>>, %arg4: memref<1x32xf32, #tpu.memory_space<vmem>>, %arg5: memref<32x64xf32, #tpu.memory_space<vmem>>, %arg6: memref<32x64xf32, #tpu.memory_space<vmem>>, %arg7: memref<32x64xf32, #tpu.memory_space<vmem>>, %arg8: memref<1x64xf32, #tpu.memory_space<vmem>>, %arg9: memref<64x32xf32, #tpu.memory_space<vmem>>, %arg10: memref<1x32xf32, #tpu.memory_space<vmem>>, %arg11: memref<32x32xf32, #tpu.memory_space<vmem>>, %arg12: memref<1x32xf32, #tpu.memory_space<vmem>>, %arg13: memref<10240x32xf32, #tpu.memory_space<vmem>>, %arg14: memref<1x32xf32, #tpu.memory_space<vmem>>) attributes {dimension_semantics = [], scalar_prefetch = 0 : i64, scratch_operands = 0 : i64, tpu.core_type = #tpu.core_type<tc>} {
    %get3A = arith.constant 0 : index
    %get3A_0 = arith.constant 0 : index
    %get3A_1 = arith.constant 0 : index
    %get3A_2 = vector.load %arg1[%get3A, %get3A_0, %get3A_1] : memref<2x10240x32xf32, #tpu.memory_space<vmem>>, vector<1x10240x32xf32>
    %get3A_3 = vector.shape_cast %get3A_2 : vector<1x10240x32xf32> to vector<10240x32xf32>
    %get3A_4 = arith.constant 1 : index
    %get3A_5 = arith.constant 0 : index
    %get3A_6 = arith.constant 0 : index
    %get3A_7 = vector.load %arg1[%get3A_4, %get3A_5, %get3A_6] : memref<2x10240x32xf32, #tpu.memory_space<vmem>>, vector<1x10240x32xf32>
    %get3A_8 = vector.shape_cast %get3A_7 : vector<1x10240x32xf32> to vector<10240x32xf32>
    %add3A = arith.addf %get3A_3, %get3A_8 : vector<10240x32xf32>
    %get3A_9 = arith.constant 0 : index
    %get3A_10 = arith.constant 0 : index
    %get3A_11 = vector.load %arg3[%get3A_9, %get3A_10] : memref<10240x32xf32, #tpu.memory_space<vmem>>, vector<10240x32xf32>
    %sub3A = arith.subf %add3A, %get3A_11 : vector<10240x32xf32>
    %get3A_12 = arith.constant 0 : index
    %get3A_13 = arith.constant 0 : index
    %get3A_14 = vector.load %arg2[%get3A_12, %get3A_13] : memref<2x10240xf32, #tpu.memory_space<vmem>>, vector<1x10240xf32>
    %get3A_15 = vector.shape_cast %get3A_14 : vector<1x10240xf32> to vector<10240xf32>
    %get3A_16 = arith.constant 1 : index
    %get3A_17 = arith.constant 0 : index
    %get3A_18 = vector.load %arg2[%get3A_16, %get3A_17] : memref<2x10240xf32, #tpu.memory_space<vmem>>, vector<1x10240xf32>
    %get3A_19 = vector.shape_cast %get3A_18 : vector<1x10240xf32> to vector<10240xf32>
    %add3A_20 = arith.addf %get3A_15, %get3A_19 : vector<10240xf32>
    %max3A = arith.constant 1.000000e+00 : f32
    %max3A_21 = vector.broadcast %max3A : f32 to vector<10240xf32>
    %max3A_22 = arith.maximumf %add3A_20, %max3A_21 : vector<10240xf32>
    %broadcast_in_dim3A = vector.shape_cast %max3A_22 : vector<10240xf32> to vector<10240x1xf32>
    %div3A = vector.broadcast %broadcast_in_dim3A : vector<10240x1xf32> to vector<10240x32xf32>
    %div3A_23 = arith.divf %sub3A, %div3A : vector<10240x32xf32>
    %get3A_24 = arith.constant 0 : index
    %get3A_25 = arith.constant 0 : index
    %get3A_26 = vector.load %arg0[%get3A_24, %get3A_25] : memref<10240x32xf32, #tpu.memory_space<vmem>>, vector<10240x32xf32>
    %get3A_27 = arith.constant 0 : index
    %get3A_28 = arith.constant 0 : index
    %get3A_29 = vector.load %arg5[%get3A_27, %get3A_28] : memref<32x64xf32, #tpu.memory_space<vmem>>, vector<32x64xf32>
    %dot_general3A = arith.constant dense<0.000000e+00> : vector<10240x64xf32>
    %dot_general3A_30 = tpu.matmul %get3A_26, %get3A_29, %dot_general3A {dimension_numbers = #tpu.dot_dimension_numbers<[1], [0], [0], [1], [0, 0, 1, 1], [], []>, transpose_lhs_hint = false} : vector<10240x32xf32>, vector<32x64xf32>, vector<10240x64xf32> -> vector<10240x64xf32>
    %get3A_31 = arith.constant 0 : index
    %get3A_32 = arith.constant 0 : index
    %get3A_33 = vector.load %arg6[%get3A_31, %get3A_32] : memref<32x64xf32, #tpu.memory_space<vmem>>, vector<32x64xf32>
    %dot_general3A_34 = arith.constant dense<0.000000e+00> : vector<10240x64xf32>
    %dot_general3A_35 = tpu.matmul %div3A_23, %get3A_33, %dot_general3A_34 {dimension_numbers = #tpu.dot_dimension_numbers<[1], [0], [0], [1], [0, 0, 1, 1], [], []>, transpose_lhs_hint = false} : vector<10240x32xf32>, vector<32x64xf32>, vector<10240x64xf32> -> vector<10240x64xf32>
    %add3A_36 = arith.addf %dot_general3A_30, %dot_general3A_35 : vector<10240x64xf32>
    %get3A_37 = arith.constant 0 : index
    %get3A_38 = arith.constant 0 : index
    %get3A_39 = vector.load %arg4[%get3A_37, %get3A_38] : memref<1x32xf32, #tpu.memory_space<vmem>>, vector<1x32xf32>
    %get3A_40 = arith.constant 0 : index
    %get3A_41 = arith.constant 0 : index
    %get3A_42 = vector.load %arg7[%get3A_40, %get3A_41] : memref<32x64xf32, #tpu.memory_space<vmem>>, vector<32x64xf32>
    %dot_general3A_43 = arith.constant dense<0.000000e+00> : vector<1x64xf32>
    %dot_general3A_44 = tpu.matmul %get3A_39, %get3A_42, %dot_general3A_43 {dimension_numbers = #tpu.dot_dimension_numbers<[1], [0], [0], [1], [0, 0, 1, 1], [], []>, transpose_lhs_hint = false} : vector<1x32xf32>, vector<32x64xf32>, vector<1x64xf32> -> vector<1x64xf32>
    %add3A_45 = vector.broadcast %dot_general3A_44 : vector<1x64xf32> to vector<10240x64xf32>
    %add3A_46 = arith.addf %add3A_36, %add3A_45 : vector<10240x64xf32>
    %get3A_47 = arith.constant 0 : index
    %get3A_48 = arith.constant 0 : index
    %get3A_49 = vector.load %arg8[%get3A_47, %get3A_48] : memref<1x64xf32, #tpu.memory_space<vmem>>, vector<1x64xf32>
    %add3A_50 = vector.broadcast %get3A_49 : vector<1x64xf32> to vector<10240x64xf32>
    %add3A_51 = arith.addf %add3A_46, %add3A_50 : vector<10240x64xf32>
    %max3A_52 = arith.constant 0.000000e+00 : f32
    %max3A_53 = vector.broadcast %max3A_52 : f32 to vector<10240x64xf32>
    %max3A_54 = arith.maximumf %add3A_51, %max3A_53 : vector<10240x64xf32>
    %get3A_55 = arith.constant 0 : index
    %get3A_56 = arith.constant 0 : index
    %get3A_57 = vector.load %arg9[%get3A_55, %get3A_56] : memref<64x32xf32, #tpu.memory_space<vmem>>, vector<64x32xf32>
    %dot_general3A_58 = arith.constant dense<0.000000e+00> : vector<10240x32xf32>
    %dot_general3A_59 = tpu.matmul %max3A_54, %get3A_57, %dot_general3A_58 {dimension_numbers = #tpu.dot_dimension_numbers<[1], [0], [0], [1], [0, 0, 1, 1], [], []>, transpose_lhs_hint = false} : vector<10240x64xf32>, vector<64x32xf32>, vector<10240x32xf32> -> vector<10240x32xf32>
    %get3A_60 = arith.constant 0 : index
    %get3A_61 = arith.constant 0 : index
    %get3A_62 = vector.load %arg10[%get3A_60, %get3A_61] : memref<1x32xf32, #tpu.memory_space<vmem>>, vector<1x32xf32>
    %add3A_63 = vector.broadcast %get3A_62 : vector<1x32xf32> to vector<10240x32xf32>
    %add3A_64 = arith.addf %dot_general3A_59, %add3A_63 : vector<10240x32xf32>
    %max3A_65 = arith.constant 0.000000e+00 : f32
    %max3A_66 = vector.broadcast %max3A_65 : f32 to vector<10240x32xf32>
    %max3A_67 = arith.maximumf %add3A_64, %max3A_66 : vector<10240x32xf32>
    %get3A_68 = arith.constant 0 : index
    %get3A_69 = arith.constant 0 : index
    %get3A_70 = vector.load %arg11[%get3A_68, %get3A_69] : memref<32x32xf32, #tpu.memory_space<vmem>>, vector<32x32xf32>
    %dot_general3A_71 = arith.constant dense<0.000000e+00> : vector<10240x32xf32>
    %dot_general3A_72 = tpu.matmul %max3A_67, %get3A_70, %dot_general3A_71 {dimension_numbers = #tpu.dot_dimension_numbers<[1], [0], [0], [1], [0, 0, 1, 1], [], []>, transpose_lhs_hint = false} : vector<10240x32xf32>, vector<32x32xf32>, vector<10240x32xf32> -> vector<10240x32xf32>
    %get3A_73 = arith.constant 0 : index
    %get3A_74 = arith.constant 0 : index
    %get3A_75 = vector.load %arg12[%get3A_73, %get3A_74] : memref<1x32xf32, #tpu.memory_space<vmem>>, vector<1x32xf32>
    %add3A_76 = vector.broadcast %get3A_75 : vector<1x32xf32> to vector<10240x32xf32>
    %add3A_77 = arith.addf %dot_general3A_72, %add3A_76 : vector<10240x32xf32>
    %max3A_78 = arith.constant 0.000000e+00 : f32
    %max3A_79 = vector.broadcast %max3A_78 : f32 to vector<10240x32xf32>
    %max3A_80 = arith.maximumf %add3A_77, %max3A_79 : vector<10240x32xf32>
    %iota3A = tpu.iota {dimensions = array<i32: 0>} : vector<10240x1xi32>
    %lt3A = arith.constant 10000 : i32
    %lt3A_81 = vector.broadcast %lt3A : i32 to vector<10240x1xi32>
    %lt3A_82 = arith.cmpi slt, %iota3A, %lt3A_81 : vector<10240x1xi32>
    %jit3A = arith.constant 0.000000e+00 : f32
    %broadcast_in_dim3A_83 = vector.shape_cast %lt3A_82 : vector<10240x1xi1> to vector<10240x1xi1>
    %broadcast_in_dim3A_84 = vector.broadcast %broadcast_in_dim3A_83 : vector<10240x1xi1> to vector<10240x32xi1>
    %broadcast_in_dim3A_85 = vector.broadcast %jit3A : f32 to vector<10240x32xf32>
    %select_n3A = arith.select %broadcast_in_dim3A_84, %max3A_80, %broadcast_in_dim3A_85 : vector<10240x32xi1>, vector<10240x32xf32>
    %reduce_sum3A = arith.constant dense<0.000000e+00> : vector<32xf32>
    %reduce_sum3A_86 = vector.multi_reduction <add>, %select_n3A, %reduce_sum3A [0] : vector<10240x32xf32> to vector<32xf32>
    %broadcast_in_dim3A_87 = vector.shape_cast %reduce_sum3A_86 : vector<32xf32> to vector<1x32xf32>
    %swap3A = arith.constant 0 : index
    %swap3A_88 = arith.constant 0 : index
    %swap3A_89 = vector.load %arg14[%swap3A, %swap3A_88] : memref<1x32xf32, #tpu.memory_space<vmem>>, vector<1x32xf32>
    tpu.vector_store %arg14[%swap3A, %swap3A_88], %broadcast_in_dim3A_87 {strides = array<i32>} : memref<1x32xf32, #tpu.memory_space<vmem>>, vector<1x32xf32>,
    %add3A_90 = arith.addf %max3A_80, %get3A_26 : vector<10240x32xf32>
    %swap3A_91 = arith.constant 0 : index
    %swap3A_92 = arith.constant 0 : index
    %swap3A_93 = vector.load %arg13[%swap3A_91, %swap3A_92] : memref<10240x32xf32, #tpu.memory_space<vmem>>, vector<10240x32xf32>
    tpu.vector_store %arg13[%swap3A_91, %swap3A_92], %add3A_90 {strides = array<i32>} : memref<10240x32xf32, #tpu.memory_space<vmem>>, vector<10240x32xf32>,
    return
  }
}

module attributes {stable_mosaic.version = 14 : i64} {
  func.func @body(%arg0: i32, %arg1: memref<2000x64xf32, #tpu.memory_space<vmem>>, %arg2: memref<2000x32xf32, #tpu.memory_space<vmem>>, %arg3: memref<32x64xf32, #tpu.memory_space<vmem>>, %arg4: memref<64x32xf32, #tpu.memory_space<vmem>>, %arg5: memref<1x32xf32, #tpu.memory_space<vmem>>, %arg6: memref<32x32xf32, #tpu.memory_space<vmem>>, %arg7: memref<1x32xf32, #tpu.memory_space<vmem>>, %arg8: memref<32x1xf32, #tpu.memory_space<vmem>>, %arg9: memref<2000x32xf32, #tpu.memory_space<vmem>>, %arg10: memref<2000x1xf32, #tpu.memory_space<vmem>>) attributes {dimension_semantics = [#tpu.dimension_semantics<arbitrary>], iteration_bounds = array<i64: 160>, scalar_prefetch = 0 : i64, scratch_operands = 0 : i64, tpu.core_type = #tpu.core_type<tc>, window_params = [{transform_indices = @transform_0, window_bounds = array<i64: 2000, 64>}, {transform_indices = @transform_1, window_bounds = array<i64: 2000, 32>}, {pipeline_mode = #tpu.pipeline_mode<synchronous>, transform_indices = @transform_2, window_bounds = array<i64: 32, 64>}, {pipeline_mode = #tpu.pipeline_mode<synchronous>, transform_indices = @transform_3, window_bounds = array<i64: 64, 32>}, {pipeline_mode = #tpu.pipeline_mode<synchronous>, transform_indices = @transform_4, window_bounds = array<i64: 1, 32>}, {pipeline_mode = #tpu.pipeline_mode<synchronous>, transform_indices = @transform_5, window_bounds = array<i64: 32, 32>}, {pipeline_mode = #tpu.pipeline_mode<synchronous>, transform_indices = @transform_6, window_bounds = array<i64: 1, 32>}, {pipeline_mode = #tpu.pipeline_mode<synchronous>, transform_indices = @transform_7, window_bounds = array<i64: 32, 1>}, {transform_indices = @transform_8, window_bounds = array<i64: 2000, 32>}, {transform_indices = @transform_9, window_bounds = array<i64: 2000, 1>}]} {
    %get3A = arith.constant 0 : index
    %get3A_0 = arith.constant 0 : index
    %get3A_1 = vector.load %arg1[%get3A, %get3A_0] : memref<2000x64xf32, #tpu.memory_space<vmem>>, vector<2000x64xf32>
    %get3A_2 = arith.constant 0 : index
    %get3A_3 = arith.constant 0 : index
    %get3A_4 = vector.load %arg2[%get3A_2, %get3A_3] : memref<2000x32xf32, #tpu.memory_space<vmem>>, vector<2000x32xf32>
    %get3A_5 = arith.constant 0 : index
    %get3A_6 = arith.constant 0 : index
    %get3A_7 = vector.load %arg3[%get3A_5, %get3A_6] : memref<32x64xf32, #tpu.memory_space<vmem>>, vector<32x64xf32>
    %dot_general3A = arith.constant dense<0.000000e+00> : vector<2000x64xf32>
    %dot_general3A_8 = tpu.matmul %get3A_4, %get3A_7, %dot_general3A {dimension_numbers = #tpu.dot_dimension_numbers<[1], [0], [0], [1], [0, 0, 1, 1], [], []>, transpose_lhs_hint = false} : vector<2000x32xf32>, vector<32x64xf32>, vector<2000x64xf32> -> vector<2000x64xf32>
    %add3A = arith.addf %get3A_1, %dot_general3A_8 : vector<2000x64xf32>
    %max3A = arith.constant 0.000000e+00 : f32
    %max3A_9 = vector.broadcast %max3A : f32 to vector<2000x64xf32>
    %max3A_10 = arith.maximumf %add3A, %max3A_9 : vector<2000x64xf32>
    %get3A_11 = arith.constant 0 : index
    %get3A_12 = arith.constant 0 : index
    %get3A_13 = vector.load %arg4[%get3A_11, %get3A_12] : memref<64x32xf32, #tpu.memory_space<vmem>>, vector<64x32xf32>
    %dot_general3A_14 = arith.constant dense<0.000000e+00> : vector<2000x32xf32>
    %dot_general3A_15 = tpu.matmul %max3A_10, %get3A_13, %dot_general3A_14 {dimension_numbers = #tpu.dot_dimension_numbers<[1], [0], [0], [1], [0, 0, 1, 1], [], []>, transpose_lhs_hint = false} : vector<2000x64xf32>, vector<64x32xf32>, vector<2000x32xf32> -> vector<2000x32xf32>
    %get3A_16 = arith.constant 0 : index
    %get3A_17 = arith.constant 0 : index
    %get3A_18 = vector.load %arg5[%get3A_16, %get3A_17] : memref<1x32xf32, #tpu.memory_space<vmem>>, vector<1x32xf32>
    %add3A_19 = vector.broadcast %get3A_18 : vector<1x32xf32> to vector<2000x32xf32>
    %add3A_20 = arith.addf %dot_general3A_15, %add3A_19 : vector<2000x32xf32>
    %max3A_21 = arith.constant 0.000000e+00 : f32
    %max3A_22 = vector.broadcast %max3A_21 : f32 to vector<2000x32xf32>
    %max3A_23 = arith.maximumf %add3A_20, %max3A_22 : vector<2000x32xf32>
    %get3A_24 = arith.constant 0 : index
    %get3A_25 = arith.constant 0 : index
    %get3A_26 = vector.load %arg6[%get3A_24, %get3A_25] : memref<32x32xf32, #tpu.memory_space<vmem>>, vector<32x32xf32>
    %dot_general3A_27 = arith.constant dense<0.000000e+00> : vector<2000x32xf32>
    %dot_general3A_28 = tpu.matmul %max3A_23, %get3A_26, %dot_general3A_27 {dimension_numbers = #tpu.dot_dimension_numbers<[1], [0], [0], [1], [0, 0, 1, 1], [], []>, transpose_lhs_hint = false} : vector<2000x32xf32>, vector<32x32xf32>, vector<2000x32xf32> -> vector<2000x32xf32>
    %get3A_29 = arith.constant 0 : index
    %get3A_30 = arith.constant 0 : index
    %get3A_31 = vector.load %arg7[%get3A_29, %get3A_30] : memref<1x32xf32, #tpu.memory_space<vmem>>, vector<1x32xf32>
    %add3A_32 = vector.broadcast %get3A_31 : vector<1x32xf32> to vector<2000x32xf32>
    %add3A_33 = arith.addf %dot_general3A_28, %add3A_32 : vector<2000x32xf32>
    %max3A_34 = arith.constant 0.000000e+00 : f32
    %max3A_35 = vector.broadcast %max3A_34 : f32 to vector<2000x32xf32>
    %max3A_36 = arith.maximumf %add3A_33, %max3A_35 : vector<2000x32xf32>
    %swap3A = arith.constant 0 : index
    %swap3A_37 = arith.constant 0 : index
    %swap3A_38 = vector.load %arg9[%swap3A, %swap3A_37] : memref<2000x32xf32, #tpu.memory_space<vmem>>, vector<2000x32xf32>
    tpu.vector_store %arg9[%swap3A, %swap3A_37], %max3A_36 {strides = array<i32>} : memref<2000x32xf32, #tpu.memory_space<vmem>>, vector<2000x32xf32>,
    %get3A_39 = arith.constant 0 : index
    %get3A_40 = arith.constant 0 : index
    %get3A_41 = vector.load %arg8[%get3A_39, %get3A_40] : memref<32x1xf32, #tpu.memory_space<vmem>>, vector<32x1xf32>
    %dot_general3A_42 = arith.constant dense<0.000000e+00> : vector<2000x1xf32>
    %dot_general3A_43 = tpu.matmul %max3A_36, %get3A_41, %dot_general3A_42 {dimension_numbers = #tpu.dot_dimension_numbers<[1], [0], [0], [1], [0, 0, 1, 1], [], []>, transpose_lhs_hint = false} : vector<2000x32xf32>, vector<32x1xf32>, vector<2000x1xf32> -> vector<2000x1xf32>
    %swap3A_44 = arith.constant 0 : index
    %swap3A_45 = arith.constant 0 : index
    %swap3A_46 = vector.load %arg10[%swap3A_44, %swap3A_45] : memref<2000x1xf32, #tpu.memory_space<vmem>>, vector<2000x1xf32>
    tpu.vector_store %arg10[%swap3A_44, %swap3A_45], %dot_general3A_43 {strides = array<i32>} : memref<2000x1xf32, #tpu.memory_space<vmem>>, vector<2000x1xf32>,
    return
  }
  func.func @transform_0(%arg0: i32) -> (i32, i32) {
    %c0_i32 = arith.constant 0 : i32
    %c0_i32_0 = arith.constant 0 : i32
    return %arg0, %c0_i32 : i32, i32
  }
  func.func @transform_1(%arg0: i32) -> (i32, i32) {
    %c0_i32 = arith.constant 0 : i32
    %c0_i32_0 = arith.constant 0 : i32
    return %arg0, %c0_i32 : i32, i32
  }
  func.func @transform_2(%arg0: i32) -> (i32, i32) {
    %c0_i32 = arith.constant 0 : i32
    %c0_i32_0 = arith.constant 0 : i32
    %c0_i32_1 = arith.constant 0 : i32
    return %c0_i32, %c0_i32_0 : i32, i32
  }
  func.func @transform_3(%arg0: i32) -> (i32, i32) {
    %c0_i32 = arith.constant 0 : i32
    %c0_i32_0 = arith.constant 0 : i32
    %c0_i32_1 = arith.constant 0 : i32
    return %c0_i32, %c0_i32_0 : i32, i32
  }
  func.func @transform_4(%arg0: i32) -> (i32, i32) {
    %c0_i32 = arith.constant 0 : i32
    %c0_i32_0 = arith.constant 0 : i32
    %c0_i32_1 = arith.constant 0 : i32
    return %c0_i32, %c0_i32_0 : i32, i32
  }
  func.func @transform_5(%arg0: i32) -> (i32, i32) {
    %c0_i32 = arith.constant 0 : i32
    %c0_i32_0 = arith.constant 0 : i32
    %c0_i32_1 = arith.constant 0 : i32
    return %c0_i32, %c0_i32_0 : i32, i32
  }
  func.func @transform_6(%arg0: i32) -> (i32, i32) {
    %c0_i32 = arith.constant 0 : i32
    %c0_i32_0 = arith.constant 0 : i32
    %c0_i32_1 = arith.constant 0 : i32
    return %c0_i32, %c0_i32_0 : i32, i32
  }
  func.func @transform_7(%arg0: i32) -> (i32, i32) {
    %c0_i32 = arith.constant 0 : i32
    %c0_i32_0 = arith.constant 0 : i32
    %c0_i32_1 = arith.constant 0 : i32
    return %c0_i32, %c0_i32_0 : i32, i32
  }
  func.func @transform_8(%arg0: i32) -> (i32, i32) {
    %c0_i32 = arith.constant 0 : i32
    %c0_i32_0 = arith.constant 0 : i32
    return %arg0, %c0_i32 : i32, i32
  }
  func.func @transform_9(%arg0: i32) -> (i32, i32) {
    %c0_i32 = arith.constant 0 : i32
    %c0_i32_0 = arith.constant 0 : i32
    return %arg0, %c0_i32 : i32, i32
  }
}

module attributes {stable_mosaic.version = 14 : i64} {
  func.func @body(%arg0: i32, %arg1: memref<2000x32xf32, #tpu.memory_space<vmem>>, %arg2: memref<2000x1xf32, #tpu.memory_space<vmem>>, %arg3: memref<2000x32xf32, #tpu.memory_space<vmem>>) attributes {dimension_semantics = [#tpu.dimension_semantics<arbitrary>], iteration_bounds = array<i64: 160>, scalar_prefetch = 0 : i64, scratch_operands = 0 : i64, tpu.core_type = #tpu.core_type<tc>, window_params = [{transform_indices = @transform_0, window_bounds = array<i64: 2000, 32>}, {transform_indices = @transform_1, window_bounds = array<i64: 2000, 1>}, {transform_indices = @transform_2, window_bounds = array<i64: 2000, 32>}]} {
    %get3A = arith.constant 0 : index
    %get3A_0 = arith.constant 0 : index
    %get3A_1 = vector.load %arg1[%get3A, %get3A_0] : memref<2000x32xf32, #tpu.memory_space<vmem>>, vector<2000x32xf32>
    %get3A_2 = arith.constant 0 : index
    %get3A_3 = arith.constant 0 : index
    %get3A_4 = vector.load %arg2[%get3A_2, %get3A_3] : memref<2000x1xf32, #tpu.memory_space<vmem>>, vector<2000x1xf32>
    %mul3A = vector.broadcast %get3A_4 : vector<2000x1xf32> to vector<2000x32xf32>
    %mul3A_5 = arith.mulf %get3A_1, %mul3A : vector<2000x32xf32>
    %swap3A = arith.constant 0 : index
    %swap3A_6 = arith.constant 0 : index
    %swap3A_7 = vector.load %arg3[%swap3A, %swap3A_6] : memref<2000x32xf32, #tpu.memory_space<vmem>>, vector<2000x32xf32>
    tpu.vector_store %arg3[%swap3A, %swap3A_6], %mul3A_5 {strides = array<i32>} : memref<2000x32xf32, #tpu.memory_space<vmem>>, vector<2000x32xf32>,
    return
  }
  func.func @transform_0(%arg0: i32) -> (i32, i32) {
    %c0_i32 = arith.constant 0 : i32
    %c0_i32_0 = arith.constant 0 : i32
    return %arg0, %c0_i32 : i32, i32
  }
  func.func @transform_1(%arg0: i32) -> (i32, i32) {
    %c0_i32 = arith.constant 0 : i32
    %c0_i32_0 = arith.constant 0 : i32
    return %arg0, %c0_i32 : i32, i32
  }
  func.func @transform_2(%arg0: i32) -> (i32, i32) {
    %c0_i32 = arith.constant 0 : i32
    %c0_i32_0 = arith.constant 0 : i32
    return %arg0, %c0_i32 : i32, i32
  }
}

module attributes {stable_mosaic.version = 14 : i64} {
  func.func @body(%arg0: memref<10240x32xf32, #tpu.memory_space<vmem>>, %arg1: memref<2x10240x32xf32, #tpu.memory_space<vmem>>, %arg2: memref<2x10240xf32, #tpu.memory_space<vmem>>, %arg3: memref<1x32xf32, #tpu.memory_space<vmem>>, %arg4: memref<32x64xf32, #tpu.memory_space<vmem>>, %arg5: memref<32x64xf32, #tpu.memory_space<vmem>>, %arg6: memref<32x64xf32, #tpu.memory_space<vmem>>, %arg7: memref<1x64xf32, #tpu.memory_space<vmem>>, %arg8: memref<64x32xf32, #tpu.memory_space<vmem>>, %arg9: memref<1x32xf32, #tpu.memory_space<vmem>>, %arg10: memref<32x32xf32, #tpu.memory_space<vmem>>, %arg11: memref<1x32xf32, #tpu.memory_space<vmem>>, %arg12: memref<10240x32xf32, #tpu.memory_space<vmem>>) attributes {dimension_semantics = [], scalar_prefetch = 0 : i64, scratch_operands = 0 : i64, tpu.core_type = #tpu.core_type<tc>} {
    %get3A = arith.constant 0 : index
    %get3A_0 = arith.constant 0 : index
    %get3A_1 = vector.load %arg2[%get3A, %get3A_0] : memref<2x10240xf32, #tpu.memory_space<vmem>>, vector<1x10240xf32>
    %get3A_2 = vector.shape_cast %get3A_1 : vector<1x10240xf32> to vector<10240xf32>
    %get3A_3 = arith.constant 1 : index
    %get3A_4 = arith.constant 0 : index
    %get3A_5 = vector.load %arg2[%get3A_3, %get3A_4] : memref<2x10240xf32, #tpu.memory_space<vmem>>, vector<1x10240xf32>
    %get3A_6 = vector.shape_cast %get3A_5 : vector<1x10240xf32> to vector<10240xf32>
    %add3A = arith.addf %get3A_2, %get3A_6 : vector<10240xf32>
    %add3A_7 = arith.constant 1.000000e-16 : f32
    %add3A_8 = vector.broadcast %add3A_7 : f32 to vector<10240xf32>
    %add3A_9 = arith.addf %add3A, %add3A_8 : vector<10240xf32>
    %broadcast_in_dim3A = vector.shape_cast %add3A_9 : vector<10240xf32> to vector<10240x1xf32>
    %get3A_10 = arith.constant 0 : index
    %get3A_11 = arith.constant 0 : index
    %get3A_12 = arith.constant 0 : index
    %get3A_13 = vector.load %arg1[%get3A_10, %get3A_11, %get3A_12] : memref<2x10240x32xf32, #tpu.memory_space<vmem>>, vector<1x10240x32xf32>
    %get3A_14 = vector.shape_cast %get3A_13 : vector<1x10240x32xf32> to vector<10240x32xf32>
    %get3A_15 = arith.constant 1 : index
    %get3A_16 = arith.constant 0 : index
    %get3A_17 = arith.constant 0 : index
    %get3A_18 = vector.load %arg1[%get3A_15, %get3A_16, %get3A_17] : memref<2x10240x32xf32, #tpu.memory_space<vmem>>, vector<1x10240x32xf32>
    %get3A_19 = vector.shape_cast %get3A_18 : vector<1x10240x32xf32> to vector<10240x32xf32>
    %add3A_20 = arith.addf %get3A_14, %get3A_19 : vector<10240x32xf32>
    %div3A = vector.broadcast %broadcast_in_dim3A : vector<10240x1xf32> to vector<10240x32xf32>
    %div3A_21 = arith.divf %add3A_20, %div3A : vector<10240x32xf32>
    %get3A_22 = arith.constant 0 : index
    %get3A_23 = arith.constant 0 : index
    %get3A_24 = vector.load %arg0[%get3A_22, %get3A_23] : memref<10240x32xf32, #tpu.memory_space<vmem>>, vector<10240x32xf32>
    %get3A_25 = arith.constant 0 : index
    %get3A_26 = arith.constant 0 : index
    %get3A_27 = vector.load %arg4[%get3A_25, %get3A_26] : memref<32x64xf32, #tpu.memory_space<vmem>>, vector<32x64xf32>
    %dot_general3A = arith.constant dense<0.000000e+00> : vector<10240x64xf32>
    %dot_general3A_28 = tpu.matmul %get3A_24, %get3A_27, %dot_general3A {dimension_numbers = #tpu.dot_dimension_numbers<[1], [0], [0], [1], [0, 0, 1, 1], [], []>, transpose_lhs_hint = false} : vector<10240x32xf32>, vector<32x64xf32>, vector<10240x64xf32> -> vector<10240x64xf32>
    %get3A_29 = arith.constant 0 : index
    %get3A_30 = arith.constant 0 : index
    %get3A_31 = vector.load %arg5[%get3A_29, %get3A_30] : memref<32x64xf32, #tpu.memory_space<vmem>>, vector<32x64xf32>
    %dot_general3A_32 = arith.constant dense<0.000000e+00> : vector<10240x64xf32>
    %dot_general3A_33 = tpu.matmul %div3A_21, %get3A_31, %dot_general3A_32 {dimension_numbers = #tpu.dot_dimension_numbers<[1], [0], [0], [1], [0, 0, 1, 1], [], []>, transpose_lhs_hint = false} : vector<10240x32xf32>, vector<32x64xf32>, vector<10240x64xf32> -> vector<10240x64xf32>
    %add3A_34 = arith.addf %dot_general3A_28, %dot_general3A_33 : vector<10240x64xf32>
    %get3A_35 = arith.constant 0 : index
    %get3A_36 = arith.constant 0 : index
    %get3A_37 = vector.load %arg3[%get3A_35, %get3A_36] : memref<1x32xf32, #tpu.memory_space<vmem>>, vector<1x32xf32>
    %get3A_38 = arith.constant 0 : index
    %get3A_39 = arith.constant 0 : index
    %get3A_40 = vector.load %arg6[%get3A_38, %get3A_39] : memref<32x64xf32, #tpu.memory_space<vmem>>, vector<32x64xf32>
    %dot_general3A_41 = arith.constant dense<0.000000e+00> : vector<1x64xf32>
    %dot_general3A_42 = tpu.matmul %get3A_37, %get3A_40, %dot_general3A_41 {dimension_numbers = #tpu.dot_dimension_numbers<[1], [0], [0], [1], [0, 0, 1, 1], [], []>, transpose_lhs_hint = false} : vector<1x32xf32>, vector<32x64xf32>, vector<1x64xf32> -> vector<1x64xf32>
    %add3A_43 = vector.broadcast %dot_general3A_42 : vector<1x64xf32> to vector<10240x64xf32>
    %add3A_44 = arith.addf %add3A_34, %add3A_43 : vector<10240x64xf32>
    %get3A_45 = arith.constant 0 : index
    %get3A_46 = arith.constant 0 : index
    %get3A_47 = vector.load %arg7[%get3A_45, %get3A_46] : memref<1x64xf32, #tpu.memory_space<vmem>>, vector<1x64xf32>
    %add3A_48 = vector.broadcast %get3A_47 : vector<1x64xf32> to vector<10240x64xf32>
    %add3A_49 = arith.addf %add3A_44, %add3A_48 : vector<10240x64xf32>
    %max3A = arith.constant 0.000000e+00 : f32
    %max3A_50 = vector.broadcast %max3A : f32 to vector<10240x64xf32>
    %max3A_51 = arith.maximumf %add3A_49, %max3A_50 : vector<10240x64xf32>
    %get3A_52 = arith.constant 0 : index
    %get3A_53 = arith.constant 0 : index
    %get3A_54 = vector.load %arg8[%get3A_52, %get3A_53] : memref<64x32xf32, #tpu.memory_space<vmem>>, vector<64x32xf32>
    %dot_general3A_55 = arith.constant dense<0.000000e+00> : vector<10240x32xf32>
    %dot_general3A_56 = tpu.matmul %max3A_51, %get3A_54, %dot_general3A_55 {dimension_numbers = #tpu.dot_dimension_numbers<[1], [0], [0], [1], [0, 0, 1, 1], [], []>, transpose_lhs_hint = false} : vector<10240x64xf32>, vector<64x32xf32>, vector<10240x32xf32> -> vector<10240x32xf32>
    %get3A_57 = arith.constant 0 : index
    %get3A_58 = arith.constant 0 : index
    %get3A_59 = vector.load %arg9[%get3A_57, %get3A_58] : memref<1x32xf32, #tpu.memory_space<vmem>>, vector<1x32xf32>
    %add3A_60 = vector.broadcast %get3A_59 : vector<1x32xf32> to vector<10240x32xf32>
    %add3A_61 = arith.addf %dot_general3A_56, %add3A_60 : vector<10240x32xf32>
    %max3A_62 = arith.constant 0.000000e+00 : f32
    %max3A_63 = vector.broadcast %max3A_62 : f32 to vector<10240x32xf32>
    %max3A_64 = arith.maximumf %add3A_61, %max3A_63 : vector<10240x32xf32>
    %get3A_65 = arith.constant 0 : index
    %get3A_66 = arith.constant 0 : index
    %get3A_67 = vector.load %arg10[%get3A_65, %get3A_66] : memref<32x32xf32, #tpu.memory_space<vmem>>, vector<32x32xf32>
    %dot_general3A_68 = arith.constant dense<0.000000e+00> : vector<10240x32xf32>
    %dot_general3A_69 = tpu.matmul %max3A_64, %get3A_67, %dot_general3A_68 {dimension_numbers = #tpu.dot_dimension_numbers<[1], [0], [0], [1], [0, 0, 1, 1], [], []>, transpose_lhs_hint = false} : vector<10240x32xf32>, vector<32x32xf32>, vector<10240x32xf32> -> vector<10240x32xf32>
    %get3A_70 = arith.constant 0 : index
    %get3A_71 = arith.constant 0 : index
    %get3A_72 = vector.load %arg11[%get3A_70, %get3A_71] : memref<1x32xf32, #tpu.memory_space<vmem>>, vector<1x32xf32>
    %add3A_73 = vector.broadcast %get3A_72 : vector<1x32xf32> to vector<10240x32xf32>
    %add3A_74 = arith.addf %dot_general3A_69, %add3A_73 : vector<10240x32xf32>
    %max3A_75 = arith.constant 0.000000e+00 : f32
    %max3A_76 = vector.broadcast %max3A_75 : f32 to vector<10240x32xf32>
    %max3A_77 = arith.maximumf %add3A_74, %max3A_76 : vector<10240x32xf32>
    %add3A_78 = arith.addf %max3A_77, %get3A_24 : vector<10240x32xf32>
    %swap3A = arith.constant 0 : index
    %swap3A_79 = arith.constant 0 : index
    %swap3A_80 = vector.load %arg12[%swap3A, %swap3A_79] : memref<10240x32xf32, #tpu.memory_space<vmem>>, vector<10240x32xf32>
    tpu.vector_store %arg12[%swap3A, %swap3A_79], %add3A_78 {strides = array<i32>} : memref<10240x32xf32, #tpu.memory_space<vmem>>, vector<10240x32xf32>,
    return
  }
}

module attributes {stable_mosaic.version = 14 : i64} {
  func.func @body(%arg0: memref<10240x32xf32, #tpu.memory_space<vmem>>, %arg1: memref<32x64xf32, #tpu.memory_space<vmem>>, %arg2: memref<1x64xf32, #tpu.memory_space<vmem>>, %arg3: memref<64x32xf32, #tpu.memory_space<vmem>>, %arg4: memref<1x32xf32, #tpu.memory_space<vmem>>, %arg5: memref<32x16xf32, #tpu.memory_space<vmem>>, %arg6: memref<1x16xf32, #tpu.memory_space<vmem>>, %arg7: memref<16x1xf32, #tpu.memory_space<vmem>>, %arg8: memref<1x1xf32, #tpu.memory_space<vmem>>, %arg9: memref<10240x1xf32, #tpu.memory_space<vmem>>) attributes {dimension_semantics = [], scalar_prefetch = 0 : i64, scratch_operands = 0 : i64, tpu.core_type = #tpu.core_type<tc>} {
    %get3A = arith.constant 0 : index
    %get3A_0 = arith.constant 0 : index
    %get3A_1 = vector.load %arg0[%get3A, %get3A_0] : memref<10240x32xf32, #tpu.memory_space<vmem>>, vector<10240x32xf32>
    %get3A_2 = arith.constant 0 : index
    %get3A_3 = arith.constant 0 : index
    %get3A_4 = vector.load %arg1[%get3A_2, %get3A_3] : memref<32x64xf32, #tpu.memory_space<vmem>>, vector<32x64xf32>
    %dot_general3A = arith.constant dense<0.000000e+00> : vector<10240x64xf32>
    %dot_general3A_5 = tpu.matmul %get3A_1, %get3A_4, %dot_general3A {dimension_numbers = #tpu.dot_dimension_numbers<[1], [0], [0], [1], [0, 0, 1, 1], [], []>, transpose_lhs_hint = false} : vector<10240x32xf32>, vector<32x64xf32>, vector<10240x64xf32> -> vector<10240x64xf32>
    %get3A_6 = arith.constant 0 : index
    %get3A_7 = arith.constant 0 : index
    %get3A_8 = vector.load %arg2[%get3A_6, %get3A_7] : memref<1x64xf32, #tpu.memory_space<vmem>>, vector<1x64xf32>
    %add3A = vector.broadcast %get3A_8 : vector<1x64xf32> to vector<10240x64xf32>
    %add3A_9 = arith.addf %dot_general3A_5, %add3A : vector<10240x64xf32>
    %max3A = arith.constant 0.000000e+00 : f32
    %max3A_10 = vector.broadcast %max3A : f32 to vector<10240x64xf32>
    %max3A_11 = arith.maximumf %add3A_9, %max3A_10 : vector<10240x64xf32>
    %get3A_12 = arith.constant 0 : index
    %get3A_13 = arith.constant 0 : index
    %get3A_14 = vector.load %arg3[%get3A_12, %get3A_13] : memref<64x32xf32, #tpu.memory_space<vmem>>, vector<64x32xf32>
    %dot_general3A_15 = arith.constant dense<0.000000e+00> : vector<10240x32xf32>
    %dot_general3A_16 = tpu.matmul %max3A_11, %get3A_14, %dot_general3A_15 {dimension_numbers = #tpu.dot_dimension_numbers<[1], [0], [0], [1], [0, 0, 1, 1], [], []>, transpose_lhs_hint = false} : vector<10240x64xf32>, vector<64x32xf32>, vector<10240x32xf32> -> vector<10240x32xf32>
    %get3A_17 = arith.constant 0 : index
    %get3A_18 = arith.constant 0 : index
    %get3A_19 = vector.load %arg4[%get3A_17, %get3A_18] : memref<1x32xf32, #tpu.memory_space<vmem>>, vector<1x32xf32>
    %add3A_20 = vector.broadcast %get3A_19 : vector<1x32xf32> to vector<10240x32xf32>
    %add3A_21 = arith.addf %dot_general3A_16, %add3A_20 : vector<10240x32xf32>
    %max3A_22 = arith.constant 0.000000e+00 : f32
    %max3A_23 = vector.broadcast %max3A_22 : f32 to vector<10240x32xf32>
    %max3A_24 = arith.maximumf %add3A_21, %max3A_23 : vector<10240x32xf32>
    %get3A_25 = arith.constant 0 : index
    %get3A_26 = arith.constant 0 : index
    %get3A_27 = vector.load %arg5[%get3A_25, %get3A_26] : memref<32x16xf32, #tpu.memory_space<vmem>>, vector<32x16xf32>
    %dot_general3A_28 = arith.constant dense<0.000000e+00> : vector<10240x16xf32>
    %dot_general3A_29 = tpu.matmul %max3A_24, %get3A_27, %dot_general3A_28 {dimension_numbers = #tpu.dot_dimension_numbers<[1], [0], [0], [1], [0, 0, 1, 1], [], []>, transpose_lhs_hint = false} : vector<10240x32xf32>, vector<32x16xf32>, vector<10240x16xf32> -> vector<10240x16xf32>
    %get3A_30 = arith.constant 0 : index
    %get3A_31 = arith.constant 0 : index
    %get3A_32 = vector.load %arg6[%get3A_30, %get3A_31] : memref<1x16xf32, #tpu.memory_space<vmem>>, vector<1x16xf32>
    %add3A_33 = vector.broadcast %get3A_32 : vector<1x16xf32> to vector<10240x16xf32>
    %add3A_34 = arith.addf %dot_general3A_29, %add3A_33 : vector<10240x16xf32>
    %max3A_35 = arith.constant 0.000000e+00 : f32
    %max3A_36 = vector.broadcast %max3A_35 : f32 to vector<10240x16xf32>
    %max3A_37 = arith.maximumf %add3A_34, %max3A_36 : vector<10240x16xf32>
    %get3A_38 = arith.constant 0 : index
    %get3A_39 = arith.constant 0 : index
    %get3A_40 = vector.load %arg7[%get3A_38, %get3A_39] : memref<16x1xf32, #tpu.memory_space<vmem>>, vector<16x1xf32>
    %dot_general3A_41 = arith.constant dense<0.000000e+00> : vector<10240x1xf32>
    %dot_general3A_42 = tpu.matmul %max3A_37, %get3A_40, %dot_general3A_41 {dimension_numbers = #tpu.dot_dimension_numbers<[1], [0], [0], [1], [0, 0, 1, 1], [], []>, transpose_lhs_hint = false} : vector<10240x16xf32>, vector<16x1xf32>, vector<10240x1xf32> -> vector<10240x1xf32>
    %get3A_43 = arith.constant 0 : index
    %get3A_44 = arith.constant 0 : index
    %get3A_45 = vector.load %arg8[%get3A_43, %get3A_44] : memref<1x1xf32, #tpu.memory_space<vmem>>, vector<1x1xf32>
    %add3A_46 = vector.broadcast %get3A_45 : vector<1x1xf32> to vector<10240x1xf32>
    %add3A_47 = arith.addf %dot_general3A_42, %add3A_46 : vector<10240x1xf32>
    %max3A_48 = arith.constant 0.000000e+00 : f32
    %max3A_49 = vector.broadcast %max3A_48 : f32 to vector<10240x1xf32>
    %max3A_50 = arith.maximumf %add3A_47, %max3A_49 : vector<10240x1xf32>
    %jit3A = arith.constant 0.000000e+00 : f32
    %jit3A_51 = arith.constant 1.000000e+00 : f32
    %max3A_52 = vector.broadcast %jit3A : f32 to vector<10240x1xf32>
    %max3A_53 = arith.maximumf %max3A_52, %max3A_50 : vector<10240x1xf32>
    %min3A = vector.broadcast %jit3A_51 : f32 to vector<10240x1xf32>
    %min3A_54 = arith.minimumf %min3A, %max3A_53 : vector<10240x1xf32>
    %swap3A = arith.constant 0 : index
    %swap3A_55 = arith.constant 0 : index
    %swap3A_56 = vector.load %arg9[%swap3A, %swap3A_55] : memref<10240x1xf32, #tpu.memory_space<vmem>>, vector<10240x1xf32>
    tpu.vector_store %arg9[%swap3A, %swap3A_55], %min3A_54 {strides = array<i32>} : memref<10240x1xf32, #tpu.memory_space<vmem>>, vector<10240x1xf32>,
    return
  }
}

</mosaic_0001>

<sc_bundles>
// kernel: kernel.26.cloned.1.call-start
scs
__scs_entry_jumppad:
0x0: {  	(pc) =	sbr.rel $0x88, $3  }
0x1: {  	(tag) =	ssettag $0x0;
	lr =	simm.s32 $0x1  }
0x2: {  	[smem:$0x3F52] =	sst lr;
	_ =	strace $0xD0000000  }
0x3: {  	_ = 	snop  }
0x4: {  	_ = 	snop  }
0x5: {  	_ = 	snop  }
0x6: {  	_ = 	snop  }
0x7: {  	_ = 	snop  }
__scs_overlays_trampoline_lowered:
0x8: {  	[smem:$0x3F61] =	sst s0  }
0x9: {  	[smem:$0x3F62] =	sst s1  }
0xa: {  	[smem:$0x3F63] =	sst s2  }
0xb: {  	[smem:$0x3F64] =	sst s3  }
0xc: {  	[smem:$0x3F65] =	sst s4  }
0xd: {  	[smem:$0x3F66] =	sst s5  }
0xe: {  	[smem:$0x3F67] =	sst s6  }
0xf: {  	[smem:$0x3F68] =	sst s7  }
0x10: {  	[smem:$0x3F69] =	sst s8  }
0x11: {  	[smem:$0x3F6A] =	sst s9;
	s0 =	simm.s32 @!p0 $0x0  }
0x12: {  	s1 =	sld [smem:$0x3F50];
	s0 =	simm.s32 @p0 $0x1  }
0x13: {  	[smem:$0x3F6B] =	sst s0;
	s0 =	simm.s32 @!p1 $0x0  }
0x14: {  	s2 =	sld [smem:$0x3F4F];
	s0 =	simm.s32 @p1 $0x1  }
0x15: {  	[smem:$0x3F6C] =	sst s0;
	s0 =	simm.s32 @!p2 $0x0  }
0x16: {  	s3 =	sld [smem:$0x3FDB];
	s0 =	simm.s32 @p2 $0x1  }
0x17: {  	s4 =	simm.s32 $0x1BF5;
	[smem:$0x3F6E] =	sst s0  }
0x18: {  	s0 =	sld [smem:$0x3F51];
	_ =	swait.ge [sflag:s4], $0x0  }
0x19: {  	s7 =	sld [smem:$0x3F52]  }
0x1a: {  	s8 =	sadd.s32 $0xFFFFE003, lr  }
0x1b: {  	s9 =	sadd.s32 $0xFFFFFEF7, lr;
	s5 =	simm.s32 $0xFFFFFFFF;
	p2 =	slt.u32 s8, $0xFFFFF086  }
0x1c: {  	p1 =	slt.u32 s9, $0xF7A;
	s5 =	simm.s32 @!p2 $0x0  }
0x1d: {  	s5 =	simm.s32 @p1 $0x1;
	p0 =	seq.s32 s7, s2  }
0x1e: {  	s7 =	smul.u32 @!p0 $0xF7A, s2;
	p2 =	seq.s32 @!p0 s5, $0x0  }
0x1f: {  	s9 =	smul.u32 $0xF7A, s1;
	s8 =	simm.s32 @!p0 $0x1BF5;
	p2 =	por !p2, p0  }
0x20: {  	[sflag:s8] =	ssyncset.s32 @!p0 $0xFFFFF086;
	s6 =	sadd.s32 @!p0 s3, s7;
	s7 =	simm.s32 @!p0 $0x108  }
0x21: {  	s3 =	sadd.s32 s3, s9;
	s6 =	sadd.s32 @!p0 $0x88, s6;
	s7 =	simm.s32 @p2 $0x1082  }
0x22: {  	[simem:s7], [sflag:s8] =	dma.local @!p0 [hbm:s6], $0xF7A  }
0x23: {  	s9 =	sor.u32 $0xD0000000, s2;
	s6 =	simm.s32 $0x108;
	_ =	swait.ge @!p0 [sflag:s8], $0x0  }
0x24: {  	s3 =	sadd.s32 $0x88, s3;
	s6 =	simm.s32 @!p1 $0x1082;
	[sflag:s4] =	ssyncset.s32 $0xFFFFF086  }
0x25: {  	[simem:s6], [sflag:s4] =	dma.local [hbm:s3], $0xF7A  }
0x26: {  	[smem:$0x3F52] =	sst s1;
	(tag) =	ssettag s2;
	_ =	strace s9  }
0x27: {  	s1 =	sld [smem:$0x3F62]  }
0x28: {  	s2 =	sld [smem:$0x3F63]  }
0x29: {  	s4 =	sld [smem:$0x3F65]  }
0x2a: {  	p0 =	seq.s32 s5, $0x0;
	s5 =	sld [smem:$0x3F66]  }
0x2b: {  	s6 =	sld [smem:$0x3F67]  }
0x2c: {  	s7 =	sld [smem:$0x3F68]  }
0x2d: {  	s3 =	simm.s32 $0x108;
	s8 =	sld [smem:$0x3F69]  }
0x2e: {  	s3 =	simm.s32 @!p0 $0x1082;
	s9 =	sld [smem:$0x3F6A]  }
0x2f: {  	lr =	sadd.s32 s0, s3;
	s0 =	sld [smem:$0x3F61]  }
0x30: {  	s3 =	sld [smem:$0x3F64]  }
0x31: {  	[smem:$0x3F6D] =	sst s10  }
0x32: {  	s10 =	sld [smem:$0x3F6B];
	_ =	sdelay $0x3  }
0x33: {  	p0 =	seq.s32 s10, $0x1;
	s10 =	sld [smem:$0x3F6D];
	_ =	sdelay $0x3  }
0x34: {  	[smem:$0x3F6D] =	sst s10  }
0x35: {  	s10 =	sld [smem:$0x3F6C];
	_ =	sdelay $0x3  }
0x36: {  	p1 =	seq.s32 s10, $0x1;
	s10 =	sld [smem:$0x3F6D];
	_ =	sdelay $0x3  }
0x37: {  	[smem:$0x3F6D] =	sst s10  }
0x38: {  	s10 =	sld [smem:$0x3F6E]  }
0x39: {  	_ = 	snop;
	(pc) =	sbr.ind lr, $3  }
0x3a: {  	_ = 	snop  }
0x3b: {  	_ = 	snop  }
0x3c: {  	p2 =	seq.s32 s10, $0x1;
	s10 =	sld [smem:$0x3F6D]  }
0x3d: {  	_ =	shalt  }
0x3e: {  	_ =	shalt  }
0x3f: {  	_ =	shalt  }
0x40: {  	_ =	shalt  }
0x41: {  	_ =	shalt  }
0x42: {  	_ =	shalt  }
0x43: {  	_ =	shalt  }
0x44: {  	_ =	shalt  }
0x45: {  	_ =	shalt  }
0x46: {  	_ =	shalt  }
0x47: {  	_ =	shalt  }
0x48: {  	_ =	shalt  }
0x49: {  	_ =	shalt  }
0x4a: {  	_ =	shalt  }
0x4b: {  	_ =	shalt  }
0x4c: {  	_ =	shalt  }
0x4d: {  	_ =	shalt  }
0x4e: {  	_ =	shalt  }
0x4f: {  	_ =	shalt  }
0x50: {  	_ =	shalt  }
0x51: {  	_ =	shalt  }
0x52: {  	_ =	shalt  }
0x53: {  	_ =	shalt  }
0x54: {  	_ =	shalt  }
0x55: {  	_ =	shalt  }
0x56: {  	_ =	shalt  }
0x57: {  	_ =	shalt  }
0x58: {  	_ =	shalt  }
0x59: {  	_ =	shalt  }
0x5a: {  	_ =	shalt  }
0x5b: {  	_ =	shalt  }
0x5c: {  	_ =	shalt  }
0x5d: {  	_ =	shalt  }
0x5e: {  	_ =	shalt  }
0x5f: {  	_ =	shalt  }
0x60: {  	_ =	shalt  }
0x61: {  	_ =	shalt  }
0x62: {  	_ =	shalt  }
0x63: {  	_ =	shalt  }
0x64: {  	_ =	shalt  }
0x65: {  	_ =	shalt  }
0x66: {  	_ =	shalt  }
0x67: {  	_ =	shalt  }
0x68: {  	_ =	shalt  }
0x69: {  	_ =	shalt  }
0x6a: {  	_ =	shalt  }
0x6b: {  	_ =	shalt  }
0x6c: {  	_ =	shalt  }
0x6d: {  	_ =	shalt  }
0x6e: {  	_ =	shalt  }
0x6f: {  	_ =	shalt  }
0x70: {  	_ =	shalt  }
0x71: {  	_ =	shalt  }
0x72: {  	_ =	shalt  }
0x73: {  	_ =	shalt  }
0x74: {  	_ =	shalt  }
0x75: {  	_ =	shalt  }
0x76: {  	_ =	shalt  }
0x77: {  	_ =	shalt  }
0x78: {  	_ =	shalt  }
0x79: {  	_ =	shalt  }
0x7a: {  	_ =	shalt  }
0x7b: {  	_ =	shalt  }
0x7c: {  	_ =	shalt  }
0x7d: {  	_ =	shalt  }
0x7e: {  	_ =	shalt  }
0x7f: {  	_ =	shalt  }
0x80: {  	_ =	shalt  }
0x81: {  	_ =	shalt  }
0x82: {  	_ =	shalt  }
0x83: {  	_ =	shalt  }
0x84: {  	_ =	shalt  }
0x85: {  	_ =	shalt  }
0x86: {  	_ =	shalt  }
0x87: {  	_ =	shalt  }
.Lfunc_end0:
.L_simem_size_0:
called_computation_lowered:
.L_overlay_start_0:
0x88: {  	s2 =	sld [smem:$0x3FD9]  }
0x89: {  	s3 =	sld [smem:$0x3FFE];
	_ =	sdelay $0x1  }
0x8a: {  	s1 =	srdreg.scid  }
0x8b: {  	s0 =	sand.u32 $0x1, s1  }
0x8c: {  	s16 =	sshll.u32 s0, $0xA;
	s2 =	sadd.s32 s3, s2  }
0x8d: {  	s2 =	sadd.s32 s2, s16  }
0x8e: {  	[smem:$0x3F79] =	sst s2  }
0x8f: {  	_ = 	snop  }
0x90: {  	(tm) =	ssettm $0x1  }
0x91: {  	s17 =	sld [smem:$0x3FFB];
	_ =	sdelay $0x3  }
0x92: {  	_ =	strace s17  }
0x93: {  	s2 =	sld [smem:$0x3FFC];
	_ =	sdelay $0x3  }
0x94: {  	_ =	strace s2  }
0x95: {  	s2 =	sld [smem:$0x3FFD];
	_ =	sdelay $0x3  }
0x96: {  	_ =	strace s2  }
0x97: {  	_ =	strace $0x8FFFFFFF  }
0x98: {  	s18 =	sld [smem:$0x3FDB];
	_ =	sdelay $0x1  }
0x99: {  	s19 =	simm.s32 $_scs_section_size  }
0x9a: {  	s4 =	simm.s32 $_size__tile_overlayer_lowered;
	s5 =	simm.s32 $_tile_overlayer_lowered  }
0x9b: {  	s22 =	simm.s32 $0x1BFF;
	s21 =	sshll.u32 s5, $0x1;
	s2 =	sadd.s32 s19, s18  }
0x9c: {  	s6 =	simm.s32 $0x0;
	s20 =	sshll.u32 s4, $0x1;
	s4 =	sadd.s32 s21, s2  }
0x9d: {  	[timem:s6], [sflag:s22] =	dma.local [hbm:s4], s20  }
0x9e: {  	_ =	swait.ge [sflag:s22], s20  }
0x9f: {  	s3 =	ssub.s32 $0x0, s20;
	[sflag:s22] =	ssyncset.done $0x0  }
0xa0: {  	[sflag:s22] =	ssyncadd.s32 s3;
	_ =	sdelay $0x1  }
0xa1: {  	s23 =	simm.s32 $0x1B8B  }
0xa2: {  	_ =	swait.ge [sflag:s23], $0x1  }
0xa3: {  	[sflag:s23] =	ssyncset.done $0x0  }
0xa4: {  	s25 =	simm.s32 $0x1B8E;
	s24 =	sld [smem:$0x3FFE];
	[sflag:s23] =	ssyncadd.s32 $0xFFFFFFFF  }
0xa5: {  	s26 =	simm.s32 $execute0_lowered;
	[smem:$0x3FD2] =	sst s25  }
0xa6: {  	s4 =	sshll.u32 s26, $0x1;
	_ =	strace $0x80000046;
	[dreg:$0x1] =	wrdreg $0xFFFFFFFF  }
0xa7: {  	s28 =	simm.s32 $_size_execute0_lowered;
	s2 =	sadd.s32 s2, s4;
	[dreg:$0x0] =	wrdreg $0x0  }
0xa8: {  	s4 =	sshll.u32 s28, $0x1;
	[dreg:$0x2] =	wrdreg s2  }
0xa9: {  	[dreg:$0x3] =	wrdreg s4  }
0xaa: {  	[dreg:$0x4] =	wrdreg $0xC0  }
0xab: {  	_ =	task [dreg:s6], $0x5FFFF  }
0xac: {  	[dreg:$0x1] =	wrdreg $0xFFFFFFFF  }
0xad: {  	[dreg:$0x0] =	wrdreg $0x60  }
0xae: {  	[dreg:$0x2] =	wrdreg s24  }
0xaf: {  	[dreg:$0x3] =	wrdreg $0x9  }
0xb0: {  	_ =	task.clear_ibuf [dreg:s6], $0x4FFFF;
	_ =	strace $0x90000046  }
0xb1: {  	s29 =	simm.s32 $0x9;
	_ =	strace $0x80000048  }
0xb2: {  	_ =	swait.ge [sflag:s29], $0x1  }
0xb3: {  	[sflag:s29] =	ssyncadd.s32 $0xFFFFFFFF  }
0xb4: {  	_ =	strace $0x90000048  }
0xb5: {  	_ =	sfence  }
0xb6: {  	s30 =	sld [smem:$0x0];
	_ =	sdelay $0x2  }
0xb7: {  	s31 =	sshll.u32 s1, $0xD;
	s1 =	sshrl.u32 s1, $0x2  }
0xb8: {  	s3 =	sand.u32 $0x4000, s31;
	s1 =	sadd.s32 s1, s30  }
0xb9: {  	s0 =	sor.u32 s3, s0;
	s1 =	sshll.u32 s1, $0x11  }
0xba: {  	s0 =	sor.u32 s1, s0  }
0xbb: {  	s0 =	sadd.s32 $0x8F2B, s0  }
0xbc: {  	[sflag:s0] =	ssyncadd.remote.s32 $0x1  }
0xbd: {  	_ =	sfence.sel $0xFFFF  }
0xbe: {  	[dreg:$0x0] =	wrdreg $0xFFFFFFFF;
	(pc) =	sbr.abs _section_cstart, $3  }
0xbf: {  	[dreg:$0x1] =	wrdreg $0xFFFFFFFF  }
0xc0: {  	_ =	task.clear_ibuf [dreg:s6], $0x2FFFF;
	_ =	strace $0x9FFFFFFF  }
0xc1: {  	(tm) =	ssettm $0x7FFFFFFF  }
tec
execute0_lowered:
.L_overlay_start_1:
0x0: {  	(tag) =	ssettag $0x1  }
0x1: {  	s7 =	rddreg [dreg:$0x0]  }
0x2: {  	s0 =	rddreg [dreg:$0x1];
	s1 =	simm.s32 $0x0  }
0x3: {  	s2 =	srdreg.scid;
	s12 =	simm.s32 $0x320;
	s13 =	simm.s32 $0x6720  }
0x4: {  	s14 =	simm.s32 $0x1;
	s15 =	simm.s32 $0x2;
	s16 =	simm.s32 $0x0  }
0x5: {  	[smem:$0x7FF] =	sst s1;
	s3 =	sadd.s32 $0x62A00, s7;
	s4 =	sadd.s32 $0x4EA00, s7  }
0x6: {  	s8 =	sand.u32 $0x1, s2;
	s5 =	sadd.s32 $0x12E00, s7;
	s2 =	stileid.u32  }
0x7: {  	s6 =	sadd.s32 $0x1CC00, s7;
	s7 =	sadd.s32 $0x76A00, s7;
	s9 =	ssub.s32 $0x2, s8  }
0x8: {  	_ =	strace $0x80000047;
	s11 =	sshll.u32 s2, $0x1;
	s10 =	sshrl.u32 s9, $0x1  }
0x9: {  	s8 =	sor.u32 s8, s11;
	s11 =	simm.s32 $0x190;
	s9 =	ssub.s32 s9, s10  }
0xa: {  	s8 =	smul.u32 $0x2710, s8;
	s10 =	simm.s32 $0x3;
	s9 =	smax.u32 s9, $0x1  }
.LBB2_1:
0xb: {  	s17 =	simm.s32 $0x0  }
.LBB2_2:
0xc: {  	s18 =	smul.u32 $0x190, s17;
	_ =	sdelay $0x1  }
0xd: {  	s18 =	sadd.s32 s8, s18  }
0xe: {  	s19 =	sshrl.u32 s18, $0x3  }
0xf: {  	s21 =	simm.s32 $0x0;
	s20 =	sadd.s32 s5, s19  }
0x10: {  	[tilespmem:s21], [sflag:$0x3] =	stream.linear.gather [hbm4b:s20+s21], $0x190, $0x38;
	[tilespmem:$0xCB20] =	vst v63  }
0x11: {  	_ =	swait.ge [sflag:s10], $0x190  }
0x12: {  	[sflag:s10] =	ssyncset.done $0x0  }
0x13: {  	s19 =	sadd.s32 s6, s19;
	[sflag:s10] =	ssyncadd.s32 $0xFFFFFE70  }
0x14: {  	[tilespmem:s11], [sflag:$0x3] =	stream.linear.gather [hbm4b:s19+s21], $0x190, $0x38;
	[tilespmem:$0xCB20] =	vst v63  }
0x15: {  	_ =	swait.ge [sflag:s10], $0x190  }
0x16: {  	[sflag:s10] =	ssyncset.done $0x0  }
0x17: {  	[sflag:s10] =	ssyncadd.s32 $0xFFFFFE70  }
0x18: {  	[tilespmem:s12], [sflag:$0x1] =	stream.indirect.gather [hbm4b:s3+s11], $0x40, s21, s11, $0xb8;
	[tilespmem:$0xCB20] =	vst v63  }
0x19: {  	_ = 	snop  }
0x1a: {  	[tilespmem:s13], [sflag:$0x2] =	stream.indirect.gather [hbm4b:s4+s11], $0x40, s11, s11, $0xb8;
	[tilespmem:$0xCB20] =	vst v63  }
0x1b: {  	_ =	swait.ge [sflag:s14], $0x6400  }
0x1c: {  	[sflag:s14] =	ssyncset.done $0x0  }
0x1d: {  	[sflag:s14] =	ssyncadd.s32 $0xFFFF9C00  }
0x1e: {  	_ =	swait.ge [sflag:s15], $0x6400  }
0x1f: {  	[sflag:s15] =	ssyncset.done $0x0  }
0x20: {  	s19 =	simm.s32 $0x0;
	[sflag:s15] =	ssyncadd.s32 $0xFFFF9C00  }
0x21: {  	v5 =	vld [tilespmem:s19+$0x6720]  }
0x22: {  	v6 =	vld [tilespmem:s19+$0x6730]  }
0x23: {  	v1 =	vld [tilespmem:s19+$0x6740]  }
0x24: {  	v0 =	vld [tilespmem:s19+$0x6750]  }
0x25: {  	v2 =	vld [tilespmem:s19+$0x320]  }
0x26: {  	v4 =	vld [tilespmem:s19+$0x330]  }
0x27: {  	s20 =	simm.s32 $0x100;
	v3 =	vld [tilespmem:s19+$0x340]  }
.LBB2_3:
0x28: {  	s21 =	sshra.s32 s20, $0x2;
	p0 =	sne.s32 s20, $0x18F00;
	v7 =	vld [tilespmem:s19+$0x350];
	v8 =	vmov v1  }
0x29: {  	v9 =	vld [tilespmem:s21+$0x6720];
	v10 =	vmov v0  }
0x2a: {  	v11 =	vld [tilespmem:s21+$0x6730];
	v2 =	vadd.f32 v5, v2  }
.Ltmp0:
0x2b: {  	v1 =	vld [tilespmem:s21+$0x6740];
	v4 =	vadd.f32 v6, v4;
	(pc) =	sbr.rel @p0 .LBB2_3-.Ltmp0, $4  }
0x2c: {  	v0 =	vld [tilespmem:s21+$0x6750];
	[tilespmem:s19+$0x320] =	vst v2;
	v3 =	vadd.f32 v8, v3  }
0x2d: {  	v2 =	vld [tilespmem:s21+$0x320];
	[tilespmem:s19+$0x330] =	vst v4;
	v7 =	vadd.f32 v10, v7  }
0x2e: {  	v4 =	vld [tilespmem:s21+$0x330];
	[tilespmem:s19+$0x340] =	vst v3;
	v5 =	vmov v9  }
0x2f: {  	s20 =	sadd.s32 $0x100, s20;
	v3 =	vld [tilespmem:s21+$0x340];
	[tilespmem:s19+$0x350] =	vst v7;
	v6 =	vmov v11;
	s19 =	smov.u32 s21  }
0x30: {  	v7 =	vld [tilespmem:s19+$0x350];
	_ =	sdelay $0x1  }
0x31: {  	v2 =	vadd.f32 v5, v2  }
0x32: {  	v4 =	vadd.f32 v6, v4  }
0x33: {  	[tilespmem:s19+$0x320] =	vst v2;
	v1 =	vadd.f32 v1, v3  }
0x34: {  	s17 =	sadd.s32 $0x1, s17;
	[tilespmem:s19+$0x330] =	vst v4;
	v0 =	vadd.f32 v0, v7  }
0x35: {  	s18 =	sshll.u32 s18, $0x3;
	p0 =	sne.s32 s17, $0x19;
	[tilespmem:s19+$0x340] =	vst v1  }
.Ltmp1:
0x36: {  	s18 =	sadd.s32 s7, s18;
	[tilespmem:s19+$0x350] =	vst v0;
	(pc) =	sbr.rel @p0 .LBB2_2-.Ltmp1, $4  }
0x37: {  	[hbm4b:s18+s1] =	stream.linear.scatter [tilespmem:s12], [sflag:$0x3], $0x6400, $0x38;
	[tilespmem:$0xCB20] =	vst v63  }
0x38: {  	_ =	swait.ge [sflag:s10], $0x6400  }
0x39: {  	[sflag:s10] =	ssyncset.done $0x0  }
0x3a: {  	[sflag:s10] =	ssyncadd.s32 $0xFFFF9C00  }
0x3b: {  	s16 =	sadd.s32 $0x1, s16  }
0x3c: {  	p0 =	sne.s32 s16, s9  }
.Ltmp2:
0x3d: {  	_ = 	snop;
	(pc) =	sbr.rel @p0 .LBB2_1-.Ltmp2, $1  }
0x3e: {  	_ =	sdelay $0x3  }
0x3f: {  	_ =	sfence.sel $0x180000  }
0x40: {  	[bflag:$0x0] =	sbarrier.arrive $0xFFFF  }
0x41: {  	p0 =	sne.s32 s2, $0x0;
	_ =	strace $0x90000047  }
0x42: {  	s0 =	sadd.s32 @!p0 $0x100000, s0;
	[bflag:$0x2] =	sbarrier.arrive $0xFFFF  }
0x43: {  	[sflag:s0] =	ssyncadd.tile.s32 @!p0 $0x1;
	_ =	shalt  }
.Lfunc_end2:
_tile_overlayer_lowered:
.L_overlay_start_2:
0x44: {  	(tag) =	ssettag $0x2  }
0x45: {  	s0 =	rddreg [dreg:$0x0];
	s2 =	stileid.u32  }
0x46: {  	s1 =	rddreg [dreg:$0x1];
	p0 =	sne.s32 s2, $0x0  }
0x47: {  	s3 =	rddreg [dreg:$0x2];
	[bflag:$0x3] =	sbarrier.arrive $0xFFFF;
	s2 =	simm.s32 @!p0 $0x1C03  }
0x48: {  	[timem:s3], [sflag:s2] =	dma.local @!p0 [hbm:s0], s1  }
0x49: {  	s0 =	simm.s32 @!p0 $0x3  }
0x4a: {  	_ =	swait.ge @!p0 [sflag:s0], s1  }
0x4b: {  	s1 =	ssub.s32 @!p0 $0x0, s1;
	[sflag:s0] =	ssyncset.done @!p0 $0x0  }
0x4c: {  	[sflag:s0] =	ssyncadd.s32 @!p0 s1  }
0x4d: {  	[bflag:$0x3] =	sbarrier.arrive $0xFFFF  }
0x4e: {  	_ =	shalt  }

// kernel: kernel.29.cloned.1.call-start
scs
__scs_entry_jumppad:
0x0: {  	(pc) =	sbr.rel $0x88, $3  }
0x1: {  	(tag) =	ssettag $0x0;
	lr =	simm.s32 $0x1  }
0x2: {  	[smem:$0x3F52] =	sst lr;
	_ =	strace $0xD0000000  }
0x3: {  	_ = 	snop  }
0x4: {  	_ = 	snop  }
0x5: {  	_ = 	snop  }
0x6: {  	_ = 	snop  }
0x7: {  	_ = 	snop  }
__scs_overlays_trampoline_lowered:
0x8: {  	[smem:$0x3F61] =	sst s0  }
0x9: {  	[smem:$0x3F62] =	sst s1  }
0xa: {  	[smem:$0x3F63] =	sst s2  }
0xb: {  	[smem:$0x3F64] =	sst s3  }
0xc: {  	[smem:$0x3F65] =	sst s4  }
0xd: {  	[smem:$0x3F66] =	sst s5  }
0xe: {  	[smem:$0x3F67] =	sst s6  }
0xf: {  	[smem:$0x3F68] =	sst s7  }
0x10: {  	[smem:$0x3F69] =	sst s8  }
0x11: {  	[smem:$0x3F6A] =	sst s9;
	s0 =	simm.s32 @!p0 $0x0  }
0x12: {  	s1 =	sld [smem:$0x3F50];
	s0 =	simm.s32 @p0 $0x1  }
0x13: {  	[smem:$0x3F6B] =	sst s0;
	s0 =	simm.s32 @!p1 $0x0  }
0x14: {  	s2 =	sld [smem:$0x3F4F];
	s0 =	simm.s32 @p1 $0x1  }
0x15: {  	[smem:$0x3F6C] =	sst s0;
	s0 =	simm.s32 @!p2 $0x0  }
0x16: {  	s3 =	sld [smem:$0x3FDB];
	s0 =	simm.s32 @p2 $0x1  }
0x17: {  	s4 =	simm.s32 $0x1BF5;
	[smem:$0x3F6E] =	sst s0  }
0x18: {  	s0 =	sld [smem:$0x3F51];
	_ =	swait.ge [sflag:s4], $0x0  }
0x19: {  	s7 =	sld [smem:$0x3F52]  }
0x1a: {  	s8 =	sadd.s32 $0xFFFFE003, lr  }
0x1b: {  	s9 =	sadd.s32 $0xFFFFFEF7, lr;
	s5 =	simm.s32 $0xFFFFFFFF;
	p2 =	slt.u32 s8, $0xFFFFF086  }
0x1c: {  	p1 =	slt.u32 s9, $0xF7A;
	s5 =	simm.s32 @!p2 $0x0  }
0x1d: {  	s5 =	simm.s32 @p1 $0x1;
	p0 =	seq.s32 s7, s2  }
0x1e: {  	s7 =	smul.u32 @!p0 $0xF7A, s2;
	p2 =	seq.s32 @!p0 s5, $0x0  }
0x1f: {  	s9 =	smul.u32 $0xF7A, s1;
	s8 =	simm.s32 @!p0 $0x1BF5;
	p2 =	por !p2, p0  }
0x20: {  	[sflag:s8] =	ssyncset.s32 @!p0 $0xFFFFF086;
	s6 =	sadd.s32 @!p0 s3, s7;
	s7 =	simm.s32 @!p0 $0x108  }
0x21: {  	s3 =	sadd.s32 s3, s9;
	s6 =	sadd.s32 @!p0 $0x88, s6;
	s7 =	simm.s32 @p2 $0x1082  }
0x22: {  	[simem:s7], [sflag:s8] =	dma.local @!p0 [hbm:s6], $0xF7A  }
0x23: {  	s9 =	sor.u32 $0xD0000000, s2;
	s6 =	simm.s32 $0x108;
	_ =	swait.ge @!p0 [sflag:s8], $0x0  }
0x24: {  	s3 =	sadd.s32 $0x88, s3;
	s6 =	simm.s32 @!p1 $0x1082;
	[sflag:s4] =	ssyncset.s32 $0xFFFFF086  }
0x25: {  	[simem:s6], [sflag:s4] =	dma.local [hbm:s3], $0xF7A  }
0x26: {  	[smem:$0x3F52] =	sst s1;
	(tag) =	ssettag s2;
	_ =	strace s9  }
0x27: {  	s1 =	sld [smem:$0x3F62]  }
0x28: {  	s2 =	sld [smem:$0x3F63]  }
0x29: {  	s4 =	sld [smem:$0x3F65]  }
0x2a: {  	p0 =	seq.s32 s5, $0x0;
	s5 =	sld [smem:$0x3F66]  }
0x2b: {  	s6 =	sld [smem:$0x3F67]  }
0x2c: {  	s7 =	sld [smem:$0x3F68]  }
0x2d: {  	s3 =	simm.s32 $0x108;
	s8 =	sld [smem:$0x3F69]  }
0x2e: {  	s3 =	simm.s32 @!p0 $0x1082;
	s9 =	sld [smem:$0x3F6A]  }
0x2f: {  	lr =	sadd.s32 s0, s3;
	s0 =	sld [smem:$0x3F61]  }
0x30: {  	s3 =	sld [smem:$0x3F64]  }
0x31: {  	[smem:$0x3F6D] =	sst s10  }
0x32: {  	s10 =	sld [smem:$0x3F6B];
	_ =	sdelay $0x3  }
0x33: {  	p0 =	seq.s32 s10, $0x1;
	s10 =	sld [smem:$0x3F6D];
	_ =	sdelay $0x3  }
0x34: {  	[smem:$0x3F6D] =	sst s10  }
0x35: {  	s10 =	sld [smem:$0x3F6C];
	_ =	sdelay $0x3  }
0x36: {  	p1 =	seq.s32 s10, $0x1;
	s10 =	sld [smem:$0x3F6D];
	_ =	sdelay $0x3  }
0x37: {  	[smem:$0x3F6D] =	sst s10  }
0x38: {  	s10 =	sld [smem:$0x3F6E]  }
0x39: {  	_ = 	snop;
	(pc) =	sbr.ind lr, $3  }
0x3a: {  	_ = 	snop  }
0x3b: {  	_ = 	snop  }
0x3c: {  	p2 =	seq.s32 s10, $0x1;
	s10 =	sld [smem:$0x3F6D]  }
0x3d: {  	_ =	shalt  }
0x3e: {  	_ =	shalt  }
0x3f: {  	_ =	shalt  }
0x40: {  	_ =	shalt  }
0x41: {  	_ =	shalt  }
0x42: {  	_ =	shalt  }
0x43: {  	_ =	shalt  }
0x44: {  	_ =	shalt  }
0x45: {  	_ =	shalt  }
0x46: {  	_ =	shalt  }
0x47: {  	_ =	shalt  }
0x48: {  	_ =	shalt  }
0x49: {  	_ =	shalt  }
0x4a: {  	_ =	shalt  }
0x4b: {  	_ =	shalt  }
0x4c: {  	_ =	shalt  }
0x4d: {  	_ =	shalt  }
0x4e: {  	_ =	shalt  }
0x4f: {  	_ =	shalt  }
0x50: {  	_ =	shalt  }
0x51: {  	_ =	shalt  }
0x52: {  	_ =	shalt  }
0x53: {  	_ =	shalt  }
0x54: {  	_ =	shalt  }
0x55: {  	_ =	shalt  }
0x56: {  	_ =	shalt  }
0x57: {  	_ =	shalt  }
0x58: {  	_ =	shalt  }
0x59: {  	_ =	shalt  }
0x5a: {  	_ =	shalt  }
0x5b: {  	_ =	shalt  }
0x5c: {  	_ =	shalt  }
0x5d: {  	_ =	shalt  }
0x5e: {  	_ =	shalt  }
0x5f: {  	_ =	shalt  }
0x60: {  	_ =	shalt  }
0x61: {  	_ =	shalt  }
0x62: {  	_ =	shalt  }
0x63: {  	_ =	shalt  }
0x64: {  	_ =	shalt  }
0x65: {  	_ =	shalt  }
0x66: {  	_ =	shalt  }
0x67: {  	_ =	shalt  }
0x68: {  	_ =	shalt  }
0x69: {  	_ =	shalt  }
0x6a: {  	_ =	shalt  }
0x6b: {  	_ =	shalt  }
0x6c: {  	_ =	shalt  }
0x6d: {  	_ =	shalt  }
0x6e: {  	_ =	shalt  }
0x6f: {  	_ =	shalt  }
0x70: {  	_ =	shalt  }
0x71: {  	_ =	shalt  }
0x72: {  	_ =	shalt  }
0x73: {  	_ =	shalt  }
0x74: {  	_ =	shalt  }
0x75: {  	_ =	shalt  }
0x76: {  	_ =	shalt  }
0x77: {  	_ =	shalt  }
0x78: {  	_ =	shalt  }
0x79: {  	_ =	shalt  }
0x7a: {  	_ =	shalt  }
0x7b: {  	_ =	shalt  }
0x7c: {  	_ =	shalt  }
0x7d: {  	_ =	shalt  }
0x7e: {  	_ =	shalt  }
0x7f: {  	_ =	shalt  }
0x80: {  	_ =	shalt  }
0x81: {  	_ =	shalt  }
0x82: {  	_ =	shalt  }
0x83: {  	_ =	shalt  }
0x84: {  	_ =	shalt  }
0x85: {  	_ =	shalt  }
0x86: {  	_ =	shalt  }
0x87: {  	_ =	shalt  }
.Lfunc_end0:
.L_simem_size_0:
called_computation.1_lowered:
.L_overlay_start_0:
0x88: {  	s2 =	sld [smem:$0x3FD9]  }
0x89: {  	s3 =	sld [smem:$0x3FFE];
	_ =	sdelay $0x1  }
0x8a: {  	s1 =	srdreg.scid  }
0x8b: {  	s0 =	sand.u32 $0x1, s1  }
0x8c: {  	s16 =	sshll.u32 s0, $0xA;
	s2 =	sadd.s32 s3, s2  }
0x8d: {  	s2 =	sadd.s32 s2, s16  }
0x8e: {  	[smem:$0x3F79] =	sst s2  }
0x8f: {  	_ = 	snop  }
0x90: {  	(tm) =	ssettm $0x1  }
0x91: {  	s17 =	sld [smem:$0x3FFB];
	_ =	sdelay $0x3  }
0x92: {  	_ =	strace s17  }
0x93: {  	s2 =	sld [smem:$0x3FFC];
	_ =	sdelay $0x3  }
0x94: {  	_ =	strace s2  }
0x95: {  	s2 =	sld [smem:$0x3FFD];
	_ =	sdelay $0x3  }
0x96: {  	_ =	strace s2  }
0x97: {  	_ =	strace $0x8FFFFFFF  }
0x98: {  	s18 =	sld [smem:$0x3FDB];
	_ =	sdelay $0x1  }
0x99: {  	s19 =	simm.s32 $_scs_section_size  }
0x9a: {  	s4 =	simm.s32 $_size__tile_overlayer_lowered;
	s5 =	simm.s32 $_tile_overlayer_lowered  }
0x9b: {  	s22 =	simm.s32 $0x1BFF;
	s21 =	sshll.u32 s5, $0x1;
	s2 =	sadd.s32 s19, s18  }
0x9c: {  	s6 =	simm.s32 $0x0;
	s20 =	sshll.u32 s4, $0x1;
	s4 =	sadd.s32 s21, s2  }
0x9d: {  	[timem:s6], [sflag:s22] =	dma.local [hbm:s4], s20  }
0x9e: {  	_ =	swait.ge [sflag:s22], s20  }
0x9f: {  	s3 =	ssub.s32 $0x0, s20;
	[sflag:s22] =	ssyncset.done $0x0  }
0xa0: {  	[sflag:s22] =	ssyncadd.s32 s3;
	_ =	sdelay $0x1  }
0xa1: {  	s23 =	simm.s32 $0x1B8B  }
0xa2: {  	_ =	swait.ge [sflag:s23], $0x1  }
0xa3: {  	[sflag:s23] =	ssyncset.done $0x0  }
0xa4: {  	s25 =	simm.s32 $0x1B8E;
	s24 =	sld [smem:$0x3FFE];
	[sflag:s23] =	ssyncadd.s32 $0xFFFFFFFF  }
0xa5: {  	s26 =	simm.s32 $execute0_lowered;
	[smem:$0x3FD2] =	sst s25  }
0xa6: {  	s4 =	sshll.u32 s26, $0x1;
	_ =	strace $0x80000049;
	[dreg:$0x1] =	wrdreg $0xFFFFFFFF  }
0xa7: {  	s28 =	simm.s32 $_size_execute0_lowered;
	s2 =	sadd.s32 s2, s4;
	[dreg:$0x0] =	wrdreg $0x0  }
0xa8: {  	s4 =	sshll.u32 s28, $0x1;
	[dreg:$0x2] =	wrdreg s2  }
0xa9: {  	[dreg:$0x3] =	wrdreg s4  }
0xaa: {  	[dreg:$0x4] =	wrdreg $0xC0  }
0xab: {  	_ =	task [dreg:s6], $0x5FFFF  }
0xac: {  	[dreg:$0x1] =	wrdreg $0xFFFFFFFF  }
0xad: {  	[dreg:$0x0] =	wrdreg $0x60  }
0xae: {  	[dreg:$0x2] =	wrdreg s24  }
0xaf: {  	[dreg:$0x3] =	wrdreg $0xD0E80  }
0xb0: {  	[dreg:$0x4] =	wrdreg $0x127500  }
0xb1: {  	[dreg:$0x5] =	wrdreg $0x9  }
0xb2: {  	_ =	task.clear_ibuf [dreg:s6], $0x6FFFF;
	_ =	strace $0x90000049  }
0xb3: {  	s29 =	simm.s32 $0x9;
	_ =	strace $0x8000004B  }
0xb4: {  	_ =	swait.ge [sflag:s29], $0x1  }
0xb5: {  	[sflag:s29] =	ssyncadd.s32 $0xFFFFFFFF  }
0xb6: {  	_ =	strace $0x9000004B  }
0xb7: {  	_ =	sfence  }
0xb8: {  	s30 =	sld [smem:$0x0];
	_ =	sdelay $0x2  }
0xb9: {  	s31 =	sshll.u32 s1, $0xD;
	s1 =	sshrl.u32 s1, $0x2  }
0xba: {  	s3 =	sand.u32 $0x4000, s31;
	s1 =	sadd.s32 s1, s30  }
0xbb: {  	s0 =	sor.u32 s3, s0;
	s1 =	sshll.u32 s1, $0x11  }
0xbc: {  	s0 =	sor.u32 s1, s0  }
0xbd: {  	s0 =	sadd.s32 $0x8F2B, s0  }
0xbe: {  	[sflag:s0] =	ssyncadd.remote.s32 $0x1  }
0xbf: {  	_ =	sfence.sel $0xFFFF  }
0xc0: {  	[dreg:$0x0] =	wrdreg $0xFFFFFFFF;
	(pc) =	sbr.abs _section_cstart, $3  }
0xc1: {  	[dreg:$0x1] =	wrdreg $0xFFFFFFFF  }
0xc2: {  	_ =	task.clear_ibuf [dreg:s6], $0x2FFFF;
	_ =	strace $0x9FFFFFFF  }
0xc3: {  	(tm) =	ssettm $0x7FFFFFFF  }
tec
execute0_lowered:
.L_overlay_start_1:
0x0: {  	(tag) =	ssettag $0x1  }
0x1: {  	s0 =	stileid.u32  }
0x2: {  	s5 =	smul.u32 $0x13880, s0  }
0x3: {  	s1 =	srdreg.scid;
	s8 =	smul.u32 $0x4E20, s0  }
0x4: {  	s6 =	rddreg [dreg:$0x0];
	s10 =	smul.u32 $0x5000, s0  }
0x5: {  	s2 =	rddreg [dreg:$0x1];
	s7 =	sand.u32 $0x1, s1;
	s12 =	smul.u32 $0x280, s0  }
0x6: {  	s3 =	rddreg [dreg:$0x2];
	s4 =	simm.s32 $0x0;
	s9 =	smul.u32 $0x2710, s7  }
0x7: {  	s17 =	simm.s32 $0x0;
	[smem:$0x7FF] =	sst s4;
	s11 =	smul.u32 $0x50000, s7  }
0x8: {  	s1 =	rddreg [dreg:$0x3];
	_ =	strace $0x8000004A;
	s20 =	smul.u32 $0x2800, s7  }
0x9: {  	s29 =	ssub.s32 $0x2, s7;
	s15 =	smul.u32 $0x9C40, s7;
	s13 =	sadd.s32 s5, s6  }
0xa: {  	s30 =	sshrl.u32 s29, $0x1;
	s5 =	sadd.s32 s10, s2;
	s8 =	sadd.s32 s9, s8  }
0xb: {  	s22 =	sadd.s32 s10, s11;
	s25 =	sadd.s32 s12, s20;
	s16 =	ssub.s32 s29, s30  }
0xc: {  	s31 =	sadd.s32 s15, s13;
	s13 =	simm.s32 $0x1;
	s15 =	simm.s32 $0x3E8  }
0xd: {  	s21 =	sshrl.u32 s8, $0x3;
	s24 =	sshrl.u32 s22, $0x3;
	s28 =	sshrl.u32 s25, $0x3  }
0xe: {  	s9 =	smax.u32 s16, $0x1;
	s10 =	sadd.s32 $0x4EA00, s31;
	s16 =	simm.s32 $0x120E8  }
0xf: {  	s23 =	sadd.s32 s21, s6;
	s26 =	sadd.s32 s24, s6;
	s14 =	sadd.s32 s28, s6  }
0x10: {  	s6 =	sadd.s32 s12, s3;
	s12 =	simm.s32 $0x80E8;
	s7 =	sadd.s32 $0x187C00, s26  }
0x11: {  	v0 =	vimm.f32 $0.0e+00;
	v1 =	vimm.f32 $1.000000000e+00;
	s8 =	sadd.s32 $0x187200, s14;
	s11 =	sadd.s32 $0x1CC00, s23;
	s14 =	simm.s32 $0x124D0  }
.LBB2_1:
0x12: {  	s18 =	simm.s32 $0x80;
	s19 =	simm.s32 $0x0  }
.LBB2_2:
0x13: {  	p0 =	sne.s32 s18, $0x13F80;
	[tilespmem:s19+$0x80E8] =	vst v0;
	s20 =	smov.u32 s18;
	s18 =	sadd.s32 $0x80, s18  }
.Ltmp0:
0x14: {  	[tilespmem:s19+$0x80F8] =	vst v0;
	(pc) =	sbr.rel @p0 .LBB2_2-.Ltmp0, $2  }
0x15: {  	_ =	sdelay $0x2  }
0x16: {  	s19 =	sshra.s32 s20, $0x2  }
0x17: {  	[tilespmem:s19+$0x80E8] =	vst v0  }
0x18: {  	[tilespmem:s19+$0x80F8] =	vst v0  }
0x19: {  	[spmem:s5] =	stream.linear.scatter [tilespmem:s12], [sflag:$0x1], $0x5000, $0x38;
	[tilespmem:$0x129D0] =	vst v63  }
0x1a: {  	_ =	swait.ge [sflag:s13], $0x5000  }
0x1b: {  	[sflag:s13] =	ssyncset.done $0x0  }
0x1c: {  	s18 =	simm.s32 $0x40;
	s19 =	simm.s32 $0x0;
	[sflag:s13] =	ssyncadd.s32 $0xFFFFB000  }
.LBB2_4:
0x1d: {  	p0 =	sne.s32 s18, $0xF40;
	[tilespmem:s19+$0x120E8] =	vst v1;
	s19 =	smov.u32 s18;
	s18 =	sadd.s32 $0x40, s18  }
.Ltmp1:
0x1e: {  	(pc) =	sbr.rel @p0 .LBB2_4-.Ltmp1, $2  }
0x1f: {  	_ =	sdelay $0x2  }
0x20: {  	s19 =	sshra.s32 s19, $0x2  }
0x21: {  	[tilespmem:s19+$0x120E8] =	vst v1  }
0x22: {  	[tilespmem:$0x124D0] =	vst v0  }
0x23: {  	[tilespmem:$0x124E0] =	vst v0  }
0x24: {  	[tilespmem:$0x124F0] =	vst v0  }
0x25: {  	[tilespmem:$0x12500] =	vst v0  }
0x26: {  	[tilespmem:$0x12510] =	vst v0  }
0x27: {  	[tilespmem:$0x12520] =	vst v0  }
0x28: {  	[tilespmem:$0x12530] =	vst v0  }
0x29: {  	[tilespmem:$0x12540] =	vst v0  }
0x2a: {  	[tilespmem:$0x12550] =	vst v0  }
0x2b: {  	[tilespmem:$0x12560] =	vst v0  }
0x2c: {  	[tilespmem:$0x12570] =	vst v0  }
0x2d: {  	[tilespmem:$0x12580] =	vst v0  }
0x2e: {  	[tilespmem:$0x12590] =	vst v0  }
0x2f: {  	[tilespmem:$0x125A0] =	vst v0  }
0x30: {  	[tilespmem:$0x125B0] =	vst v0  }
0x31: {  	[tilespmem:$0x125C0] =	vst v0  }
0x32: {  	[tilespmem:$0x125D0] =	vst v0  }
0x33: {  	[tilespmem:$0x125E0] =	vst v0  }
0x34: {  	[tilespmem:$0x125F0] =	vst v0  }
0x35: {  	[tilespmem:$0x12600] =	vst v0  }
0x36: {  	[tilespmem:$0x12610] =	vst v0  }
0x37: {  	[tilespmem:$0x12620] =	vst v0  }
0x38: {  	[tilespmem:$0x12630] =	vst v0  }
0x39: {  	[tilespmem:$0x12640] =	vst v0  }
0x3a: {  	[tilespmem:$0x12650] =	vst v0  }
0x3b: {  	[tilespmem:$0x12660] =	vst v0  }
0x3c: {  	[tilespmem:$0x12670] =	vst v0  }
0x3d: {  	[tilespmem:$0x12680] =	vst v0  }
0x3e: {  	[tilespmem:$0x12690] =	vst v0  }
0x3f: {  	[tilespmem:$0x126A0] =	vst v0  }
0x40: {  	[tilespmem:$0x126B0] =	vst v0  }
0x41: {  	[tilespmem:$0x126C0] =	vst v0  }
0x42: {  	[tilespmem:$0x126D0] =	vst v0  }
0x43: {  	[tilespmem:$0x126E0] =	vst v0  }
0x44: {  	[tilespmem:$0x126F0] =	vst v0  }
0x45: {  	[tilespmem:$0x12700] =	vst v0  }
0x46: {  	[tilespmem:$0x12710] =	vst v0  }
0x47: {  	[tilespmem:$0x12720] =	vst v0  }
0x48: {  	[tilespmem:$0x12730] =	vst v0  }
0x49: {  	[tilespmem:$0x12740] =	vst v0  }
0x4a: {  	[spmem:s6] =	stream.linear.scatter [tilespmem:s14], [sflag:$0x1], $0x280, $0x38;
	[tilespmem:$0x129D0] =	vst v63  }
0x4b: {  	_ =	swait.ge [sflag:s13], $0x280  }
0x4c: {  	[sflag:s13] =	ssyncset.done $0x0  }
0x4d: {  	[sflag:s13] =	ssyncadd.s32 $0xFFFFFD80  }
0x4e: {  	s18 =	sadd.s32 $0x0, s11;
	[bflag:$0x0] =	sbarrier.arrive $0xFFFF  }
0x4f: {  	[tilespmem:s4], [sflag:$0x1] =	stream.linear.gather [hbm4b:s18+s4], $0x3E8, $0x38;
	[tilespmem:$0x129D0] =	vst v63  }
0x50: {  	_ =	swait.ge [sflag:s13], $0x3E8  }
0x51: {  	[sflag:s13] =	ssyncset.done $0x0  }
0x52: {  	[sflag:s13] =	ssyncadd.s32 $0xFFFFFC18  }
0x53: {  	[tilespmem:s15], [sflag:$0x1] =	stream.linear.gather [hbm4b:s10+s4], $0x7D00, $0x38;
	[tilespmem:$0x129D0] =	vst v63  }
0x54: {  	_ =	swait.ge [sflag:s13], $0x7D00  }
0x55: {  	[sflag:s13] =	ssyncset.done $0x0  }
0x56: {  	[sflag:s13] =	ssyncadd.s32 $0xFFFF8300  }
0x57: {  	[spmem:s2] =	stream.indirect.scatter.add.f32 [tilespmem:s15], [sflag:$0x1], $0x20, s4, s15, $0xb8;
	[tilespmem:$0x129D0] =	vst v63  }
0x58: {  	_ =	swait.ge [sflag:s13], $0x7D00  }
0x59: {  	[sflag:s13] =	ssyncset.done $0x0  }
0x5a: {  	[sflag:s13] =	ssyncadd.s32 $0xFFFF8300  }
0x5b: {  	[spmem:s3] =	stream.indirect.scatter.add.f32 [tilespmem:s16], [sflag:$0x1], $0x1, s4, s15, $0xb8;
	[tilespmem:$0x129D0] =	vst v63  }
0x5c: {  	s19 =	simm.s32 $0x7D;
	_ =	swait.ge [sflag:s13], $0x3E8  }
0x5d: {  	s20 =	simm.s32 $0xFA;
	s18 =	sadd.s32 $0xFA0, s10;
	[sflag:s13] =	ssyncset.done $0x0  }
.LBB2_6:
0x5e: {  	s21 =	sadd.s32 s19, s11  }
0x5f: {  	[sflag:s13] =	ssyncadd.s32 $0xFFFFFC18;
	s19 =	smov.u32 s20;
	s22 =	sadd.s32 $0x7D, s20  }
0x60: {  	[tilespmem:s4], [sflag:$0x1] =	stream.linear.gather [hbm4b:s21+s4], $0x3E8, $0x38;
	[tilespmem:$0x129D0] =	vst v63  }
0x61: {  	p0 =	sne.s32 s20, $0x465;
	_ =	swait.ge [sflag:s13], $0x3E8  }
0x62: {  	[sflag:s13] =	ssyncset.done $0x0  }
0x63: {  	[sflag:s13] =	ssyncadd.s32 $0xFFFFFC18  }
0x64: {  	[tilespmem:s15], [sflag:$0x1] =	stream.linear.gather [hbm4b:s18+s4], $0x7D00, $0x38;
	[tilespmem:$0x129D0] =	vst v63  }
0x65: {  	_ =	swait.ge [sflag:s13], $0x7D00  }
0x66: {  	[sflag:s13] =	ssyncset.done $0x0  }
0x67: {  	[sflag:s13] =	ssyncadd.s32 $0xFFFF8300  }
0x68: {  	[spmem:s2] =	stream.indirect.scatter.add.f32 [tilespmem:s15], [sflag:$0x1], $0x20, s4, s15, $0xb8;
	[tilespmem:$0x129D0] =	vst v63  }
0x69: {  	_ =	swait.ge [sflag:s13], $0x7D00  }
.Ltmp2:
0x6a: {  	[sflag:s13] =	ssyncset.done $0x0;
	(pc) =	sbr.rel @p0 .LBB2_6-.Ltmp2, $4  }
0x6b: {  	[sflag:s13] =	ssyncadd.s32 $0xFFFF8300  }
0x6c: {  	[spmem:s3] =	stream.indirect.scatter.add.f32 [tilespmem:s16], [sflag:$0x1], $0x1, s4, s15, $0xb8;
	[tilespmem:$0x129D0] =	vst v63  }
0x6d: {  	_ =	swait.ge [sflag:s13], $0x3E8  }
0x6e: {  	s20 =	smov.u32 s22;
	s18 =	sadd.s32 $0xFA0, s18;
	[sflag:s13] =	ssyncset.done $0x0  }
0x6f: {  	s19 =	sadd.s32 s19, s11;
	[sflag:s13] =	ssyncadd.s32 $0xFFFFFC18  }
0x70: {  	[tilespmem:s4], [sflag:$0x1] =	stream.linear.gather [hbm4b:s19+s4], $0x3E8, $0x38;
	[tilespmem:$0x129D0] =	vst v63  }
0x71: {  	_ =	swait.ge [sflag:s13], $0x3E8  }
0x72: {  	[sflag:s13] =	ssyncset.done $0x0  }
0x73: {  	[sflag:s13] =	ssyncadd.s32 $0xFFFFFC18  }
0x74: {  	[tilespmem:s15], [sflag:$0x1] =	stream.linear.gather [hbm4b:s18+s4], $0x7D00, $0x38;
	[tilespmem:$0x129D0] =	vst v63  }
0x75: {  	_ =	swait.ge [sflag:s13], $0x7D00  }
0x76: {  	[sflag:s13] =	ssyncset.done $0x0  }
0x77: {  	[sflag:s13] =	ssyncadd.s32 $0xFFFF8300  }
0x78: {  	[spmem:s2] =	stream.indirect.scatter.add.f32 [tilespmem:s15], [sflag:$0x1], $0x20, s4, s15, $0xb8;
	[tilespmem:$0x129D0] =	vst v63  }
0x79: {  	_ =	swait.ge [sflag:s13], $0x7D00  }
0x7a: {  	[sflag:s13] =	ssyncset.done $0x0  }
0x7b: {  	[sflag:s13] =	ssyncadd.s32 $0xFFFF8300  }
0x7c: {  	[spmem:s3] =	stream.indirect.scatter.add.f32 [tilespmem:s16], [sflag:$0x1], $0x1, s4, s15, $0xb8;
	[tilespmem:$0x129D0] =	vst v63  }
0x7d: {  	_ =	swait.ge [sflag:s13], $0x3E8  }
0x7e: {  	[sflag:s13] =	ssyncset.done $0x0  }
0x7f: {  	s29 =	sshll.u32 s0, $0x6;
	[sflag:s13] =	ssyncadd.s32 $0xFFFFFC18  }
0x80: {  	s30 =	sshrl.u32 s5, $0x3;
	s18 =	sor.u32 $0x1C01, s29;
	[bflag:$0x0] =	sbarrier.arrive $0xFFFF  }
0x81: {  	[hbm:s7], [sflag:s18] =	dma.local [spmem:s30], $0xA00  }
0x82: {  	s17 =	sadd.s32 $0x1, s17;
	_ =	swait.ge [sflag:s13], $0xA00  }
0x83: {  	p0 =	sne.s32 s17, s9;
	[sflag:s13] =	ssyncset.done $0x0  }
.Ltmp3:
0x84: {  	s31 =	sshrl.u32 s6, $0x3;
	[sflag:s13] =	ssyncadd.s32 $0xFFFFF600;
	(pc) =	sbr.rel @p0 .LBB2_1-.Ltmp3, $4  }
0x85: {  	[hbm:s8], [sflag:s18] =	dma.local [spmem:s31], $0x50  }
0x86: {  	_ =	swait.ge [sflag:s13], $0x50  }
0x87: {  	[sflag:s13] =	ssyncset.done $0x0  }
0x88: {  	[sflag:s13] =	ssyncadd.s32 $0xFFFFFFB0  }
0x89: {  	_ =	sfence.sel $0x180000  }
0x8a: {  	[bflag:$0x0] =	sbarrier.arrive $0xFFFF  }
0x8b: {  	p0 =	sne.s32 s0, $0x0;
	_ =	strace $0x9000004A  }
0x8c: {  	s0 =	sadd.s32 @!p0 $0x100000, s1;
	[bflag:$0x2] =	sbarrier.arrive $0xFFFF  }
0x8d: {  	[sflag:s0] =	ssyncadd.tile.s32 @!p0 $0x1;
	_ =	shalt  }
.Lfunc_end2:
_tile_overlayer_lowered:
.L_overlay_start_2:
0x8e: {  	(tag) =	ssettag $0x2  }
0x8f: {  	s0 =	rddreg [dreg:$0x0];
	s2 =	stileid.u32  }
0x90: {  	s1 =	rddreg [dreg:$0x1];
	p0 =	sne.s32 s2, $0x0  }
0x91: {  	s3 =	rddreg [dreg:$0x2];
	[bflag:$0x3] =	sbarrier.arrive $0xFFFF;
	s2 =	simm.s32 @!p0 $0x1C01  }
0x92: {  	[timem:s3], [sflag:s2] =	dma.local @!p0 [hbm:s0], s1  }
0x93: {  	s0 =	simm.s32 @!p0 $0x1  }
0x94: {  	_ =	swait.ge @!p0 [sflag:s0], s1  }
0x95: {  	s1 =	ssub.s32 @!p0 $0x0, s1;
	[sflag:s0] =	ssyncset.done @!p0 $0x0  }
0x96: {  	[sflag:s0] =	ssyncadd.s32 @!p0 s1  }
0x97: {  	[bflag:$0x3] =	sbarrier.arrive $0xFFFF  }
0x98: {  	_ =	shalt  }

// kernel: kernel.32.cloned.1.call-start
scs
__scs_entry_jumppad:
0x0: {  	(pc) =	sbr.rel $0x88, $3  }
0x1: {  	(tag) =	ssettag $0x0;
	lr =	simm.s32 $0x1  }
0x2: {  	[smem:$0x3F52] =	sst lr;
	_ =	strace $0xD0000000  }
0x3: {  	_ = 	snop  }
0x4: {  	_ = 	snop  }
0x5: {  	_ = 	snop  }
0x6: {  	_ = 	snop  }
0x7: {  	_ = 	snop  }
__scs_overlays_trampoline_lowered:
0x8: {  	[smem:$0x3F61] =	sst s0  }
0x9: {  	[smem:$0x3F62] =	sst s1  }
0xa: {  	[smem:$0x3F63] =	sst s2  }
0xb: {  	[smem:$0x3F64] =	sst s3  }
0xc: {  	[smem:$0x3F65] =	sst s4  }
0xd: {  	[smem:$0x3F66] =	sst s5  }
0xe: {  	[smem:$0x3F67] =	sst s6  }
0xf: {  	[smem:$0x3F68] =	sst s7  }
0x10: {  	[smem:$0x3F69] =	sst s8  }
0x11: {  	[smem:$0x3F6A] =	sst s9;
	s0 =	simm.s32 @!p0 $0x0  }
0x12: {  	s1 =	sld [smem:$0x3F50];
	s0 =	simm.s32 @p0 $0x1  }
0x13: {  	[smem:$0x3F6B] =	sst s0;
	s0 =	simm.s32 @!p1 $0x0  }
0x14: {  	s2 =	sld [smem:$0x3F4F];
	s0 =	simm.s32 @p1 $0x1  }
0x15: {  	[smem:$0x3F6C] =	sst s0;
	s0 =	simm.s32 @!p2 $0x0  }
0x16: {  	s3 =	sld [smem:$0x3FDB];
	s0 =	simm.s32 @p2 $0x1  }
0x17: {  	s4 =	simm.s32 $0x1BF5;
	[smem:$0x3F6E] =	sst s0  }
0x18: {  	s0 =	sld [smem:$0x3F51];
	_ =	swait.ge [sflag:s4], $0x0  }
0x19: {  	s7 =	sld [smem:$0x3F52]  }
0x1a: {  	s8 =	sadd.s32 $0xFFFFE003, lr  }
0x1b: {  	s9 =	sadd.s32 $0xFFFFFEF7, lr;
	s5 =	simm.s32 $0xFFFFFFFF;
	p2 =	slt.u32 s8, $0xFFFFF086  }
0x1c: {  	p1 =	slt.u32 s9, $0xF7A;
	s5 =	simm.s32 @!p2 $0x0  }
0x1d: {  	s5 =	simm.s32 @p1 $0x1;
	p0 =	seq.s32 s7, s2  }
0x1e: {  	s7 =	smul.u32 @!p0 $0xF7A, s2;
	p2 =	seq.s32 @!p0 s5, $0x0  }
0x1f: {  	s9 =	smul.u32 $0xF7A, s1;
	s8 =	simm.s32 @!p0 $0x1BF5;
	p2 =	por !p2, p0  }
0x20: {  	[sflag:s8] =	ssyncset.s32 @!p0 $0xFFFFF086;
	s6 =	sadd.s32 @!p0 s3, s7;
	s7 =	simm.s32 @!p0 $0x108  }
0x21: {  	s3 =	sadd.s32 s3, s9;
	s6 =	sadd.s32 @!p0 $0x88, s6;
	s7 =	simm.s32 @p2 $0x1082  }
0x22: {  	[simem:s7], [sflag:s8] =	dma.local @!p0 [hbm:s6], $0xF7A  }
0x23: {  	s9 =	sor.u32 $0xD0000000, s2;
	s6 =	simm.s32 $0x108;
	_ =	swait.ge @!p0 [sflag:s8], $0x0  }
0x24: {  	s3 =	sadd.s32 $0x88, s3;
	s6 =	simm.s32 @!p1 $0x1082;
	[sflag:s4] =	ssyncset.s32 $0xFFFFF086  }
0x25: {  	[simem:s6], [sflag:s4] =	dma.local [hbm:s3], $0xF7A  }
0x26: {  	[smem:$0x3F52] =	sst s1;
	(tag) =	ssettag s2;
	_ =	strace s9  }
0x27: {  	s1 =	sld [smem:$0x3F62]  }
0x28: {  	s2 =	sld [smem:$0x3F63]  }
0x29: {  	s4 =	sld [smem:$0x3F65]  }
0x2a: {  	p0 =	seq.s32 s5, $0x0;
	s5 =	sld [smem:$0x3F66]  }
0x2b: {  	s6 =	sld [smem:$0x3F67]  }
0x2c: {  	s7 =	sld [smem:$0x3F68]  }
0x2d: {  	s3 =	simm.s32 $0x108;
	s8 =	sld [smem:$0x3F69]  }
0x2e: {  	s3 =	simm.s32 @!p0 $0x1082;
	s9 =	sld [smem:$0x3F6A]  }
0x2f: {  	lr =	sadd.s32 s0, s3;
	s0 =	sld [smem:$0x3F61]  }
0x30: {  	s3 =	sld [smem:$0x3F64]  }
0x31: {  	[smem:$0x3F6D] =	sst s10  }
0x32: {  	s10 =	sld [smem:$0x3F6B];
	_ =	sdelay $0x3  }
0x33: {  	p0 =	seq.s32 s10, $0x1;
	s10 =	sld [smem:$0x3F6D];
	_ =	sdelay $0x3  }
0x34: {  	[smem:$0x3F6D] =	sst s10  }
0x35: {  	s10 =	sld [smem:$0x3F6C];
	_ =	sdelay $0x3  }
0x36: {  	p1 =	seq.s32 s10, $0x1;
	s10 =	sld [smem:$0x3F6D];
	_ =	sdelay $0x3  }
0x37: {  	[smem:$0x3F6D] =	sst s10  }
0x38: {  	s10 =	sld [smem:$0x3F6E]  }
0x39: {  	_ = 	snop;
	(pc) =	sbr.ind lr, $3  }
0x3a: {  	_ = 	snop  }
0x3b: {  	_ = 	snop  }
0x3c: {  	p2 =	seq.s32 s10, $0x1;
	s10 =	sld [smem:$0x3F6D]  }
0x3d: {  	_ =	shalt  }
0x3e: {  	_ =	shalt  }
0x3f: {  	_ =	shalt  }
0x40: {  	_ =	shalt  }
0x41: {  	_ =	shalt  }
0x42: {  	_ =	shalt  }
0x43: {  	_ =	shalt  }
0x44: {  	_ =	shalt  }
0x45: {  	_ =	shalt  }
0x46: {  	_ =	shalt  }
0x47: {  	_ =	shalt  }
0x48: {  	_ =	shalt  }
0x49: {  	_ =	shalt  }
0x4a: {  	_ =	shalt  }
0x4b: {  	_ =	shalt  }
0x4c: {  	_ =	shalt  }
0x4d: {  	_ =	shalt  }
0x4e: {  	_ =	shalt  }
0x4f: {  	_ =	shalt  }
0x50: {  	_ =	shalt  }
0x51: {  	_ =	shalt  }
0x52: {  	_ =	shalt  }
0x53: {  	_ =	shalt  }
0x54: {  	_ =	shalt  }
0x55: {  	_ =	shalt  }
0x56: {  	_ =	shalt  }
0x57: {  	_ =	shalt  }
0x58: {  	_ =	shalt  }
0x59: {  	_ =	shalt  }
0x5a: {  	_ =	shalt  }
0x5b: {  	_ =	shalt  }
0x5c: {  	_ =	shalt  }
0x5d: {  	_ =	shalt  }
0x5e: {  	_ =	shalt  }
0x5f: {  	_ =	shalt  }
0x60: {  	_ =	shalt  }
0x61: {  	_ =	shalt  }
0x62: {  	_ =	shalt  }
0x63: {  	_ =	shalt  }
0x64: {  	_ =	shalt  }
0x65: {  	_ =	shalt  }
0x66: {  	_ =	shalt  }
0x67: {  	_ =	shalt  }
0x68: {  	_ =	shalt  }
0x69: {  	_ =	shalt  }
0x6a: {  	_ =	shalt  }
0x6b: {  	_ =	shalt  }
0x6c: {  	_ =	shalt  }
0x6d: {  	_ =	shalt  }
0x6e: {  	_ =	shalt  }
0x6f: {  	_ =	shalt  }
0x70: {  	_ =	shalt  }
0x71: {  	_ =	shalt  }
0x72: {  	_ =	shalt  }
0x73: {  	_ =	shalt  }
0x74: {  	_ =	shalt  }
0x75: {  	_ =	shalt  }
0x76: {  	_ =	shalt  }
0x77: {  	_ =	shalt  }
0x78: {  	_ =	shalt  }
0x79: {  	_ =	shalt  }
0x7a: {  	_ =	shalt  }
0x7b: {  	_ =	shalt  }
0x7c: {  	_ =	shalt  }
0x7d: {  	_ =	shalt  }
0x7e: {  	_ =	shalt  }
0x7f: {  	_ =	shalt  }
0x80: {  	_ =	shalt  }
0x81: {  	_ =	shalt  }
0x82: {  	_ =	shalt  }
0x83: {  	_ =	shalt  }
0x84: {  	_ =	shalt  }
0x85: {  	_ =	shalt  }
0x86: {  	_ =	shalt  }
0x87: {  	_ =	shalt  }
.Lfunc_end0:
.L_simem_size_0:
called_computation.2_lowered:
.L_overlay_start_0:
0x88: {  	s2 =	sld [smem:$0x3FD9]  }
0x89: {  	s3 =	sld [smem:$0x3FFE];
	_ =	sdelay $0x1  }
0x8a: {  	s1 =	srdreg.scid  }
0x8b: {  	s0 =	sand.u32 $0x1, s1  }
0x8c: {  	s16 =	sshll.u32 s0, $0xA;
	s2 =	sadd.s32 s3, s2  }
0x8d: {  	s2 =	sadd.s32 s2, s16  }
0x8e: {  	[smem:$0x3F79] =	sst s2  }
0x8f: {  	_ = 	snop  }
0x90: {  	(tm) =	ssettm $0x1  }
0x91: {  	s17 =	sld [smem:$0x3FFB];
	_ =	sdelay $0x3  }
0x92: {  	_ =	strace s17  }
0x93: {  	s2 =	sld [smem:$0x3FFC];
	_ =	sdelay $0x3  }
0x94: {  	_ =	strace s2  }
0x95: {  	s2 =	sld [smem:$0x3FFD];
	_ =	sdelay $0x3  }
0x96: {  	_ =	strace s2  }
0x97: {  	_ =	strace $0x8FFFFFFF  }
0x98: {  	s18 =	sld [smem:$0x3FDB];
	_ =	sdelay $0x1  }
0x99: {  	s19 =	simm.s32 $_scs_section_size  }
0x9a: {  	s4 =	simm.s32 $_size__tile_overlayer_lowered;
	s5 =	simm.s32 $_tile_overlayer_lowered  }
0x9b: {  	s22 =	simm.s32 $0x1BFF;
	s21 =	sshll.u32 s5, $0x1;
	s2 =	sadd.s32 s19, s18  }
0x9c: {  	s6 =	simm.s32 $0x0;
	s20 =	sshll.u32 s4, $0x1;
	s4 =	sadd.s32 s21, s2  }
0x9d: {  	[timem:s6], [sflag:s22] =	dma.local [hbm:s4], s20  }
0x9e: {  	_ =	swait.ge [sflag:s22], s20  }
0x9f: {  	s3 =	ssub.s32 $0x0, s20;
	[sflag:s22] =	ssyncset.done $0x0  }
0xa0: {  	[sflag:s22] =	ssyncadd.s32 s3;
	_ =	sdelay $0x1  }
0xa1: {  	s23 =	simm.s32 $0x1B8B  }
0xa2: {  	_ =	swait.ge [sflag:s23], $0x1  }
0xa3: {  	[sflag:s23] =	ssyncset.done $0x0  }
0xa4: {  	s25 =	simm.s32 $0x1B8E;
	s24 =	sld [smem:$0x3FFE];
	[sflag:s23] =	ssyncadd.s32 $0xFFFFFFFF  }
0xa5: {  	s26 =	simm.s32 $execute0_lowered;
	[smem:$0x3FD2] =	sst s25  }
0xa6: {  	s4 =	sshll.u32 s26, $0x1;
	_ =	strace $0x8000004C;
	[dreg:$0x1] =	wrdreg $0xFFFFFFFF  }
0xa7: {  	s28 =	simm.s32 $_size_execute0_lowered;
	s2 =	sadd.s32 s2, s4;
	[dreg:$0x0] =	wrdreg $0x0  }
0xa8: {  	s4 =	sshll.u32 s28, $0x1;
	[dreg:$0x2] =	wrdreg s2  }
0xa9: {  	[dreg:$0x3] =	wrdreg s4  }
0xaa: {  	[dreg:$0x4] =	wrdreg $0xC0  }
0xab: {  	_ =	task [dreg:s6], $0x5FFFF  }
0xac: {  	[dreg:$0x1] =	wrdreg $0xFFFFFFFF  }
0xad: {  	[dreg:$0x0] =	wrdreg $0x60  }
0xae: {  	[dreg:$0x2] =	wrdreg s24  }
0xaf: {  	[dreg:$0x3] =	wrdreg $0x9  }
0xb0: {  	_ =	task.clear_ibuf [dreg:s6], $0x4FFFF;
	_ =	strace $0x9000004C  }
0xb1: {  	s29 =	simm.s32 $0x9;
	_ =	strace $0x8000004E  }
0xb2: {  	_ =	swait.ge [sflag:s29], $0x1  }
0xb3: {  	[sflag:s29] =	ssyncadd.s32 $0xFFFFFFFF  }
0xb4: {  	_ =	strace $0x9000004E  }
0xb5: {  	_ =	sfence  }
0xb6: {  	s30 =	sld [smem:$0x0];
	_ =	sdelay $0x2  }
0xb7: {  	s31 =	sshll.u32 s1, $0xD;
	s1 =	sshrl.u32 s1, $0x2  }
0xb8: {  	s3 =	sand.u32 $0x4000, s31;
	s1 =	sadd.s32 s1, s30  }
0xb9: {  	s0 =	sor.u32 s3, s0;
	s1 =	sshll.u32 s1, $0x11  }
0xba: {  	s0 =	sor.u32 s1, s0  }
0xbb: {  	s0 =	sadd.s32 $0x8F2B, s0  }
0xbc: {  	[sflag:s0] =	ssyncadd.remote.s32 $0x1  }
0xbd: {  	_ =	sfence.sel $0xFFFF  }
0xbe: {  	[dreg:$0x0] =	wrdreg $0xFFFFFFFF;
	(pc) =	sbr.abs _section_cstart, $3  }
0xbf: {  	[dreg:$0x1] =	wrdreg $0xFFFFFFFF  }
0xc0: {  	_ =	task.clear_ibuf [dreg:s6], $0x2FFFF;
	_ =	strace $0x9FFFFFFF  }
0xc1: {  	(tm) =	ssettm $0x7FFFFFFF  }
tec
execute0_lowered:
.L_overlay_start_1:
0x0: {  	(tag) =	ssettag $0x1  }
0x1: {  	s7 =	rddreg [dreg:$0x0]  }
0x2: {  	s0 =	rddreg [dreg:$0x1];
	s1 =	simm.s32 $0x0  }
0x3: {  	s2 =	srdreg.scid;
	s12 =	simm.s32 $0x320;
	s13 =	simm.s32 $0x6720  }
0x4: {  	s14 =	simm.s32 $0x1;
	s15 =	simm.s32 $0x2;
	s16 =	simm.s32 $0x0  }
0x5: {  	[smem:$0x7FF] =	sst s1;
	s3 =	sadd.s32 $0x8B400, s7;
	s4 =	sadd.s32 $0x77400, s7  }
0x6: {  	s8 =	sand.u32 $0x1, s2;
	s5 =	sadd.s32 $0x12E00, s7;
	s2 =	stileid.u32  }
0x7: {  	s6 =	sadd.s32 $0x1CC00, s7;
	s7 =	sadd.s32 $0x9F400, s7;
	s9 =	ssub.s32 $0x2, s8  }
0x8: {  	_ =	strace $0x8000004D;
	s11 =	sshll.u32 s2, $0x1;
	s10 =	sshrl.u32 s9, $0x1  }
0x9: {  	s8 =	sor.u32 s8, s11;
	s11 =	simm.s32 $0x190;
	s9 =	ssub.s32 s9, s10  }
0xa: {  	s8 =	smul.u32 $0x2710, s8;
	s10 =	simm.s32 $0x3;
	s9 =	smax.u32 s9, $0x1  }
.LBB2_1:
0xb: {  	s17 =	simm.s32 $0x0  }
.LBB2_2:
0xc: {  	s18 =	smul.u32 $0x190, s17;
	_ =	sdelay $0x1  }
0xd: {  	s18 =	sadd.s32 s8, s18  }
0xe: {  	s19 =	sshrl.u32 s18, $0x3  }
0xf: {  	s21 =	simm.s32 $0x0;
	s20 =	sadd.s32 s5, s19  }
0x10: {  	[tilespmem:s21], [sflag:$0x3] =	stream.linear.gather [hbm4b:s20+s21], $0x190, $0x38;
	[tilespmem:$0xCB20] =	vst v63  }
0x11: {  	_ =	swait.ge [sflag:s10], $0x190  }
0x12: {  	[sflag:s10] =	ssyncset.done $0x0  }
0x13: {  	s19 =	sadd.s32 s6, s19;
	[sflag:s10] =	ssyncadd.s32 $0xFFFFFE70  }
0x14: {  	[tilespmem:s11], [sflag:$0x3] =	stream.linear.gather [hbm4b:s19+s21], $0x190, $0x38;
	[tilespmem:$0xCB20] =	vst v63  }
0x15: {  	_ =	swait.ge [sflag:s10], $0x190  }
0x16: {  	[sflag:s10] =	ssyncset.done $0x0  }
0x17: {  	[sflag:s10] =	ssyncadd.s32 $0xFFFFFE70  }
0x18: {  	[tilespmem:s12], [sflag:$0x1] =	stream.indirect.gather [hbm4b:s3+s11], $0x40, s21, s11, $0xb8;
	[tilespmem:$0xCB20] =	vst v63  }
0x19: {  	_ = 	snop  }
0x1a: {  	[tilespmem:s13], [sflag:$0x2] =	stream.indirect.gather [hbm4b:s4+s11], $0x40, s11, s11, $0xb8;
	[tilespmem:$0xCB20] =	vst v63  }
0x1b: {  	_ =	swait.ge [sflag:s14], $0x6400  }
0x1c: {  	[sflag:s14] =	ssyncset.done $0x0  }
0x1d: {  	[sflag:s14] =	ssyncadd.s32 $0xFFFF9C00  }
0x1e: {  	_ =	swait.ge [sflag:s15], $0x6400  }
0x1f: {  	[sflag:s15] =	ssyncset.done $0x0  }
0x20: {  	s19 =	simm.s32 $0x0;
	[sflag:s15] =	ssyncadd.s32 $0xFFFF9C00  }
0x21: {  	v5 =	vld [tilespmem:s19+$0x6720]  }
0x22: {  	v6 =	vld [tilespmem:s19+$0x6730]  }
0x23: {  	v1 =	vld [tilespmem:s19+$0x6740]  }
0x24: {  	v0 =	vld [tilespmem:s19+$0x6750]  }
0x25: {  	v2 =	vld [tilespmem:s19+$0x320]  }
0x26: {  	v4 =	vld [tilespmem:s19+$0x330]  }
0x27: {  	s20 =	simm.s32 $0x100;
	v3 =	vld [tilespmem:s19+$0x340]  }
.LBB2_3:
0x28: {  	s21 =	sshra.s32 s20, $0x2;
	p0 =	sne.s32 s20, $0x18F00;
	v7 =	vld [tilespmem:s19+$0x350];
	v8 =	vmov v1  }
0x29: {  	v9 =	vld [tilespmem:s21+$0x6720];
	v10 =	vmov v0  }
0x2a: {  	v11 =	vld [tilespmem:s21+$0x6730];
	v2 =	vadd.f32 v5, v2  }
.Ltmp0:
0x2b: {  	v1 =	vld [tilespmem:s21+$0x6740];
	v4 =	vadd.f32 v6, v4;
	(pc) =	sbr.rel @p0 .LBB2_3-.Ltmp0, $4  }
0x2c: {  	v0 =	vld [tilespmem:s21+$0x6750];
	[tilespmem:s19+$0x320] =	vst v2;
	v3 =	vadd.f32 v8, v3  }
0x2d: {  	v2 =	vld [tilespmem:s21+$0x320];
	[tilespmem:s19+$0x330] =	vst v4;
	v7 =	vadd.f32 v10, v7  }
0x2e: {  	v4 =	vld [tilespmem:s21+$0x330];
	[tilespmem:s19+$0x340] =	vst v3;
	v5 =	vmov v9  }
0x2f: {  	s20 =	sadd.s32 $0x100, s20;
	v3 =	vld [tilespmem:s21+$0x340];
	[tilespmem:s19+$0x350] =	vst v7;
	v6 =	vmov v11;
	s19 =	smov.u32 s21  }
0x30: {  	v7 =	vld [tilespmem:s19+$0x350];
	_ =	sdelay $0x1  }
0x31: {  	v2 =	vadd.f32 v5, v2  }
0x32: {  	v4 =	vadd.f32 v6, v4  }
0x33: {  	[tilespmem:s19+$0x320] =	vst v2;
	v1 =	vadd.f32 v1, v3  }
0x34: {  	s17 =	sadd.s32 $0x1, s17;
	[tilespmem:s19+$0x330] =	vst v4;
	v0 =	vadd.f32 v0, v7  }
0x35: {  	s18 =	sshll.u32 s18, $0x3;
	p0 =	sne.s32 s17, $0x19;
	[tilespmem:s19+$0x340] =	vst v1  }
.Ltmp1:
0x36: {  	s18 =	sadd.s32 s7, s18;
	[tilespmem:s19+$0x350] =	vst v0;
	(pc) =	sbr.rel @p0 .LBB2_2-.Ltmp1, $4  }
0x37: {  	[hbm4b:s18+s1] =	stream.linear.scatter [tilespmem:s12], [sflag:$0x3], $0x6400, $0x38;
	[tilespmem:$0xCB20] =	vst v63  }
0x38: {  	_ =	swait.ge [sflag:s10], $0x6400  }
0x39: {  	[sflag:s10] =	ssyncset.done $0x0  }
0x3a: {  	[sflag:s10] =	ssyncadd.s32 $0xFFFF9C00  }
0x3b: {  	s16 =	sadd.s32 $0x1, s16  }
0x3c: {  	p0 =	sne.s32 s16, s9  }
.Ltmp2:
0x3d: {  	_ = 	snop;
	(pc) =	sbr.rel @p0 .LBB2_1-.Ltmp2, $1  }
0x3e: {  	_ =	sdelay $0x3  }
0x3f: {  	_ =	sfence.sel $0x180000  }
0x40: {  	[bflag:$0x0] =	sbarrier.arrive $0xFFFF  }
0x41: {  	p0 =	sne.s32 s2, $0x0;
	_ =	strace $0x9000004D  }
0x42: {  	s0 =	sadd.s32 @!p0 $0x100000, s0;
	[bflag:$0x2] =	sbarrier.arrive $0xFFFF  }
0x43: {  	[sflag:s0] =	ssyncadd.tile.s32 @!p0 $0x1;
	_ =	shalt  }
.Lfunc_end2:
_tile_overlayer_lowered:
.L_overlay_start_2:
0x44: {  	(tag) =	ssettag $0x2  }
0x45: {  	s0 =	rddreg [dreg:$0x0];
	s2 =	stileid.u32  }
0x46: {  	s1 =	rddreg [dreg:$0x1];
	p0 =	sne.s32 s2, $0x0  }
0x47: {  	s3 =	rddreg [dreg:$0x2];
	[bflag:$0x3] =	sbarrier.arrive $0xFFFF;
	s2 =	simm.s32 @!p0 $0x1C03  }
0x48: {  	[timem:s3], [sflag:s2] =	dma.local @!p0 [hbm:s0], s1  }
0x49: {  	s0 =	simm.s32 @!p0 $0x3  }
0x4a: {  	_ =	swait.ge @!p0 [sflag:s0], s1  }
0x4b: {  	s1 =	ssub.s32 @!p0 $0x0, s1;
	[sflag:s0] =	ssyncset.done @!p0 $0x0  }
0x4c: {  	[sflag:s0] =	ssyncadd.s32 @!p0 s1  }
0x4d: {  	[bflag:$0x3] =	sbarrier.arrive $0xFFFF  }
0x4e: {  	_ =	shalt  }

// kernel: kernel.35.cloned.1.call-start
scs
__scs_entry_jumppad:
0x0: {  	(pc) =	sbr.rel $0x88, $3  }
0x1: {  	(tag) =	ssettag $0x0;
	lr =	simm.s32 $0x1  }
0x2: {  	[smem:$0x3F52] =	sst lr;
	_ =	strace $0xD0000000  }
0x3: {  	_ = 	snop  }
0x4: {  	_ = 	snop  }
0x5: {  	_ = 	snop  }
0x6: {  	_ = 	snop  }
0x7: {  	_ = 	snop  }
__scs_overlays_trampoline_lowered:
0x8: {  	[smem:$0x3F61] =	sst s0  }
0x9: {  	[smem:$0x3F62] =	sst s1  }
0xa: {  	[smem:$0x3F63] =	sst s2  }
0xb: {  	[smem:$0x3F64] =	sst s3  }
0xc: {  	[smem:$0x3F65] =	sst s4  }
0xd: {  	[smem:$0x3F66] =	sst s5  }
0xe: {  	[smem:$0x3F67] =	sst s6  }
0xf: {  	[smem:$0x3F68] =	sst s7  }
0x10: {  	[smem:$0x3F69] =	sst s8  }
0x11: {  	[smem:$0x3F6A] =	sst s9;
	s0 =	simm.s32 @!p0 $0x0  }
0x12: {  	s1 =	sld [smem:$0x3F50];
	s0 =	simm.s32 @p0 $0x1  }
0x13: {  	[smem:$0x3F6B] =	sst s0;
	s0 =	simm.s32 @!p1 $0x0  }
0x14: {  	s2 =	sld [smem:$0x3F4F];
	s0 =	simm.s32 @p1 $0x1  }
0x15: {  	[smem:$0x3F6C] =	sst s0;
	s0 =	simm.s32 @!p2 $0x0  }
0x16: {  	s3 =	sld [smem:$0x3FDB];
	s0 =	simm.s32 @p2 $0x1  }
0x17: {  	s4 =	simm.s32 $0x1BF5;
	[smem:$0x3F6E] =	sst s0  }
0x18: {  	s0 =	sld [smem:$0x3F51];
	_ =	swait.ge [sflag:s4], $0x0  }
0x19: {  	s7 =	sld [smem:$0x3F52]  }
0x1a: {  	s8 =	sadd.s32 $0xFFFFE003, lr  }
0x1b: {  	s9 =	sadd.s32 $0xFFFFFEF7, lr;
	s5 =	simm.s32 $0xFFFFFFFF;
	p2 =	slt.u32 s8, $0xFFFFF086  }
0x1c: {  	p1 =	slt.u32 s9, $0xF7A;
	s5 =	simm.s32 @!p2 $0x0  }
0x1d: {  	s5 =	simm.s32 @p1 $0x1;
	p0 =	seq.s32 s7, s2  }
0x1e: {  	s7 =	smul.u32 @!p0 $0xF7A, s2;
	p2 =	seq.s32 @!p0 s5, $0x0  }
0x1f: {  	s9 =	smul.u32 $0xF7A, s1;
	s8 =	simm.s32 @!p0 $0x1BF5;
	p2 =	por !p2, p0  }
0x20: {  	[sflag:s8] =	ssyncset.s32 @!p0 $0xFFFFF086;
	s6 =	sadd.s32 @!p0 s3, s7;
	s7 =	simm.s32 @!p0 $0x108  }
0x21: {  	s3 =	sadd.s32 s3, s9;
	s6 =	sadd.s32 @!p0 $0x88, s6;
	s7 =	simm.s32 @p2 $0x1082  }
0x22: {  	[simem:s7], [sflag:s8] =	dma.local @!p0 [hbm:s6], $0xF7A  }
0x23: {  	s9 =	sor.u32 $0xD0000000, s2;
	s6 =	simm.s32 $0x108;
	_ =	swait.ge @!p0 [sflag:s8], $0x0  }
0x24: {  	s3 =	sadd.s32 $0x88, s3;
	s6 =	simm.s32 @!p1 $0x1082;
	[sflag:s4] =	ssyncset.s32 $0xFFFFF086  }
0x25: {  	[simem:s6], [sflag:s4] =	dma.local [hbm:s3], $0xF7A  }
0x26: {  	[smem:$0x3F52] =	sst s1;
	(tag) =	ssettag s2;
	_ =	strace s9  }
0x27: {  	s1 =	sld [smem:$0x3F62]  }
0x28: {  	s2 =	sld [smem:$0x3F63]  }
0x29: {  	s4 =	sld [smem:$0x3F65]  }
0x2a: {  	p0 =	seq.s32 s5, $0x0;
	s5 =	sld [smem:$0x3F66]  }
0x2b: {  	s6 =	sld [smem:$0x3F67]  }
0x2c: {  	s7 =	sld [smem:$0x3F68]  }
0x2d: {  	s3 =	simm.s32 $0x108;
	s8 =	sld [smem:$0x3F69]  }
0x2e: {  	s3 =	simm.s32 @!p0 $0x1082;
	s9 =	sld [smem:$0x3F6A]  }
0x2f: {  	lr =	sadd.s32 s0, s3;
	s0 =	sld [smem:$0x3F61]  }
0x30: {  	s3 =	sld [smem:$0x3F64]  }
0x31: {  	[smem:$0x3F6D] =	sst s10  }
0x32: {  	s10 =	sld [smem:$0x3F6B];
	_ =	sdelay $0x3  }
0x33: {  	p0 =	seq.s32 s10, $0x1;
	s10 =	sld [smem:$0x3F6D];
	_ =	sdelay $0x3  }
0x34: {  	[smem:$0x3F6D] =	sst s10  }
0x35: {  	s10 =	sld [smem:$0x3F6C];
	_ =	sdelay $0x3  }
0x36: {  	p1 =	seq.s32 s10, $0x1;
	s10 =	sld [smem:$0x3F6D];
	_ =	sdelay $0x3  }
0x37: {  	[smem:$0x3F6D] =	sst s10  }
0x38: {  	s10 =	sld [smem:$0x3F6E]  }
0x39: {  	_ = 	snop;
	(pc) =	sbr.ind lr, $3  }
0x3a: {  	_ = 	snop  }
0x3b: {  	_ = 	snop  }
0x3c: {  	p2 =	seq.s32 s10, $0x1;
	s10 =	sld [smem:$0x3F6D]  }
0x3d: {  	_ =	shalt  }
0x3e: {  	_ =	shalt  }
0x3f: {  	_ =	shalt  }
0x40: {  	_ =	shalt  }
0x41: {  	_ =	shalt  }
0x42: {  	_ =	shalt  }
0x43: {  	_ =	shalt  }
0x44: {  	_ =	shalt  }
0x45: {  	_ =	shalt  }
0x46: {  	_ =	shalt  }
0x47: {  	_ =	shalt  }
0x48: {  	_ =	shalt  }
0x49: {  	_ =	shalt  }
0x4a: {  	_ =	shalt  }
0x4b: {  	_ =	shalt  }
0x4c: {  	_ =	shalt  }
0x4d: {  	_ =	shalt  }
0x4e: {  	_ =	shalt  }
0x4f: {  	_ =	shalt  }
0x50: {  	_ =	shalt  }
0x51: {  	_ =	shalt  }
0x52: {  	_ =	shalt  }
0x53: {  	_ =	shalt  }
0x54: {  	_ =	shalt  }
0x55: {  	_ =	shalt  }
0x56: {  	_ =	shalt  }
0x57: {  	_ =	shalt  }
0x58: {  	_ =	shalt  }
0x59: {  	_ =	shalt  }
0x5a: {  	_ =	shalt  }
0x5b: {  	_ =	shalt  }
0x5c: {  	_ =	shalt  }
0x5d: {  	_ =	shalt  }
0x5e: {  	_ =	shalt  }
0x5f: {  	_ =	shalt  }
0x60: {  	_ =	shalt  }
0x61: {  	_ =	shalt  }
0x62: {  	_ =	shalt  }
0x63: {  	_ =	shalt  }
0x64: {  	_ =	shalt  }
0x65: {  	_ =	shalt  }
0x66: {  	_ =	shalt  }
0x67: {  	_ =	shalt  }
0x68: {  	_ =	shalt  }
0x69: {  	_ =	shalt  }
0x6a: {  	_ =	shalt  }
0x6b: {  	_ =	shalt  }
0x6c: {  	_ =	shalt  }
0x6d: {  	_ =	shalt  }
0x6e: {  	_ =	shalt  }
0x6f: {  	_ =	shalt  }
0x70: {  	_ =	shalt  }
0x71: {  	_ =	shalt  }
0x72: {  	_ =	shalt  }
0x73: {  	_ =	shalt  }
0x74: {  	_ =	shalt  }
0x75: {  	_ =	shalt  }
0x76: {  	_ =	shalt  }
0x77: {  	_ =	shalt  }
0x78: {  	_ =	shalt  }
0x79: {  	_ =	shalt  }
0x7a: {  	_ =	shalt  }
0x7b: {  	_ =	shalt  }
0x7c: {  	_ =	shalt  }
0x7d: {  	_ =	shalt  }
0x7e: {  	_ =	shalt  }
0x7f: {  	_ =	shalt  }
0x80: {  	_ =	shalt  }
0x81: {  	_ =	shalt  }
0x82: {  	_ =	shalt  }
0x83: {  	_ =	shalt  }
0x84: {  	_ =	shalt  }
0x85: {  	_ =	shalt  }
0x86: {  	_ =	shalt  }
0x87: {  	_ =	shalt  }
.Lfunc_end0:
.L_simem_size_0:
called_computation.3_lowered:
.L_overlay_start_0:
0x88: {  	s2 =	sld [smem:$0x3FD9]  }
0x89: {  	s3 =	sld [smem:$0x3FFE];
	_ =	sdelay $0x1  }
0x8a: {  	s1 =	srdreg.scid  }
0x8b: {  	s0 =	sand.u32 $0x1, s1  }
0x8c: {  	s16 =	sshll.u32 s0, $0xA;
	s2 =	sadd.s32 s3, s2  }
0x8d: {  	s2 =	sadd.s32 s2, s16  }
0x8e: {  	[smem:$0x3F79] =	sst s2  }
0x8f: {  	_ = 	snop  }
0x90: {  	(tm) =	ssettm $0x1  }
0x91: {  	s17 =	sld [smem:$0x3FFB];
	_ =	sdelay $0x3  }
0x92: {  	_ =	strace s17  }
0x93: {  	s2 =	sld [smem:$0x3FFC];
	_ =	sdelay $0x3  }
0x94: {  	_ =	strace s2  }
0x95: {  	s2 =	sld [smem:$0x3FFD];
	_ =	sdelay $0x3  }
0x96: {  	_ =	strace s2  }
0x97: {  	_ =	strace $0x8FFFFFFF  }
0x98: {  	s18 =	sld [smem:$0x3FDB];
	_ =	sdelay $0x1  }
0x99: {  	s19 =	simm.s32 $_scs_section_size  }
0x9a: {  	s4 =	simm.s32 $_size__tile_overlayer_lowered;
	s5 =	simm.s32 $_tile_overlayer_lowered  }
0x9b: {  	s22 =	simm.s32 $0x1BFF;
	s21 =	sshll.u32 s5, $0x1;
	s2 =	sadd.s32 s19, s18  }
0x9c: {  	s6 =	simm.s32 $0x0;
	s20 =	sshll.u32 s4, $0x1;
	s4 =	sadd.s32 s21, s2  }
0x9d: {  	[timem:s6], [sflag:s22] =	dma.local [hbm:s4], s20  }
0x9e: {  	_ =	swait.ge [sflag:s22], s20  }
0x9f: {  	s3 =	ssub.s32 $0x0, s20;
	[sflag:s22] =	ssyncset.done $0x0  }
0xa0: {  	[sflag:s22] =	ssyncadd.s32 s3;
	_ =	sdelay $0x1  }
0xa1: {  	s23 =	simm.s32 $0x1B8B  }
0xa2: {  	_ =	swait.ge [sflag:s23], $0x1  }
0xa3: {  	[sflag:s23] =	ssyncset.done $0x0  }
0xa4: {  	s25 =	simm.s32 $0x1B8E;
	s24 =	sld [smem:$0x3FFE];
	[sflag:s23] =	ssyncadd.s32 $0xFFFFFFFF  }
0xa5: {  	s26 =	simm.s32 $execute0_lowered;
	[smem:$0x3FD2] =	sst s25  }
0xa6: {  	s4 =	sshll.u32 s26, $0x1;
	_ =	strace $0x8000004F;
	[dreg:$0x1] =	wrdreg $0xFFFFFFFF  }
0xa7: {  	s28 =	simm.s32 $_size_execute0_lowered;
	s2 =	sadd.s32 s2, s4;
	[dreg:$0x0] =	wrdreg $0x0  }
0xa8: {  	s4 =	sshll.u32 s28, $0x1;
	[dreg:$0x2] =	wrdreg s2  }
0xa9: {  	[dreg:$0x3] =	wrdreg s4  }
0xaa: {  	[dreg:$0x4] =	wrdreg $0xC0  }
0xab: {  	_ =	task [dreg:s6], $0x5FFFF  }
0xac: {  	[dreg:$0x1] =	wrdreg $0xFFFFFFFF  }
0xad: {  	[dreg:$0x0] =	wrdreg $0x60  }
0xae: {  	[dreg:$0x2] =	wrdreg s24  }
0xaf: {  	[dreg:$0x3] =	wrdreg $0xD0E80  }
0xb0: {  	[dreg:$0x4] =	wrdreg $0x9  }
0xb1: {  	_ =	task.clear_ibuf [dreg:s6], $0x5FFFF;
	_ =	strace $0x9000004F  }
0xb2: {  	s29 =	simm.s32 $0x9;
	_ =	strace $0x80000051  }
0xb3: {  	_ =	swait.ge [sflag:s29], $0x1  }
0xb4: {  	[sflag:s29] =	ssyncadd.s32 $0xFFFFFFFF  }
0xb5: {  	_ =	strace $0x90000051  }
0xb6: {  	_ =	sfence  }
0xb7: {  	s30 =	sld [smem:$0x0];
	_ =	sdelay $0x2  }
0xb8: {  	s31 =	sshll.u32 s1, $0xD;
	s1 =	sshrl.u32 s1, $0x2  }
0xb9: {  	s3 =	sand.u32 $0x4000, s31;
	s1 =	sadd.s32 s1, s30  }
0xba: {  	s0 =	sor.u32 s3, s0;
	s1 =	sshll.u32 s1, $0x11  }
0xbb: {  	s0 =	sor.u32 s1, s0  }
0xbc: {  	s0 =	sadd.s32 $0x8F2B, s0  }
0xbd: {  	[sflag:s0] =	ssyncadd.remote.s32 $0x1  }
0xbe: {  	_ =	sfence.sel $0xFFFF  }
0xbf: {  	[dreg:$0x0] =	wrdreg $0xFFFFFFFF;
	(pc) =	sbr.abs _section_cstart, $3  }
0xc0: {  	[dreg:$0x1] =	wrdreg $0xFFFFFFFF  }
0xc1: {  	_ =	task.clear_ibuf [dreg:s6], $0x2FFFF;
	_ =	strace $0x9FFFFFFF  }
0xc2: {  	(tm) =	ssettm $0x7FFFFFFF  }
0xc3: {  	_ =	shalt  }
tec
execute0_lowered:
.L_overlay_start_1:
0x0: {  	(tag) =	ssettag $0x1  }
0x1: {  	s0 =	stileid.u32  }
0x2: {  	s1 =	srdreg.scid;
	s5 =	rddreg [dreg:$0x0]  }
0x3: {  	s2 =	rddreg [dreg:$0x1];
	s4 =	smul.u32 $0x13880, s0  }
0x4: {  	s3 =	simm.s32 $0x0;
	s14 =	simm.s32 $0x0;
	s7 =	smul.u32 $0x4E20, s0  }
0x5: {  	s6 =	sand.u32 $0x1, s1;
	s1 =	rddreg [dreg:$0x2];
	s9 =	smul.u32 $0x5000, s0  }
0x6: {  	[smem:$0x7FF] =	sst s3;
	s31 =	sshll.u32 s0, $0x6;
	s8 =	smul.u32 $0x2710, s6  }
0x7: {  	s23 =	smul.u32 $0x50000, s6;
	_ =	strace $0x80000050;
	s26 =	ssub.s32 $0x2, s6  }
0x8: {  	s12 =	smul.u32 $0x9C40, s6;
	s10 =	sadd.s32 s4, s5;
	s28 =	sshrl.u32 s26, $0x1  }
0x9: {  	s7 =	sadd.s32 s8, s7;
	s25 =	sadd.s32 s9, s23;
	s29 =	ssub.s32 s26, s28  }
0xa: {  	s30 =	sadd.s32 s12, s10;
	s10 =	simm.s32 $0x1;
	s12 =	sor.u32 $0x1C01, s31  }
0xb: {  	s24 =	sshrl.u32 s7, $0x3;
	s4 =	sshrl.u32 s25, $0x3;
	s6 =	smax.u32 s29, $0x1  }
0xc: {  	s7 =	sadd.s32 $0x77400, s30;
	s11 =	sadd.s32 s24, s5;
	s5 =	sadd.s32 s4, s5  }
0xd: {  	s4 =	sadd.s32 s9, s2;
	s9 =	simm.s32 $0x80E8;
	s5 =	sadd.s32 $0x1AFC00, s5  }
0xe: {  	v0 =	vimm.f32 $0.0e+00;
	s8 =	sadd.s32 $0x1CC00, s11;
	s11 =	simm.s32 $0x3E8;
	s13 =	sshrl.u32 s4, $0x3  }
.LBB2_1:
0xf: {  	s15 =	simm.s32 $0x80;
	s16 =	simm.s32 $0x0  }
.LBB2_2:
0x10: {  	p0 =	sne.s32 s15, $0x13F80;
	[tilespmem:s16+$0x80E8] =	vst v0;
	s17 =	smov.u32 s15;
	s15 =	sadd.s32 $0x80, s15  }
.Ltmp0:
0x11: {  	[tilespmem:s16+$0x80F8] =	vst v0;
	(pc) =	sbr.rel @p0 .LBB2_2-.Ltmp0, $2  }
0x12: {  	_ =	sdelay $0x2  }
0x13: {  	s16 =	sshra.s32 s17, $0x2  }
0x14: {  	[tilespmem:s16+$0x80E8] =	vst v0  }
0x15: {  	[tilespmem:s16+$0x80F8] =	vst v0  }
0x16: {  	[spmem:s4] =	stream.linear.scatter [tilespmem:s9], [sflag:$0x1], $0x5000, $0x38;
	[tilespmem:$0x120E8] =	vst v63  }
0x17: {  	_ =	swait.ge [sflag:s10], $0x5000  }
0x18: {  	[sflag:s10] =	ssyncset.done $0x0  }
0x19: {  	[sflag:s10] =	ssyncadd.s32 $0xFFFFB000  }
0x1a: {  	s15 =	sadd.s32 $0x0, s8;
	[bflag:$0x0] =	sbarrier.arrive $0xFFFF  }
0x1b: {  	[tilespmem:s3], [sflag:$0x1] =	stream.linear.gather [hbm4b:s15+s3], $0x3E8, $0x38;
	[tilespmem:$0x120E8] =	vst v63  }
0x1c: {  	_ =	swait.ge [sflag:s10], $0x3E8  }
0x1d: {  	[sflag:s10] =	ssyncset.done $0x0  }
0x1e: {  	[sflag:s10] =	ssyncadd.s32 $0xFFFFFC18  }
0x1f: {  	[tilespmem:s11], [sflag:$0x1] =	stream.linear.gather [hbm4b:s7+s3], $0x7D00, $0x38;
	[tilespmem:$0x120E8] =	vst v63  }
0x20: {  	_ =	swait.ge [sflag:s10], $0x7D00  }
0x21: {  	[sflag:s10] =	ssyncset.done $0x0  }
0x22: {  	[sflag:s10] =	ssyncadd.s32 $0xFFFF8300  }
0x23: {  	[spmem:s2] =	stream.indirect.scatter.add.f32 [tilespmem:s11], [sflag:$0x1], $0x20, s3, s11, $0xb8;
	[tilespmem:$0x120E8] =	vst v63  }
0x24: {  	s16 =	simm.s32 $0x7D;
	_ =	swait.ge [sflag:s10], $0x7D00  }
0x25: {  	s17 =	simm.s32 $0xFA;
	s15 =	sadd.s32 $0xFA0, s7;
	[sflag:s10] =	ssyncset.done $0x0  }
.LBB2_4:
0x26: {  	s18 =	sadd.s32 s16, s8  }
0x27: {  	[sflag:s10] =	ssyncadd.s32 $0xFFFF8300;
	s16 =	smov.u32 s17;
	s19 =	sadd.s32 $0x7D, s17  }
0x28: {  	[tilespmem:s3], [sflag:$0x1] =	stream.linear.gather [hbm4b:s18+s3], $0x3E8, $0x38;
	[tilespmem:$0x120E8] =	vst v63  }
0x29: {  	p0 =	sne.s32 s17, $0x465;
	_ =	swait.ge [sflag:s10], $0x3E8  }
0x2a: {  	[sflag:s10] =	ssyncset.done $0x0  }
0x2b: {  	[sflag:s10] =	ssyncadd.s32 $0xFFFFFC18  }
0x2c: {  	[tilespmem:s11], [sflag:$0x1] =	stream.linear.gather [hbm4b:s15+s3], $0x7D00, $0x38;
	[tilespmem:$0x120E8] =	vst v63  }
0x2d: {  	_ =	swait.ge [sflag:s10], $0x7D00  }
.Ltmp1:
0x2e: {  	[sflag:s10] =	ssyncset.done $0x0;
	(pc) =	sbr.rel @p0 .LBB2_4-.Ltmp1, $4  }
0x2f: {  	[sflag:s10] =	ssyncadd.s32 $0xFFFF8300  }
0x30: {  	[spmem:s2] =	stream.indirect.scatter.add.f32 [tilespmem:s11], [sflag:$0x1], $0x20, s3, s11, $0xb8;
	[tilespmem:$0x120E8] =	vst v63  }
0x31: {  	_ =	swait.ge [sflag:s10], $0x7D00  }
0x32: {  	s17 =	smov.u32 s19;
	s15 =	sadd.s32 $0xFA0, s15;
	[sflag:s10] =	ssyncset.done $0x0  }
0x33: {  	s16 =	sadd.s32 s16, s8;
	[sflag:s10] =	ssyncadd.s32 $0xFFFF8300  }
0x34: {  	[tilespmem:s3], [sflag:$0x1] =	stream.linear.gather [hbm4b:s16+s3], $0x3E8, $0x38;
	[tilespmem:$0x120E8] =	vst v63  }
0x35: {  	_ =	swait.ge [sflag:s10], $0x3E8  }
0x36: {  	[sflag:s10] =	ssyncset.done $0x0  }
0x37: {  	[sflag:s10] =	ssyncadd.s32 $0xFFFFFC18  }
0x38: {  	[tilespmem:s11], [sflag:$0x1] =	stream.linear.gather [hbm4b:s15+s3], $0x7D00, $0x38;
	[tilespmem:$0x120E8] =	vst v63  }
0x39: {  	_ =	swait.ge [sflag:s10], $0x7D00  }
0x3a: {  	[sflag:s10] =	ssyncset.done $0x0  }
0x3b: {  	[sflag:s10] =	ssyncadd.s32 $0xFFFF8300  }
0x3c: {  	[spmem:s2] =	stream.indirect.scatter.add.f32 [tilespmem:s11], [sflag:$0x1], $0x20, s3, s11, $0xb8;
	[tilespmem:$0x120E8] =	vst v63  }
0x3d: {  	_ =	swait.ge [sflag:s10], $0x7D00  }
0x3e: {  	s14 =	sadd.s32 $0x1, s14;
	[sflag:s10] =	ssyncset.done $0x0  }
0x3f: {  	p0 =	sne.s32 s14, s6;
	[sflag:s10] =	ssyncadd.s32 $0xFFFF8300  }
.Ltmp2:
0x40: {  	[bflag:$0x0] =	sbarrier.arrive $0xFFFF;
	(pc) =	sbr.rel @p0 .LBB2_1-.Ltmp2, $4  }
0x41: {  	[hbm:s5], [sflag:s12] =	dma.local [spmem:s13], $0xA00  }
0x42: {  	_ =	swait.ge [sflag:s10], $0xA00  }
0x43: {  	[sflag:s10] =	ssyncset.done $0x0  }
0x44: {  	[sflag:s10] =	ssyncadd.s32 $0xFFFFF600  }
0x45: {  	_ =	sfence.sel $0x180000  }
0x46: {  	[bflag:$0x0] =	sbarrier.arrive $0xFFFF  }
0x47: {  	p0 =	sne.s32 s0, $0x0;
	_ =	strace $0x90000050  }
0x48: {  	s0 =	sadd.s32 @!p0 $0x100000, s1;
	[bflag:$0x2] =	sbarrier.arrive $0xFFFF  }
0x49: {  	[sflag:s0] =	ssyncadd.tile.s32 @!p0 $0x1;
	_ =	shalt  }
.Lfunc_end2:
_tile_overlayer_lowered:
.L_overlay_start_2:
0x4a: {  	(tag) =	ssettag $0x2  }
0x4b: {  	s0 =	rddreg [dreg:$0x0];
	s2 =	stileid.u32  }
0x4c: {  	s1 =	rddreg [dreg:$0x1];
	p0 =	sne.s32 s2, $0x0  }
0x4d: {  	s3 =	rddreg [dreg:$0x2];
	[bflag:$0x3] =	sbarrier.arrive $0xFFFF;
	s2 =	simm.s32 @!p0 $0x1C01  }
0x4e: {  	[timem:s3], [sflag:s2] =	dma.local @!p0 [hbm:s0], s1  }
0x4f: {  	s0 =	simm.s32 @!p0 $0x1  }
0x50: {  	_ =	swait.ge @!p0 [sflag:s0], s1  }
0x51: {  	s1 =	ssub.s32 @!p0 $0x0, s1;
	[sflag:s0] =	ssyncset.done @!p0 $0x0  }
0x52: {  	[sflag:s0] =	ssyncadd.s32 @!p0 s1  }
0x53: {  	[bflag:$0x3] =	sbarrier.arrive $0xFFFF  }
0x54: {  	_ =	shalt  }

// kernel: kernel.38.cloned.1.call-start
scs
__scs_entry_jumppad:
0x0: {  	(pc) =	sbr.rel $0x88, $3  }
0x1: {  	(tag) =	ssettag $0x0;
	lr =	simm.s32 $0x1  }
0x2: {  	[smem:$0x3F52] =	sst lr;
	_ =	strace $0xD0000000  }
0x3: {  	_ = 	snop  }
0x4: {  	_ = 	snop  }
0x5: {  	_ = 	snop  }
0x6: {  	_ = 	snop  }
0x7: {  	_ = 	snop  }
__scs_overlays_trampoline_lowered:
0x8: {  	[smem:$0x3F61] =	sst s0  }
0x9: {  	[smem:$0x3F62] =	sst s1  }
0xa: {  	[smem:$0x3F63] =	sst s2  }
0xb: {  	[smem:$0x3F64] =	sst s3  }
0xc: {  	[smem:$0x3F65] =	sst s4  }
0xd: {  	[smem:$0x3F66] =	sst s5  }
0xe: {  	[smem:$0x3F67] =	sst s6  }
0xf: {  	[smem:$0x3F68] =	sst s7  }
0x10: {  	[smem:$0x3F69] =	sst s8  }
0x11: {  	[smem:$0x3F6A] =	sst s9;
	s0 =	simm.s32 @!p0 $0x0  }
0x12: {  	s1 =	sld [smem:$0x3F50];
	s0 =	simm.s32 @p0 $0x1  }
0x13: {  	[smem:$0x3F6B] =	sst s0;
	s0 =	simm.s32 @!p1 $0x0  }
0x14: {  	s2 =	sld [smem:$0x3F4F];
	s0 =	simm.s32 @p1 $0x1  }
0x15: {  	[smem:$0x3F6C] =	sst s0;
	s0 =	simm.s32 @!p2 $0x0  }
0x16: {  	s3 =	sld [smem:$0x3FDB];
	s0 =	simm.s32 @p2 $0x1  }
0x17: {  	s4 =	simm.s32 $0x1BF5;
	[smem:$0x3F6E] =	sst s0  }
0x18: {  	s0 =	sld [smem:$0x3F51];
	_ =	swait.ge [sflag:s4], $0x0  }
0x19: {  	s7 =	sld [smem:$0x3F52]  }
0x1a: {  	s8 =	sadd.s32 $0xFFFFE003, lr  }
0x1b: {  	s9 =	sadd.s32 $0xFFFFFEF7, lr;
	s5 =	simm.s32 $0xFFFFFFFF;
	p2 =	slt.u32 s8, $0xFFFFF086  }
0x1c: {  	p1 =	slt.u32 s9, $0xF7A;
	s5 =	simm.s32 @!p2 $0x0  }
0x1d: {  	s5 =	simm.s32 @p1 $0x1;
	p0 =	seq.s32 s7, s2  }
0x1e: {  	s7 =	smul.u32 @!p0 $0xF7A, s2;
	p2 =	seq.s32 @!p0 s5, $0x0  }
0x1f: {  	s9 =	smul.u32 $0xF7A, s1;
	s8 =	simm.s32 @!p0 $0x1BF5;
	p2 =	por !p2, p0  }
0x20: {  	[sflag:s8] =	ssyncset.s32 @!p0 $0xFFFFF086;
	s6 =	sadd.s32 @!p0 s3, s7;
	s7 =	simm.s32 @!p0 $0x108  }
0x21: {  	s3 =	sadd.s32 s3, s9;
	s6 =	sadd.s32 @!p0 $0x88, s6;
	s7 =	simm.s32 @p2 $0x1082  }
0x22: {  	[simem:s7], [sflag:s8] =	dma.local @!p0 [hbm:s6], $0xF7A  }
0x23: {  	s9 =	sor.u32 $0xD0000000, s2;
	s6 =	simm.s32 $0x108;
	_ =	swait.ge @!p0 [sflag:s8], $0x0  }
0x24: {  	s3 =	sadd.s32 $0x88, s3;
	s6 =	simm.s32 @!p1 $0x1082;
	[sflag:s4] =	ssyncset.s32 $0xFFFFF086  }
0x25: {  	[simem:s6], [sflag:s4] =	dma.local [hbm:s3], $0xF7A  }
0x26: {  	[smem:$0x3F52] =	sst s1;
	(tag) =	ssettag s2;
	_ =	strace s9  }
0x27: {  	s1 =	sld [smem:$0x3F62]  }
0x28: {  	s2 =	sld [smem:$0x3F63]  }
0x29: {  	s4 =	sld [smem:$0x3F65]  }
0x2a: {  	p0 =	seq.s32 s5, $0x0;
	s5 =	sld [smem:$0x3F66]  }
0x2b: {  	s6 =	sld [smem:$0x3F67]  }
0x2c: {  	s7 =	sld [smem:$0x3F68]  }
0x2d: {  	s3 =	simm.s32 $0x108;
	s8 =	sld [smem:$0x3F69]  }
0x2e: {  	s3 =	simm.s32 @!p0 $0x1082;
	s9 =	sld [smem:$0x3F6A]  }
0x2f: {  	lr =	sadd.s32 s0, s3;
	s0 =	sld [smem:$0x3F61]  }
0x30: {  	s3 =	sld [smem:$0x3F64]  }
0x31: {  	[smem:$0x3F6D] =	sst s10  }
0x32: {  	s10 =	sld [smem:$0x3F6B];
	_ =	sdelay $0x3  }
0x33: {  	p0 =	seq.s32 s10, $0x1;
	s10 =	sld [smem:$0x3F6D];
	_ =	sdelay $0x3  }
0x34: {  	[smem:$0x3F6D] =	sst s10  }
0x35: {  	s10 =	sld [smem:$0x3F6C];
	_ =	sdelay $0x3  }
0x36: {  	p1 =	seq.s32 s10, $0x1;
	s10 =	sld [smem:$0x3F6D];
	_ =	sdelay $0x3  }
0x37: {  	[smem:$0x3F6D] =	sst s10  }
0x38: {  	s10 =	sld [smem:$0x3F6E]  }
0x39: {  	_ = 	snop;
	(pc) =	sbr.ind lr, $3  }
0x3a: {  	_ = 	snop  }
0x3b: {  	_ = 	snop  }
0x3c: {  	p2 =	seq.s32 s10, $0x1;
	s10 =	sld [smem:$0x3F6D]  }
0x3d: {  	_ =	shalt  }
0x3e: {  	_ =	shalt  }
0x3f: {  	_ =	shalt  }
0x40: {  	_ =	shalt  }
0x41: {  	_ =	shalt  }
0x42: {  	_ =	shalt  }
0x43: {  	_ =	shalt  }
0x44: {  	_ =	shalt  }
0x45: {  	_ =	shalt  }
0x46: {  	_ =	shalt  }
0x47: {  	_ =	shalt  }
0x48: {  	_ =	shalt  }
0x49: {  	_ =	shalt  }
0x4a: {  	_ =	shalt  }
0x4b: {  	_ =	shalt  }
0x4c: {  	_ =	shalt  }
0x4d: {  	_ =	shalt  }
0x4e: {  	_ =	shalt  }
0x4f: {  	_ =	shalt  }
0x50: {  	_ =	shalt  }
0x51: {  	_ =	shalt  }
0x52: {  	_ =	shalt  }
0x53: {  	_ =	shalt  }
0x54: {  	_ =	shalt  }
0x55: {  	_ =	shalt  }
0x56: {  	_ =	shalt  }
0x57: {  	_ =	shalt  }
0x58: {  	_ =	shalt  }
0x59: {  	_ =	shalt  }
0x5a: {  	_ =	shalt  }
0x5b: {  	_ =	shalt  }
0x5c: {  	_ =	shalt  }
0x5d: {  	_ =	shalt  }
0x5e: {  	_ =	shalt  }
0x5f: {  	_ =	shalt  }
0x60: {  	_ =	shalt  }
0x61: {  	_ =	shalt  }
0x62: {  	_ =	shalt  }
0x63: {  	_ =	shalt  }
0x64: {  	_ =	shalt  }
0x65: {  	_ =	shalt  }
0x66: {  	_ =	shalt  }
0x67: {  	_ =	shalt  }
0x68: {  	_ =	shalt  }
0x69: {  	_ =	shalt  }
0x6a: {  	_ =	shalt  }
0x6b: {  	_ =	shalt  }
0x6c: {  	_ =	shalt  }
0x6d: {  	_ =	shalt  }
0x6e: {  	_ =	shalt  }
0x6f: {  	_ =	shalt  }
0x70: {  	_ =	shalt  }
0x71: {  	_ =	shalt  }
0x72: {  	_ =	shalt  }
0x73: {  	_ =	shalt  }
0x74: {  	_ =	shalt  }
0x75: {  	_ =	shalt  }
0x76: {  	_ =	shalt  }
0x77: {  	_ =	shalt  }
0x78: {  	_ =	shalt  }
0x79: {  	_ =	shalt  }
0x7a: {  	_ =	shalt  }
0x7b: {  	_ =	shalt  }
0x7c: {  	_ =	shalt  }
0x7d: {  	_ =	shalt  }
0x7e: {  	_ =	shalt  }
0x7f: {  	_ =	shalt  }
0x80: {  	_ =	shalt  }
0x81: {  	_ =	shalt  }
0x82: {  	_ =	shalt  }
0x83: {  	_ =	shalt  }
0x84: {  	_ =	shalt  }
0x85: {  	_ =	shalt  }
0x86: {  	_ =	shalt  }
0x87: {  	_ =	shalt  }
.Lfunc_end0:
.L_simem_size_0:
called_computation.4_lowered:
.L_overlay_start_0:
0x88: {  	s2 =	sld [smem:$0x3FD9]  }
0x89: {  	s3 =	sld [smem:$0x3FFE];
	_ =	sdelay $0x1  }
0x8a: {  	s1 =	srdreg.scid  }
0x8b: {  	s0 =	sand.u32 $0x1, s1  }
0x8c: {  	s16 =	sshll.u32 s0, $0xA;
	s2 =	sadd.s32 s3, s2  }
0x8d: {  	s2 =	sadd.s32 s2, s16  }
0x8e: {  	[smem:$0x3F79] =	sst s2  }
0x8f: {  	_ = 	snop  }
0x90: {  	(tm) =	ssettm $0x1  }
0x91: {  	s17 =	sld [smem:$0x3FFB];
	_ =	sdelay $0x3  }
0x92: {  	_ =	strace s17  }
0x93: {  	s2 =	sld [smem:$0x3FFC];
	_ =	sdelay $0x3  }
0x94: {  	_ =	strace s2  }
0x95: {  	s2 =	sld [smem:$0x3FFD];
	_ =	sdelay $0x3  }
0x96: {  	_ =	strace s2  }
0x97: {  	_ =	strace $0x8FFFFFFF  }
0x98: {  	s18 =	sld [smem:$0x3FDB];
	_ =	sdelay $0x1  }
0x99: {  	s19 =	simm.s32 $_scs_section_size  }
0x9a: {  	s4 =	simm.s32 $_size__tile_overlayer_lowered;
	s5 =	simm.s32 $_tile_overlayer_lowered  }
0x9b: {  	s22 =	simm.s32 $0x1BFF;
	s21 =	sshll.u32 s5, $0x1;
	s2 =	sadd.s32 s19, s18  }
0x9c: {  	s6 =	simm.s32 $0x0;
	s20 =	sshll.u32 s4, $0x1;
	s4 =	sadd.s32 s21, s2  }
0x9d: {  	[timem:s6], [sflag:s22] =	dma.local [hbm:s4], s20  }
0x9e: {  	_ =	swait.ge [sflag:s22], s20  }
0x9f: {  	s3 =	ssub.s32 $0x0, s20;
	[sflag:s22] =	ssyncset.done $0x0  }
0xa0: {  	[sflag:s22] =	ssyncadd.s32 s3;
	_ =	sdelay $0x1  }
0xa1: {  	s23 =	simm.s32 $0x1B8B  }
0xa2: {  	_ =	swait.ge [sflag:s23], $0x1  }
0xa3: {  	[sflag:s23] =	ssyncset.done $0x0  }
0xa4: {  	s25 =	simm.s32 $0x1B8E;
	s24 =	sld [smem:$0x3FFE];
	[sflag:s23] =	ssyncadd.s32 $0xFFFFFFFF  }
0xa5: {  	s26 =	simm.s32 $execute0_lowered;
	[smem:$0x3FD2] =	sst s25  }
0xa6: {  	s4 =	sshll.u32 s26, $0x1;
	_ =	strace $0x80000052;
	[dreg:$0x1] =	wrdreg $0xFFFFFFFF  }
0xa7: {  	s28 =	simm.s32 $_size_execute0_lowered;
	s2 =	sadd.s32 s2, s4;
	[dreg:$0x0] =	wrdreg $0x0  }
0xa8: {  	s4 =	sshll.u32 s28, $0x1;
	[dreg:$0x2] =	wrdreg s2  }
0xa9: {  	[dreg:$0x3] =	wrdreg s4  }
0xaa: {  	[dreg:$0x4] =	wrdreg $0xC0  }
0xab: {  	_ =	task [dreg:s6], $0x5FFFF  }
0xac: {  	[dreg:$0x1] =	wrdreg $0xFFFFFFFF  }
0xad: {  	[dreg:$0x0] =	wrdreg $0x60  }
0xae: {  	[dreg:$0x2] =	wrdreg s24  }
0xaf: {  	[dreg:$0x3] =	wrdreg $0x9  }
0xb0: {  	_ =	task.clear_ibuf [dreg:s6], $0x4FFFF;
	_ =	strace $0x90000052  }
0xb1: {  	s29 =	simm.s32 $0x9;
	_ =	strace $0x80000054  }
0xb2: {  	_ =	swait.ge [sflag:s29], $0x1  }
0xb3: {  	[sflag:s29] =	ssyncadd.s32 $0xFFFFFFFF  }
0xb4: {  	_ =	strace $0x90000054  }
0xb5: {  	_ =	sfence  }
0xb6: {  	s30 =	sld [smem:$0x0];
	_ =	sdelay $0x2  }
0xb7: {  	s31 =	sshll.u32 s1, $0xD;
	s1 =	sshrl.u32 s1, $0x2  }
0xb8: {  	s3 =	sand.u32 $0x4000, s31;
	s1 =	sadd.s32 s1, s30  }
0xb9: {  	s0 =	sor.u32 s3, s0;
	s1 =	sshll.u32 s1, $0x11  }
0xba: {  	s0 =	sor.u32 s1, s0  }
0xbb: {  	s0 =	sadd.s32 $0x8F2B, s0  }
0xbc: {  	[sflag:s0] =	ssyncadd.remote.s32 $0x1  }
0xbd: {  	_ =	sfence.sel $0xFFFF  }
0xbe: {  	[dreg:$0x0] =	wrdreg $0xFFFFFFFF;
	(pc) =	sbr.abs _section_cstart, $3  }
0xbf: {  	[dreg:$0x1] =	wrdreg $0xFFFFFFFF  }
0xc0: {  	_ =	task.clear_ibuf [dreg:s6], $0x2FFFF;
	_ =	strace $0x9FFFFFFF  }
0xc1: {  	(tm) =	ssettm $0x7FFFFFFF  }
tec
execute0_lowered:
.L_overlay_start_1:
0x0: {  	(tag) =	ssettag $0x1  }
0x1: {  	s7 =	rddreg [dreg:$0x0]  }
0x2: {  	s0 =	rddreg [dreg:$0x1];
	s1 =	simm.s32 $0x0  }
0x3: {  	s2 =	srdreg.scid;
	s12 =	simm.s32 $0x320;
	s13 =	simm.s32 $0x6720  }
0x4: {  	s14 =	simm.s32 $0x1;
	s15 =	simm.s32 $0x2;
	s16 =	simm.s32 $0x0  }
0x5: {  	[smem:$0x7FF] =	sst s1;
	s3 =	sadd.s32 $0x8B400, s7;
	s4 =	sadd.s32 $0x77400, s7  }
0x6: {  	s8 =	sand.u32 $0x1, s2;
	s5 =	sadd.s32 $0x12E00, s7;
	s2 =	stileid.u32  }
0x7: {  	s6 =	sadd.s32 $0x1CC00, s7;
	s7 =	sadd.s32 $0x9F400, s7;
	s9 =	ssub.s32 $0x2, s8  }
0x8: {  	_ =	strace $0x80000053;
	s11 =	sshll.u32 s2, $0x1;
	s10 =	sshrl.u32 s9, $0x1  }
0x9: {  	s8 =	sor.u32 s8, s11;
	s11 =	simm.s32 $0x190;
	s9 =	ssub.s32 s9, s10  }
0xa: {  	s8 =	smul.u32 $0x2710, s8;
	s10 =	simm.s32 $0x3;
	s9 =	smax.u32 s9, $0x1  }
.LBB2_1:
0xb: {  	s17 =	simm.s32 $0x0  }
.LBB2_2:
0xc: {  	s18 =	smul.u32 $0x190, s17;
	_ =	sdelay $0x1  }
0xd: {  	s18 =	sadd.s32 s8, s18  }
0xe: {  	s19 =	sshrl.u32 s18, $0x3  }
0xf: {  	s21 =	simm.s32 $0x0;
	s20 =	sadd.s32 s5, s19  }
0x10: {  	[tilespmem:s21], [sflag:$0x3] =	stream.linear.gather [hbm4b:s20+s21], $0x190, $0x38;
	[tilespmem:$0xCB20] =	vst v63  }
0x11: {  	_ =	swait.ge [sflag:s10], $0x190  }
0x12: {  	[sflag:s10] =	ssyncset.done $0x0  }
0x13: {  	s19 =	sadd.s32 s6, s19;
	[sflag:s10] =	ssyncadd.s32 $0xFFFFFE70  }
0x14: {  	[tilespmem:s11], [sflag:$0x3] =	stream.linear.gather [hbm4b:s19+s21], $0x190, $0x38;
	[tilespmem:$0xCB20] =	vst v63  }
0x15: {  	_ =	swait.ge [sflag:s10], $0x190  }
0x16: {  	[sflag:s10] =	ssyncset.done $0x0  }
0x17: {  	[sflag:s10] =	ssyncadd.s32 $0xFFFFFE70  }
0x18: {  	[tilespmem:s12], [sflag:$0x1] =	stream.indirect.gather [hbm4b:s3+s11], $0x40, s21, s11, $0xb8;
	[tilespmem:$0xCB20] =	vst v63  }
0x19: {  	_ = 	snop  }
0x1a: {  	[tilespmem:s13], [sflag:$0x2] =	stream.indirect.gather [hbm4b:s4+s11], $0x40, s11, s11, $0xb8;
	[tilespmem:$0xCB20] =	vst v63  }
0x1b: {  	_ =	swait.ge [sflag:s14], $0x6400  }
0x1c: {  	[sflag:s14] =	ssyncset.done $0x0  }
0x1d: {  	[sflag:s14] =	ssyncadd.s32 $0xFFFF9C00  }
0x1e: {  	_ =	swait.ge [sflag:s15], $0x6400  }
0x1f: {  	[sflag:s15] =	ssyncset.done $0x0  }
0x20: {  	s19 =	simm.s32 $0x0;
	[sflag:s15] =	ssyncadd.s32 $0xFFFF9C00  }
0x21: {  	v5 =	vld [tilespmem:s19+$0x6720]  }
0x22: {  	v6 =	vld [tilespmem:s19+$0x6730]  }
0x23: {  	v1 =	vld [tilespmem:s19+$0x6740]  }
0x24: {  	v0 =	vld [tilespmem:s19+$0x6750]  }
0x25: {  	v2 =	vld [tilespmem:s19+$0x320]  }
0x26: {  	v4 =	vld [tilespmem:s19+$0x330]  }
0x27: {  	s20 =	simm.s32 $0x100;
	v3 =	vld [tilespmem:s19+$0x340]  }
.LBB2_3:
0x28: {  	s21 =	sshra.s32 s20, $0x2;
	p0 =	sne.s32 s20, $0x18F00;
	v7 =	vld [tilespmem:s19+$0x350];
	v8 =	vmov v1  }
0x29: {  	v9 =	vld [tilespmem:s21+$0x6720];
	v10 =	vmov v0  }
0x2a: {  	v11 =	vld [tilespmem:s21+$0x6730];
	v2 =	vadd.f32 v5, v2  }
.Ltmp0:
0x2b: {  	v1 =	vld [tilespmem:s21+$0x6740];
	v4 =	vadd.f32 v6, v4;
	(pc) =	sbr.rel @p0 .LBB2_3-.Ltmp0, $4  }
0x2c: {  	v0 =	vld [tilespmem:s21+$0x6750];
	[tilespmem:s19+$0x320] =	vst v2;
	v3 =	vadd.f32 v8, v3  }
0x2d: {  	v2 =	vld [tilespmem:s21+$0x320];
	[tilespmem:s19+$0x330] =	vst v4;
	v7 =	vadd.f32 v10, v7  }
0x2e: {  	v4 =	vld [tilespmem:s21+$0x330];
	[tilespmem:s19+$0x340] =	vst v3;
	v5 =	vmov v9  }
0x2f: {  	s20 =	sadd.s32 $0x100, s20;
	v3 =	vld [tilespmem:s21+$0x340];
	[tilespmem:s19+$0x350] =	vst v7;
	v6 =	vmov v11;
	s19 =	smov.u32 s21  }
0x30: {  	v7 =	vld [tilespmem:s19+$0x350];
	_ =	sdelay $0x1  }
0x31: {  	v2 =	vadd.f32 v5, v2  }
0x32: {  	v4 =	vadd.f32 v6, v4  }
0x33: {  	[tilespmem:s19+$0x320] =	vst v2;
	v1 =	vadd.f32 v1, v3  }
0x34: {  	s17 =	sadd.s32 $0x1, s17;
	[tilespmem:s19+$0x330] =	vst v4;
	v0 =	vadd.f32 v0, v7  }
0x35: {  	s18 =	sshll.u32 s18, $0x3;
	p0 =	sne.s32 s17, $0x19;
	[tilespmem:s19+$0x340] =	vst v1  }
.Ltmp1:
0x36: {  	s18 =	sadd.s32 s7, s18;
	[tilespmem:s19+$0x350] =	vst v0;
	(pc) =	sbr.rel @p0 .LBB2_2-.Ltmp1, $4  }
0x37: {  	[hbm4b:s18+s1] =	stream.linear.scatter [tilespmem:s12], [sflag:$0x3], $0x6400, $0x38;
	[tilespmem:$0xCB20] =	vst v63  }
0x38: {  	_ =	swait.ge [sflag:s10], $0x6400  }
0x39: {  	[sflag:s10] =	ssyncset.done $0x0  }
0x3a: {  	[sflag:s10] =	ssyncadd.s32 $0xFFFF9C00  }
0x3b: {  	s16 =	sadd.s32 $0x1, s16  }
0x3c: {  	p0 =	sne.s32 s16, s9  }
.Ltmp2:
0x3d: {  	_ = 	snop;
	(pc) =	sbr.rel @p0 .LBB2_1-.Ltmp2, $1  }
0x3e: {  	_ =	sdelay $0x3  }
0x3f: {  	_ =	sfence.sel $0x180000  }
0x40: {  	[bflag:$0x0] =	sbarrier.arrive $0xFFFF  }
0x41: {  	p0 =	sne.s32 s2, $0x0;
	_ =	strace $0x90000053  }
0x42: {  	s0 =	sadd.s32 @!p0 $0x100000, s0;
	[bflag:$0x2] =	sbarrier.arrive $0xFFFF  }
0x43: {  	[sflag:s0] =	ssyncadd.tile.s32 @!p0 $0x1;
	_ =	shalt  }
.Lfunc_end2:
_tile_overlayer_lowered:
.L_overlay_start_2:
0x44: {  	(tag) =	ssettag $0x2  }
0x45: {  	s0 =	rddreg [dreg:$0x0];
	s2 =	stileid.u32  }
0x46: {  	s1 =	rddreg [dreg:$0x1];
	p0 =	sne.s32 s2, $0x0  }
0x47: {  	s3 =	rddreg [dreg:$0x2];
	[bflag:$0x3] =	sbarrier.arrive $0xFFFF;
	s2 =	simm.s32 @!p0 $0x1C03  }
0x48: {  	[timem:s3], [sflag:s2] =	dma.local @!p0 [hbm:s0], s1  }
0x49: {  	s0 =	simm.s32 @!p0 $0x3  }
0x4a: {  	_ =	swait.ge @!p0 [sflag:s0], s1  }
0x4b: {  	s1 =	ssub.s32 @!p0 $0x0, s1;
	[sflag:s0] =	ssyncset.done @!p0 $0x0  }
0x4c: {  	[sflag:s0] =	ssyncadd.s32 @!p0 s1  }
0x4d: {  	[bflag:$0x3] =	sbarrier.arrive $0xFFFF  }
0x4e: {  	_ =	shalt  }

// kernel: kernel.41.cloned.1.call-start
scs
__scs_entry_jumppad:
0x0: {  	(pc) =	sbr.rel $0x88, $3  }
0x1: {  	(tag) =	ssettag $0x0;
	lr =	simm.s32 $0x1  }
0x2: {  	[smem:$0x3F52] =	sst lr;
	_ =	strace $0xD0000000  }
0x3: {  	_ = 	snop  }
0x4: {  	_ = 	snop  }
0x5: {  	_ = 	snop  }
0x6: {  	_ = 	snop  }
0x7: {  	_ = 	snop  }
__scs_overlays_trampoline_lowered:
0x8: {  	[smem:$0x3F61] =	sst s0  }
0x9: {  	[smem:$0x3F62] =	sst s1  }
0xa: {  	[smem:$0x3F63] =	sst s2  }
0xb: {  	[smem:$0x3F64] =	sst s3  }
0xc: {  	[smem:$0x3F65] =	sst s4  }
0xd: {  	[smem:$0x3F66] =	sst s5  }
0xe: {  	[smem:$0x3F67] =	sst s6  }
0xf: {  	[smem:$0x3F68] =	sst s7  }
0x10: {  	[smem:$0x3F69] =	sst s8  }
0x11: {  	[smem:$0x3F6A] =	sst s9;
	s0 =	simm.s32 @!p0 $0x0  }
0x12: {  	s1 =	sld [smem:$0x3F50];
	s0 =	simm.s32 @p0 $0x1  }
0x13: {  	[smem:$0x3F6B] =	sst s0;
	s0 =	simm.s32 @!p1 $0x0  }
0x14: {  	s2 =	sld [smem:$0x3F4F];
	s0 =	simm.s32 @p1 $0x1  }
0x15: {  	[smem:$0x3F6C] =	sst s0;
	s0 =	simm.s32 @!p2 $0x0  }
0x16: {  	s3 =	sld [smem:$0x3FDB];
	s0 =	simm.s32 @p2 $0x1  }
0x17: {  	s4 =	simm.s32 $0x1BF5;
	[smem:$0x3F6E] =	sst s0  }
0x18: {  	s0 =	sld [smem:$0x3F51];
	_ =	swait.ge [sflag:s4], $0x0  }
0x19: {  	s7 =	sld [smem:$0x3F52]  }
0x1a: {  	s8 =	sadd.s32 $0xFFFFE003, lr  }
0x1b: {  	s9 =	sadd.s32 $0xFFFFFEF7, lr;
	s5 =	simm.s32 $0xFFFFFFFF;
	p2 =	slt.u32 s8, $0xFFFFF086  }
0x1c: {  	p1 =	slt.u32 s9, $0xF7A;
	s5 =	simm.s32 @!p2 $0x0  }
0x1d: {  	s5 =	simm.s32 @p1 $0x1;
	p0 =	seq.s32 s7, s2  }
0x1e: {  	s7 =	smul.u32 @!p0 $0xF7A, s2;
	p2 =	seq.s32 @!p0 s5, $0x0  }
0x1f: {  	s9 =	smul.u32 $0xF7A, s1;
	s8 =	simm.s32 @!p0 $0x1BF5;
	p2 =	por !p2, p0  }
0x20: {  	[sflag:s8] =	ssyncset.s32 @!p0 $0xFFFFF086;
	s6 =	sadd.s32 @!p0 s3, s7;
	s7 =	simm.s32 @!p0 $0x108  }
0x21: {  	s3 =	sadd.s32 s3, s9;
	s6 =	sadd.s32 @!p0 $0x88, s6;
	s7 =	simm.s32 @p2 $0x1082  }
0x22: {  	[simem:s7], [sflag:s8] =	dma.local @!p0 [hbm:s6], $0xF7A  }
0x23: {  	s9 =	sor.u32 $0xD0000000, s2;
	s6 =	simm.s32 $0x108;
	_ =	swait.ge @!p0 [sflag:s8], $0x0  }
0x24: {  	s3 =	sadd.s32 $0x88, s3;
	s6 =	simm.s32 @!p1 $0x1082;
	[sflag:s4] =	ssyncset.s32 $0xFFFFF086  }
0x25: {  	[simem:s6], [sflag:s4] =	dma.local [hbm:s3], $0xF7A  }
0x26: {  	[smem:$0x3F52] =	sst s1;
	(tag) =	ssettag s2;
	_ =	strace s9  }
0x27: {  	s1 =	sld [smem:$0x3F62]  }
0x28: {  	s2 =	sld [smem:$0x3F63]  }
0x29: {  	s4 =	sld [smem:$0x3F65]  }
0x2a: {  	p0 =	seq.s32 s5, $0x0;
	s5 =	sld [smem:$0x3F66]  }
0x2b: {  	s6 =	sld [smem:$0x3F67]  }
0x2c: {  	s7 =	sld [smem:$0x3F68]  }
0x2d: {  	s3 =	simm.s32 $0x108;
	s8 =	sld [smem:$0x3F69]  }
0x2e: {  	s3 =	simm.s32 @!p0 $0x1082;
	s9 =	sld [smem:$0x3F6A]  }
0x2f: {  	lr =	sadd.s32 s0, s3;
	s0 =	sld [smem:$0x3F61]  }
0x30: {  	s3 =	sld [smem:$0x3F64]  }
0x31: {  	[smem:$0x3F6D] =	sst s10  }
0x32: {  	s10 =	sld [smem:$0x3F6B];
	_ =	sdelay $0x3  }
0x33: {  	p0 =	seq.s32 s10, $0x1;
	s10 =	sld [smem:$0x3F6D];
	_ =	sdelay $0x3  }
0x34: {  	[smem:$0x3F6D] =	sst s10  }
0x35: {  	s10 =	sld [smem:$0x3F6C];
	_ =	sdelay $0x3  }
0x36: {  	p1 =	seq.s32 s10, $0x1;
	s10 =	sld [smem:$0x3F6D];
	_ =	sdelay $0x3  }
0x37: {  	[smem:$0x3F6D] =	sst s10  }
0x38: {  	s10 =	sld [smem:$0x3F6E]  }
0x39: {  	_ = 	snop;
	(pc) =	sbr.ind lr, $3  }
0x3a: {  	_ = 	snop  }
0x3b: {  	_ = 	snop  }
0x3c: {  	p2 =	seq.s32 s10, $0x1;
	s10 =	sld [smem:$0x3F6D]  }
0x3d: {  	_ =	shalt  }
0x3e: {  	_ =	shalt  }
0x3f: {  	_ =	shalt  }
0x40: {  	_ =	shalt  }
0x41: {  	_ =	shalt  }
0x42: {  	_ =	shalt  }
0x43: {  	_ =	shalt  }
0x44: {  	_ =	shalt  }
0x45: {  	_ =	shalt  }
0x46: {  	_ =	shalt  }
0x47: {  	_ =	shalt  }
0x48: {  	_ =	shalt  }
0x49: {  	_ =	shalt  }
0x4a: {  	_ =	shalt  }
0x4b: {  	_ =	shalt  }
0x4c: {  	_ =	shalt  }
0x4d: {  	_ =	shalt  }
0x4e: {  	_ =	shalt  }
0x4f: {  	_ =	shalt  }
0x50: {  	_ =	shalt  }
0x51: {  	_ =	shalt  }
0x52: {  	_ =	shalt  }
0x53: {  	_ =	shalt  }
0x54: {  	_ =	shalt  }
0x55: {  	_ =	shalt  }
0x56: {  	_ =	shalt  }
0x57: {  	_ =	shalt  }
0x58: {  	_ =	shalt  }
0x59: {  	_ =	shalt  }
0x5a: {  	_ =	shalt  }
0x5b: {  	_ =	shalt  }
0x5c: {  	_ =	shalt  }
0x5d: {  	_ =	shalt  }
0x5e: {  	_ =	shalt  }
0x5f: {  	_ =	shalt  }
0x60: {  	_ =	shalt  }
0x61: {  	_ =	shalt  }
0x62: {  	_ =	shalt  }
0x63: {  	_ =	shalt  }
0x64: {  	_ =	shalt  }
0x65: {  	_ =	shalt  }
0x66: {  	_ =	shalt  }
0x67: {  	_ =	shalt  }
0x68: {  	_ =	shalt  }
0x69: {  	_ =	shalt  }
0x6a: {  	_ =	shalt  }
0x6b: {  	_ =	shalt  }
0x6c: {  	_ =	shalt  }
0x6d: {  	_ =	shalt  }
0x6e: {  	_ =	shalt  }
0x6f: {  	_ =	shalt  }
0x70: {  	_ =	shalt  }
0x71: {  	_ =	shalt  }
0x72: {  	_ =	shalt  }
0x73: {  	_ =	shalt  }
0x74: {  	_ =	shalt  }
0x75: {  	_ =	shalt  }
0x76: {  	_ =	shalt  }
0x77: {  	_ =	shalt  }
0x78: {  	_ =	shalt  }
0x79: {  	_ =	shalt  }
0x7a: {  	_ =	shalt  }
0x7b: {  	_ =	shalt  }
0x7c: {  	_ =	shalt  }
0x7d: {  	_ =	shalt  }
0x7e: {  	_ =	shalt  }
0x7f: {  	_ =	shalt  }
0x80: {  	_ =	shalt  }
0x81: {  	_ =	shalt  }
0x82: {  	_ =	shalt  }
0x83: {  	_ =	shalt  }
0x84: {  	_ =	shalt  }
0x85: {  	_ =	shalt  }
0x86: {  	_ =	shalt  }
0x87: {  	_ =	shalt  }
.Lfunc_end0:
.L_simem_size_0:
called_computation.5_lowered:
.L_overlay_start_0:
0x88: {  	s2 =	sld [smem:$0x3FD9]  }
0x89: {  	s3 =	sld [smem:$0x3FFE];
	_ =	sdelay $0x1  }
0x8a: {  	s1 =	srdreg.scid  }
0x8b: {  	s0 =	sand.u32 $0x1, s1  }
0x8c: {  	s16 =	sshll.u32 s0, $0xA;
	s2 =	sadd.s32 s3, s2  }
0x8d: {  	s2 =	sadd.s32 s2, s16  }
0x8e: {  	[smem:$0x3F79] =	sst s2  }
0x8f: {  	_ = 	snop  }
0x90: {  	(tm) =	ssettm $0x1  }
0x91: {  	s17 =	sld [smem:$0x3FFB];
	_ =	sdelay $0x3  }
0x92: {  	_ =	strace s17  }
0x93: {  	s2 =	sld [smem:$0x3FFC];
	_ =	sdelay $0x3  }
0x94: {  	_ =	strace s2  }
0x95: {  	s2 =	sld [smem:$0x3FFD];
	_ =	sdelay $0x3  }
0x96: {  	_ =	strace s2  }
0x97: {  	_ =	strace $0x8FFFFFFF  }
0x98: {  	s18 =	sld [smem:$0x3FDB];
	_ =	sdelay $0x1  }
0x99: {  	s19 =	simm.s32 $_scs_section_size  }
0x9a: {  	s4 =	simm.s32 $_size__tile_overlayer_lowered;
	s5 =	simm.s32 $_tile_overlayer_lowered  }
0x9b: {  	s22 =	simm.s32 $0x1BFF;
	s21 =	sshll.u32 s5, $0x1;
	s2 =	sadd.s32 s19, s18  }
0x9c: {  	s6 =	simm.s32 $0x0;
	s20 =	sshll.u32 s4, $0x1;
	s4 =	sadd.s32 s21, s2  }
0x9d: {  	[timem:s6], [sflag:s22] =	dma.local [hbm:s4], s20  }
0x9e: {  	_ =	swait.ge [sflag:s22], s20  }
0x9f: {  	s3 =	ssub.s32 $0x0, s20;
	[sflag:s22] =	ssyncset.done $0x0  }
0xa0: {  	[sflag:s22] =	ssyncadd.s32 s3;
	_ =	sdelay $0x1  }
0xa1: {  	s23 =	simm.s32 $0x1B8B  }
0xa2: {  	_ =	swait.ge [sflag:s23], $0x1  }
0xa3: {  	[sflag:s23] =	ssyncset.done $0x0  }
0xa4: {  	s25 =	simm.s32 $0x1B8E;
	s24 =	sld [smem:$0x3FFE];
	[sflag:s23] =	ssyncadd.s32 $0xFFFFFFFF  }
0xa5: {  	s26 =	simm.s32 $execute0_lowered;
	[smem:$0x3FD2] =	sst s25  }
0xa6: {  	s4 =	sshll.u32 s26, $0x1;
	_ =	strace $0x80000055;
	[dreg:$0x1] =	wrdreg $0xFFFFFFFF  }
0xa7: {  	s28 =	simm.s32 $_size_execute0_lowered;
	s2 =	sadd.s32 s2, s4;
	[dreg:$0x0] =	wrdreg $0x0  }
0xa8: {  	s4 =	sshll.u32 s28, $0x1;
	[dreg:$0x2] =	wrdreg s2  }
0xa9: {  	[dreg:$0x3] =	wrdreg s4  }
0xaa: {  	[dreg:$0x4] =	wrdreg $0xC0  }
0xab: {  	_ =	task [dreg:s6], $0x5FFFF  }
0xac: {  	[dreg:$0x1] =	wrdreg $0xFFFFFFFF  }
0xad: {  	[dreg:$0x0] =	wrdreg $0x60  }
0xae: {  	[dreg:$0x2] =	wrdreg s24  }
0xaf: {  	[dreg:$0x3] =	wrdreg $0xD0E80  }
0xb0: {  	[dreg:$0x4] =	wrdreg $0x9  }
0xb1: {  	_ =	task.clear_ibuf [dreg:s6], $0x5FFFF;
	_ =	strace $0x90000055  }
0xb2: {  	s29 =	simm.s32 $0x9;
	_ =	strace $0x80000057  }
0xb3: {  	_ =	swait.ge [sflag:s29], $0x1  }
0xb4: {  	[sflag:s29] =	ssyncadd.s32 $0xFFFFFFFF  }
0xb5: {  	_ =	strace $0x90000057  }
0xb6: {  	_ =	sfence  }
0xb7: {  	s30 =	sld [smem:$0x0];
	_ =	sdelay $0x2  }
0xb8: {  	s31 =	sshll.u32 s1, $0xD;
	s1 =	sshrl.u32 s1, $0x2  }
0xb9: {  	s3 =	sand.u32 $0x4000, s31;
	s1 =	sadd.s32 s1, s30  }
0xba: {  	s0 =	sor.u32 s3, s0;
	s1 =	sshll.u32 s1, $0x11  }
0xbb: {  	s0 =	sor.u32 s1, s0  }
0xbc: {  	s0 =	sadd.s32 $0x8F2B, s0  }
0xbd: {  	[sflag:s0] =	ssyncadd.remote.s32 $0x1  }
0xbe: {  	_ =	sfence.sel $0xFFFF  }
0xbf: {  	[dreg:$0x0] =	wrdreg $0xFFFFFFFF;
	(pc) =	sbr.abs _section_cstart, $3  }
0xc0: {  	[dreg:$0x1] =	wrdreg $0xFFFFFFFF  }
0xc1: {  	_ =	task.clear_ibuf [dreg:s6], $0x2FFFF;
	_ =	strace $0x9FFFFFFF  }
0xc2: {  	(tm) =	ssettm $0x7FFFFFFF  }
0xc3: {  	_ =	shalt  }
tec
execute0_lowered:
.L_overlay_start_1:
0x0: {  	(tag) =	ssettag $0x1  }
0x1: {  	s0 =	stileid.u32  }
0x2: {  	s1 =	srdreg.scid;
	s5 =	rddreg [dreg:$0x0]  }
0x3: {  	s2 =	rddreg [dreg:$0x1];
	s4 =	smul.u32 $0x13880, s0  }
0x4: {  	s3 =	simm.s32 $0x0;
	s14 =	simm.s32 $0x0;
	s7 =	smul.u32 $0x4E20, s0  }
0x5: {  	s6 =	sand.u32 $0x1, s1;
	s1 =	rddreg [dreg:$0x2];
	s9 =	smul.u32 $0x5000, s0  }
0x6: {  	[smem:$0x7FF] =	sst s3;
	s31 =	sshll.u32 s0, $0x6;
	s8 =	smul.u32 $0x2710, s6  }
0x7: {  	s23 =	smul.u32 $0x50000, s6;
	_ =	strace $0x80000056;
	s26 =	ssub.s32 $0x2, s6  }
0x8: {  	s12 =	smul.u32 $0x9C40, s6;
	s10 =	sadd.s32 s4, s5;
	s28 =	sshrl.u32 s26, $0x1  }
0x9: {  	s7 =	sadd.s32 s8, s7;
	s25 =	sadd.s32 s9, s23;
	s29 =	ssub.s32 s26, s28  }
0xa: {  	s30 =	sadd.s32 s12, s10;
	s10 =	simm.s32 $0x1;
	s12 =	sor.u32 $0x1C01, s31  }
0xb: {  	s24 =	sshrl.u32 s7, $0x3;
	s4 =	sshrl.u32 s25, $0x3;
	s6 =	smax.u32 s29, $0x1  }
0xc: {  	s7 =	sadd.s32 $0x77400, s30;
	s11 =	sadd.s32 s24, s5;
	s5 =	sadd.s32 s4, s5  }
0xd: {  	s4 =	sadd.s32 s9, s2;
	s9 =	simm.s32 $0x80E8;
	s5 =	sadd.s32 $0x1AFC00, s5  }
0xe: {  	v0 =	vimm.f32 $0.0e+00;
	s8 =	sadd.s32 $0x1CC00, s11;
	s11 =	simm.s32 $0x3E8;
	s13 =	sshrl.u32 s4, $0x3  }
.LBB2_1:
0xf: {  	s15 =	simm.s32 $0x80;
	s16 =	simm.s32 $0x0  }
.LBB2_2:
0x10: {  	p0 =	sne.s32 s15, $0x13F80;
	[tilespmem:s16+$0x80E8] =	vst v0;
	s17 =	smov.u32 s15;
	s15 =	sadd.s32 $0x80, s15  }
.Ltmp0:
0x11: {  	[tilespmem:s16+$0x80F8] =	vst v0;
	(pc) =	sbr.rel @p0 .LBB2_2-.Ltmp0, $2  }
0x12: {  	_ =	sdelay $0x2  }
0x13: {  	s16 =	sshra.s32 s17, $0x2  }
0x14: {  	[tilespmem:s16+$0x80E8] =	vst v0  }
0x15: {  	[tilespmem:s16+$0x80F8] =	vst v0  }
0x16: {  	[spmem:s4] =	stream.linear.scatter [tilespmem:s9], [sflag:$0x1], $0x5000, $0x38;
	[tilespmem:$0x120E8] =	vst v63  }
0x17: {  	_ =	swait.ge [sflag:s10], $0x5000  }
0x18: {  	[sflag:s10] =	ssyncset.done $0x0  }
0x19: {  	[sflag:s10] =	ssyncadd.s32 $0xFFFFB000  }
0x1a: {  	s15 =	sadd.s32 $0x0, s8;
	[bflag:$0x0] =	sbarrier.arrive $0xFFFF  }
0x1b: {  	[tilespmem:s3], [sflag:$0x1] =	stream.linear.gather [hbm4b:s15+s3], $0x3E8, $0x38;
	[tilespmem:$0x120E8] =	vst v63  }
0x1c: {  	_ =	swait.ge [sflag:s10], $0x3E8  }
0x1d: {  	[sflag:s10] =	ssyncset.done $0x0  }
0x1e: {  	[sflag:s10] =	ssyncadd.s32 $0xFFFFFC18  }
0x1f: {  	[tilespmem:s11], [sflag:$0x1] =	stream.linear.gather [hbm4b:s7+s3], $0x7D00, $0x38;
	[tilespmem:$0x120E8] =	vst v63  }
0x20: {  	_ =	swait.ge [sflag:s10], $0x7D00  }
0x21: {  	[sflag:s10] =	ssyncset.done $0x0  }
0x22: {  	[sflag:s10] =	ssyncadd.s32 $0xFFFF8300  }
0x23: {  	[spmem:s2] =	stream.indirect.scatter.add.f32 [tilespmem:s11], [sflag:$0x1], $0x20, s3, s11, $0xb8;
	[tilespmem:$0x120E8] =	vst v63  }
0x24: {  	s16 =	simm.s32 $0x7D;
	_ =	swait.ge [sflag:s10], $0x7D00  }
0x25: {  	s17 =	simm.s32 $0xFA;
	s15 =	sadd.s32 $0xFA0, s7;
	[sflag:s10] =	ssyncset.done $0x0  }
.LBB2_4:
0x26: {  	s18 =	sadd.s32 s16, s8  }
0x27: {  	[sflag:s10] =	ssyncadd.s32 $0xFFFF8300;
	s16 =	smov.u32 s17;
	s19 =	sadd.s32 $0x7D, s17  }
0x28: {  	[tilespmem:s3], [sflag:$0x1] =	stream.linear.gather [hbm4b:s18+s3], $0x3E8, $0x38;
	[tilespmem:$0x120E8] =	vst v63  }
0x29: {  	p0 =	sne.s32 s17, $0x465;
	_ =	swait.ge [sflag:s10], $0x3E8  }
0x2a: {  	[sflag:s10] =	ssyncset.done $0x0  }
0x2b: {  	[sflag:s10] =	ssyncadd.s32 $0xFFFFFC18  }
0x2c: {  	[tilespmem:s11], [sflag:$0x1] =	stream.linear.gather [hbm4b:s15+s3], $0x7D00, $0x38;
	[tilespmem:$0x120E8] =	vst v63  }
0x2d: {  	_ =	swait.ge [sflag:s10], $0x7D00  }
.Ltmp1:
0x2e: {  	[sflag:s10] =	ssyncset.done $0x0;
	(pc) =	sbr.rel @p0 .LBB2_4-.Ltmp1, $4  }
0x2f: {  	[sflag:s10] =	ssyncadd.s32 $0xFFFF8300  }
0x30: {  	[spmem:s2] =	stream.indirect.scatter.add.f32 [tilespmem:s11], [sflag:$0x1], $0x20, s3, s11, $0xb8;
	[tilespmem:$0x120E8] =	vst v63  }
0x31: {  	_ =	swait.ge [sflag:s10], $0x7D00  }
0x32: {  	s17 =	smov.u32 s19;
	s15 =	sadd.s32 $0xFA0, s15;
	[sflag:s10] =	ssyncset.done $0x0  }
0x33: {  	s16 =	sadd.s32 s16, s8;
	[sflag:s10] =	ssyncadd.s32 $0xFFFF8300  }
0x34: {  	[tilespmem:s3], [sflag:$0x1] =	stream.linear.gather [hbm4b:s16+s3], $0x3E8, $0x38;
	[tilespmem:$0x120E8] =	vst v63  }
0x35: {  	_ =	swait.ge [sflag:s10], $0x3E8  }
0x36: {  	[sflag:s10] =	ssyncset.done $0x0  }
0x37: {  	[sflag:s10] =	ssyncadd.s32 $0xFFFFFC18  }
0x38: {  	[tilespmem:s11], [sflag:$0x1] =	stream.linear.gather [hbm4b:s15+s3], $0x7D00, $0x38;
	[tilespmem:$0x120E8] =	vst v63  }
0x39: {  	_ =	swait.ge [sflag:s10], $0x7D00  }
0x3a: {  	[sflag:s10] =	ssyncset.done $0x0  }
0x3b: {  	[sflag:s10] =	ssyncadd.s32 $0xFFFF8300  }
0x3c: {  	[spmem:s2] =	stream.indirect.scatter.add.f32 [tilespmem:s11], [sflag:$0x1], $0x20, s3, s11, $0xb8;
	[tilespmem:$0x120E8] =	vst v63  }
0x3d: {  	_ =	swait.ge [sflag:s10], $0x7D00  }
0x3e: {  	s14 =	sadd.s32 $0x1, s14;
	[sflag:s10] =	ssyncset.done $0x0  }
0x3f: {  	p0 =	sne.s32 s14, s6;
	[sflag:s10] =	ssyncadd.s32 $0xFFFF8300  }
.Ltmp2:
0x40: {  	[bflag:$0x0] =	sbarrier.arrive $0xFFFF;
	(pc) =	sbr.rel @p0 .LBB2_1-.Ltmp2, $4  }
0x41: {  	[hbm:s5], [sflag:s12] =	dma.local [spmem:s13], $0xA00  }
0x42: {  	_ =	swait.ge [sflag:s10], $0xA00  }
0x43: {  	[sflag:s10] =	ssyncset.done $0x0  }
0x44: {  	[sflag:s10] =	ssyncadd.s32 $0xFFFFF600  }
0x45: {  	_ =	sfence.sel $0x180000  }
0x46: {  	[bflag:$0x0] =	sbarrier.arrive $0xFFFF  }
0x47: {  	p0 =	sne.s32 s0, $0x0;
	_ =	strace $0x90000056  }
0x48: {  	s0 =	sadd.s32 @!p0 $0x100000, s1;
	[bflag:$0x2] =	sbarrier.arrive $0xFFFF  }
0x49: {  	[sflag:s0] =	ssyncadd.tile.s32 @!p0 $0x1;
	_ =	shalt  }
.Lfunc_end2:
_tile_overlayer_lowered:
.L_overlay_start_2:
0x4a: {  	(tag) =	ssettag $0x2  }
0x4b: {  	s0 =	rddreg [dreg:$0x0];
	s2 =	stileid.u32  }
0x4c: {  	s1 =	rddreg [dreg:$0x1];
	p0 =	sne.s32 s2, $0x0  }
0x4d: {  	s3 =	rddreg [dreg:$0x2];
	[bflag:$0x3] =	sbarrier.arrive $0xFFFF;
	s2 =	simm.s32 @!p0 $0x1C01  }
0x4e: {  	[timem:s3], [sflag:s2] =	dma.local @!p0 [hbm:s0], s1  }
0x4f: {  	s0 =	simm.s32 @!p0 $0x1  }
0x50: {  	_ =	swait.ge @!p0 [sflag:s0], s1  }
0x51: {  	s1 =	ssub.s32 @!p0 $0x0, s1;
	[sflag:s0] =	ssyncset.done @!p0 $0x0  }
0x52: {  	[sflag:s0] =	ssyncadd.s32 @!p0 s1  }
0x53: {  	[bflag:$0x3] =	sbarrier.arrive $0xFFFF  }
0x54: {  	_ =	shalt  }

// kernel: kernel.44.cloned.1.call-start
scs
__scs_entry_jumppad:
0x0: {  	(pc) =	sbr.rel $0x88, $3  }
0x1: {  	(tag) =	ssettag $0x0;
	lr =	simm.s32 $0x1  }
0x2: {  	[smem:$0x3F52] =	sst lr;
	_ =	strace $0xD0000000  }
0x3: {  	_ = 	snop  }
0x4: {  	_ = 	snop  }
0x5: {  	_ = 	snop  }
0x6: {  	_ = 	snop  }
0x7: {  	_ = 	snop  }
__scs_overlays_trampoline_lowered:
0x8: {  	[smem:$0x3F61] =	sst s0  }
0x9: {  	[smem:$0x3F62] =	sst s1  }
0xa: {  	[smem:$0x3F63] =	sst s2  }
0xb: {  	[smem:$0x3F64] =	sst s3  }
0xc: {  	[smem:$0x3F65] =	sst s4  }
0xd: {  	[smem:$0x3F66] =	sst s5  }
0xe: {  	[smem:$0x3F67] =	sst s6  }
0xf: {  	[smem:$0x3F68] =	sst s7  }
0x10: {  	[smem:$0x3F69] =	sst s8  }
0x11: {  	[smem:$0x3F6A] =	sst s9;
	s0 =	simm.s32 @!p0 $0x0  }
0x12: {  	s1 =	sld [smem:$0x3F50];
	s0 =	simm.s32 @p0 $0x1  }
0x13: {  	[smem:$0x3F6B] =	sst s0;
	s0 =	simm.s32 @!p1 $0x0  }
0x14: {  	s2 =	sld [smem:$0x3F4F];
	s0 =	simm.s32 @p1 $0x1  }
0x15: {  	[smem:$0x3F6C] =	sst s0;
	s0 =	simm.s32 @!p2 $0x0  }
0x16: {  	s3 =	sld [smem:$0x3FDB];
	s0 =	simm.s32 @p2 $0x1  }
0x17: {  	s4 =	simm.s32 $0x1BF5;
	[smem:$0x3F6E] =	sst s0  }
0x18: {  	s0 =	sld [smem:$0x3F51];
	_ =	swait.ge [sflag:s4], $0x0  }
0x19: {  	s7 =	sld [smem:$0x3F52]  }
0x1a: {  	s8 =	sadd.s32 $0xFFFFE003, lr  }
0x1b: {  	s9 =	sadd.s32 $0xFFFFFEF7, lr;
	s5 =	simm.s32 $0xFFFFFFFF;
	p2 =	slt.u32 s8, $0xFFFFF086  }
0x1c: {  	p1 =	slt.u32 s9, $0xF7A;
	s5 =	simm.s32 @!p2 $0x0  }
0x1d: {  	s5 =	simm.s32 @p1 $0x1;
	p0 =	seq.s32 s7, s2  }
0x1e: {  	s7 =	smul.u32 @!p0 $0xF7A, s2;
	p2 =	seq.s32 @!p0 s5, $0x0  }
0x1f: {  	s9 =	smul.u32 $0xF7A, s1;
	s8 =	simm.s32 @!p0 $0x1BF5;
	p2 =	por !p2, p0  }
0x20: {  	[sflag:s8] =	ssyncset.s32 @!p0 $0xFFFFF086;
	s6 =	sadd.s32 @!p0 s3, s7;
	s7 =	simm.s32 @!p0 $0x108  }
0x21: {  	s3 =	sadd.s32 s3, s9;
	s6 =	sadd.s32 @!p0 $0x88, s6;
	s7 =	simm.s32 @p2 $0x1082  }
0x22: {  	[simem:s7], [sflag:s8] =	dma.local @!p0 [hbm:s6], $0xF7A  }
0x23: {  	s9 =	sor.u32 $0xD0000000, s2;
	s6 =	simm.s32 $0x108;
	_ =	swait.ge @!p0 [sflag:s8], $0x0  }
0x24: {  	s3 =	sadd.s32 $0x88, s3;
	s6 =	simm.s32 @!p1 $0x1082;
	[sflag:s4] =	ssyncset.s32 $0xFFFFF086  }
0x25: {  	[simem:s6], [sflag:s4] =	dma.local [hbm:s3], $0xF7A  }
0x26: {  	[smem:$0x3F52] =	sst s1;
	(tag) =	ssettag s2;
	_ =	strace s9  }
0x27: {  	s1 =	sld [smem:$0x3F62]  }
0x28: {  	s2 =	sld [smem:$0x3F63]  }
0x29: {  	s4 =	sld [smem:$0x3F65]  }
0x2a: {  	p0 =	seq.s32 s5, $0x0;
	s5 =	sld [smem:$0x3F66]  }
0x2b: {  	s6 =	sld [smem:$0x3F67]  }
0x2c: {  	s7 =	sld [smem:$0x3F68]  }
0x2d: {  	s3 =	simm.s32 $0x108;
	s8 =	sld [smem:$0x3F69]  }
0x2e: {  	s3 =	simm.s32 @!p0 $0x1082;
	s9 =	sld [smem:$0x3F6A]  }
0x2f: {  	lr =	sadd.s32 s0, s3;
	s0 =	sld [smem:$0x3F61]  }
0x30: {  	s3 =	sld [smem:$0x3F64]  }
0x31: {  	[smem:$0x3F6D] =	sst s10  }
0x32: {  	s10 =	sld [smem:$0x3F6B];
	_ =	sdelay $0x3  }
0x33: {  	p0 =	seq.s32 s10, $0x1;
	s10 =	sld [smem:$0x3F6D];
	_ =	sdelay $0x3  }
0x34: {  	[smem:$0x3F6D] =	sst s10  }
0x35: {  	s10 =	sld [smem:$0x3F6C];
	_ =	sdelay $0x3  }
0x36: {  	p1 =	seq.s32 s10, $0x1;
	s10 =	sld [smem:$0x3F6D];
	_ =	sdelay $0x3  }
0x37: {  	[smem:$0x3F6D] =	sst s10  }
0x38: {  	s10 =	sld [smem:$0x3F6E]  }
0x39: {  	_ = 	snop;
	(pc) =	sbr.ind lr, $3  }
0x3a: {  	_ = 	snop  }
0x3b: {  	_ = 	snop  }
0x3c: {  	p2 =	seq.s32 s10, $0x1;
	s10 =	sld [smem:$0x3F6D]  }
0x3d: {  	_ =	shalt  }
0x3e: {  	_ =	shalt  }
0x3f: {  	_ =	shalt  }
0x40: {  	_ =	shalt  }
0x41: {  	_ =	shalt  }
0x42: {  	_ =	shalt  }
0x43: {  	_ =	shalt  }
0x44: {  	_ =	shalt  }
0x45: {  	_ =	shalt  }
0x46: {  	_ =	shalt  }
0x47: {  	_ =	shalt  }
0x48: {  	_ =	shalt  }
0x49: {  	_ =	shalt  }
0x4a: {  	_ =	shalt  }
0x4b: {  	_ =	shalt  }
0x4c: {  	_ =	shalt  }
0x4d: {  	_ =	shalt  }
0x4e: {  	_ =	shalt  }
0x4f: {  	_ =	shalt  }
0x50: {  	_ =	shalt  }
0x51: {  	_ =	shalt  }
0x52: {  	_ =	shalt  }
0x53: {  	_ =	shalt  }
0x54: {  	_ =	shalt  }
0x55: {  	_ =	shalt  }
0x56: {  	_ =	shalt  }
0x57: {  	_ =	shalt  }
0x58: {  	_ =	shalt  }
0x59: {  	_ =	shalt  }
0x5a: {  	_ =	shalt  }
0x5b: {  	_ =	shalt  }
0x5c: {  	_ =	shalt  }
0x5d: {  	_ =	shalt  }
0x5e: {  	_ =	shalt  }
0x5f: {  	_ =	shalt  }
0x60: {  	_ =	shalt  }
0x61: {  	_ =	shalt  }
0x62: {  	_ =	shalt  }
0x63: {  	_ =	shalt  }
0x64: {  	_ =	shalt  }
0x65: {  	_ =	shalt  }
0x66: {  	_ =	shalt  }
0x67: {  	_ =	shalt  }
0x68: {  	_ =	shalt  }
0x69: {  	_ =	shalt  }
0x6a: {  	_ =	shalt  }
0x6b: {  	_ =	shalt  }
0x6c: {  	_ =	shalt  }
0x6d: {  	_ =	shalt  }
0x6e: {  	_ =	shalt  }
0x6f: {  	_ =	shalt  }
0x70: {  	_ =	shalt  }
0x71: {  	_ =	shalt  }
0x72: {  	_ =	shalt  }
0x73: {  	_ =	shalt  }
0x74: {  	_ =	shalt  }
0x75: {  	_ =	shalt  }
0x76: {  	_ =	shalt  }
0x77: {  	_ =	shalt  }
0x78: {  	_ =	shalt  }
0x79: {  	_ =	shalt  }
0x7a: {  	_ =	shalt  }
0x7b: {  	_ =	shalt  }
0x7c: {  	_ =	shalt  }
0x7d: {  	_ =	shalt  }
0x7e: {  	_ =	shalt  }
0x7f: {  	_ =	shalt  }
0x80: {  	_ =	shalt  }
0x81: {  	_ =	shalt  }
0x82: {  	_ =	shalt  }
0x83: {  	_ =	shalt  }
0x84: {  	_ =	shalt  }
0x85: {  	_ =	shalt  }
0x86: {  	_ =	shalt  }
0x87: {  	_ =	shalt  }
.Lfunc_end0:
.L_simem_size_0:
called_computation.6_lowered:
.L_overlay_start_0:
0x88: {  	s2 =	sld [smem:$0x3FD9]  }
0x89: {  	s3 =	sld [smem:$0x3FFE];
	_ =	sdelay $0x1  }
0x8a: {  	s1 =	srdreg.scid  }
0x8b: {  	s0 =	sand.u32 $0x1, s1  }
0x8c: {  	s16 =	sshll.u32 s0, $0xA;
	s2 =	sadd.s32 s3, s2  }
0x8d: {  	s2 =	sadd.s32 s2, s16  }
0x8e: {  	[smem:$0x3F79] =	sst s2  }
0x8f: {  	_ = 	snop  }
0x90: {  	(tm) =	ssettm $0x1  }
0x91: {  	s17 =	sld [smem:$0x3FFB];
	_ =	sdelay $0x3  }
0x92: {  	_ =	strace s17  }
0x93: {  	s2 =	sld [smem:$0x3FFC];
	_ =	sdelay $0x3  }
0x94: {  	_ =	strace s2  }
0x95: {  	s2 =	sld [smem:$0x3FFD];
	_ =	sdelay $0x3  }
0x96: {  	_ =	strace s2  }
0x97: {  	_ =	strace $0x8FFFFFFF  }
0x98: {  	s18 =	sld [smem:$0x3FDB];
	_ =	sdelay $0x1  }
0x99: {  	s19 =	simm.s32 $_scs_section_size  }
0x9a: {  	s4 =	simm.s32 $_size__tile_overlayer_lowered;
	s5 =	simm.s32 $_tile_overlayer_lowered  }
0x9b: {  	s22 =	simm.s32 $0x1BFF;
	s21 =	sshll.u32 s5, $0x1;
	s2 =	sadd.s32 s19, s18  }
0x9c: {  	s6 =	simm.s32 $0x0;
	s20 =	sshll.u32 s4, $0x1;
	s4 =	sadd.s32 s21, s2  }
0x9d: {  	[timem:s6], [sflag:s22] =	dma.local [hbm:s4], s20  }
0x9e: {  	_ =	swait.ge [sflag:s22], s20  }
0x9f: {  	s3 =	ssub.s32 $0x0, s20;
	[sflag:s22] =	ssyncset.done $0x0  }
0xa0: {  	[sflag:s22] =	ssyncadd.s32 s3;
	_ =	sdelay $0x1  }
0xa1: {  	s23 =	simm.s32 $0x1B8B  }
0xa2: {  	_ =	swait.ge [sflag:s23], $0x1  }
0xa3: {  	[sflag:s23] =	ssyncset.done $0x0  }
0xa4: {  	s25 =	simm.s32 $0x1B8E;
	s24 =	sld [smem:$0x3FFE];
	[sflag:s23] =	ssyncadd.s32 $0xFFFFFFFF  }
0xa5: {  	s26 =	simm.s32 $execute0_lowered;
	[smem:$0x3FD2] =	sst s25  }
0xa6: {  	s4 =	sshll.u32 s26, $0x1;
	_ =	strace $0x80000058;
	[dreg:$0x1] =	wrdreg $0xFFFFFFFF  }
0xa7: {  	s28 =	simm.s32 $_size_execute0_lowered;
	s2 =	sadd.s32 s2, s4;
	[dreg:$0x0] =	wrdreg $0x0  }
0xa8: {  	s4 =	sshll.u32 s28, $0x1;
	[dreg:$0x2] =	wrdreg s2  }
0xa9: {  	[dreg:$0x3] =	wrdreg s4  }
0xaa: {  	[dreg:$0x4] =	wrdreg $0xC0  }
0xab: {  	_ =	task [dreg:s6], $0x5FFFF  }
0xac: {  	[dreg:$0x1] =	wrdreg $0xFFFFFFFF  }
0xad: {  	[dreg:$0x0] =	wrdreg $0x60  }
0xae: {  	[dreg:$0x2] =	wrdreg s24  }
0xaf: {  	[dreg:$0x3] =	wrdreg $0x9  }
0xb0: {  	_ =	task.clear_ibuf [dreg:s6], $0x4FFFF;
	_ =	strace $0x90000058  }
0xb1: {  	s29 =	simm.s32 $0x9;
	_ =	strace $0x8000005A  }
0xb2: {  	_ =	swait.ge [sflag:s29], $0x1  }
0xb3: {  	[sflag:s29] =	ssyncadd.s32 $0xFFFFFFFF  }
0xb4: {  	_ =	strace $0x9000005A  }
0xb5: {  	_ =	sfence  }
0xb6: {  	s30 =	sld [smem:$0x0];
	_ =	sdelay $0x2  }
0xb7: {  	s31 =	sshll.u32 s1, $0xD;
	s1 =	sshrl.u32 s1, $0x2  }
0xb8: {  	s3 =	sand.u32 $0x4000, s31;
	s1 =	sadd.s32 s1, s30  }
0xb9: {  	s0 =	sor.u32 s3, s0;
	s1 =	sshll.u32 s1, $0x11  }
0xba: {  	s0 =	sor.u32 s1, s0  }
0xbb: {  	s0 =	sadd.s32 $0x8F2B, s0  }
0xbc: {  	[sflag:s0] =	ssyncadd.remote.s32 $0x1  }
0xbd: {  	_ =	sfence.sel $0xFFFF  }
0xbe: {  	[dreg:$0x0] =	wrdreg $0xFFFFFFFF;
	(pc) =	sbr.abs _section_cstart, $3  }
0xbf: {  	[dreg:$0x1] =	wrdreg $0xFFFFFFFF  }
0xc0: {  	_ =	task.clear_ibuf [dreg:s6], $0x2FFFF;
	_ =	strace $0x9FFFFFFF  }
0xc1: {  	(tm) =	ssettm $0x7FFFFFFF  }
tec
execute0_lowered:
.L_overlay_start_1:
0x0: {  	(tag) =	ssettag $0x1  }
0x1: {  	s7 =	rddreg [dreg:$0x0]  }
0x2: {  	s0 =	rddreg [dreg:$0x1];
	s1 =	simm.s32 $0x0  }
0x3: {  	s2 =	srdreg.scid;
	s12 =	simm.s32 $0x320;
	s13 =	simm.s32 $0x6720  }
0x4: {  	s14 =	simm.s32 $0x1;
	s15 =	simm.s32 $0x2;
	s16 =	simm.s32 $0x0  }
0x5: {  	[smem:$0x7FF] =	sst s1;
	s3 =	sadd.s32 $0x62A00, s7;
	s4 =	sadd.s32 $0x4EA00, s7  }
0x6: {  	s8 =	sand.u32 $0x1, s2;
	s5 =	sadd.s32 $0x12E00, s7;
	s2 =	stileid.u32  }
0x7: {  	s6 =	sadd.s32 $0x1CC00, s7;
	s7 =	sadd.s32 $0x76A00, s7;
	s9 =	ssub.s32 $0x2, s8  }
0x8: {  	_ =	strace $0x80000059;
	s11 =	sshll.u32 s2, $0x1;
	s10 =	sshrl.u32 s9, $0x1  }
0x9: {  	s8 =	sor.u32 s8, s11;
	s11 =	simm.s32 $0x190;
	s9 =	ssub.s32 s9, s10  }
0xa: {  	s8 =	smul.u32 $0x2710, s8;
	s10 =	simm.s32 $0x3;
	s9 =	smax.u32 s9, $0x1  }
.LBB2_1:
0xb: {  	s17 =	simm.s32 $0x0  }
.LBB2_2:
0xc: {  	s18 =	smul.u32 $0x190, s17;
	_ =	sdelay $0x1  }
0xd: {  	s18 =	sadd.s32 s8, s18  }
0xe: {  	s19 =	sshrl.u32 s18, $0x3  }
0xf: {  	s21 =	simm.s32 $0x0;
	s20 =	sadd.s32 s5, s19  }
0x10: {  	[tilespmem:s21], [sflag:$0x3] =	stream.linear.gather [hbm4b:s20+s21], $0x190, $0x38;
	[tilespmem:$0xCB20] =	vst v63  }
0x11: {  	_ =	swait.ge [sflag:s10], $0x190  }
0x12: {  	[sflag:s10] =	ssyncset.done $0x0  }
0x13: {  	s19 =	sadd.s32 s6, s19;
	[sflag:s10] =	ssyncadd.s32 $0xFFFFFE70  }
0x14: {  	[tilespmem:s11], [sflag:$0x3] =	stream.linear.gather [hbm4b:s19+s21], $0x190, $0x38;
	[tilespmem:$0xCB20] =	vst v63  }
0x15: {  	_ =	swait.ge [sflag:s10], $0x190  }
0x16: {  	[sflag:s10] =	ssyncset.done $0x0  }
0x17: {  	[sflag:s10] =	ssyncadd.s32 $0xFFFFFE70  }
0x18: {  	[tilespmem:s12], [sflag:$0x1] =	stream.indirect.gather [hbm4b:s3+s11], $0x40, s21, s11, $0xb8;
	[tilespmem:$0xCB20] =	vst v63  }
0x19: {  	_ = 	snop  }
0x1a: {  	[tilespmem:s13], [sflag:$0x2] =	stream.indirect.gather [hbm4b:s4+s11], $0x40, s11, s11, $0xb8;
	[tilespmem:$0xCB20] =	vst v63  }
0x1b: {  	_ =	swait.ge [sflag:s14], $0x6400  }
0x1c: {  	[sflag:s14] =	ssyncset.done $0x0  }
0x1d: {  	[sflag:s14] =	ssyncadd.s32 $0xFFFF9C00  }
0x1e: {  	_ =	swait.ge [sflag:s15], $0x6400  }
0x1f: {  	[sflag:s15] =	ssyncset.done $0x0  }
0x20: {  	s19 =	simm.s32 $0x0;
	[sflag:s15] =	ssyncadd.s32 $0xFFFF9C00  }
0x21: {  	v5 =	vld [tilespmem:s19+$0x6720]  }
0x22: {  	v6 =	vld [tilespmem:s19+$0x6730]  }
0x23: {  	v1 =	vld [tilespmem:s19+$0x6740]  }
0x24: {  	v0 =	vld [tilespmem:s19+$0x6750]  }
0x25: {  	v2 =	vld [tilespmem:s19+$0x320]  }
0x26: {  	v4 =	vld [tilespmem:s19+$0x330]  }
0x27: {  	s20 =	simm.s32 $0x100;
	v3 =	vld [tilespmem:s19+$0x340]  }
.LBB2_3:
0x28: {  	s21 =	sshra.s32 s20, $0x2;
	p0 =	sne.s32 s20, $0x18F00;
	v7 =	vld [tilespmem:s19+$0x350];
	v8 =	vmov v1  }
0x29: {  	v9 =	vld [tilespmem:s21+$0x6720];
	v10 =	vmov v0  }
0x2a: {  	v11 =	vld [tilespmem:s21+$0x6730];
	v2 =	vadd.f32 v5, v2  }
.Ltmp0:
0x2b: {  	v1 =	vld [tilespmem:s21+$0x6740];
	v4 =	vadd.f32 v6, v4;
	(pc) =	sbr.rel @p0 .LBB2_3-.Ltmp0, $4  }
0x2c: {  	v0 =	vld [tilespmem:s21+$0x6750];
	[tilespmem:s19+$0x320] =	vst v2;
	v3 =	vadd.f32 v8, v3  }
0x2d: {  	v2 =	vld [tilespmem:s21+$0x320];
	[tilespmem:s19+$0x330] =	vst v4;
	v7 =	vadd.f32 v10, v7  }
0x2e: {  	v4 =	vld [tilespmem:s21+$0x330];
	[tilespmem:s19+$0x340] =	vst v3;
	v5 =	vmov v9  }
0x2f: {  	s20 =	sadd.s32 $0x100, s20;
	v3 =	vld [tilespmem:s21+$0x340];
	[tilespmem:s19+$0x350] =	vst v7;
	v6 =	vmov v11;
	s19 =	smov.u32 s21  }
0x30: {  	v7 =	vld [tilespmem:s19+$0x350];
	_ =	sdelay $0x1  }
0x31: {  	v2 =	vadd.f32 v5, v2  }
0x32: {  	v4 =	vadd.f32 v6, v4  }
0x33: {  	[tilespmem:s19+$0x320] =	vst v2;
	v1 =	vadd.f32 v1, v3  }
0x34: {  	s17 =	sadd.s32 $0x1, s17;
	[tilespmem:s19+$0x330] =	vst v4;
	v0 =	vadd.f32 v0, v7  }
0x35: {  	s18 =	sshll.u32 s18, $0x3;
	p0 =	sne.s32 s17, $0x19;
	[tilespmem:s19+$0x340] =	vst v1  }
.Ltmp1:
0x36: {  	s18 =	sadd.s32 s7, s18;
	[tilespmem:s19+$0x350] =	vst v0;
	(pc) =	sbr.rel @p0 .LBB2_2-.Ltmp1, $4  }
0x37: {  	[hbm4b:s18+s1] =	stream.linear.scatter [tilespmem:s12], [sflag:$0x3], $0x6400, $0x38;
	[tilespmem:$0xCB20] =	vst v63  }
0x38: {  	_ =	swait.ge [sflag:s10], $0x6400  }
0x39: {  	[sflag:s10] =	ssyncset.done $0x0  }
0x3a: {  	[sflag:s10] =	ssyncadd.s32 $0xFFFF9C00  }
0x3b: {  	s16 =	sadd.s32 $0x1, s16  }
0x3c: {  	p0 =	sne.s32 s16, s9  }
.Ltmp2:
0x3d: {  	_ = 	snop;
	(pc) =	sbr.rel @p0 .LBB2_1-.Ltmp2, $1  }
0x3e: {  	_ =	sdelay $0x3  }
0x3f: {  	_ =	sfence.sel $0x180000  }
0x40: {  	[bflag:$0x0] =	sbarrier.arrive $0xFFFF  }
0x41: {  	p0 =	sne.s32 s2, $0x0;
	_ =	strace $0x90000059  }
0x42: {  	s0 =	sadd.s32 @!p0 $0x100000, s0;
	[bflag:$0x2] =	sbarrier.arrive $0xFFFF  }
0x43: {  	[sflag:s0] =	ssyncadd.tile.s32 @!p0 $0x1;
	_ =	shalt  }
.Lfunc_end2:
_tile_overlayer_lowered:
.L_overlay_start_2:
0x44: {  	(tag) =	ssettag $0x2  }
0x45: {  	s0 =	rddreg [dreg:$0x0];
	s2 =	stileid.u32  }
0x46: {  	s1 =	rddreg [dreg:$0x1];
	p0 =	sne.s32 s2, $0x0  }
0x47: {  	s3 =	rddreg [dreg:$0x2];
	[bflag:$0x3] =	sbarrier.arrive $0xFFFF;
	s2 =	simm.s32 @!p0 $0x1C03  }
0x48: {  	[timem:s3], [sflag:s2] =	dma.local @!p0 [hbm:s0], s1  }
0x49: {  	s0 =	simm.s32 @!p0 $0x3  }
0x4a: {  	_ =	swait.ge @!p0 [sflag:s0], s1  }
0x4b: {  	s1 =	ssub.s32 @!p0 $0x0, s1;
	[sflag:s0] =	ssyncset.done @!p0 $0x0  }
0x4c: {  	[sflag:s0] =	ssyncadd.s32 @!p0 s1  }
0x4d: {  	[bflag:$0x3] =	sbarrier.arrive $0xFFFF  }
0x4e: {  	_ =	shalt  }

// kernel: kernel.47.cloned.1.call-start
scs
__scs_entry_jumppad:
0x0: {  	(pc) =	sbr.rel $0x88, $3  }
0x1: {  	(tag) =	ssettag $0x0;
	lr =	simm.s32 $0x1  }
0x2: {  	[smem:$0x3F52] =	sst lr;
	_ =	strace $0xD0000000  }
0x3: {  	_ = 	snop  }
0x4: {  	_ = 	snop  }
0x5: {  	_ = 	snop  }
0x6: {  	_ = 	snop  }
0x7: {  	_ = 	snop  }
__scs_overlays_trampoline_lowered:
0x8: {  	[smem:$0x3F61] =	sst s0  }
0x9: {  	[smem:$0x3F62] =	sst s1  }
0xa: {  	[smem:$0x3F63] =	sst s2  }
0xb: {  	[smem:$0x3F64] =	sst s3  }
0xc: {  	[smem:$0x3F65] =	sst s4  }
0xd: {  	[smem:$0x3F66] =	sst s5  }
0xe: {  	[smem:$0x3F67] =	sst s6  }
0xf: {  	[smem:$0x3F68] =	sst s7  }
0x10: {  	[smem:$0x3F69] =	sst s8  }
0x11: {  	[smem:$0x3F6A] =	sst s9;
	s0 =	simm.s32 @!p0 $0x0  }
0x12: {  	s1 =	sld [smem:$0x3F50];
	s0 =	simm.s32 @p0 $0x1  }
0x13: {  	[smem:$0x3F6B] =	sst s0;
	s0 =	simm.s32 @!p1 $0x0  }
0x14: {  	s2 =	sld [smem:$0x3F4F];
	s0 =	simm.s32 @p1 $0x1  }
0x15: {  	[smem:$0x3F6C] =	sst s0;
	s0 =	simm.s32 @!p2 $0x0  }
0x16: {  	s3 =	sld [smem:$0x3FDB];
	s0 =	simm.s32 @p2 $0x1  }
0x17: {  	s4 =	simm.s32 $0x1BF5;
	[smem:$0x3F6E] =	sst s0  }
0x18: {  	s0 =	sld [smem:$0x3F51];
	_ =	swait.ge [sflag:s4], $0x0  }
0x19: {  	s7 =	sld [smem:$0x3F52]  }
0x1a: {  	s8 =	sadd.s32 $0xFFFFE003, lr  }
0x1b: {  	s9 =	sadd.s32 $0xFFFFFEF7, lr;
	s5 =	simm.s32 $0xFFFFFFFF;
	p2 =	slt.u32 s8, $0xFFFFF086  }
0x1c: {  	p1 =	slt.u32 s9, $0xF7A;
	s5 =	simm.s32 @!p2 $0x0  }
0x1d: {  	s5 =	simm.s32 @p1 $0x1;
	p0 =	seq.s32 s7, s2  }
0x1e: {  	s7 =	smul.u32 @!p0 $0xF7A, s2;
	p2 =	seq.s32 @!p0 s5, $0x0  }
0x1f: {  	s9 =	smul.u32 $0xF7A, s1;
	s8 =	simm.s32 @!p0 $0x1BF5;
	p2 =	por !p2, p0  }
0x20: {  	[sflag:s8] =	ssyncset.s32 @!p0 $0xFFFFF086;
	s6 =	sadd.s32 @!p0 s3, s7;
	s7 =	simm.s32 @!p0 $0x108  }
0x21: {  	s3 =	sadd.s32 s3, s9;
	s6 =	sadd.s32 @!p0 $0x88, s6;
	s7 =	simm.s32 @p2 $0x1082  }
0x22: {  	[simem:s7], [sflag:s8] =	dma.local @!p0 [hbm:s6], $0xF7A  }
0x23: {  	s9 =	sor.u32 $0xD0000000, s2;
	s6 =	simm.s32 $0x108;
	_ =	swait.ge @!p0 [sflag:s8], $0x0  }
0x24: {  	s3 =	sadd.s32 $0x88, s3;
	s6 =	simm.s32 @!p1 $0x1082;
	[sflag:s4] =	ssyncset.s32 $0xFFFFF086  }
0x25: {  	[simem:s6], [sflag:s4] =	dma.local [hbm:s3], $0xF7A  }
0x26: {  	[smem:$0x3F52] =	sst s1;
	(tag) =	ssettag s2;
	_ =	strace s9  }
0x27: {  	s1 =	sld [smem:$0x3F62]  }
0x28: {  	s2 =	sld [smem:$0x3F63]  }
0x29: {  	s4 =	sld [smem:$0x3F65]  }
0x2a: {  	p0 =	seq.s32 s5, $0x0;
	s5 =	sld [smem:$0x3F66]  }
0x2b: {  	s6 =	sld [smem:$0x3F67]  }
0x2c: {  	s7 =	sld [smem:$0x3F68]  }
0x2d: {  	s3 =	simm.s32 $0x108;
	s8 =	sld [smem:$0x3F69]  }
0x2e: {  	s3 =	simm.s32 @!p0 $0x1082;
	s9 =	sld [smem:$0x3F6A]  }
0x2f: {  	lr =	sadd.s32 s0, s3;
	s0 =	sld [smem:$0x3F61]  }
0x30: {  	s3 =	sld [smem:$0x3F64]  }
0x31: {  	[smem:$0x3F6D] =	sst s10  }
0x32: {  	s10 =	sld [smem:$0x3F6B];
	_ =	sdelay $0x3  }
0x33: {  	p0 =	seq.s32 s10, $0x1;
	s10 =	sld [smem:$0x3F6D];
	_ =	sdelay $0x3  }
0x34: {  	[smem:$0x3F6D] =	sst s10  }
0x35: {  	s10 =	sld [smem:$0x3F6C];
	_ =	sdelay $0x3  }
0x36: {  	p1 =	seq.s32 s10, $0x1;
	s10 =	sld [smem:$0x3F6D];
	_ =	sdelay $0x3  }
0x37: {  	[smem:$0x3F6D] =	sst s10  }
0x38: {  	s10 =	sld [smem:$0x3F6E]  }
0x39: {  	_ = 	snop;
	(pc) =	sbr.ind lr, $3  }
0x3a: {  	_ = 	snop  }
0x3b: {  	_ = 	snop  }
0x3c: {  	p2 =	seq.s32 s10, $0x1;
	s10 =	sld [smem:$0x3F6D]  }
0x3d: {  	_ =	shalt  }
0x3e: {  	_ =	shalt  }
0x3f: {  	_ =	shalt  }
0x40: {  	_ =	shalt  }
0x41: {  	_ =	shalt  }
0x42: {  	_ =	shalt  }
0x43: {  	_ =	shalt  }
0x44: {  	_ =	shalt  }
0x45: {  	_ =	shalt  }
0x46: {  	_ =	shalt  }
0x47: {  	_ =	shalt  }
0x48: {  	_ =	shalt  }
0x49: {  	_ =	shalt  }
0x4a: {  	_ =	shalt  }
0x4b: {  	_ =	shalt  }
0x4c: {  	_ =	shalt  }
0x4d: {  	_ =	shalt  }
0x4e: {  	_ =	shalt  }
0x4f: {  	_ =	shalt  }
0x50: {  	_ =	shalt  }
0x51: {  	_ =	shalt  }
0x52: {  	_ =	shalt  }
0x53: {  	_ =	shalt  }
0x54: {  	_ =	shalt  }
0x55: {  	_ =	shalt  }
0x56: {  	_ =	shalt  }
0x57: {  	_ =	shalt  }
0x58: {  	_ =	shalt  }
0x59: {  	_ =	shalt  }
0x5a: {  	_ =	shalt  }
0x5b: {  	_ =	shalt  }
0x5c: {  	_ =	shalt  }
0x5d: {  	_ =	shalt  }
0x5e: {  	_ =	shalt  }
0x5f: {  	_ =	shalt  }
0x60: {  	_ =	shalt  }
0x61: {  	_ =	shalt  }
0x62: {  	_ =	shalt  }
0x63: {  	_ =	shalt  }
0x64: {  	_ =	shalt  }
0x65: {  	_ =	shalt  }
0x66: {  	_ =	shalt  }
0x67: {  	_ =	shalt  }
0x68: {  	_ =	shalt  }
0x69: {  	_ =	shalt  }
0x6a: {  	_ =	shalt  }
0x6b: {  	_ =	shalt  }
0x6c: {  	_ =	shalt  }
0x6d: {  	_ =	shalt  }
0x6e: {  	_ =	shalt  }
0x6f: {  	_ =	shalt  }
0x70: {  	_ =	shalt  }
0x71: {  	_ =	shalt  }
0x72: {  	_ =	shalt  }
0x73: {  	_ =	shalt  }
0x74: {  	_ =	shalt  }
0x75: {  	_ =	shalt  }
0x76: {  	_ =	shalt  }
0x77: {  	_ =	shalt  }
0x78: {  	_ =	shalt  }
0x79: {  	_ =	shalt  }
0x7a: {  	_ =	shalt  }
0x7b: {  	_ =	shalt  }
0x7c: {  	_ =	shalt  }
0x7d: {  	_ =	shalt  }
0x7e: {  	_ =	shalt  }
0x7f: {  	_ =	shalt  }
0x80: {  	_ =	shalt  }
0x81: {  	_ =	shalt  }
0x82: {  	_ =	shalt  }
0x83: {  	_ =	shalt  }
0x84: {  	_ =	shalt  }
0x85: {  	_ =	shalt  }
0x86: {  	_ =	shalt  }
0x87: {  	_ =	shalt  }
.Lfunc_end0:
.L_simem_size_0:
called_computation.7_lowered:
.L_overlay_start_0:
0x88: {  	s2 =	sld [smem:$0x3FD9]  }
0x89: {  	s3 =	sld [smem:$0x3FFE];
	_ =	sdelay $0x1  }
0x8a: {  	s1 =	srdreg.scid  }
0x8b: {  	s0 =	sand.u32 $0x1, s1  }
0x8c: {  	s16 =	sshll.u32 s0, $0xA;
	s2 =	sadd.s32 s3, s2  }
0x8d: {  	s2 =	sadd.s32 s2, s16  }
0x8e: {  	[smem:$0x3F79] =	sst s2  }
0x8f: {  	_ = 	snop  }
0x90: {  	(tm) =	ssettm $0x1  }
0x91: {  	s17 =	sld [smem:$0x3FFB];
	_ =	sdelay $0x3  }
0x92: {  	_ =	strace s17  }
0x93: {  	s2 =	sld [smem:$0x3FFC];
	_ =	sdelay $0x3  }
0x94: {  	_ =	strace s2  }
0x95: {  	s2 =	sld [smem:$0x3FFD];
	_ =	sdelay $0x3  }
0x96: {  	_ =	strace s2  }
0x97: {  	_ =	strace $0x8FFFFFFF  }
0x98: {  	s18 =	sld [smem:$0x3FDB];
	_ =	sdelay $0x1  }
0x99: {  	s19 =	simm.s32 $_scs_section_size  }
0x9a: {  	s4 =	simm.s32 $_size__tile_overlayer_lowered;
	s5 =	simm.s32 $_tile_overlayer_lowered  }
0x9b: {  	s22 =	simm.s32 $0x1BFF;
	s21 =	sshll.u32 s5, $0x1;
	s2 =	sadd.s32 s19, s18  }
0x9c: {  	s6 =	simm.s32 $0x0;
	s20 =	sshll.u32 s4, $0x1;
	s4 =	sadd.s32 s21, s2  }
0x9d: {  	[timem:s6], [sflag:s22] =	dma.local [hbm:s4], s20  }
0x9e: {  	_ =	swait.ge [sflag:s22], s20  }
0x9f: {  	s3 =	ssub.s32 $0x0, s20;
	[sflag:s22] =	ssyncset.done $0x0  }
0xa0: {  	[sflag:s22] =	ssyncadd.s32 s3;
	_ =	sdelay $0x1  }
0xa1: {  	s23 =	simm.s32 $0x1B8B  }
0xa2: {  	_ =	swait.ge [sflag:s23], $0x1  }
0xa3: {  	[sflag:s23] =	ssyncset.done $0x0  }
0xa4: {  	s25 =	simm.s32 $0x1B8E;
	s24 =	sld [smem:$0x3FFE];
	[sflag:s23] =	ssyncadd.s32 $0xFFFFFFFF  }
0xa5: {  	s26 =	simm.s32 $execute0_lowered;
	[smem:$0x3FD2] =	sst s25  }
0xa6: {  	s4 =	sshll.u32 s26, $0x1;
	_ =	strace $0x8000005B;
	[dreg:$0x1] =	wrdreg $0xFFFFFFFF  }
0xa7: {  	s28 =	simm.s32 $_size_execute0_lowered;
	s2 =	sadd.s32 s2, s4;
	[dreg:$0x0] =	wrdreg $0x0  }
0xa8: {  	s4 =	sshll.u32 s28, $0x1;
	[dreg:$0x2] =	wrdreg s2  }
0xa9: {  	[dreg:$0x3] =	wrdreg s4  }
0xaa: {  	[dreg:$0x4] =	wrdreg $0xC0  }
0xab: {  	_ =	task [dreg:s6], $0x5FFFF  }
0xac: {  	[dreg:$0x1] =	wrdreg $0xFFFFFFFF  }
0xad: {  	[dreg:$0x0] =	wrdreg $0x60  }
0xae: {  	[dreg:$0x2] =	wrdreg s24  }
0xaf: {  	[dreg:$0x3] =	wrdreg $0x30200  }
0xb0: {  	[dreg:$0x4] =	wrdreg $0x9  }
0xb1: {  	_ =	task.clear_ibuf [dreg:s6], $0x5FFFF;
	_ =	strace $0x9000005B  }
0xb2: {  	s29 =	simm.s32 $0x9;
	_ =	strace $0x8000005D  }
0xb3: {  	_ =	swait.ge [sflag:s29], $0x1  }
0xb4: {  	[sflag:s29] =	ssyncadd.s32 $0xFFFFFFFF  }
0xb5: {  	_ =	strace $0x9000005D  }
0xb6: {  	_ =	sfence  }
0xb7: {  	s30 =	sld [smem:$0x0];
	_ =	sdelay $0x2  }
0xb8: {  	s31 =	sshll.u32 s1, $0xD;
	s1 =	sshrl.u32 s1, $0x2  }
0xb9: {  	s3 =	sand.u32 $0x4000, s31;
	s1 =	sadd.s32 s1, s30  }
0xba: {  	s0 =	sor.u32 s3, s0;
	s1 =	sshll.u32 s1, $0x11  }
0xbb: {  	s0 =	sor.u32 s1, s0  }
0xbc: {  	s0 =	sadd.s32 $0x8F2B, s0  }
0xbd: {  	[sflag:s0] =	ssyncadd.remote.s32 $0x1  }
0xbe: {  	_ =	sfence.sel $0xFFFF  }
0xbf: {  	[dreg:$0x0] =	wrdreg $0xFFFFFFFF;
	(pc) =	sbr.abs _section_cstart, $3  }
0xc0: {  	[dreg:$0x1] =	wrdreg $0xFFFFFFFF  }
0xc1: {  	_ =	task.clear_ibuf [dreg:s6], $0x2FFFF;
	_ =	strace $0x9FFFFFFF  }
0xc2: {  	(tm) =	ssettm $0x7FFFFFFF  }
0xc3: {  	_ =	shalt  }
tec
execute0_lowered:
.L_overlay_start_1:
0x0: {  	(tag) =	ssettag $0x1  }
0x1: {  	s0 =	rddreg [dreg:$0x0];
	s1 =	srdreg.scid  }
0x2: {  	s10 =	stileid.u32;
	s2 =	rddreg [dreg:$0x1];
	s3 =	simm.s32 $0x0  }
0x3: {  	s28 =	simm.s32 $0x320;
	s29 =	simm.s32 $0x2B20;
	s30 =	simm.s32 $0x2DA0  }
0x4: {  	s31 =	simm.s32 $0x0;
	s1 =	sand.u32 $0x1, s1;
	s6 =	smul.u32 $0x280, s10  }
0x5: {  	[smem:$0x7FF] =	sst s3;
	s9 =	sshll.u32 s10, $0x1;
	s10 =	smul.u32 $0xA000, s10  }
0x6: {  	s3 =	sadd.s32 $0x12E00, s0;
	s4 =	smul.u32 $0x2800, s1;
	s7 =	ssub.s32 $0x2, s1  }
0x7: {  	_ =	strace $0x8000005C;
	s1 =	sor.u32 s1, s9;
	s8 =	sshrl.u32 s7, $0x1  }
0x8: {  	s25 =	sshrl.u32 s10, $0x2;
	s5 =	sadd.s32 s6, s4;
	s4 =	sadd.s32 $0x1CC00, s0  }
0x9: {  	s7 =	ssub.s32 s7, s8;
	s6 =	sadd.s32 s6, s2;
	s5 =	sshrl.u32 s5, $0x3  }
0xa: {  	s26 =	sadd.s32 $0x2800, s6;
	s9 =	sadd.s32 $0x5000, s6;
	s10 =	sadd.s32 $0x7800, s6  }
0xb: {  	s11 =	sadd.s32 $0xA000, s6;
	s12 =	sadd.s32 $0xC800, s6;
	s13 =	sadd.s32 $0xF000, s6  }
0xc: {  	s14 =	sadd.s32 $0x11800, s6;
	s15 =	sadd.s32 $0x14000, s6;
	s16 =	sadd.s32 $0x16800, s6  }
0xd: {  	s17 =	sadd.s32 $0x19000, s6;
	s18 =	sadd.s32 $0x1B800, s6;
	s19 =	sadd.s32 $0x1E000, s6  }
0xe: {  	s20 =	sadd.s32 $0x20800, s6;
	s21 =	sadd.s32 $0x23000, s6;
	s22 =	sadd.s32 $0x25800, s6  }
0xf: {  	s24 =	smax.u32 s7, $0x1;
	s0 =	sadd.s32 s5, s0;
	s5 =	smul.u32 $0x2710, s1  }
0x10: {  	s1 =	sadd.s32 s25, s2;
	[dreg:$0x4] =	wrdreg s26;
	s25 =	simm.s32 $0x1  }
0x11: {  	v0 =	vimm.f32 $-1.000000020e+30;
	s26 =	simm.s32 $0x190;
	[dreg:$0x3] =	wrdreg s1;
	s23 =	sadd.s32 $0x4EA00, s0  }
.LBB2_1:
0x12: {  	s0 =	simm.s32 $0x40;
	s1 =	simm.s32 $0x0  }
.LBB2_2:
0x13: {  	p0 =	sne.s32 s0, $0x9FC0;
	[tilespmem:s1+$0x320] =	vst v0;
	s1 =	smov.u32 s0;
	s0 =	sadd.s32 $0x40, s0  }
.Ltmp0:
0x14: {  	(pc) =	sbr.rel @p0 .LBB2_2-.Ltmp0, $2  }
0x15: {  	_ =	sdelay $0x2  }
0x16: {  	s1 =	sshra.s32 s1, $0x2  }
0x17: {  	[tilespmem:s1+$0x320] =	vst v0;
	s1 =	simm.s32 $0x0;
	s0 =	simm.s32 $0x0  }
.LBB2_4:
0x18: {  	s2 =	smul.u32 $0x190, s0;
	_ =	sdelay $0x1  }
0x19: {  	s2 =	sadd.s32 s5, s2  }
0x1a: {  	s2 =	sshrl.u32 s2, $0x3  }
0x1b: {  	s7 =	sadd.s32 s4, s2  }
0x1c: {  	[tilespmem:s1], [sflag:$0x1] =	stream.linear.gather [hbm4b:s7+s1], $0x190, $0x38;
	[tilespmem:$0x5820] =	vst v63  }
0x1d: {  	_ =	swait.ge [sflag:s25], $0x190  }
0x1e: {  	[sflag:s25] =	ssyncset.done $0x0  }
0x1f: {  	s2 =	sadd.s32 s3, s2;
	[sflag:s25] =	ssyncadd.s32 $0xFFFFFE70  }
0x20: {  	[tilespmem:s26], [sflag:$0x1] =	stream.linear.gather [hbm4b:s2+s1], $0x190, $0x38;
	[tilespmem:$0x5820] =	vst v63  }
0x21: {  	_ =	swait.ge [sflag:s25], $0x190  }
0x22: {  	[sflag:s25] =	ssyncset.done $0x0  }
0x23: {  	s8 =	simm.s32 $0x0;
	[sflag:s25] =	ssyncadd.s32 $0xFFFFFE70  }
0x24: {  	v1 =	vld [tilespmem:s8+$0x0];
	_ =	sdelay $0x6  }
0x25: {  	v3 =	vld [tilespmem:s8+$0x190]  }
0x26: {  	v2 =	vld.idx.msk [tilespmem:v1+s28+$0x0], $0xffff;
	_ =	sdelay $0x4  }
0x27: {  	v2 =	vmax.f32 v2, v3  }
0x28: {  	[tilespmem:v1+s28+$0x0] =	vst.idx.msk $0xffff, v2  }
0x29: {  	v2 =	vld.idx.msk [tilespmem:v1+s28+$0x0], $0xffff;
	_ =	sdelay $0x4  }
0x2a: {  	v2 =	vmax.f32 v2, v3  }
0x2b: {  	[tilespmem:v1+s28+$0x0] =	vst.idx.msk $0xffff, v2  }
0x2c: {  	v2 =	vld.idx.msk [tilespmem:v1+s28+$0x0], $0xffff;
	_ =	sdelay $0x4  }
0x2d: {  	v2 =	vmax.f32 v2, v3  }
0x2e: {  	[tilespmem:v1+s28+$0x0] =	vst.idx.msk $0xffff, v2  }
0x2f: {  	v2 =	vld.idx.msk [tilespmem:v1+s28+$0x0], $0xffff;
	_ =	sdelay $0x4  }
0x30: {  	v2 =	vmax.f32 v2, v3  }
0x31: {  	[tilespmem:v1+s28+$0x0] =	vst.idx.msk $0xffff, v2  }
0x32: {  	v2 =	vld.idx.msk [tilespmem:v1+s28+$0x0], $0xffff;
	_ =	sdelay $0x4  }
0x33: {  	v2 =	vmax.f32 v2, v3  }
0x34: {  	[tilespmem:v1+s28+$0x0] =	vst.idx.msk $0xffff, v2  }
0x35: {  	v2 =	vld.idx.msk [tilespmem:v1+s28+$0x0], $0xffff;
	_ =	sdelay $0x4  }
0x36: {  	v2 =	vmax.f32 v2, v3  }
0x37: {  	[tilespmem:v1+s28+$0x0] =	vst.idx.msk $0xffff, v2  }
0x38: {  	v2 =	vld.idx.msk [tilespmem:v1+s28+$0x0], $0xffff;
	_ =	sdelay $0x4  }
0x39: {  	v2 =	vmax.f32 v2, v3  }
0x3a: {  	[tilespmem:v1+s28+$0x0] =	vst.idx.msk $0xffff, v2  }
0x3b: {  	v2 =	vld.idx.msk [tilespmem:v1+s28+$0x0], $0xffff;
	_ =	sdelay $0x4  }
0x3c: {  	s7 =	simm.s32 $0x80;
	s2 =	simm.s32 $0x40;
	v2 =	vmax.f32 v2, v3  }
.LBB2_5:
0x3d: {  	p0 =	sne.s32 s7, $0x600  }
0x3e: {  	s8 =	sshra.s32 s2, $0x2;
	[tilespmem:v1+s28+$0x0] =	vst.idx.msk $0xffff, v2;
	s2 =	smov.u32 s7;
	s7 =	sadd.s32 $0x40, s7  }
0x3f: {  	v1 =	vld [tilespmem:s8+$0x0];
	_ =	sdelay $0x7  }
0x40: {  	v2 =	vld.idx.msk [tilespmem:v1+s28+$0x0], $0xffff  }
0x41: {  	v3 =	vld [tilespmem:s8+$0x190];
	_ =	sdelay $0x4  }
0x42: {  	v2 =	vmax.f32 v2, v3  }
0x43: {  	[tilespmem:v1+s28+$0x0] =	vst.idx.msk $0xffff, v2  }
0x44: {  	v2 =	vld.idx.msk [tilespmem:v1+s28+$0x0], $0xffff;
	_ =	sdelay $0x5  }
0x45: {  	v2 =	vmax.f32 v2, v3  }
0x46: {  	[tilespmem:v1+s28+$0x0] =	vst.idx.msk $0xffff, v2  }
0x47: {  	v2 =	vld.idx.msk [tilespmem:v1+s28+$0x0], $0xffff;
	_ =	sdelay $0x5  }
0x48: {  	v2 =	vmax.f32 v2, v3  }
0x49: {  	[tilespmem:v1+s28+$0x0] =	vst.idx.msk $0xffff, v2  }
0x4a: {  	v2 =	vld.idx.msk [tilespmem:v1+s28+$0x0], $0xffff;
	_ =	sdelay $0x5  }
0x4b: {  	v2 =	vmax.f32 v2, v3  }
0x4c: {  	[tilespmem:v1+s28+$0x0] =	vst.idx.msk $0xffff, v2  }
0x4d: {  	v2 =	vld.idx.msk [tilespmem:v1+s28+$0x0], $0xffff;
	_ =	sdelay $0x5  }
0x4e: {  	v2 =	vmax.f32 v2, v3  }
0x4f: {  	[tilespmem:v1+s28+$0x0] =	vst.idx.msk $0xffff, v2  }
0x50: {  	v2 =	vld.idx.msk [tilespmem:v1+s28+$0x0], $0xffff;
	_ =	sdelay $0x5  }
0x51: {  	v2 =	vmax.f32 v2, v3  }
0x52: {  	[tilespmem:v1+s28+$0x0] =	vst.idx.msk $0xffff, v2  }
0x53: {  	v2 =	vld.idx.msk [tilespmem:v1+s28+$0x0], $0xffff;
	_ =	sdelay $0x5  }
0x54: {  	v2 =	vmax.f32 v2, v3  }
0x55: {  	[tilespmem:v1+s28+$0x0] =	vst.idx.msk $0xffff, v2  }
0x56: {  	v2 =	vld.idx.msk [tilespmem:v1+s28+$0x0], $0xffff;
	_ =	sdelay $0x1  }
.Ltmp1:
0x57: {  	(pc) =	sbr.rel @p0 .LBB2_5-.Ltmp1, $2  }
0x58: {  	_ =	sdelay $0x2  }
0x59: {  	v2 =	vmax.f32 v2, v3  }
0x5a: {  	_ =	sdelay $0x3  }
0x5b: {  	s2 =	sshra.s32 s2, $0x2;
	[tilespmem:v1+s28+$0x0] =	vst.idx.msk $0xffff, v2  }
0x5c: {  	v1 =	vld [tilespmem:s2+$0x0];
	_ =	sdelay $0x6  }
0x5d: {  	v3 =	vld [tilespmem:s2+$0x190]  }
0x5e: {  	v2 =	vld.idx.msk [tilespmem:v1+s28+$0x0], $0xffff;
	_ =	sdelay $0x4  }
0x5f: {  	v2 =	vmax.f32 v2, v3  }
0x60: {  	[tilespmem:v1+s28+$0x0] =	vst.idx.msk $0xffff, v2  }
0x61: {  	v2 =	vld.idx.msk [tilespmem:v1+s28+$0x0], $0xffff;
	_ =	sdelay $0x4  }
0x62: {  	v2 =	vmax.f32 v2, v3  }
0x63: {  	[tilespmem:v1+s28+$0x0] =	vst.idx.msk $0xffff, v2  }
0x64: {  	v2 =	vld.idx.msk [tilespmem:v1+s28+$0x0], $0xffff;
	_ =	sdelay $0x4  }
0x65: {  	v2 =	vmax.f32 v2, v3  }
0x66: {  	[tilespmem:v1+s28+$0x0] =	vst.idx.msk $0xffff, v2  }
0x67: {  	v2 =	vld.idx.msk [tilespmem:v1+s28+$0x0], $0xffff;
	_ =	sdelay $0x4  }
0x68: {  	v2 =	vmax.f32 v2, v3  }
0x69: {  	[tilespmem:v1+s28+$0x0] =	vst.idx.msk $0xffff, v2  }
0x6a: {  	v2 =	vld.idx.msk [tilespmem:v1+s28+$0x0], $0xffff;
	_ =	sdelay $0x4  }
0x6b: {  	v2 =	vmax.f32 v2, v3  }
0x6c: {  	[tilespmem:v1+s28+$0x0] =	vst.idx.msk $0xffff, v2  }
0x6d: {  	v2 =	vld.idx.msk [tilespmem:v1+s28+$0x0], $0xffff;
	_ =	sdelay $0x4  }
0x6e: {  	v2 =	vmax.f32 v2, v3  }
0x6f: {  	[tilespmem:v1+s28+$0x0] =	vst.idx.msk $0xffff, v2  }
0x70: {  	v2 =	vld.idx.msk [tilespmem:v1+s28+$0x0], $0xffff;
	_ =	sdelay $0x4  }
0x71: {  	v2 =	vmax.f32 v2, v3  }
0x72: {  	[tilespmem:v1+s28+$0x0] =	vst.idx.msk $0xffff, v2  }
0x73: {  	s0 =	sadd.s32 $0x1, s0;
	v2 =	vld.idx.msk [tilespmem:v1+s28+$0x0], $0xffff  }
0x74: {  	p0 =	sne.s32 s0, $0x19  }
.Ltmp2:
0x75: {  	_ = 	snop;
	(pc) =	sbr.rel @p0 .LBB2_4-.Ltmp2, $3  }
0x76: {  	_ =	sdelay $0x1  }
0x77: {  	v2 =	vmax.f32 v2, v3  }
0x78: {  	[tilespmem:v1+s28+$0x0] =	vst.idx.msk $0xffff, v2  }
0x79: {  	s0 =	rddreg [dreg:$0x3]  }
0x7a: {  	[spmem:s0] =	stream.linear.scatter [tilespmem:s28], [sflag:$0x1], $0x2800, $0x38;
	[tilespmem:$0x5820] =	vst v63  }
0x7b: {  	_ =	swait.ge [sflag:s25], $0x2800  }
0x7c: {  	[sflag:s25] =	ssyncset.done $0x0  }
0x7d: {  	[sflag:s25] =	ssyncadd.s32 $0xFFFFD800  }
0x7e: {  	[bflag:$0x0] =	sbarrier.arrive $0xFFFF  }
0x7f: {  	[tilespmem:s29], [sflag:$0x1] =	stream.linear.gather [spmem:s6], $0x280, $0x38;
	[tilespmem:$0x5820] =	vst v63  }
0x80: {  	_ =	swait.ge [sflag:s25], $0x280  }
0x81: {  	[sflag:s25] =	ssyncset.done $0x0  }
0x82: {  	s8 =	rddreg [dreg:$0x4];
	[sflag:s25] =	ssyncadd.s32 $0xFFFFFD80  }
0x83: {  	[tilespmem:s30], [sflag:$0x1] =	stream.linear.gather [spmem:s8], $0x280, $0x38;
	[tilespmem:$0x5820] =	vst v63  }
0x84: {  	_ =	swait.ge [sflag:s25], $0x280  }
0x85: {  	[sflag:s25] =	ssyncset.done $0x0  }
0x86: {  	s0 =	simm.s32 $0x0;
	[sflag:s25] =	ssyncadd.s32 $0xFFFFFD80  }
0x87: {  	s1 =	simm.s32 $0x40;
	v1 =	vld [tilespmem:s0+$0x2DA0]  }
.LBB2_8:
0x88: {  	p0 =	sne.s32 s1, $0x9C0;
	v2 =	vld [tilespmem:s0+$0x2B20];
	_ =	sdelay $0x1  }
.Ltmp3:
0x89: {  	(pc) =	sbr.rel @p0 .LBB2_8-.Ltmp3, $3  }
0x8a: {  	_ =	sdelay $0x1  }
0x8b: {  	s2 =	sshra.s32 s1, $0x2;
	v2 =	vmax.f32 v2, v1  }
0x8c: {  	s1 =	sadd.s32 $0x40, s1;
	v1 =	vld [tilespmem:s2+$0x2DA0];
	[tilespmem:s0+$0x2B20] =	vst v2;
	s0 =	smov.u32 s2  }
0x8d: {  	v2 =	vld [tilespmem:s0+$0x2B20];
	_ =	sdelay $0x4  }
0x8e: {  	v1 =	vmax.f32 v2, v1  }
0x8f: {  	[tilespmem:s0+$0x2B20] =	vst v1  }
0x90: {  	[tilespmem:s30], [sflag:$0x1] =	stream.linear.gather [spmem:s9], $0x280, $0x38;
	[tilespmem:$0x5820] =	vst v63  }
0x91: {  	_ =	swait.ge [sflag:s25], $0x280  }
0x92: {  	[sflag:s25] =	ssyncset.done $0x0  }
0x93: {  	s0 =	simm.s32 $0x0;
	[sflag:s25] =	ssyncadd.s32 $0xFFFFFD80  }
0x94: {  	s1 =	simm.s32 $0x40;
	v1 =	vld [tilespmem:s0+$0x2DA0]  }
.LBB2_10:
0x95: {  	p0 =	sne.s32 s1, $0x9C0;
	v2 =	vld [tilespmem:s0+$0x2B20];
	_ =	sdelay $0x1  }
.Ltmp4:
0x96: {  	(pc) =	sbr.rel @p0 .LBB2_10-.Ltmp4, $3  }
0x97: {  	_ =	sdelay $0x1  }
0x98: {  	s2 =	sshra.s32 s1, $0x2;
	v2 =	vmax.f32 v2, v1  }
0x99: {  	s1 =	sadd.s32 $0x40, s1;
	v1 =	vld [tilespmem:s2+$0x2DA0];
	[tilespmem:s0+$0x2B20] =	vst v2;
	s0 =	smov.u32 s2  }
0x9a: {  	v2 =	vld [tilespmem:s0+$0x2B20];
	_ =	sdelay $0x4  }
0x9b: {  	v1 =	vmax.f32 v2, v1  }
0x9c: {  	[tilespmem:s0+$0x2B20] =	vst v1  }
0x9d: {  	[tilespmem:s30], [sflag:$0x1] =	stream.linear.gather [spmem:s10], $0x280, $0x38;
	[tilespmem:$0x5820] =	vst v63  }
0x9e: {  	_ =	swait.ge [sflag:s25], $0x280  }
0x9f: {  	[sflag:s25] =	ssyncset.done $0x0  }
0xa0: {  	s0 =	simm.s32 $0x0;
	[sflag:s25] =	ssyncadd.s32 $0xFFFFFD80  }
0xa1: {  	s1 =	simm.s32 $0x40;
	v1 =	vld [tilespmem:s0+$0x2DA0]  }
.LBB2_12:
0xa2: {  	p0 =	sne.s32 s1, $0x9C0;
	v2 =	vld [tilespmem:s0+$0x2B20];
	_ =	sdelay $0x1  }
.Ltmp5:
0xa3: {  	(pc) =	sbr.rel @p0 .LBB2_12-.Ltmp5, $3  }
0xa4: {  	_ =	sdelay $0x1  }
0xa5: {  	s2 =	sshra.s32 s1, $0x2;
	v2 =	vmax.f32 v2, v1  }
0xa6: {  	s1 =	sadd.s32 $0x40, s1;
	v1 =	vld [tilespmem:s2+$0x2DA0];
	[tilespmem:s0+$0x2B20] =	vst v2;
	s0 =	smov.u32 s2  }
0xa7: {  	v2 =	vld [tilespmem:s0+$0x2B20];
	_ =	sdelay $0x4  }
0xa8: {  	v1 =	vmax.f32 v2, v1  }
0xa9: {  	[tilespmem:s0+$0x2B20] =	vst v1  }
0xaa: {  	[tilespmem:s30], [sflag:$0x1] =	stream.linear.gather [spmem:s11], $0x280, $0x38;
	[tilespmem:$0x5820] =	vst v63  }
0xab: {  	_ =	swait.ge [sflag:s25], $0x280  }
0xac: {  	[sflag:s25] =	ssyncset.done $0x0  }
0xad: {  	s0 =	simm.s32 $0x0;
	[sflag:s25] =	ssyncadd.s32 $0xFFFFFD80  }
0xae: {  	s1 =	simm.s32 $0x40;
	v1 =	vld [tilespmem:s0+$0x2DA0]  }
.LBB2_14:
0xaf: {  	p0 =	sne.s32 s1, $0x9C0;
	v2 =	vld [tilespmem:s0+$0x2B20];
	_ =	sdelay $0x1  }
.Ltmp6:
0xb0: {  	(pc) =	sbr.rel @p0 .LBB2_14-.Ltmp6, $3  }
0xb1: {  	_ =	sdelay $0x1  }
0xb2: {  	s2 =	sshra.s32 s1, $0x2;
	v2 =	vmax.f32 v2, v1  }
0xb3: {  	s1 =	sadd.s32 $0x40, s1;
	v1 =	vld [tilespmem:s2+$0x2DA0];
	[tilespmem:s0+$0x2B20] =	vst v2;
	s0 =	smov.u32 s2  }
0xb4: {  	v2 =	vld [tilespmem:s0+$0x2B20];
	_ =	sdelay $0x4  }
0xb5: {  	v1 =	vmax.f32 v2, v1  }
0xb6: {  	[tilespmem:s0+$0x2B20] =	vst v1  }
0xb7: {  	[tilespmem:s30], [sflag:$0x1] =	stream.linear.gather [spmem:s12], $0x280, $0x38;
	[tilespmem:$0x5820] =	vst v63  }
0xb8: {  	_ =	swait.ge [sflag:s25], $0x280  }
0xb9: {  	[sflag:s25] =	ssyncset.done $0x0  }
0xba: {  	s0 =	simm.s32 $0x0;
	[sflag:s25] =	ssyncadd.s32 $0xFFFFFD80  }
0xbb: {  	s1 =	simm.s32 $0x40;
	v1 =	vld [tilespmem:s0+$0x2DA0]  }
.LBB2_16:
0xbc: {  	p0 =	sne.s32 s1, $0x9C0;
	v2 =	vld [tilespmem:s0+$0x2B20];
	_ =	sdelay $0x1  }
.Ltmp7:
0xbd: {  	(pc) =	sbr.rel @p0 .LBB2_16-.Ltmp7, $3  }
0xbe: {  	_ =	sdelay $0x1  }
0xbf: {  	s2 =	sshra.s32 s1, $0x2;
	v2 =	vmax.f32 v2, v1  }
0xc0: {  	s1 =	sadd.s32 $0x40, s1;
	v1 =	vld [tilespmem:s2+$0x2DA0];
	[tilespmem:s0+$0x2B20] =	vst v2;
	s0 =	smov.u32 s2  }
0xc1: {  	v2 =	vld [tilespmem:s0+$0x2B20];
	_ =	sdelay $0x4  }
0xc2: {  	v1 =	vmax.f32 v2, v1  }
0xc3: {  	[tilespmem:s0+$0x2B20] =	vst v1  }
0xc4: {  	[tilespmem:s30], [sflag:$0x1] =	stream.linear.gather [spmem:s13], $0x280, $0x38;
	[tilespmem:$0x5820] =	vst v63  }
0xc5: {  	_ =	swait.ge [sflag:s25], $0x280  }
0xc6: {  	[sflag:s25] =	ssyncset.done $0x0  }
0xc7: {  	s0 =	simm.s32 $0x0;
	[sflag:s25] =	ssyncadd.s32 $0xFFFFFD80  }
0xc8: {  	s1 =	simm.s32 $0x40;
	v1 =	vld [tilespmem:s0+$0x2DA0]  }
.LBB2_18:
0xc9: {  	p0 =	sne.s32 s1, $0x9C0;
	v2 =	vld [tilespmem:s0+$0x2B20];
	_ =	sdelay $0x1  }
.Ltmp8:
0xca: {  	(pc) =	sbr.rel @p0 .LBB2_18-.Ltmp8, $3  }
0xcb: {  	_ =	sdelay $0x1  }
0xcc: {  	s2 =	sshra.s32 s1, $0x2;
	v2 =	vmax.f32 v2, v1  }
0xcd: {  	s1 =	sadd.s32 $0x40, s1;
	v1 =	vld [tilespmem:s2+$0x2DA0];
	[tilespmem:s0+$0x2B20] =	vst v2;
	s0 =	smov.u32 s2  }
0xce: {  	v2 =	vld [tilespmem:s0+$0x2B20];
	_ =	sdelay $0x4  }
0xcf: {  	v1 =	vmax.f32 v2, v1  }
0xd0: {  	[tilespmem:s0+$0x2B20] =	vst v1  }
0xd1: {  	[tilespmem:s30], [sflag:$0x1] =	stream.linear.gather [spmem:s14], $0x280, $0x38;
	[tilespmem:$0x5820] =	vst v63  }
0xd2: {  	_ =	swait.ge [sflag:s25], $0x280  }
0xd3: {  	[sflag:s25] =	ssyncset.done $0x0  }
0xd4: {  	s0 =	simm.s32 $0x0;
	[sflag:s25] =	ssyncadd.s32 $0xFFFFFD80  }
0xd5: {  	s1 =	simm.s32 $0x40;
	v1 =	vld [tilespmem:s0+$0x2DA0]  }
.LBB2_20:
0xd6: {  	p0 =	sne.s32 s1, $0x9C0;
	v2 =	vld [tilespmem:s0+$0x2B20];
	_ =	sdelay $0x1  }
.Ltmp9:
0xd7: {  	(pc) =	sbr.rel @p0 .LBB2_20-.Ltmp9, $3  }
0xd8: {  	_ =	sdelay $0x1  }
0xd9: {  	s2 =	sshra.s32 s1, $0x2;
	v2 =	vmax.f32 v2, v1  }
0xda: {  	s1 =	sadd.s32 $0x40, s1;
	v1 =	vld [tilespmem:s2+$0x2DA0];
	[tilespmem:s0+$0x2B20] =	vst v2;
	s0 =	smov.u32 s2  }
0xdb: {  	v2 =	vld [tilespmem:s0+$0x2B20];
	_ =	sdelay $0x4  }
0xdc: {  	v1 =	vmax.f32 v2, v1  }
0xdd: {  	[tilespmem:s0+$0x2B20] =	vst v1  }
0xde: {  	[tilespmem:s30], [sflag:$0x1] =	stream.linear.gather [spmem:s15], $0x280, $0x38;
	[tilespmem:$0x5820] =	vst v63  }
0xdf: {  	_ =	swait.ge [sflag:s25], $0x280  }
0xe0: {  	[sflag:s25] =	ssyncset.done $0x0  }
0xe1: {  	s0 =	simm.s32 $0x0;
	[sflag:s25] =	ssyncadd.s32 $0xFFFFFD80  }
0xe2: {  	s1 =	simm.s32 $0x40;
	v1 =	vld [tilespmem:s0+$0x2DA0]  }
.LBB2_22:
0xe3: {  	p0 =	sne.s32 s1, $0x9C0;
	v2 =	vld [tilespmem:s0+$0x2B20];
	_ =	sdelay $0x1  }
.Ltmp10:
0xe4: {  	(pc) =	sbr.rel @p0 .LBB2_22-.Ltmp10, $3  }
0xe5: {  	_ =	sdelay $0x1  }
0xe6: {  	s2 =	sshra.s32 s1, $0x2;
	v2 =	vmax.f32 v2, v1  }
0xe7: {  	s1 =	sadd.s32 $0x40, s1;
	v1 =	vld [tilespmem:s2+$0x2DA0];
	[tilespmem:s0+$0x2B20] =	vst v2;
	s0 =	smov.u32 s2  }
0xe8: {  	v2 =	vld [tilespmem:s0+$0x2B20];
	_ =	sdelay $0x4  }
0xe9: {  	v1 =	vmax.f32 v2, v1  }
0xea: {  	[tilespmem:s0+$0x2B20] =	vst v1  }
0xeb: {  	[tilespmem:s30], [sflag:$0x1] =	stream.linear.gather [spmem:s16], $0x280, $0x38;
	[tilespmem:$0x5820] =	vst v63  }
0xec: {  	_ =	swait.ge [sflag:s25], $0x280  }
0xed: {  	[sflag:s25] =	ssyncset.done $0x0  }
0xee: {  	s0 =	simm.s32 $0x0;
	[sflag:s25] =	ssyncadd.s32 $0xFFFFFD80  }
0xef: {  	s1 =	simm.s32 $0x40;
	v1 =	vld [tilespmem:s0+$0x2DA0]  }
.LBB2_24:
0xf0: {  	p0 =	sne.s32 s1, $0x9C0;
	v2 =	vld [tilespmem:s0+$0x2B20];
	_ =	sdelay $0x1  }
.Ltmp11:
0xf1: {  	(pc) =	sbr.rel @p0 .LBB2_24-.Ltmp11, $3  }
0xf2: {  	_ =	sdelay $0x1  }
0xf3: {  	s2 =	sshra.s32 s1, $0x2;
	v2 =	vmax.f32 v2, v1  }
0xf4: {  	s1 =	sadd.s32 $0x40, s1;
	v1 =	vld [tilespmem:s2+$0x2DA0];
	[tilespmem:s0+$0x2B20] =	vst v2;
	s0 =	smov.u32 s2  }
0xf5: {  	v2 =	vld [tilespmem:s0+$0x2B20];
	_ =	sdelay $0x4  }
0xf6: {  	v1 =	vmax.f32 v2, v1  }
0xf7: {  	[tilespmem:s0+$0x2B20] =	vst v1  }
0xf8: {  	[tilespmem:s30], [sflag:$0x1] =	stream.linear.gather [spmem:s17], $0x280, $0x38;
	[tilespmem:$0x5820] =	vst v63  }
0xf9: {  	_ =	swait.ge [sflag:s25], $0x280  }
0xfa: {  	[sflag:s25] =	ssyncset.done $0x0  }
0xfb: {  	s0 =	simm.s32 $0x0;
	[sflag:s25] =	ssyncadd.s32 $0xFFFFFD80  }
0xfc: {  	s1 =	simm.s32 $0x40;
	v1 =	vld [tilespmem:s0+$0x2DA0]  }
.LBB2_26:
0xfd: {  	p0 =	sne.s32 s1, $0x9C0;
	v2 =	vld [tilespmem:s0+$0x2B20];
	_ =	sdelay $0x1  }
.Ltmp12:
0xfe: {  	(pc) =	sbr.rel @p0 .LBB2_26-.Ltmp12, $3  }
0xff: {  	_ =	sdelay $0x1  }
0x100: {  	s2 =	sshra.s32 s1, $0x2;
	v2 =	vmax.f32 v2, v1  }
0x101: {  	s1 =	sadd.s32 $0x40, s1;
	v1 =	vld [tilespmem:s2+$0x2DA0];
	[tilespmem:s0+$0x2B20] =	vst v2;
	s0 =	smov.u32 s2  }
0x102: {  	v2 =	vld [tilespmem:s0+$0x2B20];
	_ =	sdelay $0x4  }
0x103: {  	v1 =	vmax.f32 v2, v1  }
0x104: {  	[tilespmem:s0+$0x2B20] =	vst v1  }
0x105: {  	[tilespmem:s30], [sflag:$0x1] =	stream.linear.gather [spmem:s18], $0x280, $0x38;
	[tilespmem:$0x5820] =	vst v63  }
0x106: {  	_ =	swait.ge [sflag:s25], $0x280  }
0x107: {  	[sflag:s25] =	ssyncset.done $0x0  }
0x108: {  	s0 =	simm.s32 $0x0;
	[sflag:s25] =	ssyncadd.s32 $0xFFFFFD80  }
0x109: {  	s1 =	simm.s32 $0x40;
	v1 =	vld [tilespmem:s0+$0x2DA0]  }
.LBB2_28:
0x10a: {  	p0 =	sne.s32 s1, $0x9C0;
	v2 =	vld [tilespmem:s0+$0x2B20];
	_ =	sdelay $0x1  }
.Ltmp13:
0x10b: {  	(pc) =	sbr.rel @p0 .LBB2_28-.Ltmp13, $3  }
0x10c: {  	_ =	sdelay $0x1  }
0x10d: {  	s2 =	sshra.s32 s1, $0x2;
	v2 =	vmax.f32 v2, v1  }
0x10e: {  	s1 =	sadd.s32 $0x40, s1;
	v1 =	vld [tilespmem:s2+$0x2DA0];
	[tilespmem:s0+$0x2B20] =	vst v2;
	s0 =	smov.u32 s2  }
0x10f: {  	v2 =	vld [tilespmem:s0+$0x2B20];
	_ =	sdelay $0x4  }
0x110: {  	v1 =	vmax.f32 v2, v1  }
0x111: {  	[tilespmem:s0+$0x2B20] =	vst v1  }
0x112: {  	[tilespmem:s30], [sflag:$0x1] =	stream.linear.gather [spmem:s19], $0x280, $0x38;
	[tilespmem:$0x5820] =	vst v63  }
0x113: {  	_ =	swait.ge [sflag:s25], $0x280  }
0x114: {  	[sflag:s25] =	ssyncset.done $0x0  }
0x115: {  	s0 =	simm.s32 $0x0;
	[sflag:s25] =	ssyncadd.s32 $0xFFFFFD80  }
0x116: {  	s1 =	simm.s32 $0x40;
	v1 =	vld [tilespmem:s0+$0x2DA0]  }
.LBB2_30:
0x117: {  	p0 =	sne.s32 s1, $0x9C0;
	v2 =	vld [tilespmem:s0+$0x2B20];
	_ =	sdelay $0x1  }
.Ltmp14:
0x118: {  	(pc) =	sbr.rel @p0 .LBB2_30-.Ltmp14, $3  }
0x119: {  	_ =	sdelay $0x1  }
0x11a: {  	s2 =	sshra.s32 s1, $0x2;
	v2 =	vmax.f32 v2, v1  }
0x11b: {  	s1 =	sadd.s32 $0x40, s1;
	v1 =	vld [tilespmem:s2+$0x2DA0];
	[tilespmem:s0+$0x2B20] =	vst v2;
	s0 =	smov.u32 s2  }
0x11c: {  	v2 =	vld [tilespmem:s0+$0x2B20];
	_ =	sdelay $0x4  }
0x11d: {  	v1 =	vmax.f32 v2, v1  }
0x11e: {  	[tilespmem:s0+$0x2B20] =	vst v1  }
0x11f: {  	[tilespmem:s30], [sflag:$0x1] =	stream.linear.gather [spmem:s20], $0x280, $0x38;
	[tilespmem:$0x5820] =	vst v63  }
0x120: {  	_ =	swait.ge [sflag:s25], $0x280  }
0x121: {  	[sflag:s25] =	ssyncset.done $0x0  }
0x122: {  	s0 =	simm.s32 $0x0;
	[sflag:s25] =	ssyncadd.s32 $0xFFFFFD80  }
0x123: {  	s1 =	simm.s32 $0x40;
	v1 =	vld [tilespmem:s0+$0x2DA0]  }
.LBB2_32:
0x124: {  	p0 =	sne.s32 s1, $0x9C0;
	v2 =	vld [tilespmem:s0+$0x2B20];
	_ =	sdelay $0x1  }
.Ltmp15:
0x125: {  	(pc) =	sbr.rel @p0 .LBB2_32-.Ltmp15, $3  }
0x126: {  	_ =	sdelay $0x1  }
0x127: {  	s2 =	sshra.s32 s1, $0x2;
	v2 =	vmax.f32 v2, v1  }
0x128: {  	s1 =	sadd.s32 $0x40, s1;
	v1 =	vld [tilespmem:s2+$0x2DA0];
	[tilespmem:s0+$0x2B20] =	vst v2;
	s0 =	smov.u32 s2  }
0x129: {  	v2 =	vld [tilespmem:s0+$0x2B20];
	_ =	sdelay $0x4  }
0x12a: {  	v1 =	vmax.f32 v2, v1  }
0x12b: {  	[tilespmem:s0+$0x2B20] =	vst v1  }
0x12c: {  	[tilespmem:s30], [sflag:$0x1] =	stream.linear.gather [spmem:s21], $0x280, $0x38;
	[tilespmem:$0x5820] =	vst v63  }
0x12d: {  	_ =	swait.ge [sflag:s25], $0x280  }
0x12e: {  	[sflag:s25] =	ssyncset.done $0x0  }
0x12f: {  	s0 =	simm.s32 $0x0;
	[sflag:s25] =	ssyncadd.s32 $0xFFFFFD80  }
0x130: {  	s1 =	simm.s32 $0x40;
	v1 =	vld [tilespmem:s0+$0x2DA0]  }
.LBB2_34:
0x131: {  	p0 =	sne.s32 s1, $0x9C0;
	v2 =	vld [tilespmem:s0+$0x2B20];
	_ =	sdelay $0x1  }
.Ltmp16:
0x132: {  	(pc) =	sbr.rel @p0 .LBB2_34-.Ltmp16, $3  }
0x133: {  	_ =	sdelay $0x1  }
0x134: {  	s2 =	sshra.s32 s1, $0x2;
	v2 =	vmax.f32 v2, v1  }
0x135: {  	s1 =	sadd.s32 $0x40, s1;
	v1 =	vld [tilespmem:s2+$0x2DA0];
	[tilespmem:s0+$0x2B20] =	vst v2;
	s0 =	smov.u32 s2  }
0x136: {  	v2 =	vld [tilespmem:s0+$0x2B20];
	_ =	sdelay $0x4  }
0x137: {  	v1 =	vmax.f32 v2, v1  }
0x138: {  	[tilespmem:s0+$0x2B20] =	vst v1  }
0x139: {  	[tilespmem:s30], [sflag:$0x1] =	stream.linear.gather [spmem:s22], $0x280, $0x38;
	[tilespmem:$0x5820] =	vst v63  }
0x13a: {  	_ =	swait.ge [sflag:s25], $0x280  }
0x13b: {  	[sflag:s25] =	ssyncset.done $0x0  }
0x13c: {  	s0 =	simm.s32 $0x0;
	[sflag:s25] =	ssyncadd.s32 $0xFFFFFD80  }
0x13d: {  	s1 =	simm.s32 $0x40;
	v1 =	vld [tilespmem:s0+$0x2DA0]  }
.LBB2_36:
0x13e: {  	p0 =	sne.s32 s1, $0x9C0;
	v2 =	vld [tilespmem:s0+$0x2B20];
	_ =	sdelay $0x1  }
.Ltmp17:
0x13f: {  	(pc) =	sbr.rel @p0 .LBB2_36-.Ltmp17, $3  }
0x140: {  	_ =	sdelay $0x1  }
0x141: {  	s2 =	sshra.s32 s1, $0x2;
	v2 =	vmax.f32 v2, v1  }
0x142: {  	s1 =	sadd.s32 $0x40, s1;
	v1 =	vld [tilespmem:s2+$0x2DA0];
	[tilespmem:s0+$0x2B20] =	vst v2;
	s0 =	smov.u32 s2  }
0x143: {  	v2 =	vld [tilespmem:s0+$0x2B20];
	_ =	sdelay $0x3  }
0x144: {  	s31 =	sadd.s32 $0x1, s31  }
0x145: {  	p0 =	sne.s32 s31, s24;
	v1 =	vmax.f32 v2, v1  }
.Ltmp18:
0x146: {  	s8 =	simm.s32 $0x0;
	[tilespmem:s0+$0x2B20] =	vst v1;
	(pc) =	sbr.rel @p0 .LBB2_1-.Ltmp18, $4  }
0x147: {  	[hbm4b:s23+s8] =	stream.linear.scatter [tilespmem:s29], [sflag:$0x1], $0x280, $0x38;
	[tilespmem:$0x5820] =	vst v63  }
0x148: {  	_ =	swait.ge [sflag:s25], $0x280  }
0x149: {  	[sflag:s25] =	ssyncset.done $0x0  }
0x14a: {  	[sflag:s25] =	ssyncadd.s32 $0xFFFFFD80  }
0x14b: {  	_ =	sfence.sel $0x180000  }
0x14c: {  	[bflag:$0x0] =	sbarrier.arrive $0xFFFF  }
0x14d: {  	_ =	strace $0x9000005C  }
0x14e: {  	s0 =	stileid.u32;
	[bflag:$0x2] =	sbarrier.arrive $0xFFFF  }
0x14f: {  	p0 =	sne.s32 s0, $0x0;
	s0 =	rddreg [dreg:$0x2]  }
0x150: {  	s0 =	sadd.s32 @!p0 $0x100000, s0  }
0x151: {  	[sflag:s0] =	ssyncadd.tile.s32 @!p0 $0x1;
	_ =	shalt  }
.Lfunc_end2:
_tile_overlayer_lowered:
.L_overlay_start_2:
0x152: {  	(tag) =	ssettag $0x2  }
0x153: {  	s0 =	rddreg [dreg:$0x0];
	s2 =	stileid.u32  }
0x154: {  	s1 =	rddreg [dreg:$0x1];
	p0 =	sne.s32 s2, $0x0  }
0x155: {  	s3 =	rddreg [dreg:$0x2];
	[bflag:$0x3] =	sbarrier.arrive $0xFFFF;
	s2 =	simm.s32 @!p0 $0x1C01  }
0x156: {  	[timem:s3], [sflag:s2] =	dma.local @!p0 [hbm:s0], s1  }
0x157: {  	s0 =	simm.s32 @!p0 $0x1  }
0x158: {  	_ =	swait.ge @!p0 [sflag:s0], s1  }
0x159: {  	s1 =	ssub.s32 @!p0 $0x0, s1;
	[sflag:s0] =	ssyncset.done @!p0 $0x0  }
0x15a: {  	[sflag:s0] =	ssyncadd.s32 @!p0 s1  }
0x15b: {  	[bflag:$0x3] =	sbarrier.arrive $0xFFFF  }
0x15c: {  	_ =	shalt  }

// kernel: kernel.50.cloned.1.call-start
scs
__scs_entry_jumppad:
0x0: {  	(pc) =	sbr.rel $0x88, $3  }
0x1: {  	(tag) =	ssettag $0x0;
	lr =	simm.s32 $0x1  }
0x2: {  	[smem:$0x3F52] =	sst lr;
	_ =	strace $0xD0000000  }
0x3: {  	_ = 	snop  }
0x4: {  	_ = 	snop  }
0x5: {  	_ = 	snop  }
0x6: {  	_ = 	snop  }
0x7: {  	_ = 	snop  }
__scs_overlays_trampoline_lowered:
0x8: {  	[smem:$0x3F61] =	sst s0  }
0x9: {  	[smem:$0x3F62] =	sst s1  }
0xa: {  	[smem:$0x3F63] =	sst s2  }
0xb: {  	[smem:$0x3F64] =	sst s3  }
0xc: {  	[smem:$0x3F65] =	sst s4  }
0xd: {  	[smem:$0x3F66] =	sst s5  }
0xe: {  	[smem:$0x3F67] =	sst s6  }
0xf: {  	[smem:$0x3F68] =	sst s7  }
0x10: {  	[smem:$0x3F69] =	sst s8  }
0x11: {  	[smem:$0x3F6A] =	sst s9;
	s0 =	simm.s32 @!p0 $0x0  }
0x12: {  	s1 =	sld [smem:$0x3F50];
	s0 =	simm.s32 @p0 $0x1  }
0x13: {  	[smem:$0x3F6B] =	sst s0;
	s0 =	simm.s32 @!p1 $0x0  }
0x14: {  	s2 =	sld [smem:$0x3F4F];
	s0 =	simm.s32 @p1 $0x1  }
0x15: {  	[smem:$0x3F6C] =	sst s0;
	s0 =	simm.s32 @!p2 $0x0  }
0x16: {  	s3 =	sld [smem:$0x3FDB];
	s0 =	simm.s32 @p2 $0x1  }
0x17: {  	s4 =	simm.s32 $0x1BF5;
	[smem:$0x3F6E] =	sst s0  }
0x18: {  	s0 =	sld [smem:$0x3F51];
	_ =	swait.ge [sflag:s4], $0x0  }
0x19: {  	s7 =	sld [smem:$0x3F52]  }
0x1a: {  	s8 =	sadd.s32 $0xFFFFE003, lr  }
0x1b: {  	s9 =	sadd.s32 $0xFFFFFEF7, lr;
	s5 =	simm.s32 $0xFFFFFFFF;
	p2 =	slt.u32 s8, $0xFFFFF086  }
0x1c: {  	p1 =	slt.u32 s9, $0xF7A;
	s5 =	simm.s32 @!p2 $0x0  }
0x1d: {  	s5 =	simm.s32 @p1 $0x1;
	p0 =	seq.s32 s7, s2  }
0x1e: {  	s7 =	smul.u32 @!p0 $0xF7A, s2;
	p2 =	seq.s32 @!p0 s5, $0x0  }
0x1f: {  	s9 =	smul.u32 $0xF7A, s1;
	s8 =	simm.s32 @!p0 $0x1BF5;
	p2 =	por !p2, p0  }
0x20: {  	[sflag:s8] =	ssyncset.s32 @!p0 $0xFFFFF086;
	s6 =	sadd.s32 @!p0 s3, s7;
	s7 =	simm.s32 @!p0 $0x108  }
0x21: {  	s3 =	sadd.s32 s3, s9;
	s6 =	sadd.s32 @!p0 $0x88, s6;
	s7 =	simm.s32 @p2 $0x1082  }
0x22: {  	[simem:s7], [sflag:s8] =	dma.local @!p0 [hbm:s6], $0xF7A  }
0x23: {  	s9 =	sor.u32 $0xD0000000, s2;
	s6 =	simm.s32 $0x108;
	_ =	swait.ge @!p0 [sflag:s8], $0x0  }
0x24: {  	s3 =	sadd.s32 $0x88, s3;
	s6 =	simm.s32 @!p1 $0x1082;
	[sflag:s4] =	ssyncset.s32 $0xFFFFF086  }
0x25: {  	[simem:s6], [sflag:s4] =	dma.local [hbm:s3], $0xF7A  }
0x26: {  	[smem:$0x3F52] =	sst s1;
	(tag) =	ssettag s2;
	_ =	strace s9  }
0x27: {  	s1 =	sld [smem:$0x3F62]  }
0x28: {  	s2 =	sld [smem:$0x3F63]  }
0x29: {  	s4 =	sld [smem:$0x3F65]  }
0x2a: {  	p0 =	seq.s32 s5, $0x0;
	s5 =	sld [smem:$0x3F66]  }
0x2b: {  	s6 =	sld [smem:$0x3F67]  }
0x2c: {  	s7 =	sld [smem:$0x3F68]  }
0x2d: {  	s3 =	simm.s32 $0x108;
	s8 =	sld [smem:$0x3F69]  }
0x2e: {  	s3 =	simm.s32 @!p0 $0x1082;
	s9 =	sld [smem:$0x3F6A]  }
0x2f: {  	lr =	sadd.s32 s0, s3;
	s0 =	sld [smem:$0x3F61]  }
0x30: {  	s3 =	sld [smem:$0x3F64]  }
0x31: {  	[smem:$0x3F6D] =	sst s10  }
0x32: {  	s10 =	sld [smem:$0x3F6B];
	_ =	sdelay $0x3  }
0x33: {  	p0 =	seq.s32 s10, $0x1;
	s10 =	sld [smem:$0x3F6D];
	_ =	sdelay $0x3  }
0x34: {  	[smem:$0x3F6D] =	sst s10  }
0x35: {  	s10 =	sld [smem:$0x3F6C];
	_ =	sdelay $0x3  }
0x36: {  	p1 =	seq.s32 s10, $0x1;
	s10 =	sld [smem:$0x3F6D];
	_ =	sdelay $0x3  }
0x37: {  	[smem:$0x3F6D] =	sst s10  }
0x38: {  	s10 =	sld [smem:$0x3F6E]  }
0x39: {  	_ = 	snop;
	(pc) =	sbr.ind lr, $3  }
0x3a: {  	_ = 	snop  }
0x3b: {  	_ = 	snop  }
0x3c: {  	p2 =	seq.s32 s10, $0x1;
	s10 =	sld [smem:$0x3F6D]  }
0x3d: {  	_ =	shalt  }
0x3e: {  	_ =	shalt  }
0x3f: {  	_ =	shalt  }
0x40: {  	_ =	shalt  }
0x41: {  	_ =	shalt  }
0x42: {  	_ =	shalt  }
0x43: {  	_ =	shalt  }
0x44: {  	_ =	shalt  }
0x45: {  	_ =	shalt  }
0x46: {  	_ =	shalt  }
0x47: {  	_ =	shalt  }
0x48: {  	_ =	shalt  }
0x49: {  	_ =	shalt  }
0x4a: {  	_ =	shalt  }
0x4b: {  	_ =	shalt  }
0x4c: {  	_ =	shalt  }
0x4d: {  	_ =	shalt  }
0x4e: {  	_ =	shalt  }
0x4f: {  	_ =	shalt  }
0x50: {  	_ =	shalt  }
0x51: {  	_ =	shalt  }
0x52: {  	_ =	shalt  }
0x53: {  	_ =	shalt  }
0x54: {  	_ =	shalt  }
0x55: {  	_ =	shalt  }
0x56: {  	_ =	shalt  }
0x57: {  	_ =	shalt  }
0x58: {  	_ =	shalt  }
0x59: {  	_ =	shalt  }
0x5a: {  	_ =	shalt  }
0x5b: {  	_ =	shalt  }
0x5c: {  	_ =	shalt  }
0x5d: {  	_ =	shalt  }
0x5e: {  	_ =	shalt  }
0x5f: {  	_ =	shalt  }
0x60: {  	_ =	shalt  }
0x61: {  	_ =	shalt  }
0x62: {  	_ =	shalt  }
0x63: {  	_ =	shalt  }
0x64: {  	_ =	shalt  }
0x65: {  	_ =	shalt  }
0x66: {  	_ =	shalt  }
0x67: {  	_ =	shalt  }
0x68: {  	_ =	shalt  }
0x69: {  	_ =	shalt  }
0x6a: {  	_ =	shalt  }
0x6b: {  	_ =	shalt  }
0x6c: {  	_ =	shalt  }
0x6d: {  	_ =	shalt  }
0x6e: {  	_ =	shalt  }
0x6f: {  	_ =	shalt  }
0x70: {  	_ =	shalt  }
0x71: {  	_ =	shalt  }
0x72: {  	_ =	shalt  }
0x73: {  	_ =	shalt  }
0x74: {  	_ =	shalt  }
0x75: {  	_ =	shalt  }
0x76: {  	_ =	shalt  }
0x77: {  	_ =	shalt  }
0x78: {  	_ =	shalt  }
0x79: {  	_ =	shalt  }
0x7a: {  	_ =	shalt  }
0x7b: {  	_ =	shalt  }
0x7c: {  	_ =	shalt  }
0x7d: {  	_ =	shalt  }
0x7e: {  	_ =	shalt  }
0x7f: {  	_ =	shalt  }
0x80: {  	_ =	shalt  }
0x81: {  	_ =	shalt  }
0x82: {  	_ =	shalt  }
0x83: {  	_ =	shalt  }
0x84: {  	_ =	shalt  }
0x85: {  	_ =	shalt  }
0x86: {  	_ =	shalt  }
0x87: {  	_ =	shalt  }
.Lfunc_end0:
.L_simem_size_0:
called_computation.8_lowered:
.L_overlay_start_0:
0x88: {  	s2 =	sld [smem:$0x3FD9]  }
0x89: {  	s3 =	sld [smem:$0x3FFE];
	_ =	sdelay $0x1  }
0x8a: {  	s1 =	srdreg.scid  }
0x8b: {  	s0 =	sand.u32 $0x1, s1  }
0x8c: {  	s16 =	sshll.u32 s0, $0xA;
	s2 =	sadd.s32 s3, s2  }
0x8d: {  	s2 =	sadd.s32 s2, s16  }
0x8e: {  	[smem:$0x3F79] =	sst s2  }
0x8f: {  	_ = 	snop  }
0x90: {  	(tm) =	ssettm $0x1  }
0x91: {  	s17 =	sld [smem:$0x3FFB];
	_ =	sdelay $0x3  }
0x92: {  	_ =	strace s17  }
0x93: {  	s2 =	sld [smem:$0x3FFC];
	_ =	sdelay $0x3  }
0x94: {  	_ =	strace s2  }
0x95: {  	s2 =	sld [smem:$0x3FFD];
	_ =	sdelay $0x3  }
0x96: {  	_ =	strace s2  }
0x97: {  	_ =	strace $0x8FFFFFFF  }
0x98: {  	s18 =	sld [smem:$0x3FDB];
	_ =	sdelay $0x1  }
0x99: {  	s19 =	simm.s32 $_scs_section_size  }
0x9a: {  	s4 =	simm.s32 $_size__tile_overlayer_lowered;
	s5 =	simm.s32 $_tile_overlayer_lowered  }
0x9b: {  	s22 =	simm.s32 $0x1BFF;
	s21 =	sshll.u32 s5, $0x1;
	s2 =	sadd.s32 s19, s18  }
0x9c: {  	s6 =	simm.s32 $0x0;
	s20 =	sshll.u32 s4, $0x1;
	s4 =	sadd.s32 s21, s2  }
0x9d: {  	[timem:s6], [sflag:s22] =	dma.local [hbm:s4], s20  }
0x9e: {  	_ =	swait.ge [sflag:s22], s20  }
0x9f: {  	s3 =	ssub.s32 $0x0, s20;
	[sflag:s22] =	ssyncset.done $0x0  }
0xa0: {  	[sflag:s22] =	ssyncadd.s32 s3;
	_ =	sdelay $0x1  }
0xa1: {  	s23 =	simm.s32 $0x1B8B  }
0xa2: {  	_ =	swait.ge [sflag:s23], $0x1  }
0xa3: {  	[sflag:s23] =	ssyncset.done $0x0  }
0xa4: {  	s25 =	simm.s32 $0x1B8E;
	s24 =	sld [smem:$0x3FFE];
	[sflag:s23] =	ssyncadd.s32 $0xFFFFFFFF  }
0xa5: {  	s26 =	simm.s32 $execute0_lowered;
	[smem:$0x3FD2] =	sst s25  }
0xa6: {  	s4 =	sshll.u32 s26, $0x1;
	_ =	strace $0x8000005E;
	[dreg:$0x1] =	wrdreg $0xFFFFFFFF  }
0xa7: {  	s28 =	simm.s32 $_size_execute0_lowered;
	s2 =	sadd.s32 s2, s4;
	[dreg:$0x0] =	wrdreg $0x0  }
0xa8: {  	s4 =	sshll.u32 s28, $0x1;
	[dreg:$0x2] =	wrdreg s2  }
0xa9: {  	[dreg:$0x3] =	wrdreg s4  }
0xaa: {  	[dreg:$0x4] =	wrdreg $0xC0  }
0xab: {  	_ =	task [dreg:s6], $0x5FFFF  }
0xac: {  	[dreg:$0x1] =	wrdreg $0xFFFFFFFF  }
0xad: {  	[dreg:$0x0] =	wrdreg $0x60  }
0xae: {  	[dreg:$0x2] =	wrdreg s24  }
0xaf: {  	[dreg:$0x3] =	wrdreg $0x57300  }
0xb0: {  	[dreg:$0x4] =	wrdreg $0x9  }
0xb1: {  	_ =	task.clear_ibuf [dreg:s6], $0x5FFFF;
	_ =	strace $0x9000005E  }
0xb2: {  	s29 =	simm.s32 $0x9;
	_ =	strace $0x80000060  }
0xb3: {  	_ =	swait.ge [sflag:s29], $0x1  }
0xb4: {  	[sflag:s29] =	ssyncadd.s32 $0xFFFFFFFF  }
0xb5: {  	_ =	strace $0x90000060  }
0xb6: {  	_ =	sfence  }
0xb7: {  	s30 =	sld [smem:$0x0];
	_ =	sdelay $0x2  }
0xb8: {  	s31 =	sshll.u32 s1, $0xD;
	s1 =	sshrl.u32 s1, $0x2  }
0xb9: {  	s3 =	sand.u32 $0x4000, s31;
	s1 =	sadd.s32 s1, s30  }
0xba: {  	s0 =	sor.u32 s3, s0;
	s1 =	sshll.u32 s1, $0x11  }
0xbb: {  	s0 =	sor.u32 s1, s0  }
0xbc: {  	s0 =	sadd.s32 $0x8F2B, s0  }
0xbd: {  	[sflag:s0] =	ssyncadd.remote.s32 $0x1  }
0xbe: {  	_ =	sfence.sel $0xFFFF  }
0xbf: {  	[dreg:$0x0] =	wrdreg $0xFFFFFFFF;
	(pc) =	sbr.abs _section_cstart, $3  }
0xc0: {  	[dreg:$0x1] =	wrdreg $0xFFFFFFFF  }
0xc1: {  	_ =	task.clear_ibuf [dreg:s6], $0x2FFFF;
	_ =	strace $0x9FFFFFFF  }
0xc2: {  	(tm) =	ssettm $0x7FFFFFFF  }
0xc3: {  	_ =	shalt  }
tec
execute0_lowered:
.L_overlay_start_1:
0x0: {  	(tag) =	ssettag $0x1  }
0x1: {  	s9 =	rddreg [dreg:$0x0]  }
0x2: {  	s2 =	rddreg [dreg:$0x1]  }
0x3: {  	s0 =	rddreg [dreg:$0x2];
	s3 =	simm.s32 $0x0;
	s4 =	srdreg.scid  }
0x4: {  	s1 =	stileid.u32;
	s15 =	simm.s32 $0x2CB0;
	s16 =	simm.s32 $0x54B0  }
0x5: {  	s17 =	simm.s32 $0x190;
	s18 =	simm.s32 $0x320;
	s21 =	simm.s32 $0x0  }
0x6: {  	[smem:$0x7FF] =	sst s3;
	s8 =	sand.u32 $0x1, s4;
	s10 =	smul.u32 $0x280, s1  }
0x7: {  	s4 =	sadd.s32 $0x12E00, s9;
	s5 =	sadd.s32 $0x1CC00, s9;
	s6 =	sadd.s32 $0x4EA00, s9  }
0x8: {  	s7 =	sadd.s32 $0x4F400, s9;
	s14 =	sshll.u32 s1, $0x1;
	s19 =	sshll.u32 s1, $0x6  }
0x9: {  	_ =	strace $0x8000005F;
	s11 =	smul.u32 $0x2800, s8;
	s12 =	ssub.s32 $0x2, s8  }
0xa: {  	s8 =	sor.u32 s8, s14;
	s14 =	simm.s32 $0x1;
	s19 =	sor.u32 $0x1C01, s19  }
0xb: {  	s13 =	sshrl.u32 s12, $0x1;
	s8 =	smul.u32 $0x2710, s8;
	s11 =	sadd.s32 s10, s11  }
0xc: {  	s12 =	ssub.s32 s12, s13;
	s10 =	sadd.s32 s10, s2;
	s11 =	sshrl.u32 s11, $0x3  }
0xd: {  	s13 =	simm.s32 $0x4B0;
	s12 =	smax.u32 s12, $0x1;
	s11 =	sadd.s32 s11, s9  }
0xe: {  	v0 =	vimm.f32 $0.0e+00;
	s20 =	sshrl.u32 s10, $0x3;
	s9 =	sadd.s32 $0x4EF00, s9;
	s11 =	sadd.s32 $0x59200, s11  }
.LBB2_1:
0xf: {  	[tilespmem:s13], [sflag:$0x1] =	stream.linear.gather [hbm4b:s6+s3], $0x2800, $0x38;
	[tilespmem:$0x59B0] =	vst v63  }
0x10: {  	_ =	swait.ge [sflag:s14], $0x2800  }
0x11: {  	[sflag:s14] =	ssyncset.done $0x0  }
0x12: {  	[sflag:s14] =	ssyncadd.s32 $0xFFFFD800  }
0x13: {  	[tilespmem:s15], [sflag:$0x1] =	stream.linear.gather [hbm4b:s9+s3], $0x2800, $0x38;
	[tilespmem:$0x59B0] =	vst v63  }
0x14: {  	_ =	swait.ge [sflag:s14], $0x2800  }
0x15: {  	[sflag:s14] =	ssyncset.done $0x0  }
0x16: {  	s22 =	simm.s32 $0x0;
	[sflag:s14] =	ssyncadd.s32 $0xFFFFD800  }
0x17: {  	s23 =	simm.s32 $0x40;
	v1 =	vld [tilespmem:s22+$0x2CB0]  }
.LBB2_2:
0x18: {  	p0 =	sne.s32 s23, $0x9FC0;
	v2 =	vld [tilespmem:s22+$0x4B0];
	_ =	sdelay $0x1  }
.Ltmp0:
0x19: {  	(pc) =	sbr.rel @p0 .LBB2_2-.Ltmp0, $3  }
0x1a: {  	_ =	sdelay $0x1  }
0x1b: {  	s24 =	sshra.s32 s23, $0x2;
	v2 =	vmax.f32 v2, v1  }
0x1c: {  	s23 =	sadd.s32 $0x40, s23;
	v1 =	vld [tilespmem:s24+$0x2CB0];
	[tilespmem:s22+$0x4B0] =	vst v2;
	s22 =	smov.u32 s24  }
0x1d: {  	v2 =	vld [tilespmem:s22+$0x4B0];
	_ =	sdelay $0x4  }
0x1e: {  	v1 =	vmax.f32 v2, v1  }
0x1f: {  	[tilespmem:s22+$0x4B0] =	vst v1  }
0x20: {  	[tilespmem:$0x54B0] =	vst v0  }
0x21: {  	[tilespmem:$0x54C0] =	vst v0  }
0x22: {  	[tilespmem:$0x54D0] =	vst v0  }
0x23: {  	[tilespmem:$0x54E0] =	vst v0  }
0x24: {  	[tilespmem:$0x54F0] =	vst v0  }
0x25: {  	[tilespmem:$0x5500] =	vst v0  }
0x26: {  	[tilespmem:$0x5510] =	vst v0  }
0x27: {  	[tilespmem:$0x5520] =	vst v0  }
0x28: {  	[tilespmem:$0x5530] =	vst v0  }
0x29: {  	[tilespmem:$0x5540] =	vst v0  }
0x2a: {  	[tilespmem:$0x5550] =	vst v0  }
0x2b: {  	[tilespmem:$0x5560] =	vst v0  }
0x2c: {  	[tilespmem:$0x5570] =	vst v0  }
0x2d: {  	[tilespmem:$0x5580] =	vst v0  }
0x2e: {  	[tilespmem:$0x5590] =	vst v0  }
0x2f: {  	[tilespmem:$0x55A0] =	vst v0  }
0x30: {  	[tilespmem:$0x55B0] =	vst v0  }
0x31: {  	[tilespmem:$0x55C0] =	vst v0  }
0x32: {  	[tilespmem:$0x55D0] =	vst v0  }
0x33: {  	[tilespmem:$0x55E0] =	vst v0  }
0x34: {  	[tilespmem:$0x55F0] =	vst v0  }
0x35: {  	[tilespmem:$0x5600] =	vst v0  }
0x36: {  	[tilespmem:$0x5610] =	vst v0  }
0x37: {  	[tilespmem:$0x5620] =	vst v0  }
0x38: {  	[tilespmem:$0x5630] =	vst v0  }
0x39: {  	[tilespmem:$0x5640] =	vst v0  }
0x3a: {  	[tilespmem:$0x5650] =	vst v0  }
0x3b: {  	[tilespmem:$0x5660] =	vst v0  }
0x3c: {  	[tilespmem:$0x5670] =	vst v0  }
0x3d: {  	[tilespmem:$0x5680] =	vst v0  }
0x3e: {  	[tilespmem:$0x5690] =	vst v0  }
0x3f: {  	[tilespmem:$0x56A0] =	vst v0  }
0x40: {  	[tilespmem:$0x56B0] =	vst v0  }
0x41: {  	[tilespmem:$0x56C0] =	vst v0  }
0x42: {  	[tilespmem:$0x56D0] =	vst v0  }
0x43: {  	[tilespmem:$0x56E0] =	vst v0  }
0x44: {  	[tilespmem:$0x56F0] =	vst v0  }
0x45: {  	[tilespmem:$0x5700] =	vst v0  }
0x46: {  	[tilespmem:$0x5710] =	vst v0  }
0x47: {  	[tilespmem:$0x5720] =	vst v0  }
0x48: {  	[spmem:s10] =	stream.linear.scatter [tilespmem:s16], [sflag:$0x1], $0x280, $0x38;
	[tilespmem:$0x59B0] =	vst v63  }
0x49: {  	_ =	swait.ge [sflag:s14], $0x280  }
0x4a: {  	[sflag:s14] =	ssyncset.done $0x0  }
0x4b: {  	[sflag:s14] =	ssyncadd.s32 $0xFFFFFD80  }
0x4c: {  	s23 =	simm.s32 $0x0;
	s22 =	simm.s32 $0x0;
	[bflag:$0x0] =	sbarrier.arrive $0xFFFF  }
.LBB2_4:
0x4d: {  	s24 =	smul.u32 $0x190, s23;
	_ =	sdelay $0x1  }
0x4e: {  	s24 =	sadd.s32 s8, s24  }
0x4f: {  	s24 =	sshrl.u32 s24, $0x3  }
0x50: {  	s25 =	sadd.s32 s5, s24  }
0x51: {  	[tilespmem:s22], [sflag:$0x1] =	stream.linear.gather [hbm4b:s25+s22], $0x190, $0x38;
	[tilespmem:$0x59B0] =	vst v63  }
0x52: {  	_ =	swait.ge [sflag:s14], $0x190  }
0x53: {  	[sflag:s14] =	ssyncset.done $0x0  }
0x54: {  	s31 =	sadd.s32 s4, s24;
	[sflag:s14] =	ssyncadd.s32 $0xFFFFFE70  }
0x55: {  	[tilespmem:s17], [sflag:$0x1] =	stream.linear.gather [hbm4b:s31+s22], $0x190, $0x38;
	[tilespmem:$0x59B0] =	vst v63  }
0x56: {  	_ =	swait.ge [sflag:s14], $0x190  }
0x57: {  	[sflag:s14] =	ssyncset.done $0x0  }
0x58: {  	s25 =	simm.s32 $0x0;
	[sflag:s14] =	ssyncadd.s32 $0xFFFFFE70  }
0x59: {  	v1 =	vld [tilespmem:s25+$0x0];
	_ =	sdelay $0x6  }
0x5a: {  	v2 =	vld [tilespmem:s25+$0x190]  }
0x5b: {  	v1 =	vld.idx.msk [tilespmem:v1+s13+$0x0], $0xffff;
	_ =	sdelay $0x4  }
0x5c: {  	v1 =	vsub.f32 v2, v1;
	_ =	sdelay $0x1  }
0x5d: {  	v1 =	vmul.f32 $1.442695020e+00, v1;
	_ =	sdelay $0x1  }
0x5e: {  	(erf) = vpow2.f32 v1;
	_ =	sdelay $0x1  }
0x5f: {  	s28 =	simm.s32 $0x10;
	s26 =	simm.s32 $0x80  }
.LBB2_5:
0x60: {  	p0 =	sne.s32 s26, $0x600;
	v1 =	vld [tilespmem:s28+$0x0];
	_ =	sdelay $0x5  }
0x61: {  	v2 =	vpop (erf)  }
0x62: {  	[tilespmem:s25+$0x320] =	vst v2;
	s25 =	smov.u32 s28  }
0x63: {  	v1 =	vld.idx.msk [tilespmem:v1+s13+$0x0], $0xffff  }
0x64: {  	v2 =	vld [tilespmem:s25+$0x190];
	_ =	sdelay $0x4  }
0x65: {  	v1 =	vsub.f32 v2, v1;
	_ =	sdelay $0x1  }
.Ltmp1:
0x66: {  	v1 =	vmul.f32 $1.442695020e+00, v1;
	(pc) =	sbr.rel @p0 .LBB2_5-.Ltmp1, $3  }
0x67: {  	_ = 	snop  }
0x68: {  	(erf) = vpow2.f32 v1;
	_ =	sdelay $0x1  }
0x69: {  	s28 =	sshra.s32 s26, $0x2;
	s26 =	sadd.s32 $0x40, s26  }
0x6a: {  	v1 =	vld [tilespmem:s28+$0x0];
	_ =	sdelay $0x5  }
0x6b: {  	v2 =	vpop (erf)  }
0x6c: {  	[tilespmem:s25+$0x320] =	vst v2  }
0x6d: {  	v1 =	vld.idx.msk [tilespmem:v1+s13+$0x0], $0xffff  }
0x6e: {  	v2 =	vld [tilespmem:s28+$0x190];
	_ =	sdelay $0x4  }
0x6f: {  	v1 =	vsub.f32 v2, v1;
	_ =	sdelay $0x1  }
0x70: {  	v1 =	vmul.f32 $1.442695020e+00, v1;
	_ =	sdelay $0x1  }
0x71: {  	(erf) = vpow2.f32 v1;
	_ =	sdelay $0x8  }
0x72: {  	v1 =	vpop (erf)  }
0x73: {  	s24 =	sadd.s32 s7, s24;
	[tilespmem:s28+$0x320] =	vst v1  }
0x74: {  	[hbm4b:s24+s3] =	stream.linear.scatter [tilespmem:s18], [sflag:$0x1], $0x190, $0x38;
	[tilespmem:$0x59B0] =	vst v63  }
0x75: {  	s23 =	sadd.s32 $0x1, s23;
	_ =	swait.ge [sflag:s14], $0x190  }
0x76: {  	p0 =	sne.s32 s23, $0x19;
	[sflag:s14] =	ssyncset.done $0x0  }
.Ltmp2:
0x77: {  	[sflag:s14] =	ssyncadd.s32 $0xFFFFFE70;
	(pc) =	sbr.rel @p0 .LBB2_4-.Ltmp2, $4  }
0x78: {  	[spmem:s2] =	stream.indirect.scatter.add.f32 [tilespmem:s18], [sflag:$0x1], $0x1, s3, s17, $0xb8;
	[tilespmem:$0x59B0] =	vst v63  }
0x79: {  	_ =	swait.ge [sflag:s14], $0x190  }
0x7a: {  	[sflag:s14] =	ssyncset.done $0x0  }
0x7b: {  	[sflag:s14] =	ssyncadd.s32 $0xFFFFFE70  }
0x7c: {  	s21 =	sadd.s32 $0x1, s21  }
0x7d: {  	p0 =	sne.s32 s21, s12  }
.Ltmp3:
0x7e: {  	[bflag:$0x0] =	sbarrier.arrive $0xFFFF;
	(pc) =	sbr.rel @p0 .LBB2_1-.Ltmp3, $4  }
0x7f: {  	[hbm:s11], [sflag:s19] =	dma.local [spmem:s20], $0x50  }
0x80: {  	_ =	swait.ge [sflag:s14], $0x50  }
0x81: {  	[sflag:s14] =	ssyncset.done $0x0  }
0x82: {  	[sflag:s14] =	ssyncadd.s32 $0xFFFFFFB0  }
0x83: {  	_ =	sfence.sel $0x180000  }
0x84: {  	[bflag:$0x0] =	sbarrier.arrive $0xFFFF  }
0x85: {  	p0 =	sne.s32 s1, $0x0;
	_ =	strace $0x9000005F  }
0x86: {  	s0 =	sadd.s32 @!p0 $0x100000, s0;
	[bflag:$0x2] =	sbarrier.arrive $0xFFFF  }
0x87: {  	[sflag:s0] =	ssyncadd.tile.s32 @!p0 $0x1;
	_ =	shalt  }
.Lfunc_end2:
_tile_overlayer_lowered:
.L_overlay_start_2:
0x88: {  	(tag) =	ssettag $0x2  }
0x89: {  	s0 =	rddreg [dreg:$0x0];
	s2 =	stileid.u32  }
0x8a: {  	s1 =	rddreg [dreg:$0x1];
	p0 =	sne.s32 s2, $0x0  }
0x8b: {  	s3 =	rddreg [dreg:$0x2];
	[bflag:$0x3] =	sbarrier.arrive $0xFFFF;
	s2 =	simm.s32 @!p0 $0x1C01  }
0x8c: {  	[timem:s3], [sflag:s2] =	dma.local @!p0 [hbm:s0], s1  }
0x8d: {  	s0 =	simm.s32 @!p0 $0x1  }
0x8e: {  	_ =	swait.ge @!p0 [sflag:s0], s1  }
0x8f: {  	s1 =	ssub.s32 @!p0 $0x0, s1;
	[sflag:s0] =	ssyncset.done @!p0 $0x0  }
0x90: {  	[sflag:s0] =	ssyncadd.s32 @!p0 s1  }
0x91: {  	[bflag:$0x3] =	sbarrier.arrive $0xFFFF  }
0x92: {  	_ =	shalt  }

// kernel: kernel.53.cloned.1.call-start
scs
__scs_entry_jumppad:
0x0: {  	(pc) =	sbr.rel $0x88, $3  }
0x1: {  	(tag) =	ssettag $0x0;
	lr =	simm.s32 $0x1  }
0x2: {  	[smem:$0x3F52] =	sst lr;
	_ =	strace $0xD0000000  }
0x3: {  	_ = 	snop  }
0x4: {  	_ = 	snop  }
0x5: {  	_ = 	snop  }
0x6: {  	_ = 	snop  }
0x7: {  	_ = 	snop  }
__scs_overlays_trampoline_lowered:
0x8: {  	[smem:$0x3F61] =	sst s0  }
0x9: {  	[smem:$0x3F62] =	sst s1  }
0xa: {  	[smem:$0x3F63] =	sst s2  }
0xb: {  	[smem:$0x3F64] =	sst s3  }
0xc: {  	[smem:$0x3F65] =	sst s4  }
0xd: {  	[smem:$0x3F66] =	sst s5  }
0xe: {  	[smem:$0x3F67] =	sst s6  }
0xf: {  	[smem:$0x3F68] =	sst s7  }
0x10: {  	[smem:$0x3F69] =	sst s8  }
0x11: {  	[smem:$0x3F6A] =	sst s9;
	s0 =	simm.s32 @!p0 $0x0  }
0x12: {  	s1 =	sld [smem:$0x3F50];
	s0 =	simm.s32 @p0 $0x1  }
0x13: {  	[smem:$0x3F6B] =	sst s0;
	s0 =	simm.s32 @!p1 $0x0  }
0x14: {  	s2 =	sld [smem:$0x3F4F];
	s0 =	simm.s32 @p1 $0x1  }
0x15: {  	[smem:$0x3F6C] =	sst s0;
	s0 =	simm.s32 @!p2 $0x0  }
0x16: {  	s3 =	sld [smem:$0x3FDB];
	s0 =	simm.s32 @p2 $0x1  }
0x17: {  	s4 =	simm.s32 $0x1BF5;
	[smem:$0x3F6E] =	sst s0  }
0x18: {  	s0 =	sld [smem:$0x3F51];
	_ =	swait.ge [sflag:s4], $0x0  }
0x19: {  	s7 =	sld [smem:$0x3F52]  }
0x1a: {  	s8 =	sadd.s32 $0xFFFFE003, lr  }
0x1b: {  	s9 =	sadd.s32 $0xFFFFFEF7, lr;
	s5 =	simm.s32 $0xFFFFFFFF;
	p2 =	slt.u32 s8, $0xFFFFF086  }
0x1c: {  	p1 =	slt.u32 s9, $0xF7A;
	s5 =	simm.s32 @!p2 $0x0  }
0x1d: {  	s5 =	simm.s32 @p1 $0x1;
	p0 =	seq.s32 s7, s2  }
0x1e: {  	s7 =	smul.u32 @!p0 $0xF7A, s2;
	p2 =	seq.s32 @!p0 s5, $0x0  }
0x1f: {  	s9 =	smul.u32 $0xF7A, s1;
	s8 =	simm.s32 @!p0 $0x1BF5;
	p2 =	por !p2, p0  }
0x20: {  	[sflag:s8] =	ssyncset.s32 @!p0 $0xFFFFF086;
	s6 =	sadd.s32 @!p0 s3, s7;
	s7 =	simm.s32 @!p0 $0x108  }
0x21: {  	s3 =	sadd.s32 s3, s9;
	s6 =	sadd.s32 @!p0 $0x88, s6;
	s7 =	simm.s32 @p2 $0x1082  }
0x22: {  	[simem:s7], [sflag:s8] =	dma.local @!p0 [hbm:s6], $0xF7A  }
0x23: {  	s9 =	sor.u32 $0xD0000000, s2;
	s6 =	simm.s32 $0x108;
	_ =	swait.ge @!p0 [sflag:s8], $0x0  }
0x24: {  	s3 =	sadd.s32 $0x88, s3;
	s6 =	simm.s32 @!p1 $0x1082;
	[sflag:s4] =	ssyncset.s32 $0xFFFFF086  }
0x25: {  	[simem:s6], [sflag:s4] =	dma.local [hbm:s3], $0xF7A  }
0x26: {  	[smem:$0x3F52] =	sst s1;
	(tag) =	ssettag s2;
	_ =	strace s9  }
0x27: {  	s1 =	sld [smem:$0x3F62]  }
0x28: {  	s2 =	sld [smem:$0x3F63]  }
0x29: {  	s4 =	sld [smem:$0x3F65]  }
0x2a: {  	p0 =	seq.s32 s5, $0x0;
	s5 =	sld [smem:$0x3F66]  }
0x2b: {  	s6 =	sld [smem:$0x3F67]  }
0x2c: {  	s7 =	sld [smem:$0x3F68]  }
0x2d: {  	s3 =	simm.s32 $0x108;
	s8 =	sld [smem:$0x3F69]  }
0x2e: {  	s3 =	simm.s32 @!p0 $0x1082;
	s9 =	sld [smem:$0x3F6A]  }
0x2f: {  	lr =	sadd.s32 s0, s3;
	s0 =	sld [smem:$0x3F61]  }
0x30: {  	s3 =	sld [smem:$0x3F64]  }
0x31: {  	[smem:$0x3F6D] =	sst s10  }
0x32: {  	s10 =	sld [smem:$0x3F6B];
	_ =	sdelay $0x3  }
0x33: {  	p0 =	seq.s32 s10, $0x1;
	s10 =	sld [smem:$0x3F6D];
	_ =	sdelay $0x3  }
0x34: {  	[smem:$0x3F6D] =	sst s10  }
0x35: {  	s10 =	sld [smem:$0x3F6C];
	_ =	sdelay $0x3  }
0x36: {  	p1 =	seq.s32 s10, $0x1;
	s10 =	sld [smem:$0x3F6D];
	_ =	sdelay $0x3  }
0x37: {  	[smem:$0x3F6D] =	sst s10  }
0x38: {  	s10 =	sld [smem:$0x3F6E]  }
0x39: {  	_ = 	snop;
	(pc) =	sbr.ind lr, $3  }
0x3a: {  	_ = 	snop  }
0x3b: {  	_ = 	snop  }
0x3c: {  	p2 =	seq.s32 s10, $0x1;
	s10 =	sld [smem:$0x3F6D]  }
0x3d: {  	_ =	shalt  }
0x3e: {  	_ =	shalt  }
0x3f: {  	_ =	shalt  }
0x40: {  	_ =	shalt  }
0x41: {  	_ =	shalt  }
0x42: {  	_ =	shalt  }
0x43: {  	_ =	shalt  }
0x44: {  	_ =	shalt  }
0x45: {  	_ =	shalt  }
0x46: {  	_ =	shalt  }
0x47: {  	_ =	shalt  }
0x48: {  	_ =	shalt  }
0x49: {  	_ =	shalt  }
0x4a: {  	_ =	shalt  }
0x4b: {  	_ =	shalt  }
0x4c: {  	_ =	shalt  }
0x4d: {  	_ =	shalt  }
0x4e: {  	_ =	shalt  }
0x4f: {  	_ =	shalt  }
0x50: {  	_ =	shalt  }
0x51: {  	_ =	shalt  }
0x52: {  	_ =	shalt  }
0x53: {  	_ =	shalt  }
0x54: {  	_ =	shalt  }
0x55: {  	_ =	shalt  }
0x56: {  	_ =	shalt  }
0x57: {  	_ =	shalt  }
0x58: {  	_ =	shalt  }
0x59: {  	_ =	shalt  }
0x5a: {  	_ =	shalt  }
0x5b: {  	_ =	shalt  }
0x5c: {  	_ =	shalt  }
0x5d: {  	_ =	shalt  }
0x5e: {  	_ =	shalt  }
0x5f: {  	_ =	shalt  }
0x60: {  	_ =	shalt  }
0x61: {  	_ =	shalt  }
0x62: {  	_ =	shalt  }
0x63: {  	_ =	shalt  }
0x64: {  	_ =	shalt  }
0x65: {  	_ =	shalt  }
0x66: {  	_ =	shalt  }
0x67: {  	_ =	shalt  }
0x68: {  	_ =	shalt  }
0x69: {  	_ =	shalt  }
0x6a: {  	_ =	shalt  }
0x6b: {  	_ =	shalt  }
0x6c: {  	_ =	shalt  }
0x6d: {  	_ =	shalt  }
0x6e: {  	_ =	shalt  }
0x6f: {  	_ =	shalt  }
0x70: {  	_ =	shalt  }
0x71: {  	_ =	shalt  }
0x72: {  	_ =	shalt  }
0x73: {  	_ =	shalt  }
0x74: {  	_ =	shalt  }
0x75: {  	_ =	shalt  }
0x76: {  	_ =	shalt  }
0x77: {  	_ =	shalt  }
0x78: {  	_ =	shalt  }
0x79: {  	_ =	shalt  }
0x7a: {  	_ =	shalt  }
0x7b: {  	_ =	shalt  }
0x7c: {  	_ =	shalt  }
0x7d: {  	_ =	shalt  }
0x7e: {  	_ =	shalt  }
0x7f: {  	_ =	shalt  }
0x80: {  	_ =	shalt  }
0x81: {  	_ =	shalt  }
0x82: {  	_ =	shalt  }
0x83: {  	_ =	shalt  }
0x84: {  	_ =	shalt  }
0x85: {  	_ =	shalt  }
0x86: {  	_ =	shalt  }
0x87: {  	_ =	shalt  }
.Lfunc_end0:
.L_simem_size_0:
called_computation.9_lowered:
.L_overlay_start_0:
0x88: {  	s2 =	sld [smem:$0x3FD9]  }
0x89: {  	s3 =	sld [smem:$0x3FFE];
	_ =	sdelay $0x1  }
0x8a: {  	s1 =	srdreg.scid  }
0x8b: {  	s0 =	sand.u32 $0x1, s1  }
0x8c: {  	s16 =	sshll.u32 s0, $0xA;
	s2 =	sadd.s32 s3, s2  }
0x8d: {  	s2 =	sadd.s32 s2, s16  }
0x8e: {  	[smem:$0x3F79] =	sst s2  }
0x8f: {  	_ = 	snop  }
0x90: {  	(tm) =	ssettm $0x1  }
0x91: {  	s17 =	sld [smem:$0x3FFB];
	_ =	sdelay $0x3  }
0x92: {  	_ =	strace s17  }
0x93: {  	s2 =	sld [smem:$0x3FFC];
	_ =	sdelay $0x3  }
0x94: {  	_ =	strace s2  }
0x95: {  	s2 =	sld [smem:$0x3FFD];
	_ =	sdelay $0x3  }
0x96: {  	_ =	strace s2  }
0x97: {  	_ =	strace $0x8FFFFFFF  }
0x98: {  	s18 =	sld [smem:$0x3FDB];
	_ =	sdelay $0x1  }
0x99: {  	s19 =	simm.s32 $_scs_section_size  }
0x9a: {  	s4 =	simm.s32 $_size__tile_overlayer_lowered;
	s5 =	simm.s32 $_tile_overlayer_lowered  }
0x9b: {  	s22 =	simm.s32 $0x1BFF;
	s21 =	sshll.u32 s5, $0x1;
	s2 =	sadd.s32 s19, s18  }
0x9c: {  	s6 =	simm.s32 $0x0;
	s20 =	sshll.u32 s4, $0x1;
	s4 =	sadd.s32 s21, s2  }
0x9d: {  	[timem:s6], [sflag:s22] =	dma.local [hbm:s4], s20  }
0x9e: {  	_ =	swait.ge [sflag:s22], s20  }
0x9f: {  	s3 =	ssub.s32 $0x0, s20;
	[sflag:s22] =	ssyncset.done $0x0  }
0xa0: {  	[sflag:s22] =	ssyncadd.s32 s3;
	_ =	sdelay $0x1  }
0xa1: {  	s23 =	simm.s32 $0x1B8B  }
0xa2: {  	_ =	swait.ge [sflag:s23], $0x1  }
0xa3: {  	[sflag:s23] =	ssyncset.done $0x0  }
0xa4: {  	s25 =	simm.s32 $0x1B8E;
	s24 =	sld [smem:$0x3FFE];
	[sflag:s23] =	ssyncadd.s32 $0xFFFFFFFF  }
0xa5: {  	s26 =	simm.s32 $execute0_lowered;
	[smem:$0x3FD2] =	sst s25  }
0xa6: {  	s4 =	sshll.u32 s26, $0x1;
	_ =	strace $0x80000061;
	[dreg:$0x1] =	wrdreg $0xFFFFFFFF  }
0xa7: {  	s28 =	simm.s32 $_size_execute0_lowered;
	s2 =	sadd.s32 s2, s4;
	[dreg:$0x0] =	wrdreg $0x0  }
0xa8: {  	s4 =	sshll.u32 s28, $0x1;
	[dreg:$0x2] =	wrdreg s2  }
0xa9: {  	[dreg:$0x3] =	wrdreg s4  }
0xaa: {  	[dreg:$0x4] =	wrdreg $0xC0  }
0xab: {  	_ =	task [dreg:s6], $0x5FFFF  }
0xac: {  	[dreg:$0x1] =	wrdreg $0xFFFFFFFF  }
0xad: {  	[dreg:$0x0] =	wrdreg $0x60  }
0xae: {  	[dreg:$0x2] =	wrdreg s24  }
0xaf: {  	[dreg:$0x3] =	wrdreg $0xD0E80  }
0xb0: {  	[dreg:$0x4] =	wrdreg $0x9  }
0xb1: {  	_ =	task.clear_ibuf [dreg:s6], $0x5FFFF;
	_ =	strace $0x90000061  }
0xb2: {  	s29 =	simm.s32 $0x9;
	_ =	strace $0x80000063  }
0xb3: {  	_ =	swait.ge [sflag:s29], $0x1  }
0xb4: {  	[sflag:s29] =	ssyncadd.s32 $0xFFFFFFFF  }
0xb5: {  	_ =	strace $0x90000063  }
0xb6: {  	_ =	sfence  }
0xb7: {  	s30 =	sld [smem:$0x0];
	_ =	sdelay $0x2  }
0xb8: {  	s31 =	sshll.u32 s1, $0xD;
	s1 =	sshrl.u32 s1, $0x2  }
0xb9: {  	s3 =	sand.u32 $0x4000, s31;
	s1 =	sadd.s32 s1, s30  }
0xba: {  	s0 =	sor.u32 s3, s0;
	s1 =	sshll.u32 s1, $0x11  }
0xbb: {  	s0 =	sor.u32 s1, s0  }
0xbc: {  	s0 =	sadd.s32 $0x8F2B, s0  }
0xbd: {  	[sflag:s0] =	ssyncadd.remote.s32 $0x1  }
0xbe: {  	_ =	sfence.sel $0xFFFF  }
0xbf: {  	[dreg:$0x0] =	wrdreg $0xFFFFFFFF;
	(pc) =	sbr.abs _section_cstart, $3  }
0xc0: {  	[dreg:$0x1] =	wrdreg $0xFFFFFFFF  }
0xc1: {  	_ =	task.clear_ibuf [dreg:s6], $0x2FFFF;
	_ =	strace $0x9FFFFFFF  }
0xc2: {  	(tm) =	ssettm $0x7FFFFFFF  }
0xc3: {  	_ =	shalt  }
tec
execute0_lowered:
.L_overlay_start_1:
0x0: {  	(tag) =	ssettag $0x1  }
0x1: {  	s0 =	stileid.u32  }
0x2: {  	s1 =	srdreg.scid;
	s5 =	rddreg [dreg:$0x0]  }
0x3: {  	s2 =	rddreg [dreg:$0x1];
	s4 =	smul.u32 $0x13880, s0  }
0x4: {  	s3 =	simm.s32 $0x0;
	s14 =	simm.s32 $0x0;
	s7 =	smul.u32 $0x4E20, s0  }
0x5: {  	s6 =	sand.u32 $0x1, s1;
	s1 =	rddreg [dreg:$0x2];
	s9 =	smul.u32 $0x5000, s0  }
0x6: {  	[smem:$0x7FF] =	sst s3;
	s31 =	sshll.u32 s0, $0x6;
	s8 =	smul.u32 $0x2710, s6  }
0x7: {  	s23 =	smul.u32 $0x50000, s6;
	_ =	strace $0x80000062;
	s26 =	ssub.s32 $0x2, s6  }
0x8: {  	s12 =	smul.u32 $0x9C40, s6;
	s10 =	sadd.s32 s4, s5;
	s28 =	sshrl.u32 s26, $0x1  }
0x9: {  	s7 =	sadd.s32 s8, s7;
	s25 =	sadd.s32 s9, s23;
	s29 =	ssub.s32 s26, s28  }
0xa: {  	s30 =	sadd.s32 s12, s10;
	s10 =	simm.s32 $0x1;
	s12 =	sor.u32 $0x1C01, s31  }
0xb: {  	s24 =	sshrl.u32 s7, $0x3;
	s4 =	sshrl.u32 s25, $0x3;
	s6 =	smax.u32 s29, $0x1  }
0xc: {  	s7 =	sadd.s32 $0x59C00, s30;
	s11 =	sadd.s32 s24, s5;
	s5 =	sadd.s32 s4, s5  }
0xd: {  	s4 =	sadd.s32 s9, s2;
	s9 =	simm.s32 $0x80E8;
	s5 =	sadd.s32 $0x192400, s5  }
0xe: {  	v0 =	vimm.f32 $0.0e+00;
	s8 =	sadd.s32 $0x1CC00, s11;
	s11 =	simm.s32 $0x3E8;
	s13 =	sshrl.u32 s4, $0x3  }
.LBB2_1:
0xf: {  	s15 =	simm.s32 $0x80;
	s16 =	simm.s32 $0x0  }
.LBB2_2:
0x10: {  	p0 =	sne.s32 s15, $0x13F80;
	[tilespmem:s16+$0x80E8] =	vst v0;
	s17 =	smov.u32 s15;
	s15 =	sadd.s32 $0x80, s15  }
.Ltmp0:
0x11: {  	[tilespmem:s16+$0x80F8] =	vst v0;
	(pc) =	sbr.rel @p0 .LBB2_2-.Ltmp0, $2  }
0x12: {  	_ =	sdelay $0x2  }
0x13: {  	s16 =	sshra.s32 s17, $0x2  }
0x14: {  	[tilespmem:s16+$0x80E8] =	vst v0  }
0x15: {  	[tilespmem:s16+$0x80F8] =	vst v0  }
0x16: {  	[spmem:s4] =	stream.linear.scatter [tilespmem:s9], [sflag:$0x1], $0x5000, $0x38;
	[tilespmem:$0x120E8] =	vst v63  }
0x17: {  	_ =	swait.ge [sflag:s10], $0x5000  }
0x18: {  	[sflag:s10] =	ssyncset.done $0x0  }
0x19: {  	[sflag:s10] =	ssyncadd.s32 $0xFFFFB000  }
0x1a: {  	s15 =	sadd.s32 $0x0, s8;
	[bflag:$0x0] =	sbarrier.arrive $0xFFFF  }
0x1b: {  	[tilespmem:s3], [sflag:$0x1] =	stream.linear.gather [hbm4b:s15+s3], $0x3E8, $0x38;
	[tilespmem:$0x120E8] =	vst v63  }
0x1c: {  	_ =	swait.ge [sflag:s10], $0x3E8  }
0x1d: {  	[sflag:s10] =	ssyncset.done $0x0  }
0x1e: {  	[sflag:s10] =	ssyncadd.s32 $0xFFFFFC18  }
0x1f: {  	[tilespmem:s11], [sflag:$0x1] =	stream.linear.gather [hbm4b:s7+s3], $0x7D00, $0x38;
	[tilespmem:$0x120E8] =	vst v63  }
0x20: {  	_ =	swait.ge [sflag:s10], $0x7D00  }
0x21: {  	[sflag:s10] =	ssyncset.done $0x0  }
0x22: {  	[sflag:s10] =	ssyncadd.s32 $0xFFFF8300  }
0x23: {  	[spmem:s2] =	stream.indirect.scatter.add.f32 [tilespmem:s11], [sflag:$0x1], $0x20, s3, s11, $0xb8;
	[tilespmem:$0x120E8] =	vst v63  }
0x24: {  	s16 =	simm.s32 $0x7D;
	_ =	swait.ge [sflag:s10], $0x7D00  }
0x25: {  	s17 =	simm.s32 $0xFA;
	s15 =	sadd.s32 $0xFA0, s7;
	[sflag:s10] =	ssyncset.done $0x0  }
.LBB2_4:
0x26: {  	s18 =	sadd.s32 s16, s8  }
0x27: {  	[sflag:s10] =	ssyncadd.s32 $0xFFFF8300;
	s16 =	smov.u32 s17;
	s19 =	sadd.s32 $0x7D, s17  }
0x28: {  	[tilespmem:s3], [sflag:$0x1] =	stream.linear.gather [hbm4b:s18+s3], $0x3E8, $0x38;
	[tilespmem:$0x120E8] =	vst v63  }
0x29: {  	p0 =	sne.s32 s17, $0x465;
	_ =	swait.ge [sflag:s10], $0x3E8  }
0x2a: {  	[sflag:s10] =	ssyncset.done $0x0  }
0x2b: {  	[sflag:s10] =	ssyncadd.s32 $0xFFFFFC18  }
0x2c: {  	[tilespmem:s11], [sflag:$0x1] =	stream.linear.gather [hbm4b:s15+s3], $0x7D00, $0x38;
	[tilespmem:$0x120E8] =	vst v63  }
0x2d: {  	_ =	swait.ge [sflag:s10], $0x7D00  }
.Ltmp1:
0x2e: {  	[sflag:s10] =	ssyncset.done $0x0;
	(pc) =	sbr.rel @p0 .LBB2_4-.Ltmp1, $4  }
0x2f: {  	[sflag:s10] =	ssyncadd.s32 $0xFFFF8300  }
0x30: {  	[spmem:s2] =	stream.indirect.scatter.add.f32 [tilespmem:s11], [sflag:$0x1], $0x20, s3, s11, $0xb8;
	[tilespmem:$0x120E8] =	vst v63  }
0x31: {  	_ =	swait.ge [sflag:s10], $0x7D00  }
0x32: {  	s17 =	smov.u32 s19;
	s15 =	sadd.s32 $0xFA0, s15;
	[sflag:s10] =	ssyncset.done $0x0  }
0x33: {  	s16 =	sadd.s32 s16, s8;
	[sflag:s10] =	ssyncadd.s32 $0xFFFF8300  }
0x34: {  	[tilespmem:s3], [sflag:$0x1] =	stream.linear.gather [hbm4b:s16+s3], $0x3E8, $0x38;
	[tilespmem:$0x120E8] =	vst v63  }
0x35: {  	_ =	swait.ge [sflag:s10], $0x3E8  }
0x36: {  	[sflag:s10] =	ssyncset.done $0x0  }
0x37: {  	[sflag:s10] =	ssyncadd.s32 $0xFFFFFC18  }
0x38: {  	[tilespmem:s11], [sflag:$0x1] =	stream.linear.gather [hbm4b:s15+s3], $0x7D00, $0x38;
	[tilespmem:$0x120E8] =	vst v63  }
0x39: {  	_ =	swait.ge [sflag:s10], $0x7D00  }
0x3a: {  	[sflag:s10] =	ssyncset.done $0x0  }
0x3b: {  	[sflag:s10] =	ssyncadd.s32 $0xFFFF8300  }
0x3c: {  	[spmem:s2] =	stream.indirect.scatter.add.f32 [tilespmem:s11], [sflag:$0x1], $0x20, s3, s11, $0xb8;
	[tilespmem:$0x120E8] =	vst v63  }
0x3d: {  	_ =	swait.ge [sflag:s10], $0x7D00  }
0x3e: {  	s14 =	sadd.s32 $0x1, s14;
	[sflag:s10] =	ssyncset.done $0x0  }
0x3f: {  	p0 =	sne.s32 s14, s6;
	[sflag:s10] =	ssyncadd.s32 $0xFFFF8300  }
.Ltmp2:
0x40: {  	[bflag:$0x0] =	sbarrier.arrive $0xFFFF;
	(pc) =	sbr.rel @p0 .LBB2_1-.Ltmp2, $4  }
0x41: {  	[hbm:s5], [sflag:s12] =	dma.local [spmem:s13], $0xA00  }
0x42: {  	_ =	swait.ge [sflag:s10], $0xA00  }
0x43: {  	[sflag:s10] =	ssyncset.done $0x0  }
0x44: {  	[sflag:s10] =	ssyncadd.s32 $0xFFFFF600  }
0x45: {  	_ =	sfence.sel $0x180000  }
0x46: {  	[bflag:$0x0] =	sbarrier.arrive $0xFFFF  }
0x47: {  	p0 =	sne.s32 s0, $0x0;
	_ =	strace $0x90000062  }
0x48: {  	s0 =	sadd.s32 @!p0 $0x100000, s1;
	[bflag:$0x2] =	sbarrier.arrive $0xFFFF  }
0x49: {  	[sflag:s0] =	ssyncadd.tile.s32 @!p0 $0x1;
	_ =	shalt  }
.Lfunc_end2:
_tile_overlayer_lowered:
.L_overlay_start_2:
0x4a: {  	(tag) =	ssettag $0x2  }
0x4b: {  	s0 =	rddreg [dreg:$0x0];
	s2 =	stileid.u32  }
0x4c: {  	s1 =	rddreg [dreg:$0x1];
	p0 =	sne.s32 s2, $0x0  }
0x4d: {  	s3 =	rddreg [dreg:$0x2];
	[bflag:$0x3] =	sbarrier.arrive $0xFFFF;
	s2 =	simm.s32 @!p0 $0x1C01  }
0x4e: {  	[timem:s3], [sflag:s2] =	dma.local @!p0 [hbm:s0], s1  }
0x4f: {  	s0 =	simm.s32 @!p0 $0x1  }
0x50: {  	_ =	swait.ge @!p0 [sflag:s0], s1  }
0x51: {  	s1 =	ssub.s32 @!p0 $0x0, s1;
	[sflag:s0] =	ssyncset.done @!p0 $0x0  }
0x52: {  	[sflag:s0] =	ssyncadd.s32 @!p0 s1  }
0x53: {  	[bflag:$0x3] =	sbarrier.arrive $0xFFFF  }
0x54: {  	_ =	shalt  }

</sc_bundles>
